<compile_context>
chip_gen: v7x
topology: tpu7x:2x2x1
jax: 0.10.2.dev20260603
libtpu: 0.0.44.dev20260713+nightly
codegen_flags: <defaults>
</compile_context>

<pallas_src>
import jax
import jax.numpy as jnp
from jax import lax
from jax.experimental import pallas as pl
from jax.experimental.pallas import tpu as pltpu
from jax.experimental.pallas import tpu_sc as plsc

N = 10000
E = 320000
D = 128
H = 128
T = 9

NC = 2
NS = 16
NW = NC * NS

CH = 128
EROWS = 2560
E_PAD = EROWS * CH
ROWS_PER_W = EROWS // NW
ACC_N = 10240
PAD_ROW = ACC_N - 1
ZROWS = 8
TSPLIT = 5
TILE_ROWS = EROWS // NS
SLAB = TILE_ROWS // 2
DEG_W = 128


def _mesh():
    return plsc.VectorSubcoreMesh(
        core_axis_name="c", subcore_axis_name="s", num_cores=NC, num_subcores=NS
    )


def _deg_body(dst_hbm, ones_hbm, zeros_hbm, deg_hbm, acc, dst_v, ones_v, zv):
    c = lax.axis_index("c")
    s = lax.axis_index("s")
    wid = s * NC + c
    pltpu.sync_copy(dst_hbm.at[pl.ds(wid * ROWS_PER_W, ROWS_PER_W)], dst_v)
    pltpu.sync_copy(ones_hbm, ones_v)
    pltpu.sync_copy(zeros_hbm, zv)
    rows_per_s = ACC_N // NS

    def zero(k, carry):
        pltpu.sync_copy(zv, acc.at[pl.ds(s * rows_per_s + k * ZROWS, ZROWS)])
        return carry

    lax.fori_loop(0, rows_per_s // ZROWS, zero, 0)
    plsc.subcore_barrier()

    def chunk(j, carry):
        pltpu.sync_copy(ones_v, acc.at[dst_v.at[j]], add=True)
        return carry

    lax.fori_loop(0, ROWS_PER_W, chunk, 0)
    plsc.subcore_barrier()
    pltpu.sync_copy(
        acc.at[pl.ds(s * rows_per_s, rows_per_s)],
        deg_hbm.at[c, pl.ds(s * rows_per_s, rows_per_s)],
    )


def _make_deg_kernel():
    return pl.kernel(
        _deg_body,
        out_type=jax.ShapeDtypeStruct((NC, ACC_N, DEG_W), jnp.float32),
        mesh=_mesh(),
        scratch_types=[
            pltpu.VMEM_SHARED((ACC_N, DEG_W), jnp.float32),
            pltpu.VMEM((ROWS_PER_W, CH), jnp.int32),
            pltpu.VMEM((CH, DEG_W), jnp.float32),
            pltpu.VMEM((ZROWS, DEG_W), jnp.float32),
        ],
    )


def _scatter_body(src_hbm, dst_hbm, *rest):
    y_hbm = rest[:T]
    zacc_hbm = rest[T]
    s_out = rest[T + 1]
    acc, src_v, dst_v, buf0, sem0 = rest[T + 2:]

    c = lax.axis_index("c")
    s = lax.axis_index("s")

    zrows_per_s = ACC_N // NS
    rows = pl.ds(s * zrows_per_s, zrows_per_s)

    for t in range(T):
        yt = y_hbm[t]

        @pl.when(c == (0 if t < TSPLIT else 1))
        def _process():
            pltpu.sync_copy(zacc_hbm.at[rows], acc.at[rows])
            plsc.subcore_barrier()

            for p in range(2):
                base = s * TILE_ROWS + p * SLAB
                pltpu.sync_copy(src_hbm.at[pl.ds(base, SLAB)], src_v)
                pltpu.sync_copy(dst_hbm.at[pl.ds(base, SLAB)], dst_v)

                def chunk(j, carry):
                    pltpu.async_copy(yt.at[src_v.at[j]], buf0, sem0).wait()
                    pltpu.sync_copy(buf0, acc.at[dst_v.at[j]], add=True)
                    return carry

                lax.fori_loop(0, SLAB, chunk, 0)

            plsc.subcore_barrier()
            pltpu.sync_copy(acc.at[rows], s_out.at[t, rows])


def _make_scatter_kernel():
    return pl.kernel(
        _scatter_body,
        out_type=jax.ShapeDtypeStruct((T, ACC_N, D), jnp.float32),
        mesh=_mesh(),
        scratch_types=[
            pltpu.VMEM_SHARED((ACC_N, D), jnp.float32),
            pltpu.VMEM((SLAB, CH), jnp.int32),
            pltpu.VMEM((SLAB, CH), jnp.int32),
            pltpu.VMEM((CH, D), jnp.float32),
            pltpu.SemaphoreType.DMA,
        ],
    )


RB = 400


def _dinv_from_deg(deg_ref):
    deg = deg_ref[0, :, 0] + deg_ref[1, :, 0] + 1.0
    return lax.rsqrt(jnp.maximum(deg, 1.0))


def _xw_body(x_ref, w_ref, deg_ref, *y_refs):
    dinv = _dinv_from_deg(deg_ref)[:, None]
    w = w_ref[...]
    for t in range(T):
        y_refs[t][...] = dinv * jnp.dot(
            x_ref[t], w, preferred_element_type=jnp.float32
        )


def _make_xw_call():
    return pl.pallas_call(
        _xw_body,
        grid=(N // RB,),
        in_specs=[
            pl.BlockSpec((T, RB, D), lambda i: (0, i, 0)),
            pl.BlockSpec((D, H), lambda i: (0, 0)),
            pl.BlockSpec((NC, RB, DEG_W), lambda i: (0, i, 0)),
        ],
        out_specs=[pl.BlockSpec((RB, H), lambda i: (i, 0)) for _ in range(T)],
        out_shape=[jax.ShapeDtypeStruct((N, H), jnp.float32) for _ in range(T)],
    )


RD = 400


def _lstm_body(s_ref, deg_ref, bg_ref, wih_ref, whh_ref, bih_ref, bhh_ref,
               wfc_ref, bfc_ref, *rest):
    y_refs = rest[:T]
    out_ref = rest[T]
    dinv = _dinv_from_deg(deg_ref)[:, None]
    bg = bg_ref[...]
    wih = wih_ref[...]
    whh = whh_ref[...]
    bias = bih_ref[...] + bhh_ref[...]
    wfc = wfc_ref[...]
    bfc = bfc_ref[0, 0]

    h = jnp.zeros((RD, H), jnp.float32)
    c = jnp.zeros((RD, H), jnp.float32)
    cols = []
    for t in range(T):
        ssum = s_ref[t] + y_refs[t][...]
        emb = jnp.maximum(dinv * ssum + bg, 0.0)
        gates = (
            jnp.dot(emb, wih, preferred_element_type=jnp.float32)
            + jnp.dot(h, whh, preferred_element_type=jnp.float32)
            + bias
        )
        gi = jax.nn.sigmoid(gates[:, 0:H])
        gf = jax.nn.sigmoid(gates[:, H:2 * H])
        gg = jnp.tanh(gates[:, 2 * H:3 * H])
        go = jax.nn.sigmoid(gates[:, 3 * H:4 * H])
        c = gf * c + gi * gg
        h = go * jnp.tanh(c)
        cols.append(jnp.dot(h, wfc, preferred_element_type=jnp.float32) + bfc)
    out_ref[...] = jnp.concatenate(cols, axis=1)


def _make_lstm_call():
    return pl.pallas_call(
        _lstm_body,
        grid=(N // RD,),
        in_specs=(
            [
                pl.BlockSpec((T, RD, H), lambda i: (0, i, 0)),

                pl.BlockSpec((NC, RD, DEG_W), lambda i: (0, i, 0)),
                pl.BlockSpec((1, H), lambda i: (0, 0)),
                pl.BlockSpec((H, 4 * H), lambda i: (0, 0)),
                pl.BlockSpec((H, 4 * H), lambda i: (0, 0)),
                pl.BlockSpec((1, 4 * H), lambda i: (0, 0)),
                pl.BlockSpec((1, 4 * H), lambda i: (0, 0)),
                pl.BlockSpec((H, 1), lambda i: (0, 0)),
                pl.BlockSpec((1, 1), lambda i: (0, 0)),
            ]
            + [pl.BlockSpec((RD, H), lambda i: (i, 0)) for _ in range(T)]
        ),
        out_specs=pl.BlockSpec((RD, T), lambda i: (i, 0)),
        out_shape=jax.ShapeDtypeStruct((N, T), jnp.float32),
    )


@jax.jit
def kernel(x_seq, edge_index, W_gcn, b_gcn, W_ih, W_hh, b_ih, b_hh, W_fc, b_fc):
    src = edge_index[0]
    dst = edge_index[1]
    npad = E_PAD - E
    src_p = jnp.concatenate([src, jnp.zeros((npad,), jnp.int32)]).reshape(EROWS, CH)
    dst_p = jnp.concatenate(
        [dst, jnp.full((npad,), PAD_ROW, jnp.int32)]
    ).reshape(EROWS, CH)

    ones16 = jnp.ones((CH, DEG_W), jnp.float32)
    zdeg = jnp.zeros((ZROWS, DEG_W), jnp.float32)
    zacc = jnp.zeros((ACC_N, D), jnp.float32)

    deg = _make_deg_kernel()(dst_p, ones16, zdeg)
    ys = _make_xw_call()(x_seq, W_gcn, deg)
    s_parts = _make_scatter_kernel()(src_p, dst_p, *ys, zacc)
    preds = _make_lstm_call()(
        s_parts,
        deg,
        b_gcn.reshape(1, H),
        W_ih.T,
        W_hh.T,
        b_ih.reshape(1, 4 * H),
        b_hh.reshape(1, 4 * H),
        W_fc.T,
        b_fc.reshape(1, 1),
        *ys,
    )
    return preds.reshape(N, T, 1)

# --- scband reference (transcript-rebuilt; emitter-appended) ---
"""Pipeline reference for scband-gcn-lstm-90829968375902 (READ-ONLY COPY).

The authoritative reference and input builder live on the scoring server;
editing this copy changes nothing except your own understanding.
"""

import jax, jax.numpy as jnp
import numpy as np

N = 10000
E = 320000
D = 128
H = 128
T = 9
OUT = 1


def gcn_conv(x, src, dst, W, b):
    n = x.shape[0]
    deg = jnp.zeros((n,), dtype=x.dtype).at[dst].add(1.0)
    dinv = jax.lax.rsqrt(jnp.clip(deg, 1.0))
    norm = dinv[src] * dinv[dst]
    xw = x @ W
    msg = xw[src] * norm[:, None]
    out = jnp.zeros((n, W.shape[1]), dtype=x.dtype).at[dst].add(msg)
    return out + b


def lstm_forward(emb, W_ih, W_hh, b_ih, b_hh):
    n, t, h = emb.shape
    def step(carry, x_t):
        hh, cc = carry
        gates = x_t @ W_ih.T + hh @ W_hh.T + b_ih + b_hh
        i, f, g, o = jnp.split(gates, 4, axis=-1)
        i = jax.nn.sigmoid(i)
        f = jax.nn.sigmoid(f)
        g = jnp.tanh(g)
        o = jax.nn.sigmoid(o)
        cc = f * cc + i * g
        hh = o * jnp.tanh(cc)
        return (hh, cc), hh
    xs = jnp.transpose(emb, (1, 0, 2))
    init = (jnp.zeros((n, h), emb.dtype), jnp.zeros((n, h), emb.dtype))
    _, hs = jax.lax.scan(step, init, xs)
    return jnp.transpose(hs, (1, 0, 2))


def setup_inputs(seed: int = 0):
    key = jax.random.key(seed)
    ks = jax.random.split(key, 10)
    x_seq = jax.random.normal(ks[0], (T, N, D), dtype=jnp.float32)
    edge_index = jax.random.randint(ks[1], (2, E), 0, N, dtype=jnp.int32)
    s = 1.0 / np.sqrt(D)
    W_gcn = jax.random.uniform(ks[2], (D, H), jnp.float32, -s, s)
    b_gcn = jnp.zeros((H,), jnp.float32)
    sh = 1.0 / np.sqrt(H)
    W_ih = jax.random.uniform(ks[3], (4 * H, H), jnp.float32, -sh, sh)
    W_hh = jax.random.uniform(ks[4], (4 * H, H), jnp.float32, -sh, sh)
    b_ih = jax.random.uniform(ks[5], (4 * H,), jnp.float32, -sh, sh)
    b_hh = jax.random.uniform(ks[6], (4 * H,), jnp.float32, -sh, sh)
    W_fc = jax.random.uniform(ks[7], (OUT, H), jnp.float32, -sh, sh)
    b_fc = jnp.zeros((OUT,), jnp.float32)
    return {"x_seq": x_seq, "edge_index": edge_index, "W_gcn": W_gcn, "b_gcn": b_gcn, "W_ih": W_ih, "W_hh": W_hh, "b_ih": b_ih, "b_hh": b_hh, "W_fc": W_fc, "b_fc": b_fc}


def reference(x_seq, edge_index, W_gcn, b_gcn, W_ih, W_hh, b_ih, b_hh, W_fc, b_fc):
    # eval mode: dropout layers are identity
    n = x_seq.shape[1]
    loop = jnp.arange(n, dtype=edge_index.dtype)
    src = jnp.concatenate([edge_index[0], loop])
    dst = jnp.concatenate([edge_index[1], loop])
    embs = []
    for t in range(T):
        h = gcn_conv(x_seq[t], src, dst, W_gcn, b_gcn)
        h = jax.nn.relu(h)
        embs.append(h[:, None, :])
    emb_seq = jnp.concatenate(embs, axis=1)
    lstm_out = lstm_forward(emb_seq, W_ih, W_hh, b_ih, b_hh)
    preds = lstm_out @ W_fc.T + b_fc
    return preds

if __name__ == "__main__":
    import jax
    _d = setup_inputs()
    print(jax.jit(kernel)(*tuple(_d.values())))

</pallas_src>

<mosaic_0001>
#map = affine_map<(d0, d1) -> (0, 0)>
#map1 = affine_map<(d0, d1) -> (0, 0, 0)>
module attributes {stable_mosaic.version = 14 : i64} {
  func.func @_deg_body(%arg0: i32, %arg1: i32, %arg2: memref<2560x128xi32, #tpu.memory_space<hbm>>, %arg3: memref<128x128xf32, #tpu.memory_space<hbm>>, %arg4: memref<8x128xf32, #tpu.memory_space<hbm>>, %arg5: memref<2x10240x128xf32, #tpu.memory_space<hbm>>, %arg6: memref<10240x128xf32, #tpu.memory_space<vmem_shared>>, %arg7: memref<80x128xi32, #tpu.memory_space<vmem>>, %arg8: memref<128x128xf32, #tpu.memory_space<vmem>>, %arg9: memref<8x128xf32, #tpu.memory_space<vmem>>) attributes {dimension_semantics = [#tpu.dimension_semantics<core_parallel>, #tpu.dimension_semantics<subcore_parallel>], iteration_bounds = array<i64: 2, 16>, scalar_prefetch = 0 : i64, scratch_operands = 4 : i64, tpu.core_type = #tpu.core_type<sc_vector_subcore>, window_params = [{transform_indices = #map}, {transform_indices = #map}, {transform_indices = #map}, {transform_indices = #map1}]} {
    %mul3A = arith.constant 2 : i32
    %mul3A_0 = arith.muli %arg1, %mul3A : i32
    %add3A = arith.addi %mul3A_0, %arg0 : i32
    %mul3A_1 = arith.constant 80 : i32
    %mul3A_2 = arith.muli %add3A, %mul3A_1 : i32
    "tpu.region"() ({
      %run_scoped3A = tpu.sem_alloc : memref<!tpu.dma_semaphore, #tpu.memory_space<semaphore_mem>>
      %dma_start3A = arith.constant 0 : i32
      %dma_start3A_19 = tpu.memref_slice %arg2[%mul3A_2, %dma_start3A] : memref<2560x128xi32, #tpu.memory_space<hbm>> -> memref<80x128xi32, #tpu.memory_space<hbm>>
      %dma_start3A_20 = arith.constant 0 : i32
      %dma_start3A_21 = tpu.memref_slice %arg2[%mul3A_2, %dma_start3A_20] : memref<2560x128xi32, #tpu.memory_space<hbm>> -> memref<80x128xi32, #tpu.memory_space<hbm>>
      tpu.enqueue_dma source(%dma_start3A_21 : memref<80x128xi32, #tpu.memory_space<hbm>>) target(%arg7 : memref<80x128xi32, #tpu.memory_space<vmem>>) target_semaphore(%run_scoped3A : memref<!tpu.dma_semaphore, #tpu.memory_space<semaphore_mem>>)
      %dma_wait3A = arith.constant 0 : i32
      %dma_wait3A_22 = tpu.memref_slice %arg2[%mul3A_2, %dma_wait3A] : memref<2560x128xi32, #tpu.memory_space<hbm>> -> memref<80x128xi32, #tpu.memory_space<hbm>>
      %dma_wait3A_23 = arith.constant 0 : i32
      %dma_wait3A_24 = tpu.memref_slice %arg2[%mul3A_2, %dma_wait3A_23] : memref<2560x128xi32, #tpu.memory_space<hbm>> -> memref<80x128xi32, #tpu.memory_space<hbm>>
      tpu.wait_dma2 semaphore(%run_scoped3A : memref<!tpu.dma_semaphore, #tpu.memory_space<semaphore_mem>>) src(%dma_wait3A_24 : memref<80x128xi32, #tpu.memory_space<hbm>>) dst(%arg7 : memref<80x128xi32, #tpu.memory_space<vmem>>)
      tpu.yield
    }) : () -> ()
    "tpu.region"() ({
      %run_scoped3A = tpu.sem_alloc : memref<!tpu.dma_semaphore, #tpu.memory_space<semaphore_mem>>
      tpu.enqueue_dma source(%arg3 : memref<128x128xf32, #tpu.memory_space<hbm>>) target(%arg8 : memref<128x128xf32, #tpu.memory_space<vmem>>) target_semaphore(%run_scoped3A : memref<!tpu.dma_semaphore, #tpu.memory_space<semaphore_mem>>)
      tpu.wait_dma2 semaphore(%run_scoped3A : memref<!tpu.dma_semaphore, #tpu.memory_space<semaphore_mem>>) src(%arg3 : memref<128x128xf32, #tpu.memory_space<hbm>>) dst(%arg8 : memref<128x128xf32, #tpu.memory_space<vmem>>)
      tpu.yield
    }) : () -> ()
    "tpu.region"() ({
      %run_scoped3A = tpu.sem_alloc : memref<!tpu.dma_semaphore, #tpu.memory_space<semaphore_mem>>
      tpu.enqueue_dma source(%arg4 : memref<8x128xf32, #tpu.memory_space<hbm>>) target(%arg9 : memref<8x128xf32, #tpu.memory_space<vmem>>) target_semaphore(%run_scoped3A : memref<!tpu.dma_semaphore, #tpu.memory_space<semaphore_mem>>)
      tpu.wait_dma2 semaphore(%run_scoped3A : memref<!tpu.dma_semaphore, #tpu.memory_space<semaphore_mem>>) src(%arg4 : memref<8x128xf32, #tpu.memory_space<hbm>>) dst(%arg9 : memref<8x128xf32, #tpu.memory_space<vmem>>)
      tpu.yield
    }) : () -> ()
    %scan3A = arith.constant 0 : i32
    %scan3A_3 = arith.constant 0 : i32
    %scan3A_4 = arith.constant 80 : i32
    %scan3A_5 = arith.addi %scan3A_3, %scan3A_4 : i32
    %scan3A_6 = arith.constant 1 : i32
    scf.for %scan3A_19 = %scan3A_3 to %scan3A_5 step %scan3A_6  : i32 {
      %mul3A_20 = arith.constant 640 : i32
      %mul3A_21 = arith.muli %arg1, %mul3A_20 : i32
      %mul3A_22 = arith.constant 8 : i32
      %mul3A_23 = arith.muli %scan3A_19, %mul3A_22 : i32
      %add3A_24 = arith.addi %mul3A_21, %mul3A_23 : i32
      "tpu.region"() ({
        %run_scoped3A = tpu.sem_alloc : memref<!tpu.dma_semaphore, #tpu.memory_space<semaphore_mem>>
        %dma_start3A = arith.constant 0 : i32
        %dma_start3A_25 = tpu.memref_slice %arg6[%add3A_24, %dma_start3A] : memref<10240x128xf32, #tpu.memory_space<vmem_shared>> -> memref<8x128xf32, #tpu.memory_space<vmem_shared>>
        %dma_start3A_26 = arith.constant 0 : i32
        %dma_start3A_27 = tpu.memref_slice %arg6[%add3A_24, %dma_start3A_26] : memref<10240x128xf32, #tpu.memory_space<vmem_shared>> -> memref<8x128xf32, #tpu.memory_space<vmem_shared>>
        tpu.enqueue_dma source(%arg9 : memref<8x128xf32, #tpu.memory_space<vmem>>) target(%dma_start3A_27 : memref<8x128xf32, #tpu.memory_space<vmem_shared>>) target_semaphore(%run_scoped3A : memref<!tpu.dma_semaphore, #tpu.memory_space<semaphore_mem>>)
        %dma_wait3A = arith.constant 0 : i32
        %dma_wait3A_28 = tpu.memref_slice %arg6[%add3A_24, %dma_wait3A] : memref<10240x128xf32, #tpu.memory_space<vmem_shared>> -> memref<8x128xf32, #tpu.memory_space<vmem_shared>>
        %dma_wait3A_29 = arith.constant 0 : i32
        %dma_wait3A_30 = tpu.memref_slice %arg6[%add3A_24, %dma_wait3A_29] : memref<10240x128xf32, #tpu.memory_space<vmem_shared>> -> memref<8x128xf32, #tpu.memory_space<vmem_shared>>
        tpu.wait_dma2 semaphore(%run_scoped3A : memref<!tpu.dma_semaphore, #tpu.memory_space<semaphore_mem>>) src(%arg9 : memref<8x128xf32, #tpu.memory_space<vmem>>) dst(%dma_wait3A_30 : memref<8x128xf32, #tpu.memory_space<vmem_shared>>)
        tpu.yield
      }) : () -> ()
    }
    %scan3A_7 = arith.constant 80 : i32
    %barrier3A = arith.constant 0 : index
    tpu.barrier barrier_id(%barrier3A)
    %scan3A_8 = arith.constant 0 : i32
    %scan3A_9 = arith.constant 0 : i32
    %scan3A_10 = arith.constant 80 : i32
    %scan3A_11 = arith.addi %scan3A_9, %scan3A_10 : i32
    %scan3A_12 = arith.constant 1 : i32
    scf.for %scan3A_19 = %scan3A_9 to %scan3A_11 step %scan3A_12  : i32 {
      "tpu.region"() ({
        %run_scoped3A = tpu.sem_alloc : memref<!tpu.dma_semaphore, #tpu.memory_space<semaphore_mem>>
        %dma_start3A = arith.constant 0 : i32
        %dma_start3A_20 = tpu.memref_slice %arg7[%scan3A_19, %dma_start3A] : memref<80x128xi32, #tpu.memory_space<vmem>> -> memref<1x128xi32, #tpu.memory_space<vmem>>
        %dma_start3A_21 = tpu.memref_squeeze %dma_start3A_20 : memref<1x128xi32, #tpu.memory_space<vmem>> -> memref<128xi32, #tpu.memory_space<vmem>>
        %dma_start3A_22 = arith.constant 0 : i32
        %dma_start3A_23 = arith.constant 0 : i32
        %dma_start3A_24 = tpu.memref_slice %arg6[%dma_start3A_22, %dma_start3A_23] : memref<10240x128xf32, #tpu.memory_space<vmem_shared>> -> memref<10240x128xf32, #tpu.memory_space<vmem_shared>>
        tpu.enqueue_indirect_dma source(%arg8 : memref<128x128xf32, #tpu.memory_space<vmem>>) target(%dma_start3A_24 : memref<10240x128xf32, #tpu.memory_space<vmem_shared>>) offsets(%dma_start3A_21 : memref<128xi32, #tpu.memory_space<vmem>>) semaphore(%run_scoped3A : memref<!tpu.dma_semaphore, #tpu.memory_space<semaphore_mem>>) {add = true}
        %dma_wait3A = arith.constant 0 : i32
        %dma_wait3A_25 = tpu.memref_slice %arg7[%scan3A_19, %dma_wait3A] : memref<80x128xi32, #tpu.memory_space<vmem>> -> memref<1x128xi32, #tpu.memory_space<vmem>>
        %dma_wait3A_26 = tpu.memref_squeeze %dma_wait3A_25 : memref<1x128xi32, #tpu.memory_space<vmem>> -> memref<128xi32, #tpu.memory_space<vmem>>
        %dma_wait3A_27 = arith.constant 0 : i32
        %dma_wait3A_28 = arith.constant 0 : i32
        %dma_wait3A_29 = tpu.memref_slice %arg6[%dma_wait3A_27, %dma_wait3A_28] : memref<10240x128xf32, #tpu.memory_space<vmem_shared>> -> memref<10240x128xf32, #tpu.memory_space<vmem_shared>>
        tpu.wait_indirect_dma semaphore(%run_scoped3A : memref<!tpu.dma_semaphore, #tpu.memory_space<semaphore_mem>>) src(%arg8 : memref<128x128xf32, #tpu.memory_space<vmem>>) dst(%dma_wait3A_29 : memref<10240x128xf32, #tpu.memory_space<vmem_shared>>)
        tpu.yield
      }) : () -> ()
    }
    %scan3A_13 = arith.constant 80 : i32
    %barrier3A_14 = arith.constant 0 : index
    tpu.barrier barrier_id(%barrier3A_14)
    %mul3A_15 = arith.constant 640 : i32
    %mul3A_16 = arith.muli %arg1, %mul3A_15 : i32
    %mul3A_17 = arith.constant 640 : i32
    %mul3A_18 = arith.muli %arg1, %mul3A_17 : i32
    "tpu.region"() ({
      %run_scoped3A = tpu.sem_alloc : memref<!tpu.dma_semaphore, #tpu.memory_space<semaphore_mem>>
      %dma_start3A = arith.constant 0 : i32
      %dma_start3A_19 = tpu.memref_slice %arg5[%arg0, %mul3A_18, %dma_start3A] : memref<2x10240x128xf32, #tpu.memory_space<hbm>> -> memref<1x640x128xf32, #tpu.memory_space<hbm>>
      %dma_start3A_20 = tpu.memref_squeeze %dma_start3A_19 : memref<1x640x128xf32, #tpu.memory_space<hbm>> -> memref<640x128xf32, #tpu.memory_space<hbm>>
      %dma_start3A_21 = arith.constant 0 : i32
      %dma_start3A_22 = tpu.memref_slice %arg6[%mul3A_16, %dma_start3A_21] : memref<10240x128xf32, #tpu.memory_space<vmem_shared>> -> memref<640x128xf32, #tpu.memory_space<vmem_shared>>
      tpu.enqueue_dma source(%dma_start3A_22 : memref<640x128xf32, #tpu.memory_space<vmem_shared>>) target(%dma_start3A_20 : memref<640x128xf32, #tpu.memory_space<hbm>>) target_semaphore(%run_scoped3A : memref<!tpu.dma_semaphore, #tpu.memory_space<semaphore_mem>>)
      %dma_wait3A = arith.constant 0 : i32
      %dma_wait3A_23 = tpu.memref_slice %arg5[%arg0, %mul3A_18, %dma_wait3A] : memref<2x10240x128xf32, #tpu.memory_space<hbm>> -> memref<1x640x128xf32, #tpu.memory_space<hbm>>
      %dma_wait3A_24 = tpu.memref_squeeze %dma_wait3A_23 : memref<1x640x128xf32, #tpu.memory_space<hbm>> -> memref<640x128xf32, #tpu.memory_space<hbm>>
      %dma_wait3A_25 = arith.constant 0 : i32
      %dma_wait3A_26 = tpu.memref_slice %arg6[%mul3A_16, %dma_wait3A_25] : memref<10240x128xf32, #tpu.memory_space<vmem_shared>> -> memref<640x128xf32, #tpu.memory_space<vmem_shared>>
      tpu.wait_dma2 semaphore(%run_scoped3A : memref<!tpu.dma_semaphore, #tpu.memory_space<semaphore_mem>>) src(%dma_wait3A_26 : memref<640x128xf32, #tpu.memory_space<vmem_shared>>) dst(%dma_wait3A_24 : memref<640x128xf32, #tpu.memory_space<hbm>>)
      tpu.yield
    }) : () -> ()
    return
  }
}

#map = affine_map<(d0, d1) -> (0, 0)>
#map1 = affine_map<(d0, d1) -> (0, 0, 0)>
module attributes {stable_mosaic.version = 14 : i64} {
  func.func @_scatter_body(%arg0: i32, %arg1: i32, %arg2: memref<2560x128xi32, #tpu.memory_space<hbm>>, %arg3: memref<2560x128xi32, #tpu.memory_space<hbm>>, %arg4: memref<10000x128xf32, #tpu.memory_space<hbm>>, %arg5: memref<10000x128xf32, #tpu.memory_space<hbm>>, %arg6: memref<10000x128xf32, #tpu.memory_space<hbm>>, %arg7: memref<10000x128xf32, #tpu.memory_space<hbm>>, %arg8: memref<10000x128xf32, #tpu.memory_space<hbm>>, %arg9: memref<10000x128xf32, #tpu.memory_space<hbm>>, %arg10: memref<10000x128xf32, #tpu.memory_space<hbm>>, %arg11: memref<10000x128xf32, #tpu.memory_space<hbm>>, %arg12: memref<10000x128xf32, #tpu.memory_space<hbm>>, %arg13: memref<10240x128xf32, #tpu.memory_space<hbm>>, %arg14: memref<9x10240x128xf32, #tpu.memory_space<hbm>>, %arg15: memref<10240x128xf32, #tpu.memory_space<vmem_shared>>, %arg16: memref<80x128xi32, #tpu.memory_space<vmem>>, %arg17: memref<80x128xi32, #tpu.memory_space<vmem>>, %arg18: memref<128x128xf32, #tpu.memory_space<vmem>>, %arg19: memref<!tpu.dma_semaphore, #tpu.memory_space<semaphore_mem>>) attributes {dimension_semantics = [#tpu.dimension_semantics<core_parallel>, #tpu.dimension_semantics<subcore_parallel>], iteration_bounds = array<i64: 2, 16>, scalar_prefetch = 0 : i64, scratch_operands = 5 : i64, tpu.core_type = #tpu.core_type<sc_vector_subcore>, window_params = [{transform_indices = #map}, {transform_indices = #map}, {transform_indices = #map}, {transform_indices = #map}, {transform_indices = #map}, {transform_indices = #map}, {transform_indices = #map}, {transform_indices = #map}, {transform_indices = #map}, {transform_indices = #map}, {transform_indices = #map}, {transform_indices = #map}, {transform_indices = #map1}]} {
    %mul3A = arith.constant 640 : i32
    %mul3A_0 = arith.muli %arg1, %mul3A : i32
    %eq3A = arith.constant 0 : i32
    %eq3A_1 = arith.cmpi eq, %arg0, %eq3A : i32
    %convert_element_type3A = arith.extui %eq3A_1 : i1 to i32
    %cond3A = arith.constant 0 : i32
    %cond3A_2 = arith.cmpi ne, %convert_element_type3A, %cond3A : i32
    scf.if %cond3A_2 {
      "tpu.region"() ({
        %run_scoped3A_62 = tpu.sem_alloc : memref<!tpu.dma_semaphore, #tpu.memory_space<semaphore_mem>>
        %dma_start3A = arith.constant 0 : i32
        %dma_start3A_63 = tpu.memref_slice %arg15[%mul3A_0, %dma_start3A] : memref<10240x128xf32, #tpu.memory_space<vmem_shared>> -> memref<640x128xf32, #tpu.memory_space<vmem_shared>>
        %dma_start3A_64 = arith.constant 0 : i32
        %dma_start3A_65 = tpu.memref_slice %arg13[%mul3A_0, %dma_start3A_64] : memref<10240x128xf32, #tpu.memory_space<hbm>> -> memref<640x128xf32, #tpu.memory_space<hbm>>
        tpu.enqueue_dma source(%dma_start3A_65 : memref<640x128xf32, #tpu.memory_space<hbm>>) target(%dma_start3A_63 : memref<640x128xf32, #tpu.memory_space<vmem_shared>>) target_semaphore(%run_scoped3A_62 : memref<!tpu.dma_semaphore, #tpu.memory_space<semaphore_mem>>)
        %dma_wait3A = arith.constant 0 : i32
        %dma_wait3A_66 = tpu.memref_slice %arg15[%mul3A_0, %dma_wait3A] : memref<10240x128xf32, #tpu.memory_space<vmem_shared>> -> memref<640x128xf32, #tpu.memory_space<vmem_shared>>
        %dma_wait3A_67 = arith.constant 0 : i32
        %dma_wait3A_68 = tpu.memref_slice %arg13[%mul3A_0, %dma_wait3A_67] : memref<10240x128xf32, #tpu.memory_space<hbm>> -> memref<640x128xf32, #tpu.memory_space<hbm>>
        tpu.wait_dma2 semaphore(%run_scoped3A_62 : memref<!tpu.dma_semaphore, #tpu.memory_space<semaphore_mem>>) src(%dma_wait3A_68 : memref<640x128xf32, #tpu.memory_space<hbm>>) dst(%dma_wait3A_66 : memref<640x128xf32, #tpu.memory_space<vmem_shared>>)
        tpu.yield
      }) : () -> ()
      %barrier3A = arith.constant 0 : index
      tpu.barrier barrier_id(%barrier3A)
      %mul3A_43 = arith.constant 160 : i32
      %mul3A_44 = arith.muli %arg1, %mul3A_43 : i32
      %add3A = arith.constant 0 : i32
      %add3A_45 = arith.addi %mul3A_44, %add3A : i32
      "tpu.region"() ({
        %run_scoped3A_62 = tpu.sem_alloc : memref<!tpu.dma_semaphore, #tpu.memory_space<semaphore_mem>>
        %dma_start3A = arith.constant 0 : i32
        %dma_start3A_63 = tpu.memref_slice %arg2[%add3A_45, %dma_start3A] : memref<2560x128xi32, #tpu.memory_space<hbm>> -> memref<80x128xi32, #tpu.memory_space<hbm>>
        %dma_start3A_64 = arith.constant 0 : i32
        %dma_start3A_65 = tpu.memref_slice %arg2[%add3A_45, %dma_start3A_64] : memref<2560x128xi32, #tpu.memory_space<hbm>> -> memref<80x128xi32, #tpu.memory_space<hbm>>
        tpu.enqueue_dma source(%dma_start3A_65 : memref<80x128xi32, #tpu.memory_space<hbm>>) target(%arg16 : memref<80x128xi32, #tpu.memory_space<vmem>>) target_semaphore(%run_scoped3A_62 : memref<!tpu.dma_semaphore, #tpu.memory_space<semaphore_mem>>)
        %dma_wait3A = arith.constant 0 : i32
        %dma_wait3A_66 = tpu.memref_slice %arg2[%add3A_45, %dma_wait3A] : memref<2560x128xi32, #tpu.memory_space<hbm>> -> memref<80x128xi32, #tpu.memory_space<hbm>>
        %dma_wait3A_67 = arith.constant 0 : i32
        %dma_wait3A_68 = tpu.memref_slice %arg2[%add3A_45, %dma_wait3A_67] : memref<2560x128xi32, #tpu.memory_space<hbm>> -> memref<80x128xi32, #tpu.memory_space<hbm>>
        tpu.wait_dma2 semaphore(%run_scoped3A_62 : memref<!tpu.dma_semaphore, #tpu.memory_space<semaphore_mem>>) src(%dma_wait3A_68 : memref<80x128xi32, #tpu.memory_space<hbm>>) dst(%arg16 : memref<80x128xi32, #tpu.memory_space<vmem>>)
        tpu.yield
      }) : () -> ()
      "tpu.region"() ({
        %run_scoped3A_62 = tpu.sem_alloc : memref<!tpu.dma_semaphore, #tpu.memory_space<semaphore_mem>>
        %dma_start3A = arith.constant 0 : i32
        %dma_start3A_63 = tpu.memref_slice %arg3[%add3A_45, %dma_start3A] : memref<2560x128xi32, #tpu.memory_space<hbm>> -> memref<80x128xi32, #tpu.memory_space<hbm>>
        %dma_start3A_64 = arith.constant 0 : i32
        %dma_start3A_65 = tpu.memref_slice %arg3[%add3A_45, %dma_start3A_64] : memref<2560x128xi32, #tpu.memory_space<hbm>> -> memref<80x128xi32, #tpu.memory_space<hbm>>
        tpu.enqueue_dma source(%dma_start3A_65 : memref<80x128xi32, #tpu.memory_space<hbm>>) target(%arg17 : memref<80x128xi32, #tpu.memory_space<vmem>>) target_semaphore(%run_scoped3A_62 : memref<!tpu.dma_semaphore, #tpu.memory_space<semaphore_mem>>)
        %dma_wait3A = arith.constant 0 : i32
        %dma_wait3A_66 = tpu.memref_slice %arg3[%add3A_45, %dma_wait3A] : memref<2560x128xi32, #tpu.memory_space<hbm>> -> memref<80x128xi32, #tpu.memory_space<hbm>>
        %dma_wait3A_67 = arith.constant 0 : i32
        %dma_wait3A_68 = tpu.memref_slice %arg3[%add3A_45, %dma_wait3A_67] : memref<2560x128xi32, #tpu.memory_space<hbm>> -> memref<80x128xi32, #tpu.memory_space<hbm>>
        tpu.wait_dma2 semaphore(%run_scoped3A_62 : memref<!tpu.dma_semaphore, #tpu.memory_space<semaphore_mem>>) src(%dma_wait3A_68 : memref<80x128xi32, #tpu.memory_space<hbm>>) dst(%arg17 : memref<80x128xi32, #tpu.memory_space<vmem>>)
        tpu.yield
      }) : () -> ()
      %scan3A = arith.constant 0 : i32
      %scan3A_46 = arith.constant 0 : i32
      %scan3A_47 = arith.constant 80 : i32
      %scan3A_48 = arith.addi %scan3A_46, %scan3A_47 : i32
      %scan3A_49 = arith.constant 1 : i32
      scf.for %scan3A_62 = %scan3A_46 to %scan3A_48 step %scan3A_49  : i32 {
        %dma_start3A = arith.constant 0 : i32
        %dma_start3A_63 = tpu.memref_slice %arg16[%scan3A_62, %dma_start3A] : memref<80x128xi32, #tpu.memory_space<vmem>> -> memref<1x128xi32, #tpu.memory_space<vmem>>
        %dma_start3A_64 = tpu.memref_squeeze %dma_start3A_63 : memref<1x128xi32, #tpu.memory_space<vmem>> -> memref<128xi32, #tpu.memory_space<vmem>>
        %dma_start3A_65 = arith.constant 0 : i32
        %dma_start3A_66 = arith.constant 0 : i32
        %dma_start3A_67 = tpu.memref_slice %arg4[%dma_start3A_65, %dma_start3A_66] : memref<10000x128xf32, #tpu.memory_space<hbm>> -> memref<10000x128xf32, #tpu.memory_space<hbm>>
        tpu.enqueue_indirect_dma source(%dma_start3A_67 : memref<10000x128xf32, #tpu.memory_space<hbm>>) target(%arg18 : memref<128x128xf32, #tpu.memory_space<vmem>>) offsets(%dma_start3A_64 : memref<128xi32, #tpu.memory_space<vmem>>) semaphore(%arg19 : memref<!tpu.dma_semaphore, #tpu.memory_space<semaphore_mem>>)
        %dma_wait3A = arith.constant 0 : i32
        %dma_wait3A_68 = tpu.memref_slice %arg16[%scan3A_62, %dma_wait3A] : memref<80x128xi32, #tpu.memory_space<vmem>> -> memref<1x128xi32, #tpu.memory_space<vmem>>
        %dma_wait3A_69 = tpu.memref_squeeze %dma_wait3A_68 : memref<1x128xi32, #tpu.memory_space<vmem>> -> memref<128xi32, #tpu.memory_space<vmem>>
        %dma_wait3A_70 = arith.constant 0 : i32
        %dma_wait3A_71 = arith.constant 0 : i32
        %dma_wait3A_72 = tpu.memref_slice %arg4[%dma_wait3A_70, %dma_wait3A_71] : memref<10000x128xf32, #tpu.memory_space<hbm>> -> memref<10000x128xf32, #tpu.memory_space<hbm>>
        tpu.wait_indirect_dma semaphore(%arg19 : memref<!tpu.dma_semaphore, #tpu.memory_space<semaphore_mem>>) src(%dma_wait3A_72 : memref<10000x128xf32, #tpu.memory_space<hbm>>) dst(%arg18 : memref<128x128xf32, #tpu.memory_space<vmem>>)
        "tpu.region"() ({
          %run_scoped3A_73 = tpu.sem_alloc : memref<!tpu.dma_semaphore, #tpu.memory_space<semaphore_mem>>
          %dma_start3A_74 = arith.constant 0 : i32
          %dma_start3A_75 = tpu.memref_slice %arg17[%scan3A_62, %dma_start3A_74] : memref<80x128xi32, #tpu.memory_space<vmem>> -> memref<1x128xi32, #tpu.memory_space<vmem>>
          %dma_start3A_76 = tpu.memref_squeeze %dma_start3A_75 : memref<1x128xi32, #tpu.memory_space<vmem>> -> memref<128xi32, #tpu.memory_space<vmem>>
          %dma_start3A_77 = arith.constant 0 : i32
          %dma_start3A_78 = arith.constant 0 : i32
          %dma_start3A_79 = tpu.memref_slice %arg15[%dma_start3A_77, %dma_start3A_78] : memref<10240x128xf32, #tpu.memory_space<vmem_shared>> -> memref<10240x128xf32, #tpu.memory_space<vmem_shared>>
          tpu.enqueue_indirect_dma source(%arg18 : memref<128x128xf32, #tpu.memory_space<vmem>>) target(%dma_start3A_79 : memref<10240x128xf32, #tpu.memory_space<vmem_shared>>) offsets(%dma_start3A_76 : memref<128xi32, #tpu.memory_space<vmem>>) semaphore(%run_scoped3A_73 : memref<!tpu.dma_semaphore, #tpu.memory_space<semaphore_mem>>) {add = true}
          %dma_wait3A_80 = arith.constant 0 : i32
          %dma_wait3A_81 = tpu.memref_slice %arg17[%scan3A_62, %dma_wait3A_80] : memref<80x128xi32, #tpu.memory_space<vmem>> -> memref<1x128xi32, #tpu.memory_space<vmem>>
          %dma_wait3A_82 = tpu.memref_squeeze %dma_wait3A_81 : memref<1x128xi32, #tpu.memory_space<vmem>> -> memref<128xi32, #tpu.memory_space<vmem>>
          %dma_wait3A_83 = arith.constant 0 : i32
          %dma_wait3A_84 = arith.constant 0 : i32
          %dma_wait3A_85 = tpu.memref_slice %arg15[%dma_wait3A_83, %dma_wait3A_84] : memref<10240x128xf32, #tpu.memory_space<vmem_shared>> -> memref<10240x128xf32, #tpu.memory_space<vmem_shared>>
          tpu.wait_indirect_dma semaphore(%run_scoped3A_73 : memref<!tpu.dma_semaphore, #tpu.memory_space<semaphore_mem>>) src(%arg18 : memref<128x128xf32, #tpu.memory_space<vmem>>) dst(%dma_wait3A_85 : memref<10240x128xf32, #tpu.memory_space<vmem_shared>>)
          tpu.yield
        }) : () -> ()
      }
      %scan3A_50 = arith.constant 80 : i32
      %mul3A_51 = arith.constant 160 : i32
      %mul3A_52 = arith.muli %arg1, %mul3A_51 : i32
      %add3A_53 = arith.constant 80 : i32
      %add3A_54 = arith.addi %mul3A_52, %add3A_53 : i32
      "tpu.region"() ({
        %run_scoped3A_62 = tpu.sem_alloc : memref<!tpu.dma_semaphore, #tpu.memory_space<semaphore_mem>>
        %dma_start3A = arith.constant 0 : i32
        %dma_start3A_63 = tpu.memref_slice %arg2[%add3A_54, %dma_start3A] : memref<2560x128xi32, #tpu.memory_space<hbm>> -> memref<80x128xi32, #tpu.memory_space<hbm>>
        %dma_start3A_64 = arith.constant 0 : i32
        %dma_start3A_65 = tpu.memref_slice %arg2[%add3A_54, %dma_start3A_64] : memref<2560x128xi32, #tpu.memory_space<hbm>> -> memref<80x128xi32, #tpu.memory_space<hbm>>
        tpu.enqueue_dma source(%dma_start3A_65 : memref<80x128xi32, #tpu.memory_space<hbm>>) target(%arg16 : memref<80x128xi32, #tpu.memory_space<vmem>>) target_semaphore(%run_scoped3A_62 : memref<!tpu.dma_semaphore, #tpu.memory_space<semaphore_mem>>)
        %dma_wait3A = arith.constant 0 : i32
        %dma_wait3A_66 = tpu.memref_slice %arg2[%add3A_54, %dma_wait3A] : memref<2560x128xi32, #tpu.memory_space<hbm>> -> memref<80x128xi32, #tpu.memory_space<hbm>>
        %dma_wait3A_67 = arith.constant 0 : i32
        %dma_wait3A_68 = tpu.memref_slice %arg2[%add3A_54, %dma_wait3A_67] : memref<2560x128xi32, #tpu.memory_space<hbm>> -> memref<80x128xi32, #tpu.memory_space<hbm>>
        tpu.wait_dma2 semaphore(%run_scoped3A_62 : memref<!tpu.dma_semaphore, #tpu.memory_space<semaphore_mem>>) src(%dma_wait3A_68 : memref<80x128xi32, #tpu.memory_space<hbm>>) dst(%arg16 : memref<80x128xi32, #tpu.memory_space<vmem>>)
        tpu.yield
      }) : () -> ()
      "tpu.region"() ({
        %run_scoped3A_62 = tpu.sem_alloc : memref<!tpu.dma_semaphore, #tpu.memory_space<semaphore_mem>>
        %dma_start3A = arith.constant 0 : i32
        %dma_start3A_63 = tpu.memref_slice %arg3[%add3A_54, %dma_start3A] : memref<2560x128xi32, #tpu.memory_space<hbm>> -> memref<80x128xi32, #tpu.memory_space<hbm>>
        %dma_start3A_64 = arith.constant 0 : i32
        %dma_start3A_65 = tpu.memref_slice %arg3[%add3A_54, %dma_start3A_64] : memref<2560x128xi32, #tpu.memory_space<hbm>> -> memref<80x128xi32, #tpu.memory_space<hbm>>
        tpu.enqueue_dma source(%dma_start3A_65 : memref<80x128xi32, #tpu.memory_space<hbm>>) target(%arg17 : memref<80x128xi32, #tpu.memory_space<vmem>>) target_semaphore(%run_scoped3A_62 : memref<!tpu.dma_semaphore, #tpu.memory_space<semaphore_mem>>)
        %dma_wait3A = arith.constant 0 : i32
        %dma_wait3A_66 = tpu.memref_slice %arg3[%add3A_54, %dma_wait3A] : memref<2560x128xi32, #tpu.memory_space<hbm>> -> memref<80x128xi32, #tpu.memory_space<hbm>>
        %dma_wait3A_67 = arith.constant 0 : i32
        %dma_wait3A_68 = tpu.memref_slice %arg3[%add3A_54, %dma_wait3A_67] : memref<2560x128xi32, #tpu.memory_space<hbm>> -> memref<80x128xi32, #tpu.memory_space<hbm>>
        tpu.wait_dma2 semaphore(%run_scoped3A_62 : memref<!tpu.dma_semaphore, #tpu.memory_space<semaphore_mem>>) src(%dma_wait3A_68 : memref<80x128xi32, #tpu.memory_space<hbm>>) dst(%arg17 : memref<80x128xi32, #tpu.memory_space<vmem>>)
        tpu.yield
      }) : () -> ()
      %scan3A_55 = arith.constant 0 : i32
      %scan3A_56 = arith.constant 0 : i32
      %scan3A_57 = arith.constant 80 : i32
      %scan3A_58 = arith.addi %scan3A_56, %scan3A_57 : i32
      %scan3A_59 = arith.constant 1 : i32
      scf.for %scan3A_62 = %scan3A_56 to %scan3A_58 step %scan3A_59  : i32 {
        %dma_start3A = arith.constant 0 : i32
        %dma_start3A_63 = tpu.memref_slice %arg16[%scan3A_62, %dma_start3A] : memref<80x128xi32, #tpu.memory_space<vmem>> -> memref<1x128xi32, #tpu.memory_space<vmem>>
        %dma_start3A_64 = tpu.memref_squeeze %dma_start3A_63 : memref<1x128xi32, #tpu.memory_space<vmem>> -> memref<128xi32, #tpu.memory_space<vmem>>
        %dma_start3A_65 = arith.constant 0 : i32
        %dma_start3A_66 = arith.constant 0 : i32
        %dma_start3A_67 = tpu.memref_slice %arg4[%dma_start3A_65, %dma_start3A_66] : memref<10000x128xf32, #tpu.memory_space<hbm>> -> memref<10000x128xf32, #tpu.memory_space<hbm>>
        tpu.enqueue_indirect_dma source(%dma_start3A_67 : memref<10000x128xf32, #tpu.memory_space<hbm>>) target(%arg18 : memref<128x128xf32, #tpu.memory_space<vmem>>) offsets(%dma_start3A_64 : memref<128xi32, #tpu.memory_space<vmem>>) semaphore(%arg19 : memref<!tpu.dma_semaphore, #tpu.memory_space<semaphore_mem>>)
        %dma_wait3A = arith.constant 0 : i32
        %dma_wait3A_68 = tpu.memref_slice %arg16[%scan3A_62, %dma_wait3A] : memref<80x128xi32, #tpu.memory_space<vmem>> -> memref<1x128xi32, #tpu.memory_space<vmem>>
        %dma_wait3A_69 = tpu.memref_squeeze %dma_wait3A_68 : memref<1x128xi32, #tpu.memory_space<vmem>> -> memref<128xi32, #tpu.memory_space<vmem>>
        %dma_wait3A_70 = arith.constant 0 : i32
        %dma_wait3A_71 = arith.constant 0 : i32
        %dma_wait3A_72 = tpu.memref_slice %arg4[%dma_wait3A_70, %dma_wait3A_71] : memref<10000x128xf32, #tpu.memory_space<hbm>> -> memref<10000x128xf32, #tpu.memory_space<hbm>>
        tpu.wait_indirect_dma semaphore(%arg19 : memref<!tpu.dma_semaphore, #tpu.memory_space<semaphore_mem>>) src(%dma_wait3A_72 : memref<10000x128xf32, #tpu.memory_space<hbm>>) dst(%arg18 : memref<128x128xf32, #tpu.memory_space<vmem>>)
        "tpu.region"() ({
          %run_scoped3A_73 = tpu.sem_alloc : memref<!tpu.dma_semaphore, #tpu.memory_space<semaphore_mem>>
          %dma_start3A_74 = arith.constant 0 : i32
          %dma_start3A_75 = tpu.memref_slice %arg17[%scan3A_62, %dma_start3A_74] : memref<80x128xi32, #tpu.memory_space<vmem>> -> memref<1x128xi32, #tpu.memory_space<vmem>>
          %dma_start3A_76 = tpu.memref_squeeze %dma_start3A_75 : memref<1x128xi32, #tpu.memory_space<vmem>> -> memref<128xi32, #tpu.memory_space<vmem>>
          %dma_start3A_77 = arith.constant 0 : i32
          %dma_start3A_78 = arith.constant 0 : i32
          %dma_start3A_79 = tpu.memref_slice %arg15[%dma_start3A_77, %dma_start3A_78] : memref<10240x128xf32, #tpu.memory_space<vmem_shared>> -> memref<10240x128xf32, #tpu.memory_space<vmem_shared>>
          tpu.enqueue_indirect_dma source(%arg18 : memref<128x128xf32, #tpu.memory_space<vmem>>) target(%dma_start3A_79 : memref<10240x128xf32, #tpu.memory_space<vmem_shared>>) offsets(%dma_start3A_76 : memref<128xi32, #tpu.memory_space<vmem>>) semaphore(%run_scoped3A_73 : memref<!tpu.dma_semaphore, #tpu.memory_space<semaphore_mem>>) {add = true}
          %dma_wait3A_80 = arith.constant 0 : i32
          %dma_wait3A_81 = tpu.memref_slice %arg17[%scan3A_62, %dma_wait3A_80] : memref<80x128xi32, #tpu.memory_space<vmem>> -> memref<1x128xi32, #tpu.memory_space<vmem>>
          %dma_wait3A_82 = tpu.memref_squeeze %dma_wait3A_81 : memref<1x128xi32, #tpu.memory_space<vmem>> -> memref<128xi32, #tpu.memory_space<vmem>>
          %dma_wait3A_83 = arith.constant 0 : i32
          %dma_wait3A_84 = arith.constant 0 : i32
          %dma_wait3A_85 = tpu.memref_slice %arg15[%dma_wait3A_83, %dma_wait3A_84] : memref<10240x128xf32, #tpu.memory_space<vmem_shared>> -> memref<10240x128xf32, #tpu.memory_space<vmem_shared>>
          tpu.wait_indirect_dma semaphore(%run_scoped3A_73 : memref<!tpu.dma_semaphore, #tpu.memory_space<semaphore_mem>>) src(%arg18 : memref<128x128xf32, #tpu.memory_space<vmem>>) dst(%dma_wait3A_85 : memref<10240x128xf32, #tpu.memory_space<vmem_shared>>)
          tpu.yield
        }) : () -> ()
      }
      %scan3A_60 = arith.constant 80 : i32
      %barrier3A_61 = arith.constant 0 : index
      tpu.barrier barrier_id(%barrier3A_61)
      %run_scoped3A = arith.constant 0 : i32
      "tpu.region"() ({
        %run_scoped3A_62 = tpu.sem_alloc : memref<!tpu.dma_semaphore, #tpu.memory_space<semaphore_mem>>
        %dma_start3A = arith.constant 0 : i32
        %dma_start3A_63 = tpu.memref_slice %arg14[%run_scoped3A, %mul3A_0, %dma_start3A] : memref<9x10240x128xf32, #tpu.memory_space<hbm>> -> memref<1x640x128xf32, #tpu.memory_space<hbm>>
        %dma_start3A_64 = tpu.memref_squeeze %dma_start3A_63 : memref<1x640x128xf32, #tpu.memory_space<hbm>> -> memref<640x128xf32, #tpu.memory_space<hbm>>
        %dma_start3A_65 = arith.constant 0 : i32
        %dma_start3A_66 = tpu.memref_slice %arg15[%mul3A_0, %dma_start3A_65] : memref<10240x128xf32, #tpu.memory_space<vmem_shared>> -> memref<640x128xf32, #tpu.memory_space<vmem_shared>>
        tpu.enqueue_dma source(%dma_start3A_66 : memref<640x128xf32, #tpu.memory_space<vmem_shared>>) target(%dma_start3A_64 : memref<640x128xf32, #tpu.memory_space<hbm>>) target_semaphore(%run_scoped3A_62 : memref<!tpu.dma_semaphore, #tpu.memory_space<semaphore_mem>>)
        %dma_wait3A = arith.constant 0 : i32
        %dma_wait3A_67 = tpu.memref_slice %arg14[%run_scoped3A, %mul3A_0, %dma_wait3A] : memref<9x10240x128xf32, #tpu.memory_space<hbm>> -> memref<1x640x128xf32, #tpu.memory_space<hbm>>
        %dma_wait3A_68 = tpu.memref_squeeze %dma_wait3A_67 : memref<1x640x128xf32, #tpu.memory_space<hbm>> -> memref<640x128xf32, #tpu.memory_space<hbm>>
        %dma_wait3A_69 = arith.constant 0 : i32
        %dma_wait3A_70 = tpu.memref_slice %arg15[%mul3A_0, %dma_wait3A_69] : memref<10240x128xf32, #tpu.memory_space<vmem_shared>> -> memref<640x128xf32, #tpu.memory_space<vmem_shared>>
        tpu.wait_dma2 semaphore(%run_scoped3A_62 : memref<!tpu.dma_semaphore, #tpu.memory_space<semaphore_mem>>) src(%dma_wait3A_70 : memref<640x128xf32, #tpu.memory_space<vmem_shared>>) dst(%dma_wait3A_68 : memref<640x128xf32, #tpu.memory_space<hbm>>)
        tpu.yield
      }) : () -> ()
    } else {
    }
    %eq3A_3 = arith.constant 0 : i32
    %eq3A_4 = arith.cmpi eq, %arg0, %eq3A_3 : i32
    %convert_element_type3A_5 = arith.extui %eq3A_4 : i1 to i32
    %cond3A_6 = arith.constant 0 : i32
    %cond3A_7 = arith.cmpi ne, %convert_element_type3A_5, %cond3A_6 : i32
    scf.if %cond3A_7 {
      "tpu.region"() ({
        %run_scoped3A_62 = tpu.sem_alloc : memref<!tpu.dma_semaphore, #tpu.memory_space<semaphore_mem>>
        %dma_start3A = arith.constant 0 : i32
        %dma_start3A_63 = tpu.memref_slice %arg15[%mul3A_0, %dma_start3A] : memref<10240x128xf32, #tpu.memory_space<vmem_shared>> -> memref<640x128xf32, #tpu.memory_space<vmem_shared>>
        %dma_start3A_64 = arith.constant 0 : i32
        %dma_start3A_65 = tpu.memref_slice %arg13[%mul3A_0, %dma_start3A_64] : memref<10240x128xf32, #tpu.memory_space<hbm>> -> memref<640x128xf32, #tpu.memory_space<hbm>>
        tpu.enqueue_dma source(%dma_start3A_65 : memref<640x128xf32, #tpu.memory_space<hbm>>) target(%dma_start3A_63 : memref<640x128xf32, #tpu.memory_space<vmem_shared>>) target_semaphore(%run_scoped3A_62 : memref<!tpu.dma_semaphore, #tpu.memory_space<semaphore_mem>>)
        %dma_wait3A = arith.constant 0 : i32
        %dma_wait3A_66 = tpu.memref_slice %arg15[%mul3A_0, %dma_wait3A] : memref<10240x128xf32, #tpu.memory_space<vmem_shared>> -> memref<640x128xf32, #tpu.memory_space<vmem_shared>>
        %dma_wait3A_67 = arith.constant 0 : i32
        %dma_wait3A_68 = tpu.memref_slice %arg13[%mul3A_0, %dma_wait3A_67] : memref<10240x128xf32, #tpu.memory_space<hbm>> -> memref<640x128xf32, #tpu.memory_space<hbm>>
        tpu.wait_dma2 semaphore(%run_scoped3A_62 : memref<!tpu.dma_semaphore, #tpu.memory_space<semaphore_mem>>) src(%dma_wait3A_68 : memref<640x128xf32, #tpu.memory_space<hbm>>) dst(%dma_wait3A_66 : memref<640x128xf32, #tpu.memory_space<vmem_shared>>)
        tpu.yield
      }) : () -> ()
      %barrier3A = arith.constant 0 : index
      tpu.barrier barrier_id(%barrier3A)
      %mul3A_43 = arith.constant 160 : i32
      %mul3A_44 = arith.muli %arg1, %mul3A_43 : i32
      %add3A = arith.constant 0 : i32
      %add3A_45 = arith.addi %mul3A_44, %add3A : i32
      "tpu.region"() ({
        %run_scoped3A_62 = tpu.sem_alloc : memref<!tpu.dma_semaphore, #tpu.memory_space<semaphore_mem>>
        %dma_start3A = arith.constant 0 : i32
        %dma_start3A_63 = tpu.memref_slice %arg2[%add3A_45, %dma_start3A] : memref<2560x128xi32, #tpu.memory_space<hbm>> -> memref<80x128xi32, #tpu.memory_space<hbm>>
        %dma_start3A_64 = arith.constant 0 : i32
        %dma_start3A_65 = tpu.memref_slice %arg2[%add3A_45, %dma_start3A_64] : memref<2560x128xi32, #tpu.memory_space<hbm>> -> memref<80x128xi32, #tpu.memory_space<hbm>>
        tpu.enqueue_dma source(%dma_start3A_65 : memref<80x128xi32, #tpu.memory_space<hbm>>) target(%arg16 : memref<80x128xi32, #tpu.memory_space<vmem>>) target_semaphore(%run_scoped3A_62 : memref<!tpu.dma_semaphore, #tpu.memory_space<semaphore_mem>>)
        %dma_wait3A = arith.constant 0 : i32
        %dma_wait3A_66 = tpu.memref_slice %arg2[%add3A_45, %dma_wait3A] : memref<2560x128xi32, #tpu.memory_space<hbm>> -> memref<80x128xi32, #tpu.memory_space<hbm>>
        %dma_wait3A_67 = arith.constant 0 : i32
        %dma_wait3A_68 = tpu.memref_slice %arg2[%add3A_45, %dma_wait3A_67] : memref<2560x128xi32, #tpu.memory_space<hbm>> -> memref<80x128xi32, #tpu.memory_space<hbm>>
        tpu.wait_dma2 semaphore(%run_scoped3A_62 : memref<!tpu.dma_semaphore, #tpu.memory_space<semaphore_mem>>) src(%dma_wait3A_68 : memref<80x128xi32, #tpu.memory_space<hbm>>) dst(%arg16 : memref<80x128xi32, #tpu.memory_space<vmem>>)
        tpu.yield
      }) : () -> ()
      "tpu.region"() ({
        %run_scoped3A_62 = tpu.sem_alloc : memref<!tpu.dma_semaphore, #tpu.memory_space<semaphore_mem>>
        %dma_start3A = arith.constant 0 : i32
        %dma_start3A_63 = tpu.memref_slice %arg3[%add3A_45, %dma_start3A] : memref<2560x128xi32, #tpu.memory_space<hbm>> -> memref<80x128xi32, #tpu.memory_space<hbm>>
        %dma_start3A_64 = arith.constant 0 : i32
        %dma_start3A_65 = tpu.memref_slice %arg3[%add3A_45, %dma_start3A_64] : memref<2560x128xi32, #tpu.memory_space<hbm>> -> memref<80x128xi32, #tpu.memory_space<hbm>>
        tpu.enqueue_dma source(%dma_start3A_65 : memref<80x128xi32, #tpu.memory_space<hbm>>) target(%arg17 : memref<80x128xi32, #tpu.memory_space<vmem>>) target_semaphore(%run_scoped3A_62 : memref<!tpu.dma_semaphore, #tpu.memory_space<semaphore_mem>>)
        %dma_wait3A = arith.constant 0 : i32
        %dma_wait3A_66 = tpu.memref_slice %arg3[%add3A_45, %dma_wait3A] : memref<2560x128xi32, #tpu.memory_space<hbm>> -> memref<80x128xi32, #tpu.memory_space<hbm>>
        %dma_wait3A_67 = arith.constant 0 : i32
        %dma_wait3A_68 = tpu.memref_slice %arg3[%add3A_45, %dma_wait3A_67] : memref<2560x128xi32, #tpu.memory_space<hbm>> -> memref<80x128xi32, #tpu.memory_space<hbm>>
        tpu.wait_dma2 semaphore(%run_scoped3A_62 : memref<!tpu.dma_semaphore, #tpu.memory_space<semaphore_mem>>) src(%dma_wait3A_68 : memref<80x128xi32, #tpu.memory_space<hbm>>) dst(%arg17 : memref<80x128xi32, #tpu.memory_space<vmem>>)
        tpu.yield
      }) : () -> ()
      %scan3A = arith.constant 0 : i32
      %scan3A_46 = arith.constant 0 : i32
      %scan3A_47 = arith.constant 80 : i32
      %scan3A_48 = arith.addi %scan3A_46, %scan3A_47 : i32
      %scan3A_49 = arith.constant 1 : i32
      scf.for %scan3A_62 = %scan3A_46 to %scan3A_48 step %scan3A_49  : i32 {
        %dma_start3A = arith.constant 0 : i32
        %dma_start3A_63 = tpu.memref_slice %arg16[%scan3A_62, %dma_start3A] : memref<80x128xi32, #tpu.memory_space<vmem>> -> memref<1x128xi32, #tpu.memory_space<vmem>>
        %dma_start3A_64 = tpu.memref_squeeze %dma_start3A_63 : memref<1x128xi32, #tpu.memory_space<vmem>> -> memref<128xi32, #tpu.memory_space<vmem>>
        %dma_start3A_65 = arith.constant 0 : i32
        %dma_start3A_66 = arith.constant 0 : i32
        %dma_start3A_67 = tpu.memref_slice %arg5[%dma_start3A_65, %dma_start3A_66] : memref<10000x128xf32, #tpu.memory_space<hbm>> -> memref<10000x128xf32, #tpu.memory_space<hbm>>
        tpu.enqueue_indirect_dma source(%dma_start3A_67 : memref<10000x128xf32, #tpu.memory_space<hbm>>) target(%arg18 : memref<128x128xf32, #tpu.memory_space<vmem>>) offsets(%dma_start3A_64 : memref<128xi32, #tpu.memory_space<vmem>>) semaphore(%arg19 : memref<!tpu.dma_semaphore, #tpu.memory_space<semaphore_mem>>)
        %dma_wait3A = arith.constant 0 : i32
        %dma_wait3A_68 = tpu.memref_slice %arg16[%scan3A_62, %dma_wait3A] : memref<80x128xi32, #tpu.memory_space<vmem>> -> memref<1x128xi32, #tpu.memory_space<vmem>>
        %dma_wait3A_69 = tpu.memref_squeeze %dma_wait3A_68 : memref<1x128xi32, #tpu.memory_space<vmem>> -> memref<128xi32, #tpu.memory_space<vmem>>
        %dma_wait3A_70 = arith.constant 0 : i32
        %dma_wait3A_71 = arith.constant 0 : i32
        %dma_wait3A_72 = tpu.memref_slice %arg5[%dma_wait3A_70, %dma_wait3A_71] : memref<10000x128xf32, #tpu.memory_space<hbm>> -> memref<10000x128xf32, #tpu.memory_space<hbm>>
        tpu.wait_indirect_dma semaphore(%arg19 : memref<!tpu.dma_semaphore, #tpu.memory_space<semaphore_mem>>) src(%dma_wait3A_72 : memref<10000x128xf32, #tpu.memory_space<hbm>>) dst(%arg18 : memref<128x128xf32, #tpu.memory_space<vmem>>)
        "tpu.region"() ({
          %run_scoped3A_73 = tpu.sem_alloc : memref<!tpu.dma_semaphore, #tpu.memory_space<semaphore_mem>>
          %dma_start3A_74 = arith.constant 0 : i32
          %dma_start3A_75 = tpu.memref_slice %arg17[%scan3A_62, %dma_start3A_74] : memref<80x128xi32, #tpu.memory_space<vmem>> -> memref<1x128xi32, #tpu.memory_space<vmem>>
          %dma_start3A_76 = tpu.memref_squeeze %dma_start3A_75 : memref<1x128xi32, #tpu.memory_space<vmem>> -> memref<128xi32, #tpu.memory_space<vmem>>
          %dma_start3A_77 = arith.constant 0 : i32
          %dma_start3A_78 = arith.constant 0 : i32
          %dma_start3A_79 = tpu.memref_slice %arg15[%dma_start3A_77, %dma_start3A_78] : memref<10240x128xf32, #tpu.memory_space<vmem_shared>> -> memref<10240x128xf32, #tpu.memory_space<vmem_shared>>
          tpu.enqueue_indirect_dma source(%arg18 : memref<128x128xf32, #tpu.memory_space<vmem>>) target(%dma_start3A_79 : memref<10240x128xf32, #tpu.memory_space<vmem_shared>>) offsets(%dma_start3A_76 : memref<128xi32, #tpu.memory_space<vmem>>) semaphore(%run_scoped3A_73 : memref<!tpu.dma_semaphore, #tpu.memory_space<semaphore_mem>>) {add = true}
          %dma_wait3A_80 = arith.constant 0 : i32
          %dma_wait3A_81 = tpu.memref_slice %arg17[%scan3A_62, %dma_wait3A_80] : memref<80x128xi32, #tpu.memory_space<vmem>> -> memref<1x128xi32, #tpu.memory_space<vmem>>
          %dma_wait3A_82 = tpu.memref_squeeze %dma_wait3A_81 : memref<1x128xi32, #tpu.memory_space<vmem>> -> memref<128xi32, #tpu.memory_space<vmem>>
          %dma_wait3A_83 = arith.constant 0 : i32
          %dma_wait3A_84 = arith.constant 0 : i32
          %dma_wait3A_85 = tpu.memref_slice %arg15[%dma_wait3A_83, %dma_wait3A_84] : memref<10240x128xf32, #tpu.memory_space<vmem_shared>> -> memref<10240x128xf32, #tpu.memory_space<vmem_shared>>
          tpu.wait_indirect_dma semaphore(%run_scoped3A_73 : memref<!tpu.dma_semaphore, #tpu.memory_space<semaphore_mem>>) src(%arg18 : memref<128x128xf32, #tpu.memory_space<vmem>>) dst(%dma_wait3A_85 : memref<10240x128xf32, #tpu.memory_space<vmem_shared>>)
          tpu.yield
        }) : () -> ()
      }
      %scan3A_50 = arith.constant 80 : i32
      %mul3A_51 = arith.constant 160 : i32
      %mul3A_52 = arith.muli %arg1, %mul3A_51 : i32
      %add3A_53 = arith.constant 80 : i32
      %add3A_54 = arith.addi %mul3A_52, %add3A_53 : i32
      "tpu.region"() ({
        %run_scoped3A_62 = tpu.sem_alloc : memref<!tpu.dma_semaphore, #tpu.memory_space<semaphore_mem>>
        %dma_start3A = arith.constant 0 : i32
        %dma_start3A_63 = tpu.memref_slice %arg2[%add3A_54, %dma_start3A] : memref<2560x128xi32, #tpu.memory_space<hbm>> -> memref<80x128xi32, #tpu.memory_space<hbm>>
        %dma_start3A_64 = arith.constant 0 : i32
        %dma_start3A_65 = tpu.memref_slice %arg2[%add3A_54, %dma_start3A_64] : memref<2560x128xi32, #tpu.memory_space<hbm>> -> memref<80x128xi32, #tpu.memory_space<hbm>>
        tpu.enqueue_dma source(%dma_start3A_65 : memref<80x128xi32, #tpu.memory_space<hbm>>) target(%arg16 : memref<80x128xi32, #tpu.memory_space<vmem>>) target_semaphore(%run_scoped3A_62 : memref<!tpu.dma_semaphore, #tpu.memory_space<semaphore_mem>>)
        %dma_wait3A = arith.constant 0 : i32
        %dma_wait3A_66 = tpu.memref_slice %arg2[%add3A_54, %dma_wait3A] : memref<2560x128xi32, #tpu.memory_space<hbm>> -> memref<80x128xi32, #tpu.memory_space<hbm>>
        %dma_wait3A_67 = arith.constant 0 : i32
        %dma_wait3A_68 = tpu.memref_slice %arg2[%add3A_54, %dma_wait3A_67] : memref<2560x128xi32, #tpu.memory_space<hbm>> -> memref<80x128xi32, #tpu.memory_space<hbm>>
        tpu.wait_dma2 semaphore(%run_scoped3A_62 : memref<!tpu.dma_semaphore, #tpu.memory_space<semaphore_mem>>) src(%dma_wait3A_68 : memref<80x128xi32, #tpu.memory_space<hbm>>) dst(%arg16 : memref<80x128xi32, #tpu.memory_space<vmem>>)
        tpu.yield
      }) : () -> ()
      "tpu.region"() ({
        %run_scoped3A_62 = tpu.sem_alloc : memref<!tpu.dma_semaphore, #tpu.memory_space<semaphore_mem>>
        %dma_start3A = arith.constant 0 : i32
        %dma_start3A_63 = tpu.memref_slice %arg3[%add3A_54, %dma_start3A] : memref<2560x128xi32, #tpu.memory_space<hbm>> -> memref<80x128xi32, #tpu.memory_space<hbm>>
        %dma_start3A_64 = arith.constant 0 : i32
        %dma_start3A_65 = tpu.memref_slice %arg3[%add3A_54, %dma_start3A_64] : memref<2560x128xi32, #tpu.memory_space<hbm>> -> memref<80x128xi32, #tpu.memory_space<hbm>>
        tpu.enqueue_dma source(%dma_start3A_65 : memref<80x128xi32, #tpu.memory_space<hbm>>) target(%arg17 : memref<80x128xi32, #tpu.memory_space<vmem>>) target_semaphore(%run_scoped3A_62 : memref<!tpu.dma_semaphore, #tpu.memory_space<semaphore_mem>>)
        %dma_wait3A = arith.constant 0 : i32
        %dma_wait3A_66 = tpu.memref_slice %arg3[%add3A_54, %dma_wait3A] : memref<2560x128xi32, #tpu.memory_space<hbm>> -> memref<80x128xi32, #tpu.memory_space<hbm>>
        %dma_wait3A_67 = arith.constant 0 : i32
        %dma_wait3A_68 = tpu.memref_slice %arg3[%add3A_54, %dma_wait3A_67] : memref<2560x128xi32, #tpu.memory_space<hbm>> -> memref<80x128xi32, #tpu.memory_space<hbm>>
        tpu.wait_dma2 semaphore(%run_scoped3A_62 : memref<!tpu.dma_semaphore, #tpu.memory_space<semaphore_mem>>) src(%dma_wait3A_68 : memref<80x128xi32, #tpu.memory_space<hbm>>) dst(%arg17 : memref<80x128xi32, #tpu.memory_space<vmem>>)
        tpu.yield
      }) : () -> ()
      %scan3A_55 = arith.constant 0 : i32
      %scan3A_56 = arith.constant 0 : i32
      %scan3A_57 = arith.constant 80 : i32
      %scan3A_58 = arith.addi %scan3A_56, %scan3A_57 : i32
      %scan3A_59 = arith.constant 1 : i32
      scf.for %scan3A_62 = %scan3A_56 to %scan3A_58 step %scan3A_59  : i32 {
        %dma_start3A = arith.constant 0 : i32
        %dma_start3A_63 = tpu.memref_slice %arg16[%scan3A_62, %dma_start3A] : memref<80x128xi32, #tpu.memory_space<vmem>> -> memref<1x128xi32, #tpu.memory_space<vmem>>
        %dma_start3A_64 = tpu.memref_squeeze %dma_start3A_63 : memref<1x128xi32, #tpu.memory_space<vmem>> -> memref<128xi32, #tpu.memory_space<vmem>>
        %dma_start3A_65 = arith.constant 0 : i32
        %dma_start3A_66 = arith.constant 0 : i32
        %dma_start3A_67 = tpu.memref_slice %arg5[%dma_start3A_65, %dma_start3A_66] : memref<10000x128xf32, #tpu.memory_space<hbm>> -> memref<10000x128xf32, #tpu.memory_space<hbm>>
        tpu.enqueue_indirect_dma source(%dma_start3A_67 : memref<10000x128xf32, #tpu.memory_space<hbm>>) target(%arg18 : memref<128x128xf32, #tpu.memory_space<vmem>>) offsets(%dma_start3A_64 : memref<128xi32, #tpu.memory_space<vmem>>) semaphore(%arg19 : memref<!tpu.dma_semaphore, #tpu.memory_space<semaphore_mem>>)
        %dma_wait3A = arith.constant 0 : i32
        %dma_wait3A_68 = tpu.memref_slice %arg16[%scan3A_62, %dma_wait3A] : memref<80x128xi32, #tpu.memory_space<vmem>> -> memref<1x128xi32, #tpu.memory_space<vmem>>
        %dma_wait3A_69 = tpu.memref_squeeze %dma_wait3A_68 : memref<1x128xi32, #tpu.memory_space<vmem>> -> memref<128xi32, #tpu.memory_space<vmem>>
        %dma_wait3A_70 = arith.constant 0 : i32
        %dma_wait3A_71 = arith.constant 0 : i32
        %dma_wait3A_72 = tpu.memref_slice %arg5[%dma_wait3A_70, %dma_wait3A_71] : memref<10000x128xf32, #tpu.memory_space<hbm>> -> memref<10000x128xf32, #tpu.memory_space<hbm>>
        tpu.wait_indirect_dma semaphore(%arg19 : memref<!tpu.dma_semaphore, #tpu.memory_space<semaphore_mem>>) src(%dma_wait3A_72 : memref<10000x128xf32, #tpu.memory_space<hbm>>) dst(%arg18 : memref<128x128xf32, #tpu.memory_space<vmem>>)
        "tpu.region"() ({
          %run_scoped3A_73 = tpu.sem_alloc : memref<!tpu.dma_semaphore, #tpu.memory_space<semaphore_mem>>
          %dma_start3A_74 = arith.constant 0 : i32
          %dma_start3A_75 = tpu.memref_slice %arg17[%scan3A_62, %dma_start3A_74] : memref<80x128xi32, #tpu.memory_space<vmem>> -> memref<1x128xi32, #tpu.memory_space<vmem>>
          %dma_start3A_76 = tpu.memref_squeeze %dma_start3A_75 : memref<1x128xi32, #tpu.memory_space<vmem>> -> memref<128xi32, #tpu.memory_space<vmem>>
          %dma_start3A_77 = arith.constant 0 : i32
          %dma_start3A_78 = arith.constant 0 : i32
          %dma_start3A_79 = tpu.memref_slice %arg15[%dma_start3A_77, %dma_start3A_78] : memref<10240x128xf32, #tpu.memory_space<vmem_shared>> -> memref<10240x128xf32, #tpu.memory_space<vmem_shared>>
          tpu.enqueue_indirect_dma source(%arg18 : memref<128x128xf32, #tpu.memory_space<vmem>>) target(%dma_start3A_79 : memref<10240x128xf32, #tpu.memory_space<vmem_shared>>) offsets(%dma_start3A_76 : memref<128xi32, #tpu.memory_space<vmem>>) semaphore(%run_scoped3A_73 : memref<!tpu.dma_semaphore, #tpu.memory_space<semaphore_mem>>) {add = true}
          %dma_wait3A_80 = arith.constant 0 : i32
          %dma_wait3A_81 = tpu.memref_slice %arg17[%scan3A_62, %dma_wait3A_80] : memref<80x128xi32, #tpu.memory_space<vmem>> -> memref<1x128xi32, #tpu.memory_space<vmem>>
          %dma_wait3A_82 = tpu.memref_squeeze %dma_wait3A_81 : memref<1x128xi32, #tpu.memory_space<vmem>> -> memref<128xi32, #tpu.memory_space<vmem>>
          %dma_wait3A_83 = arith.constant 0 : i32
          %dma_wait3A_84 = arith.constant 0 : i32
          %dma_wait3A_85 = tpu.memref_slice %arg15[%dma_wait3A_83, %dma_wait3A_84] : memref<10240x128xf32, #tpu.memory_space<vmem_shared>> -> memref<10240x128xf32, #tpu.memory_space<vmem_shared>>
          tpu.wait_indirect_dma semaphore(%run_scoped3A_73 : memref<!tpu.dma_semaphore, #tpu.memory_space<semaphore_mem>>) src(%arg18 : memref<128x128xf32, #tpu.memory_space<vmem>>) dst(%dma_wait3A_85 : memref<10240x128xf32, #tpu.memory_space<vmem_shared>>)
          tpu.yield
        }) : () -> ()
      }
      %scan3A_60 = arith.constant 80 : i32
      %barrier3A_61 = arith.constant 0 : index
      tpu.barrier barrier_id(%barrier3A_61)
      %run_scoped3A = arith.constant 1 : i32
      "tpu.region"() ({
        %run_scoped3A_62 = tpu.sem_alloc : memref<!tpu.dma_semaphore, #tpu.memory_space<semaphore_mem>>
        %dma_start3A = arith.constant 0 : i32
        %dma_start3A_63 = tpu.memref_slice %arg14[%run_scoped3A, %mul3A_0, %dma_start3A] : memref<9x10240x128xf32, #tpu.memory_space<hbm>> -> memref<1x640x128xf32, #tpu.memory_space<hbm>>
        %dma_start3A_64 = tpu.memref_squeeze %dma_start3A_63 : memref<1x640x128xf32, #tpu.memory_space<hbm>> -> memref<640x128xf32, #tpu.memory_space<hbm>>
        %dma_start3A_65 = arith.constant 0 : i32
        %dma_start3A_66 = tpu.memref_slice %arg15[%mul3A_0, %dma_start3A_65] : memref<10240x128xf32, #tpu.memory_space<vmem_shared>> -> memref<640x128xf32, #tpu.memory_space<vmem_shared>>
        tpu.enqueue_dma source(%dma_start3A_66 : memref<640x128xf32, #tpu.memory_space<vmem_shared>>) target(%dma_start3A_64 : memref<640x128xf32, #tpu.memory_space<hbm>>) target_semaphore(%run_scoped3A_62 : memref<!tpu.dma_semaphore, #tpu.memory_space<semaphore_mem>>)
        %dma_wait3A = arith.constant 0 : i32
        %dma_wait3A_67 = tpu.memref_slice %arg14[%run_scoped3A, %mul3A_0, %dma_wait3A] : memref<9x10240x128xf32, #tpu.memory_space<hbm>> -> memref<1x640x128xf32, #tpu.memory_space<hbm>>
        %dma_wait3A_68 = tpu.memref_squeeze %dma_wait3A_67 : memref<1x640x128xf32, #tpu.memory_space<hbm>> -> memref<640x128xf32, #tpu.memory_space<hbm>>
        %dma_wait3A_69 = arith.constant 0 : i32
        %dma_wait3A_70 = tpu.memref_slice %arg15[%mul3A_0, %dma_wait3A_69] : memref<10240x128xf32, #tpu.memory_space<vmem_shared>> -> memref<640x128xf32, #tpu.memory_space<vmem_shared>>
        tpu.wait_dma2 semaphore(%run_scoped3A_62 : memref<!tpu.dma_semaphore, #tpu.memory_space<semaphore_mem>>) src(%dma_wait3A_70 : memref<640x128xf32, #tpu.memory_space<vmem_shared>>) dst(%dma_wait3A_68 : memref<640x128xf32, #tpu.memory_space<hbm>>)
        tpu.yield
      }) : () -> ()
    } else {
    }
    %eq3A_8 = arith.constant 0 : i32
    %eq3A_9 = arith.cmpi eq, %arg0, %eq3A_8 : i32
    %convert_element_type3A_10 = arith.extui %eq3A_9 : i1 to i32
    %cond3A_11 = arith.constant 0 : i32
    %cond3A_12 = arith.cmpi ne, %convert_element_type3A_10, %cond3A_11 : i32
    scf.if %cond3A_12 {
      "tpu.region"() ({
        %run_scoped3A_62 = tpu.sem_alloc : memref<!tpu.dma_semaphore, #tpu.memory_space<semaphore_mem>>
        %dma_start3A = arith.constant 0 : i32
        %dma_start3A_63 = tpu.memref_slice %arg15[%mul3A_0, %dma_start3A] : memref<10240x128xf32, #tpu.memory_space<vmem_shared>> -> memref<640x128xf32, #tpu.memory_space<vmem_shared>>
        %dma_start3A_64 = arith.constant 0 : i32
        %dma_start3A_65 = tpu.memref_slice %arg13[%mul3A_0, %dma_start3A_64] : memref<10240x128xf32, #tpu.memory_space<hbm>> -> memref<640x128xf32, #tpu.memory_space<hbm>>
        tpu.enqueue_dma source(%dma_start3A_65 : memref<640x128xf32, #tpu.memory_space<hbm>>) target(%dma_start3A_63 : memref<640x128xf32, #tpu.memory_space<vmem_shared>>) target_semaphore(%run_scoped3A_62 : memref<!tpu.dma_semaphore, #tpu.memory_space<semaphore_mem>>)
        %dma_wait3A = arith.constant 0 : i32
        %dma_wait3A_66 = tpu.memref_slice %arg15[%mul3A_0, %dma_wait3A] : memref<10240x128xf32, #tpu.memory_space<vmem_shared>> -> memref<640x128xf32, #tpu.memory_space<vmem_shared>>
        %dma_wait3A_67 = arith.constant 0 : i32
        %dma_wait3A_68 = tpu.memref_slice %arg13[%mul3A_0, %dma_wait3A_67] : memref<10240x128xf32, #tpu.memory_space<hbm>> -> memref<640x128xf32, #tpu.memory_space<hbm>>
        tpu.wait_dma2 semaphore(%run_scoped3A_62 : memref<!tpu.dma_semaphore, #tpu.memory_space<semaphore_mem>>) src(%dma_wait3A_68 : memref<640x128xf32, #tpu.memory_space<hbm>>) dst(%dma_wait3A_66 : memref<640x128xf32, #tpu.memory_space<vmem_shared>>)
        tpu.yield
      }) : () -> ()
      %barrier3A = arith.constant 0 : index
      tpu.barrier barrier_id(%barrier3A)
      %mul3A_43 = arith.constant 160 : i32
      %mul3A_44 = arith.muli %arg1, %mul3A_43 : i32
      %add3A = arith.constant 0 : i32
      %add3A_45 = arith.addi %mul3A_44, %add3A : i32
      "tpu.region"() ({
        %run_scoped3A_62 = tpu.sem_alloc : memref<!tpu.dma_semaphore, #tpu.memory_space<semaphore_mem>>
        %dma_start3A = arith.constant 0 : i32
        %dma_start3A_63 = tpu.memref_slice %arg2[%add3A_45, %dma_start3A] : memref<2560x128xi32, #tpu.memory_space<hbm>> -> memref<80x128xi32, #tpu.memory_space<hbm>>
        %dma_start3A_64 = arith.constant 0 : i32
        %dma_start3A_65 = tpu.memref_slice %arg2[%add3A_45, %dma_start3A_64] : memref<2560x128xi32, #tpu.memory_space<hbm>> -> memref<80x128xi32, #tpu.memory_space<hbm>>
        tpu.enqueue_dma source(%dma_start3A_65 : memref<80x128xi32, #tpu.memory_space<hbm>>) target(%arg16 : memref<80x128xi32, #tpu.memory_space<vmem>>) target_semaphore(%run_scoped3A_62 : memref<!tpu.dma_semaphore, #tpu.memory_space<semaphore_mem>>)
        %dma_wait3A = arith.constant 0 : i32
        %dma_wait3A_66 = tpu.memref_slice %arg2[%add3A_45, %dma_wait3A] : memref<2560x128xi32, #tpu.memory_space<hbm>> -> memref<80x128xi32, #tpu.memory_space<hbm>>
        %dma_wait3A_67 = arith.constant 0 : i32
        %dma_wait3A_68 = tpu.memref_slice %arg2[%add3A_45, %dma_wait3A_67] : memref<2560x128xi32, #tpu.memory_space<hbm>> -> memref<80x128xi32, #tpu.memory_space<hbm>>
        tpu.wait_dma2 semaphore(%run_scoped3A_62 : memref<!tpu.dma_semaphore, #tpu.memory_space<semaphore_mem>>) src(%dma_wait3A_68 : memref<80x128xi32, #tpu.memory_space<hbm>>) dst(%arg16 : memref<80x128xi32, #tpu.memory_space<vmem>>)
        tpu.yield
      }) : () -> ()
      "tpu.region"() ({
        %run_scoped3A_62 = tpu.sem_alloc : memref<!tpu.dma_semaphore, #tpu.memory_space<semaphore_mem>>
        %dma_start3A = arith.constant 0 : i32
        %dma_start3A_63 = tpu.memref_slice %arg3[%add3A_45, %dma_start3A] : memref<2560x128xi32, #tpu.memory_space<hbm>> -> memref<80x128xi32, #tpu.memory_space<hbm>>
        %dma_start3A_64 = arith.constant 0 : i32
        %dma_start3A_65 = tpu.memref_slice %arg3[%add3A_45, %dma_start3A_64] : memref<2560x128xi32, #tpu.memory_space<hbm>> -> memref<80x128xi32, #tpu.memory_space<hbm>>
        tpu.enqueue_dma source(%dma_start3A_65 : memref<80x128xi32, #tpu.memory_space<hbm>>) target(%arg17 : memref<80x128xi32, #tpu.memory_space<vmem>>) target_semaphore(%run_scoped3A_62 : memref<!tpu.dma_semaphore, #tpu.memory_space<semaphore_mem>>)
        %dma_wait3A = arith.constant 0 : i32
        %dma_wait3A_66 = tpu.memref_slice %arg3[%add3A_45, %dma_wait3A] : memref<2560x128xi32, #tpu.memory_space<hbm>> -> memref<80x128xi32, #tpu.memory_space<hbm>>
        %dma_wait3A_67 = arith.constant 0 : i32
        %dma_wait3A_68 = tpu.memref_slice %arg3[%add3A_45, %dma_wait3A_67] : memref<2560x128xi32, #tpu.memory_space<hbm>> -> memref<80x128xi32, #tpu.memory_space<hbm>>
        tpu.wait_dma2 semaphore(%run_scoped3A_62 : memref<!tpu.dma_semaphore, #tpu.memory_space<semaphore_mem>>) src(%dma_wait3A_68 : memref<80x128xi32, #tpu.memory_space<hbm>>) dst(%arg17 : memref<80x128xi32, #tpu.memory_space<vmem>>)
        tpu.yield
      }) : () -> ()
      %scan3A = arith.constant 0 : i32
      %scan3A_46 = arith.constant 0 : i32
      %scan3A_47 = arith.constant 80 : i32
      %scan3A_48 = arith.addi %scan3A_46, %scan3A_47 : i32
      %scan3A_49 = arith.constant 1 : i32
      scf.for %scan3A_62 = %scan3A_46 to %scan3A_48 step %scan3A_49  : i32 {
        %dma_start3A = arith.constant 0 : i32
        %dma_start3A_63 = tpu.memref_slice %arg16[%scan3A_62, %dma_start3A] : memref<80x128xi32, #tpu.memory_space<vmem>> -> memref<1x128xi32, #tpu.memory_space<vmem>>
        %dma_start3A_64 = tpu.memref_squeeze %dma_start3A_63 : memref<1x128xi32, #tpu.memory_space<vmem>> -> memref<128xi32, #tpu.memory_space<vmem>>
        %dma_start3A_65 = arith.constant 0 : i32
        %dma_start3A_66 = arith.constant 0 : i32
        %dma_start3A_67 = tpu.memref_slice %arg6[%dma_start3A_65, %dma_start3A_66] : memref<10000x128xf32, #tpu.memory_space<hbm>> -> memref<10000x128xf32, #tpu.memory_space<hbm>>
        tpu.enqueue_indirect_dma source(%dma_start3A_67 : memref<10000x128xf32, #tpu.memory_space<hbm>>) target(%arg18 : memref<128x128xf32, #tpu.memory_space<vmem>>) offsets(%dma_start3A_64 : memref<128xi32, #tpu.memory_space<vmem>>) semaphore(%arg19 : memref<!tpu.dma_semaphore, #tpu.memory_space<semaphore_mem>>)
        %dma_wait3A = arith.constant 0 : i32
        %dma_wait3A_68 = tpu.memref_slice %arg16[%scan3A_62, %dma_wait3A] : memref<80x128xi32, #tpu.memory_space<vmem>> -> memref<1x128xi32, #tpu.memory_space<vmem>>
        %dma_wait3A_69 = tpu.memref_squeeze %dma_wait3A_68 : memref<1x128xi32, #tpu.memory_space<vmem>> -> memref<128xi32, #tpu.memory_space<vmem>>
        %dma_wait3A_70 = arith.constant 0 : i32
        %dma_wait3A_71 = arith.constant 0 : i32
        %dma_wait3A_72 = tpu.memref_slice %arg6[%dma_wait3A_70, %dma_wait3A_71] : memref<10000x128xf32, #tpu.memory_space<hbm>> -> memref<10000x128xf32, #tpu.memory_space<hbm>>
        tpu.wait_indirect_dma semaphore(%arg19 : memref<!tpu.dma_semaphore, #tpu.memory_space<semaphore_mem>>) src(%dma_wait3A_72 : memref<10000x128xf32, #tpu.memory_space<hbm>>) dst(%arg18 : memref<128x128xf32, #tpu.memory_space<vmem>>)
        "tpu.region"() ({
          %run_scoped3A_73 = tpu.sem_alloc : memref<!tpu.dma_semaphore, #tpu.memory_space<semaphore_mem>>
          %dma_start3A_74 = arith.constant 0 : i32
          %dma_start3A_75 = tpu.memref_slice %arg17[%scan3A_62, %dma_start3A_74] : memref<80x128xi32, #tpu.memory_space<vmem>> -> memref<1x128xi32, #tpu.memory_space<vmem>>
          %dma_start3A_76 = tpu.memref_squeeze %dma_start3A_75 : memref<1x128xi32, #tpu.memory_space<vmem>> -> memref<128xi32, #tpu.memory_space<vmem>>
          %dma_start3A_77 = arith.constant 0 : i32
          %dma_start3A_78 = arith.constant 0 : i32
          %dma_start3A_79 = tpu.memref_slice %arg15[%dma_start3A_77, %dma_start3A_78] : memref<10240x128xf32, #tpu.memory_space<vmem_shared>> -> memref<10240x128xf32, #tpu.memory_space<vmem_shared>>
          tpu.enqueue_indirect_dma source(%arg18 : memref<128x128xf32, #tpu.memory_space<vmem>>) target(%dma_start3A_79 : memref<10240x128xf32, #tpu.memory_space<vmem_shared>>) offsets(%dma_start3A_76 : memref<128xi32, #tpu.memory_space<vmem>>) semaphore(%run_scoped3A_73 : memref<!tpu.dma_semaphore, #tpu.memory_space<semaphore_mem>>) {add = true}
          %dma_wait3A_80 = arith.constant 0 : i32
          %dma_wait3A_81 = tpu.memref_slice %arg17[%scan3A_62, %dma_wait3A_80] : memref<80x128xi32, #tpu.memory_space<vmem>> -> memref<1x128xi32, #tpu.memory_space<vmem>>
          %dma_wait3A_82 = tpu.memref_squeeze %dma_wait3A_81 : memref<1x128xi32, #tpu.memory_space<vmem>> -> memref<128xi32, #tpu.memory_space<vmem>>
          %dma_wait3A_83 = arith.constant 0 : i32
          %dma_wait3A_84 = arith.constant 0 : i32
          %dma_wait3A_85 = tpu.memref_slice %arg15[%dma_wait3A_83, %dma_wait3A_84] : memref<10240x128xf32, #tpu.memory_space<vmem_shared>> -> memref<10240x128xf32, #tpu.memory_space<vmem_shared>>
          tpu.wait_indirect_dma semaphore(%run_scoped3A_73 : memref<!tpu.dma_semaphore, #tpu.memory_space<semaphore_mem>>) src(%arg18 : memref<128x128xf32, #tpu.memory_space<vmem>>) dst(%dma_wait3A_85 : memref<10240x128xf32, #tpu.memory_space<vmem_shared>>)
          tpu.yield
        }) : () -> ()
      }
      %scan3A_50 = arith.constant 80 : i32
      %mul3A_51 = arith.constant 160 : i32
      %mul3A_52 = arith.muli %arg1, %mul3A_51 : i32
      %add3A_53 = arith.constant 80 : i32
      %add3A_54 = arith.addi %mul3A_52, %add3A_53 : i32
      "tpu.region"() ({
        %run_scoped3A_62 = tpu.sem_alloc : memref<!tpu.dma_semaphore, #tpu.memory_space<semaphore_mem>>
        %dma_start3A = arith.constant 0 : i32
        %dma_start3A_63 = tpu.memref_slice %arg2[%add3A_54, %dma_start3A] : memref<2560x128xi32, #tpu.memory_space<hbm>> -> memref<80x128xi32, #tpu.memory_space<hbm>>
        %dma_start3A_64 = arith.constant 0 : i32
        %dma_start3A_65 = tpu.memref_slice %arg2[%add3A_54, %dma_start3A_64] : memref<2560x128xi32, #tpu.memory_space<hbm>> -> memref<80x128xi32, #tpu.memory_space<hbm>>
        tpu.enqueue_dma source(%dma_start3A_65 : memref<80x128xi32, #tpu.memory_space<hbm>>) target(%arg16 : memref<80x128xi32, #tpu.memory_space<vmem>>) target_semaphore(%run_scoped3A_62 : memref<!tpu.dma_semaphore, #tpu.memory_space<semaphore_mem>>)
        %dma_wait3A = arith.constant 0 : i32
        %dma_wait3A_66 = tpu.memref_slice %arg2[%add3A_54, %dma_wait3A] : memref<2560x128xi32, #tpu.memory_space<hbm>> -> memref<80x128xi32, #tpu.memory_space<hbm>>
        %dma_wait3A_67 = arith.constant 0 : i32
        %dma_wait3A_68 = tpu.memref_slice %arg2[%add3A_54, %dma_wait3A_67] : memref<2560x128xi32, #tpu.memory_space<hbm>> -> memref<80x128xi32, #tpu.memory_space<hbm>>
        tpu.wait_dma2 semaphore(%run_scoped3A_62 : memref<!tpu.dma_semaphore, #tpu.memory_space<semaphore_mem>>) src(%dma_wait3A_68 : memref<80x128xi32, #tpu.memory_space<hbm>>) dst(%arg16 : memref<80x128xi32, #tpu.memory_space<vmem>>)
        tpu.yield
      }) : () -> ()
      "tpu.region"() ({
        %run_scoped3A_62 = tpu.sem_alloc : memref<!tpu.dma_semaphore, #tpu.memory_space<semaphore_mem>>
        %dma_start3A = arith.constant 0 : i32
        %dma_start3A_63 = tpu.memref_slice %arg3[%add3A_54, %dma_start3A] : memref<2560x128xi32, #tpu.memory_space<hbm>> -> memref<80x128xi32, #tpu.memory_space<hbm>>
        %dma_start3A_64 = arith.constant 0 : i32
        %dma_start3A_65 = tpu.memref_slice %arg3[%add3A_54, %dma_start3A_64] : memref<2560x128xi32, #tpu.memory_space<hbm>> -> memref<80x128xi32, #tpu.memory_space<hbm>>
        tpu.enqueue_dma source(%dma_start3A_65 : memref<80x128xi32, #tpu.memory_space<hbm>>) target(%arg17 : memref<80x128xi32, #tpu.memory_space<vmem>>) target_semaphore(%run_scoped3A_62 : memref<!tpu.dma_semaphore, #tpu.memory_space<semaphore_mem>>)
        %dma_wait3A = arith.constant 0 : i32
        %dma_wait3A_66 = tpu.memref_slice %arg3[%add3A_54, %dma_wait3A] : memref<2560x128xi32, #tpu.memory_space<hbm>> -> memref<80x128xi32, #tpu.memory_space<hbm>>
        %dma_wait3A_67 = arith.constant 0 : i32
        %dma_wait3A_68 = tpu.memref_slice %arg3[%add3A_54, %dma_wait3A_67] : memref<2560x128xi32, #tpu.memory_space<hbm>> -> memref<80x128xi32, #tpu.memory_space<hbm>>
        tpu.wait_dma2 semaphore(%run_scoped3A_62 : memref<!tpu.dma_semaphore, #tpu.memory_space<semaphore_mem>>) src(%dma_wait3A_68 : memref<80x128xi32, #tpu.memory_space<hbm>>) dst(%arg17 : memref<80x128xi32, #tpu.memory_space<vmem>>)
        tpu.yield
      }) : () -> ()
      %scan3A_55 = arith.constant 0 : i32
      %scan3A_56 = arith.constant 0 : i32
      %scan3A_57 = arith.constant 80 : i32
      %scan3A_58 = arith.addi %scan3A_56, %scan3A_57 : i32
      %scan3A_59 = arith.constant 1 : i32
      scf.for %scan3A_62 = %scan3A_56 to %scan3A_58 step %scan3A_59  : i32 {
        %dma_start3A = arith.constant 0 : i32
        %dma_start3A_63 = tpu.memref_slice %arg16[%scan3A_62, %dma_start3A] : memref<80x128xi32, #tpu.memory_space<vmem>> -> memref<1x128xi32, #tpu.memory_space<vmem>>
        %dma_start3A_64 = tpu.memref_squeeze %dma_start3A_63 : memref<1x128xi32, #tpu.memory_space<vmem>> -> memref<128xi32, #tpu.memory_space<vmem>>
        %dma_start3A_65 = arith.constant 0 : i32
        %dma_start3A_66 = arith.constant 0 : i32
        %dma_start3A_67 = tpu.memref_slice %arg6[%dma_start3A_65, %dma_start3A_66] : memref<10000x128xf32, #tpu.memory_space<hbm>> -> memref<10000x128xf32, #tpu.memory_space<hbm>>
        tpu.enqueue_indirect_dma source(%dma_start3A_67 : memref<10000x128xf32, #tpu.memory_space<hbm>>) target(%arg18 : memref<128x128xf32, #tpu.memory_space<vmem>>) offsets(%dma_start3A_64 : memref<128xi32, #tpu.memory_space<vmem>>) semaphore(%arg19 : memref<!tpu.dma_semaphore, #tpu.memory_space<semaphore_mem>>)
        %dma_wait3A = arith.constant 0 : i32
        %dma_wait3A_68 = tpu.memref_slice %arg16[%scan3A_62, %dma_wait3A] : memref<80x128xi32, #tpu.memory_space<vmem>> -> memref<1x128xi32, #tpu.memory_space<vmem>>
        %dma_wait3A_69 = tpu.memref_squeeze %dma_wait3A_68 : memref<1x128xi32, #tpu.memory_space<vmem>> -> memref<128xi32, #tpu.memory_space<vmem>>
        %dma_wait3A_70 = arith.constant 0 : i32
        %dma_wait3A_71 = arith.constant 0 : i32
        %dma_wait3A_72 = tpu.memref_slice %arg6[%dma_wait3A_70, %dma_wait3A_71] : memref<10000x128xf32, #tpu.memory_space<hbm>> -> memref<10000x128xf32, #tpu.memory_space<hbm>>
        tpu.wait_indirect_dma semaphore(%arg19 : memref<!tpu.dma_semaphore, #tpu.memory_space<semaphore_mem>>) src(%dma_wait3A_72 : memref<10000x128xf32, #tpu.memory_space<hbm>>) dst(%arg18 : memref<128x128xf32, #tpu.memory_space<vmem>>)
        "tpu.region"() ({
          %run_scoped3A_73 = tpu.sem_alloc : memref<!tpu.dma_semaphore, #tpu.memory_space<semaphore_mem>>
          %dma_start3A_74 = arith.constant 0 : i32
          %dma_start3A_75 = tpu.memref_slice %arg17[%scan3A_62, %dma_start3A_74] : memref<80x128xi32, #tpu.memory_space<vmem>> -> memref<1x128xi32, #tpu.memory_space<vmem>>
          %dma_start3A_76 = tpu.memref_squeeze %dma_start3A_75 : memref<1x128xi32, #tpu.memory_space<vmem>> -> memref<128xi32, #tpu.memory_space<vmem>>
          %dma_start3A_77 = arith.constant 0 : i32
          %dma_start3A_78 = arith.constant 0 : i32
          %dma_start3A_79 = tpu.memref_slice %arg15[%dma_start3A_77, %dma_start3A_78] : memref<10240x128xf32, #tpu.memory_space<vmem_shared>> -> memref<10240x128xf32, #tpu.memory_space<vmem_shared>>
          tpu.enqueue_indirect_dma source(%arg18 : memref<128x128xf32, #tpu.memory_space<vmem>>) target(%dma_start3A_79 : memref<10240x128xf32, #tpu.memory_space<vmem_shared>>) offsets(%dma_start3A_76 : memref<128xi32, #tpu.memory_space<vmem>>) semaphore(%run_scoped3A_73 : memref<!tpu.dma_semaphore, #tpu.memory_space<semaphore_mem>>) {add = true}
          %dma_wait3A_80 = arith.constant 0 : i32
          %dma_wait3A_81 = tpu.memref_slice %arg17[%scan3A_62, %dma_wait3A_80] : memref<80x128xi32, #tpu.memory_space<vmem>> -> memref<1x128xi32, #tpu.memory_space<vmem>>
          %dma_wait3A_82 = tpu.memref_squeeze %dma_wait3A_81 : memref<1x128xi32, #tpu.memory_space<vmem>> -> memref<128xi32, #tpu.memory_space<vmem>>
          %dma_wait3A_83 = arith.constant 0 : i32
          %dma_wait3A_84 = arith.constant 0 : i32
          %dma_wait3A_85 = tpu.memref_slice %arg15[%dma_wait3A_83, %dma_wait3A_84] : memref<10240x128xf32, #tpu.memory_space<vmem_shared>> -> memref<10240x128xf32, #tpu.memory_space<vmem_shared>>
          tpu.wait_indirect_dma semaphore(%run_scoped3A_73 : memref<!tpu.dma_semaphore, #tpu.memory_space<semaphore_mem>>) src(%arg18 : memref<128x128xf32, #tpu.memory_space<vmem>>) dst(%dma_wait3A_85 : memref<10240x128xf32, #tpu.memory_space<vmem_shared>>)
          tpu.yield
        }) : () -> ()
      }
      %scan3A_60 = arith.constant 80 : i32
      %barrier3A_61 = arith.constant 0 : index
      tpu.barrier barrier_id(%barrier3A_61)
      %run_scoped3A = arith.constant 2 : i32
      "tpu.region"() ({
        %run_scoped3A_62 = tpu.sem_alloc : memref<!tpu.dma_semaphore, #tpu.memory_space<semaphore_mem>>
        %dma_start3A = arith.constant 0 : i32
        %dma_start3A_63 = tpu.memref_slice %arg14[%run_scoped3A, %mul3A_0, %dma_start3A] : memref<9x10240x128xf32, #tpu.memory_space<hbm>> -> memref<1x640x128xf32, #tpu.memory_space<hbm>>
        %dma_start3A_64 = tpu.memref_squeeze %dma_start3A_63 : memref<1x640x128xf32, #tpu.memory_space<hbm>> -> memref<640x128xf32, #tpu.memory_space<hbm>>
        %dma_start3A_65 = arith.constant 0 : i32
        %dma_start3A_66 = tpu.memref_slice %arg15[%mul3A_0, %dma_start3A_65] : memref<10240x128xf32, #tpu.memory_space<vmem_shared>> -> memref<640x128xf32, #tpu.memory_space<vmem_shared>>
        tpu.enqueue_dma source(%dma_start3A_66 : memref<640x128xf32, #tpu.memory_space<vmem_shared>>) target(%dma_start3A_64 : memref<640x128xf32, #tpu.memory_space<hbm>>) target_semaphore(%run_scoped3A_62 : memref<!tpu.dma_semaphore, #tpu.memory_space<semaphore_mem>>)
        %dma_wait3A = arith.constant 0 : i32
        %dma_wait3A_67 = tpu.memref_slice %arg14[%run_scoped3A, %mul3A_0, %dma_wait3A] : memref<9x10240x128xf32, #tpu.memory_space<hbm>> -> memref<1x640x128xf32, #tpu.memory_space<hbm>>
        %dma_wait3A_68 = tpu.memref_squeeze %dma_wait3A_67 : memref<1x640x128xf32, #tpu.memory_space<hbm>> -> memref<640x128xf32, #tpu.memory_space<hbm>>
        %dma_wait3A_69 = arith.constant 0 : i32
        %dma_wait3A_70 = tpu.memref_slice %arg15[%mul3A_0, %dma_wait3A_69] : memref<10240x128xf32, #tpu.memory_space<vmem_shared>> -> memref<640x128xf32, #tpu.memory_space<vmem_shared>>
        tpu.wait_dma2 semaphore(%run_scoped3A_62 : memref<!tpu.dma_semaphore, #tpu.memory_space<semaphore_mem>>) src(%dma_wait3A_70 : memref<640x128xf32, #tpu.memory_space<vmem_shared>>) dst(%dma_wait3A_68 : memref<640x128xf32, #tpu.memory_space<hbm>>)
        tpu.yield
      }) : () -> ()
    } else {
    }
    %eq3A_13 = arith.constant 0 : i32
    %eq3A_14 = arith.cmpi eq, %arg0, %eq3A_13 : i32
    %convert_element_type3A_15 = arith.extui %eq3A_14 : i1 to i32
    %cond3A_16 = arith.constant 0 : i32
    %cond3A_17 = arith.cmpi ne, %convert_element_type3A_15, %cond3A_16 : i32
    scf.if %cond3A_17 {
      "tpu.region"() ({
        %run_scoped3A_62 = tpu.sem_alloc : memref<!tpu.dma_semaphore, #tpu.memory_space<semaphore_mem>>
        %dma_start3A = arith.constant 0 : i32
        %dma_start3A_63 = tpu.memref_slice %arg15[%mul3A_0, %dma_start3A] : memref<10240x128xf32, #tpu.memory_space<vmem_shared>> -> memref<640x128xf32, #tpu.memory_space<vmem_shared>>
        %dma_start3A_64 = arith.constant 0 : i32
        %dma_start3A_65 = tpu.memref_slice %arg13[%mul3A_0, %dma_start3A_64] : memref<10240x128xf32, #tpu.memory_space<hbm>> -> memref<640x128xf32, #tpu.memory_space<hbm>>
        tpu.enqueue_dma source(%dma_start3A_65 : memref<640x128xf32, #tpu.memory_space<hbm>>) target(%dma_start3A_63 : memref<640x128xf32, #tpu.memory_space<vmem_shared>>) target_semaphore(%run_scoped3A_62 : memref<!tpu.dma_semaphore, #tpu.memory_space<semaphore_mem>>)
        %dma_wait3A = arith.constant 0 : i32
        %dma_wait3A_66 = tpu.memref_slice %arg15[%mul3A_0, %dma_wait3A] : memref<10240x128xf32, #tpu.memory_space<vmem_shared>> -> memref<640x128xf32, #tpu.memory_space<vmem_shared>>
        %dma_wait3A_67 = arith.constant 0 : i32
        %dma_wait3A_68 = tpu.memref_slice %arg13[%mul3A_0, %dma_wait3A_67] : memref<10240x128xf32, #tpu.memory_space<hbm>> -> memref<640x128xf32, #tpu.memory_space<hbm>>
        tpu.wait_dma2 semaphore(%run_scoped3A_62 : memref<!tpu.dma_semaphore, #tpu.memory_space<semaphore_mem>>) src(%dma_wait3A_68 : memref<640x128xf32, #tpu.memory_space<hbm>>) dst(%dma_wait3A_66 : memref<640x128xf32, #tpu.memory_space<vmem_shared>>)
        tpu.yield
      }) : () -> ()
      %barrier3A = arith.constant 0 : index
      tpu.barrier barrier_id(%barrier3A)
      %mul3A_43 = arith.constant 160 : i32
      %mul3A_44 = arith.muli %arg1, %mul3A_43 : i32
      %add3A = arith.constant 0 : i32
      %add3A_45 = arith.addi %mul3A_44, %add3A : i32
      "tpu.region"() ({
        %run_scoped3A_62 = tpu.sem_alloc : memref<!tpu.dma_semaphore, #tpu.memory_space<semaphore_mem>>
        %dma_start3A = arith.constant 0 : i32
        %dma_start3A_63 = tpu.memref_slice %arg2[%add3A_45, %dma_start3A] : memref<2560x128xi32, #tpu.memory_space<hbm>> -> memref<80x128xi32, #tpu.memory_space<hbm>>
        %dma_start3A_64 = arith.constant 0 : i32
        %dma_start3A_65 = tpu.memref_slice %arg2[%add3A_45, %dma_start3A_64] : memref<2560x128xi32, #tpu.memory_space<hbm>> -> memref<80x128xi32, #tpu.memory_space<hbm>>
        tpu.enqueue_dma source(%dma_start3A_65 : memref<80x128xi32, #tpu.memory_space<hbm>>) target(%arg16 : memref<80x128xi32, #tpu.memory_space<vmem>>) target_semaphore(%run_scoped3A_62 : memref<!tpu.dma_semaphore, #tpu.memory_space<semaphore_mem>>)
        %dma_wait3A = arith.constant 0 : i32
        %dma_wait3A_66 = tpu.memref_slice %arg2[%add3A_45, %dma_wait3A] : memref<2560x128xi32, #tpu.memory_space<hbm>> -> memref<80x128xi32, #tpu.memory_space<hbm>>
        %dma_wait3A_67 = arith.constant 0 : i32
        %dma_wait3A_68 = tpu.memref_slice %arg2[%add3A_45, %dma_wait3A_67] : memref<2560x128xi32, #tpu.memory_space<hbm>> -> memref<80x128xi32, #tpu.memory_space<hbm>>
        tpu.wait_dma2 semaphore(%run_scoped3A_62 : memref<!tpu.dma_semaphore, #tpu.memory_space<semaphore_mem>>) src(%dma_wait3A_68 : memref<80x128xi32, #tpu.memory_space<hbm>>) dst(%arg16 : memref<80x128xi32, #tpu.memory_space<vmem>>)
        tpu.yield
      }) : () -> ()
      "tpu.region"() ({
        %run_scoped3A_62 = tpu.sem_alloc : memref<!tpu.dma_semaphore, #tpu.memory_space<semaphore_mem>>
        %dma_start3A = arith.constant 0 : i32
        %dma_start3A_63 = tpu.memref_slice %arg3[%add3A_45, %dma_start3A] : memref<2560x128xi32, #tpu.memory_space<hbm>> -> memref<80x128xi32, #tpu.memory_space<hbm>>
        %dma_start3A_64 = arith.constant 0 : i32
        %dma_start3A_65 = tpu.memref_slice %arg3[%add3A_45, %dma_start3A_64] : memref<2560x128xi32, #tpu.memory_space<hbm>> -> memref<80x128xi32, #tpu.memory_space<hbm>>
        tpu.enqueue_dma source(%dma_start3A_65 : memref<80x128xi32, #tpu.memory_space<hbm>>) target(%arg17 : memref<80x128xi32, #tpu.memory_space<vmem>>) target_semaphore(%run_scoped3A_62 : memref<!tpu.dma_semaphore, #tpu.memory_space<semaphore_mem>>)
        %dma_wait3A = arith.constant 0 : i32
        %dma_wait3A_66 = tpu.memref_slice %arg3[%add3A_45, %dma_wait3A] : memref<2560x128xi32, #tpu.memory_space<hbm>> -> memref<80x128xi32, #tpu.memory_space<hbm>>
        %dma_wait3A_67 = arith.constant 0 : i32
        %dma_wait3A_68 = tpu.memref_slice %arg3[%add3A_45, %dma_wait3A_67] : memref<2560x128xi32, #tpu.memory_space<hbm>> -> memref<80x128xi32, #tpu.memory_space<hbm>>
        tpu.wait_dma2 semaphore(%run_scoped3A_62 : memref<!tpu.dma_semaphore, #tpu.memory_space<semaphore_mem>>) src(%dma_wait3A_68 : memref<80x128xi32, #tpu.memory_space<hbm>>) dst(%arg17 : memref<80x128xi32, #tpu.memory_space<vmem>>)
        tpu.yield
      }) : () -> ()
      %scan3A = arith.constant 0 : i32
      %scan3A_46 = arith.constant 0 : i32
      %scan3A_47 = arith.constant 80 : i32
      %scan3A_48 = arith.addi %scan3A_46, %scan3A_47 : i32
      %scan3A_49 = arith.constant 1 : i32
      scf.for %scan3A_62 = %scan3A_46 to %scan3A_48 step %scan3A_49  : i32 {
        %dma_start3A = arith.constant 0 : i32
        %dma_start3A_63 = tpu.memref_slice %arg16[%scan3A_62, %dma_start3A] : memref<80x128xi32, #tpu.memory_space<vmem>> -> memref<1x128xi32, #tpu.memory_space<vmem>>
        %dma_start3A_64 = tpu.memref_squeeze %dma_start3A_63 : memref<1x128xi32, #tpu.memory_space<vmem>> -> memref<128xi32, #tpu.memory_space<vmem>>
        %dma_start3A_65 = arith.constant 0 : i32
        %dma_start3A_66 = arith.constant 0 : i32
        %dma_start3A_67 = tpu.memref_slice %arg7[%dma_start3A_65, %dma_start3A_66] : memref<10000x128xf32, #tpu.memory_space<hbm>> -> memref<10000x128xf32, #tpu.memory_space<hbm>>
        tpu.enqueue_indirect_dma source(%dma_start3A_67 : memref<10000x128xf32, #tpu.memory_space<hbm>>) target(%arg18 : memref<128x128xf32, #tpu.memory_space<vmem>>) offsets(%dma_start3A_64 : memref<128xi32, #tpu.memory_space<vmem>>) semaphore(%arg19 : memref<!tpu.dma_semaphore, #tpu.memory_space<semaphore_mem>>)
        %dma_wait3A = arith.constant 0 : i32
        %dma_wait3A_68 = tpu.memref_slice %arg16[%scan3A_62, %dma_wait3A] : memref<80x128xi32, #tpu.memory_space<vmem>> -> memref<1x128xi32, #tpu.memory_space<vmem>>
        %dma_wait3A_69 = tpu.memref_squeeze %dma_wait3A_68 : memref<1x128xi32, #tpu.memory_space<vmem>> -> memref<128xi32, #tpu.memory_space<vmem>>
        %dma_wait3A_70 = arith.constant 0 : i32
        %dma_wait3A_71 = arith.constant 0 : i32
        %dma_wait3A_72 = tpu.memref_slice %arg7[%dma_wait3A_70, %dma_wait3A_71] : memref<10000x128xf32, #tpu.memory_space<hbm>> -> memref<10000x128xf32, #tpu.memory_space<hbm>>
        tpu.wait_indirect_dma semaphore(%arg19 : memref<!tpu.dma_semaphore, #tpu.memory_space<semaphore_mem>>) src(%dma_wait3A_72 : memref<10000x128xf32, #tpu.memory_space<hbm>>) dst(%arg18 : memref<128x128xf32, #tpu.memory_space<vmem>>)
        "tpu.region"() ({
          %run_scoped3A_73 = tpu.sem_alloc : memref<!tpu.dma_semaphore, #tpu.memory_space<semaphore_mem>>
          %dma_start3A_74 = arith.constant 0 : i32
          %dma_start3A_75 = tpu.memref_slice %arg17[%scan3A_62, %dma_start3A_74] : memref<80x128xi32, #tpu.memory_space<vmem>> -> memref<1x128xi32, #tpu.memory_space<vmem>>
          %dma_start3A_76 = tpu.memref_squeeze %dma_start3A_75 : memref<1x128xi32, #tpu.memory_space<vmem>> -> memref<128xi32, #tpu.memory_space<vmem>>
          %dma_start3A_77 = arith.constant 0 : i32
          %dma_start3A_78 = arith.constant 0 : i32
          %dma_start3A_79 = tpu.memref_slice %arg15[%dma_start3A_77, %dma_start3A_78] : memref<10240x128xf32, #tpu.memory_space<vmem_shared>> -> memref<10240x128xf32, #tpu.memory_space<vmem_shared>>
          tpu.enqueue_indirect_dma source(%arg18 : memref<128x128xf32, #tpu.memory_space<vmem>>) target(%dma_start3A_79 : memref<10240x128xf32, #tpu.memory_space<vmem_shared>>) offsets(%dma_start3A_76 : memref<128xi32, #tpu.memory_space<vmem>>) semaphore(%run_scoped3A_73 : memref<!tpu.dma_semaphore, #tpu.memory_space<semaphore_mem>>) {add = true}
          %dma_wait3A_80 = arith.constant 0 : i32
          %dma_wait3A_81 = tpu.memref_slice %arg17[%scan3A_62, %dma_wait3A_80] : memref<80x128xi32, #tpu.memory_space<vmem>> -> memref<1x128xi32, #tpu.memory_space<vmem>>
          %dma_wait3A_82 = tpu.memref_squeeze %dma_wait3A_81 : memref<1x128xi32, #tpu.memory_space<vmem>> -> memref<128xi32, #tpu.memory_space<vmem>>
          %dma_wait3A_83 = arith.constant 0 : i32
          %dma_wait3A_84 = arith.constant 0 : i32
          %dma_wait3A_85 = tpu.memref_slice %arg15[%dma_wait3A_83, %dma_wait3A_84] : memref<10240x128xf32, #tpu.memory_space<vmem_shared>> -> memref<10240x128xf32, #tpu.memory_space<vmem_shared>>
          tpu.wait_indirect_dma semaphore(%run_scoped3A_73 : memref<!tpu.dma_semaphore, #tpu.memory_space<semaphore_mem>>) src(%arg18 : memref<128x128xf32, #tpu.memory_space<vmem>>) dst(%dma_wait3A_85 : memref<10240x128xf32, #tpu.memory_space<vmem_shared>>)
          tpu.yield
        }) : () -> ()
      }
      %scan3A_50 = arith.constant 80 : i32
      %mul3A_51 = arith.constant 160 : i32
      %mul3A_52 = arith.muli %arg1, %mul3A_51 : i32
      %add3A_53 = arith.constant 80 : i32
      %add3A_54 = arith.addi %mul3A_52, %add3A_53 : i32
      "tpu.region"() ({
        %run_scoped3A_62 = tpu.sem_alloc : memref<!tpu.dma_semaphore, #tpu.memory_space<semaphore_mem>>
        %dma_start3A = arith.constant 0 : i32
        %dma_start3A_63 = tpu.memref_slice %arg2[%add3A_54, %dma_start3A] : memref<2560x128xi32, #tpu.memory_space<hbm>> -> memref<80x128xi32, #tpu.memory_space<hbm>>
        %dma_start3A_64 = arith.constant 0 : i32
        %dma_start3A_65 = tpu.memref_slice %arg2[%add3A_54, %dma_start3A_64] : memref<2560x128xi32, #tpu.memory_space<hbm>> -> memref<80x128xi32, #tpu.memory_space<hbm>>
        tpu.enqueue_dma source(%dma_start3A_65 : memref<80x128xi32, #tpu.memory_space<hbm>>) target(%arg16 : memref<80x128xi32, #tpu.memory_space<vmem>>) target_semaphore(%run_scoped3A_62 : memref<!tpu.dma_semaphore, #tpu.memory_space<semaphore_mem>>)
        %dma_wait3A = arith.constant 0 : i32
        %dma_wait3A_66 = tpu.memref_slice %arg2[%add3A_54, %dma_wait3A] : memref<2560x128xi32, #tpu.memory_space<hbm>> -> memref<80x128xi32, #tpu.memory_space<hbm>>
        %dma_wait3A_67 = arith.constant 0 : i32
        %dma_wait3A_68 = tpu.memref_slice %arg2[%add3A_54, %dma_wait3A_67] : memref<2560x128xi32, #tpu.memory_space<hbm>> -> memref<80x128xi32, #tpu.memory_space<hbm>>
        tpu.wait_dma2 semaphore(%run_scoped3A_62 : memref<!tpu.dma_semaphore, #tpu.memory_space<semaphore_mem>>) src(%dma_wait3A_68 : memref<80x128xi32, #tpu.memory_space<hbm>>) dst(%arg16 : memref<80x128xi32, #tpu.memory_space<vmem>>)
        tpu.yield
      }) : () -> ()
      "tpu.region"() ({
        %run_scoped3A_62 = tpu.sem_alloc : memref<!tpu.dma_semaphore, #tpu.memory_space<semaphore_mem>>
        %dma_start3A = arith.constant 0 : i32
        %dma_start3A_63 = tpu.memref_slice %arg3[%add3A_54, %dma_start3A] : memref<2560x128xi32, #tpu.memory_space<hbm>> -> memref<80x128xi32, #tpu.memory_space<hbm>>
        %dma_start3A_64 = arith.constant 0 : i32
        %dma_start3A_65 = tpu.memref_slice %arg3[%add3A_54, %dma_start3A_64] : memref<2560x128xi32, #tpu.memory_space<hbm>> -> memref<80x128xi32, #tpu.memory_space<hbm>>
        tpu.enqueue_dma source(%dma_start3A_65 : memref<80x128xi32, #tpu.memory_space<hbm>>) target(%arg17 : memref<80x128xi32, #tpu.memory_space<vmem>>) target_semaphore(%run_scoped3A_62 : memref<!tpu.dma_semaphore, #tpu.memory_space<semaphore_mem>>)
        %dma_wait3A = arith.constant 0 : i32
        %dma_wait3A_66 = tpu.memref_slice %arg3[%add3A_54, %dma_wait3A] : memref<2560x128xi32, #tpu.memory_space<hbm>> -> memref<80x128xi32, #tpu.memory_space<hbm>>
        %dma_wait3A_67 = arith.constant 0 : i32
        %dma_wait3A_68 = tpu.memref_slice %arg3[%add3A_54, %dma_wait3A_67] : memref<2560x128xi32, #tpu.memory_space<hbm>> -> memref<80x128xi32, #tpu.memory_space<hbm>>
        tpu.wait_dma2 semaphore(%run_scoped3A_62 : memref<!tpu.dma_semaphore, #tpu.memory_space<semaphore_mem>>) src(%dma_wait3A_68 : memref<80x128xi32, #tpu.memory_space<hbm>>) dst(%arg17 : memref<80x128xi32, #tpu.memory_space<vmem>>)
        tpu.yield
      }) : () -> ()
      %scan3A_55 = arith.constant 0 : i32
      %scan3A_56 = arith.constant 0 : i32
      %scan3A_57 = arith.constant 80 : i32
      %scan3A_58 = arith.addi %scan3A_56, %scan3A_57 : i32
      %scan3A_59 = arith.constant 1 : i32
      scf.for %scan3A_62 = %scan3A_56 to %scan3A_58 step %scan3A_59  : i32 {
        %dma_start3A = arith.constant 0 : i32
        %dma_start3A_63 = tpu.memref_slice %arg16[%scan3A_62, %dma_start3A] : memref<80x128xi32, #tpu.memory_space<vmem>> -> memref<1x128xi32, #tpu.memory_space<vmem>>
        %dma_start3A_64 = tpu.memref_squeeze %dma_start3A_63 : memref<1x128xi32, #tpu.memory_space<vmem>> -> memref<128xi32, #tpu.memory_space<vmem>>
        %dma_start3A_65 = arith.constant 0 : i32
        %dma_start3A_66 = arith.constant 0 : i32
        %dma_start3A_67 = tpu.memref_slice %arg7[%dma_start3A_65, %dma_start3A_66] : memref<10000x128xf32, #tpu.memory_space<hbm>> -> memref<10000x128xf32, #tpu.memory_space<hbm>>
        tpu.enqueue_indirect_dma source(%dma_start3A_67 : memref<10000x128xf32, #tpu.memory_space<hbm>>) target(%arg18 : memref<128x128xf32, #tpu.memory_space<vmem>>) offsets(%dma_start3A_64 : memref<128xi32, #tpu.memory_space<vmem>>) semaphore(%arg19 : memref<!tpu.dma_semaphore, #tpu.memory_space<semaphore_mem>>)
        %dma_wait3A = arith.constant 0 : i32
        %dma_wait3A_68 = tpu.memref_slice %arg16[%scan3A_62, %dma_wait3A] : memref<80x128xi32, #tpu.memory_space<vmem>> -> memref<1x128xi32, #tpu.memory_space<vmem>>
        %dma_wait3A_69 = tpu.memref_squeeze %dma_wait3A_68 : memref<1x128xi32, #tpu.memory_space<vmem>> -> memref<128xi32, #tpu.memory_space<vmem>>
        %dma_wait3A_70 = arith.constant 0 : i32
        %dma_wait3A_71 = arith.constant 0 : i32
        %dma_wait3A_72 = tpu.memref_slice %arg7[%dma_wait3A_70, %dma_wait3A_71] : memref<10000x128xf32, #tpu.memory_space<hbm>> -> memref<10000x128xf32, #tpu.memory_space<hbm>>
        tpu.wait_indirect_dma semaphore(%arg19 : memref<!tpu.dma_semaphore, #tpu.memory_space<semaphore_mem>>) src(%dma_wait3A_72 : memref<10000x128xf32, #tpu.memory_space<hbm>>) dst(%arg18 : memref<128x128xf32, #tpu.memory_space<vmem>>)
        "tpu.region"() ({
          %run_scoped3A_73 = tpu.sem_alloc : memref<!tpu.dma_semaphore, #tpu.memory_space<semaphore_mem>>
          %dma_start3A_74 = arith.constant 0 : i32
          %dma_start3A_75 = tpu.memref_slice %arg17[%scan3A_62, %dma_start3A_74] : memref<80x128xi32, #tpu.memory_space<vmem>> -> memref<1x128xi32, #tpu.memory_space<vmem>>
          %dma_start3A_76 = tpu.memref_squeeze %dma_start3A_75 : memref<1x128xi32, #tpu.memory_space<vmem>> -> memref<128xi32, #tpu.memory_space<vmem>>
          %dma_start3A_77 = arith.constant 0 : i32
          %dma_start3A_78 = arith.constant 0 : i32
          %dma_start3A_79 = tpu.memref_slice %arg15[%dma_start3A_77, %dma_start3A_78] : memref<10240x128xf32, #tpu.memory_space<vmem_shared>> -> memref<10240x128xf32, #tpu.memory_space<vmem_shared>>
          tpu.enqueue_indirect_dma source(%arg18 : memref<128x128xf32, #tpu.memory_space<vmem>>) target(%dma_start3A_79 : memref<10240x128xf32, #tpu.memory_space<vmem_shared>>) offsets(%dma_start3A_76 : memref<128xi32, #tpu.memory_space<vmem>>) semaphore(%run_scoped3A_73 : memref<!tpu.dma_semaphore, #tpu.memory_space<semaphore_mem>>) {add = true}
          %dma_wait3A_80 = arith.constant 0 : i32
          %dma_wait3A_81 = tpu.memref_slice %arg17[%scan3A_62, %dma_wait3A_80] : memref<80x128xi32, #tpu.memory_space<vmem>> -> memref<1x128xi32, #tpu.memory_space<vmem>>
          %dma_wait3A_82 = tpu.memref_squeeze %dma_wait3A_81 : memref<1x128xi32, #tpu.memory_space<vmem>> -> memref<128xi32, #tpu.memory_space<vmem>>
          %dma_wait3A_83 = arith.constant 0 : i32
          %dma_wait3A_84 = arith.constant 0 : i32
          %dma_wait3A_85 = tpu.memref_slice %arg15[%dma_wait3A_83, %dma_wait3A_84] : memref<10240x128xf32, #tpu.memory_space<vmem_shared>> -> memref<10240x128xf32, #tpu.memory_space<vmem_shared>>
          tpu.wait_indirect_dma semaphore(%run_scoped3A_73 : memref<!tpu.dma_semaphore, #tpu.memory_space<semaphore_mem>>) src(%arg18 : memref<128x128xf32, #tpu.memory_space<vmem>>) dst(%dma_wait3A_85 : memref<10240x128xf32, #tpu.memory_space<vmem_shared>>)
          tpu.yield
        }) : () -> ()
      }
      %scan3A_60 = arith.constant 80 : i32
      %barrier3A_61 = arith.constant 0 : index
      tpu.barrier barrier_id(%barrier3A_61)
      %run_scoped3A = arith.constant 3 : i32
      "tpu.region"() ({
        %run_scoped3A_62 = tpu.sem_alloc : memref<!tpu.dma_semaphore, #tpu.memory_space<semaphore_mem>>
        %dma_start3A = arith.constant 0 : i32
        %dma_start3A_63 = tpu.memref_slice %arg14[%run_scoped3A, %mul3A_0, %dma_start3A] : memref<9x10240x128xf32, #tpu.memory_space<hbm>> -> memref<1x640x128xf32, #tpu.memory_space<hbm>>
        %dma_start3A_64 = tpu.memref_squeeze %dma_start3A_63 : memref<1x640x128xf32, #tpu.memory_space<hbm>> -> memref<640x128xf32, #tpu.memory_space<hbm>>
        %dma_start3A_65 = arith.constant 0 : i32
        %dma_start3A_66 = tpu.memref_slice %arg15[%mul3A_0, %dma_start3A_65] : memref<10240x128xf32, #tpu.memory_space<vmem_shared>> -> memref<640x128xf32, #tpu.memory_space<vmem_shared>>
        tpu.enqueue_dma source(%dma_start3A_66 : memref<640x128xf32, #tpu.memory_space<vmem_shared>>) target(%dma_start3A_64 : memref<640x128xf32, #tpu.memory_space<hbm>>) target_semaphore(%run_scoped3A_62 : memref<!tpu.dma_semaphore, #tpu.memory_space<semaphore_mem>>)
        %dma_wait3A = arith.constant 0 : i32
        %dma_wait3A_67 = tpu.memref_slice %arg14[%run_scoped3A, %mul3A_0, %dma_wait3A] : memref<9x10240x128xf32, #tpu.memory_space<hbm>> -> memref<1x640x128xf32, #tpu.memory_space<hbm>>
        %dma_wait3A_68 = tpu.memref_squeeze %dma_wait3A_67 : memref<1x640x128xf32, #tpu.memory_space<hbm>> -> memref<640x128xf32, #tpu.memory_space<hbm>>
        %dma_wait3A_69 = arith.constant 0 : i32
        %dma_wait3A_70 = tpu.memref_slice %arg15[%mul3A_0, %dma_wait3A_69] : memref<10240x128xf32, #tpu.memory_space<vmem_shared>> -> memref<640x128xf32, #tpu.memory_space<vmem_shared>>
        tpu.wait_dma2 semaphore(%run_scoped3A_62 : memref<!tpu.dma_semaphore, #tpu.memory_space<semaphore_mem>>) src(%dma_wait3A_70 : memref<640x128xf32, #tpu.memory_space<vmem_shared>>) dst(%dma_wait3A_68 : memref<640x128xf32, #tpu.memory_space<hbm>>)
        tpu.yield
      }) : () -> ()
    } else {
    }
    %eq3A_18 = arith.constant 0 : i32
    %eq3A_19 = arith.cmpi eq, %arg0, %eq3A_18 : i32
    %convert_element_type3A_20 = arith.extui %eq3A_19 : i1 to i32
    %cond3A_21 = arith.constant 0 : i32
    %cond3A_22 = arith.cmpi ne, %convert_element_type3A_20, %cond3A_21 : i32
    scf.if %cond3A_22 {
      "tpu.region"() ({
        %run_scoped3A_62 = tpu.sem_alloc : memref<!tpu.dma_semaphore, #tpu.memory_space<semaphore_mem>>
        %dma_start3A = arith.constant 0 : i32
        %dma_start3A_63 = tpu.memref_slice %arg15[%mul3A_0, %dma_start3A] : memref<10240x128xf32, #tpu.memory_space<vmem_shared>> -> memref<640x128xf32, #tpu.memory_space<vmem_shared>>
        %dma_start3A_64 = arith.constant 0 : i32
        %dma_start3A_65 = tpu.memref_slice %arg13[%mul3A_0, %dma_start3A_64] : memref<10240x128xf32, #tpu.memory_space<hbm>> -> memref<640x128xf32, #tpu.memory_space<hbm>>
        tpu.enqueue_dma source(%dma_start3A_65 : memref<640x128xf32, #tpu.memory_space<hbm>>) target(%dma_start3A_63 : memref<640x128xf32, #tpu.memory_space<vmem_shared>>) target_semaphore(%run_scoped3A_62 : memref<!tpu.dma_semaphore, #tpu.memory_space<semaphore_mem>>)
        %dma_wait3A = arith.constant 0 : i32
        %dma_wait3A_66 = tpu.memref_slice %arg15[%mul3A_0, %dma_wait3A] : memref<10240x128xf32, #tpu.memory_space<vmem_shared>> -> memref<640x128xf32, #tpu.memory_space<vmem_shared>>
        %dma_wait3A_67 = arith.constant 0 : i32
        %dma_wait3A_68 = tpu.memref_slice %arg13[%mul3A_0, %dma_wait3A_67] : memref<10240x128xf32, #tpu.memory_space<hbm>> -> memref<640x128xf32, #tpu.memory_space<hbm>>
        tpu.wait_dma2 semaphore(%run_scoped3A_62 : memref<!tpu.dma_semaphore, #tpu.memory_space<semaphore_mem>>) src(%dma_wait3A_68 : memref<640x128xf32, #tpu.memory_space<hbm>>) dst(%dma_wait3A_66 : memref<640x128xf32, #tpu.memory_space<vmem_shared>>)
        tpu.yield
      }) : () -> ()
      %barrier3A = arith.constant 0 : index
      tpu.barrier barrier_id(%barrier3A)
      %mul3A_43 = arith.constant 160 : i32
      %mul3A_44 = arith.muli %arg1, %mul3A_43 : i32
      %add3A = arith.constant 0 : i32
      %add3A_45 = arith.addi %mul3A_44, %add3A : i32
      "tpu.region"() ({
        %run_scoped3A_62 = tpu.sem_alloc : memref<!tpu.dma_semaphore, #tpu.memory_space<semaphore_mem>>
        %dma_start3A = arith.constant 0 : i32
        %dma_start3A_63 = tpu.memref_slice %arg2[%add3A_45, %dma_start3A] : memref<2560x128xi32, #tpu.memory_space<hbm>> -> memref<80x128xi32, #tpu.memory_space<hbm>>
        %dma_start3A_64 = arith.constant 0 : i32
        %dma_start3A_65 = tpu.memref_slice %arg2[%add3A_45, %dma_start3A_64] : memref<2560x128xi32, #tpu.memory_space<hbm>> -> memref<80x128xi32, #tpu.memory_space<hbm>>
        tpu.enqueue_dma source(%dma_start3A_65 : memref<80x128xi32, #tpu.memory_space<hbm>>) target(%arg16 : memref<80x128xi32, #tpu.memory_space<vmem>>) target_semaphore(%run_scoped3A_62 : memref<!tpu.dma_semaphore, #tpu.memory_space<semaphore_mem>>)
        %dma_wait3A = arith.constant 0 : i32
        %dma_wait3A_66 = tpu.memref_slice %arg2[%add3A_45, %dma_wait3A] : memref<2560x128xi32, #tpu.memory_space<hbm>> -> memref<80x128xi32, #tpu.memory_space<hbm>>
        %dma_wait3A_67 = arith.constant 0 : i32
        %dma_wait3A_68 = tpu.memref_slice %arg2[%add3A_45, %dma_wait3A_67] : memref<2560x128xi32, #tpu.memory_space<hbm>> -> memref<80x128xi32, #tpu.memory_space<hbm>>
        tpu.wait_dma2 semaphore(%run_scoped3A_62 : memref<!tpu.dma_semaphore, #tpu.memory_space<semaphore_mem>>) src(%dma_wait3A_68 : memref<80x128xi32, #tpu.memory_space<hbm>>) dst(%arg16 : memref<80x128xi32, #tpu.memory_space<vmem>>)
        tpu.yield
      }) : () -> ()
      "tpu.region"() ({
        %run_scoped3A_62 = tpu.sem_alloc : memref<!tpu.dma_semaphore, #tpu.memory_space<semaphore_mem>>
        %dma_start3A = arith.constant 0 : i32
        %dma_start3A_63 = tpu.memref_slice %arg3[%add3A_45, %dma_start3A] : memref<2560x128xi32, #tpu.memory_space<hbm>> -> memref<80x128xi32, #tpu.memory_space<hbm>>
        %dma_start3A_64 = arith.constant 0 : i32
        %dma_start3A_65 = tpu.memref_slice %arg3[%add3A_45, %dma_start3A_64] : memref<2560x128xi32, #tpu.memory_space<hbm>> -> memref<80x128xi32, #tpu.memory_space<hbm>>
        tpu.enqueue_dma source(%dma_start3A_65 : memref<80x128xi32, #tpu.memory_space<hbm>>) target(%arg17 : memref<80x128xi32, #tpu.memory_space<vmem>>) target_semaphore(%run_scoped3A_62 : memref<!tpu.dma_semaphore, #tpu.memory_space<semaphore_mem>>)
        %dma_wait3A = arith.constant 0 : i32
        %dma_wait3A_66 = tpu.memref_slice %arg3[%add3A_45, %dma_wait3A] : memref<2560x128xi32, #tpu.memory_space<hbm>> -> memref<80x128xi32, #tpu.memory_space<hbm>>
        %dma_wait3A_67 = arith.constant 0 : i32
        %dma_wait3A_68 = tpu.memref_slice %arg3[%add3A_45, %dma_wait3A_67] : memref<2560x128xi32, #tpu.memory_space<hbm>> -> memref<80x128xi32, #tpu.memory_space<hbm>>
        tpu.wait_dma2 semaphore(%run_scoped3A_62 : memref<!tpu.dma_semaphore, #tpu.memory_space<semaphore_mem>>) src(%dma_wait3A_68 : memref<80x128xi32, #tpu.memory_space<hbm>>) dst(%arg17 : memref<80x128xi32, #tpu.memory_space<vmem>>)
        tpu.yield
      }) : () -> ()
      %scan3A = arith.constant 0 : i32
      %scan3A_46 = arith.constant 0 : i32
      %scan3A_47 = arith.constant 80 : i32
      %scan3A_48 = arith.addi %scan3A_46, %scan3A_47 : i32
      %scan3A_49 = arith.constant 1 : i32
      scf.for %scan3A_62 = %scan3A_46 to %scan3A_48 step %scan3A_49  : i32 {
        %dma_start3A = arith.constant 0 : i32
        %dma_start3A_63 = tpu.memref_slice %arg16[%scan3A_62, %dma_start3A] : memref<80x128xi32, #tpu.memory_space<vmem>> -> memref<1x128xi32, #tpu.memory_space<vmem>>
        %dma_start3A_64 = tpu.memref_squeeze %dma_start3A_63 : memref<1x128xi32, #tpu.memory_space<vmem>> -> memref<128xi32, #tpu.memory_space<vmem>>
        %dma_start3A_65 = arith.constant 0 : i32
        %dma_start3A_66 = arith.constant 0 : i32
        %dma_start3A_67 = tpu.memref_slice %arg8[%dma_start3A_65, %dma_start3A_66] : memref<10000x128xf32, #tpu.memory_space<hbm>> -> memref<10000x128xf32, #tpu.memory_space<hbm>>
        tpu.enqueue_indirect_dma source(%dma_start3A_67 : memref<10000x128xf32, #tpu.memory_space<hbm>>) target(%arg18 : memref<128x128xf32, #tpu.memory_space<vmem>>) offsets(%dma_start3A_64 : memref<128xi32, #tpu.memory_space<vmem>>) semaphore(%arg19 : memref<!tpu.dma_semaphore, #tpu.memory_space<semaphore_mem>>)
        %dma_wait3A = arith.constant 0 : i32
        %dma_wait3A_68 = tpu.memref_slice %arg16[%scan3A_62, %dma_wait3A] : memref<80x128xi32, #tpu.memory_space<vmem>> -> memref<1x128xi32, #tpu.memory_space<vmem>>
        %dma_wait3A_69 = tpu.memref_squeeze %dma_wait3A_68 : memref<1x128xi32, #tpu.memory_space<vmem>> -> memref<128xi32, #tpu.memory_space<vmem>>
        %dma_wait3A_70 = arith.constant 0 : i32
        %dma_wait3A_71 = arith.constant 0 : i32
        %dma_wait3A_72 = tpu.memref_slice %arg8[%dma_wait3A_70, %dma_wait3A_71] : memref<10000x128xf32, #tpu.memory_space<hbm>> -> memref<10000x128xf32, #tpu.memory_space<hbm>>
        tpu.wait_indirect_dma semaphore(%arg19 : memref<!tpu.dma_semaphore, #tpu.memory_space<semaphore_mem>>) src(%dma_wait3A_72 : memref<10000x128xf32, #tpu.memory_space<hbm>>) dst(%arg18 : memref<128x128xf32, #tpu.memory_space<vmem>>)
        "tpu.region"() ({
          %run_scoped3A_73 = tpu.sem_alloc : memref<!tpu.dma_semaphore, #tpu.memory_space<semaphore_mem>>
          %dma_start3A_74 = arith.constant 0 : i32
          %dma_start3A_75 = tpu.memref_slice %arg17[%scan3A_62, %dma_start3A_74] : memref<80x128xi32, #tpu.memory_space<vmem>> -> memref<1x128xi32, #tpu.memory_space<vmem>>
          %dma_start3A_76 = tpu.memref_squeeze %dma_start3A_75 : memref<1x128xi32, #tpu.memory_space<vmem>> -> memref<128xi32, #tpu.memory_space<vmem>>
          %dma_start3A_77 = arith.constant 0 : i32
          %dma_start3A_78 = arith.constant 0 : i32
          %dma_start3A_79 = tpu.memref_slice %arg15[%dma_start3A_77, %dma_start3A_78] : memref<10240x128xf32, #tpu.memory_space<vmem_shared>> -> memref<10240x128xf32, #tpu.memory_space<vmem_shared>>
          tpu.enqueue_indirect_dma source(%arg18 : memref<128x128xf32, #tpu.memory_space<vmem>>) target(%dma_start3A_79 : memref<10240x128xf32, #tpu.memory_space<vmem_shared>>) offsets(%dma_start3A_76 : memref<128xi32, #tpu.memory_space<vmem>>) semaphore(%run_scoped3A_73 : memref<!tpu.dma_semaphore, #tpu.memory_space<semaphore_mem>>) {add = true}
          %dma_wait3A_80 = arith.constant 0 : i32
          %dma_wait3A_81 = tpu.memref_slice %arg17[%scan3A_62, %dma_wait3A_80] : memref<80x128xi32, #tpu.memory_space<vmem>> -> memref<1x128xi32, #tpu.memory_space<vmem>>
          %dma_wait3A_82 = tpu.memref_squeeze %dma_wait3A_81 : memref<1x128xi32, #tpu.memory_space<vmem>> -> memref<128xi32, #tpu.memory_space<vmem>>
          %dma_wait3A_83 = arith.constant 0 : i32
          %dma_wait3A_84 = arith.constant 0 : i32
          %dma_wait3A_85 = tpu.memref_slice %arg15[%dma_wait3A_83, %dma_wait3A_84] : memref<10240x128xf32, #tpu.memory_space<vmem_shared>> -> memref<10240x128xf32, #tpu.memory_space<vmem_shared>>
          tpu.wait_indirect_dma semaphore(%run_scoped3A_73 : memref<!tpu.dma_semaphore, #tpu.memory_space<semaphore_mem>>) src(%arg18 : memref<128x128xf32, #tpu.memory_space<vmem>>) dst(%dma_wait3A_85 : memref<10240x128xf32, #tpu.memory_space<vmem_shared>>)
          tpu.yield
        }) : () -> ()
      }
      %scan3A_50 = arith.constant 80 : i32
      %mul3A_51 = arith.constant 160 : i32
      %mul3A_52 = arith.muli %arg1, %mul3A_51 : i32
      %add3A_53 = arith.constant 80 : i32
      %add3A_54 = arith.addi %mul3A_52, %add3A_53 : i32
      "tpu.region"() ({
        %run_scoped3A_62 = tpu.sem_alloc : memref<!tpu.dma_semaphore, #tpu.memory_space<semaphore_mem>>
        %dma_start3A = arith.constant 0 : i32
        %dma_start3A_63 = tpu.memref_slice %arg2[%add3A_54, %dma_start3A] : memref<2560x128xi32, #tpu.memory_space<hbm>> -> memref<80x128xi32, #tpu.memory_space<hbm>>
        %dma_start3A_64 = arith.constant 0 : i32
        %dma_start3A_65 = tpu.memref_slice %arg2[%add3A_54, %dma_start3A_64] : memref<2560x128xi32, #tpu.memory_space<hbm>> -> memref<80x128xi32, #tpu.memory_space<hbm>>
        tpu.enqueue_dma source(%dma_start3A_65 : memref<80x128xi32, #tpu.memory_space<hbm>>) target(%arg16 : memref<80x128xi32, #tpu.memory_space<vmem>>) target_semaphore(%run_scoped3A_62 : memref<!tpu.dma_semaphore, #tpu.memory_space<semaphore_mem>>)
        %dma_wait3A = arith.constant 0 : i32
        %dma_wait3A_66 = tpu.memref_slice %arg2[%add3A_54, %dma_wait3A] : memref<2560x128xi32, #tpu.memory_space<hbm>> -> memref<80x128xi32, #tpu.memory_space<hbm>>
        %dma_wait3A_67 = arith.constant 0 : i32
        %dma_wait3A_68 = tpu.memref_slice %arg2[%add3A_54, %dma_wait3A_67] : memref<2560x128xi32, #tpu.memory_space<hbm>> -> memref<80x128xi32, #tpu.memory_space<hbm>>
        tpu.wait_dma2 semaphore(%run_scoped3A_62 : memref<!tpu.dma_semaphore, #tpu.memory_space<semaphore_mem>>) src(%dma_wait3A_68 : memref<80x128xi32, #tpu.memory_space<hbm>>) dst(%arg16 : memref<80x128xi32, #tpu.memory_space<vmem>>)
        tpu.yield
      }) : () -> ()
      "tpu.region"() ({
        %run_scoped3A_62 = tpu.sem_alloc : memref<!tpu.dma_semaphore, #tpu.memory_space<semaphore_mem>>
        %dma_start3A = arith.constant 0 : i32
        %dma_start3A_63 = tpu.memref_slice %arg3[%add3A_54, %dma_start3A] : memref<2560x128xi32, #tpu.memory_space<hbm>> -> memref<80x128xi32, #tpu.memory_space<hbm>>
        %dma_start3A_64 = arith.constant 0 : i32
        %dma_start3A_65 = tpu.memref_slice %arg3[%add3A_54, %dma_start3A_64] : memref<2560x128xi32, #tpu.memory_space<hbm>> -> memref<80x128xi32, #tpu.memory_space<hbm>>
        tpu.enqueue_dma source(%dma_start3A_65 : memref<80x128xi32, #tpu.memory_space<hbm>>) target(%arg17 : memref<80x128xi32, #tpu.memory_space<vmem>>) target_semaphore(%run_scoped3A_62 : memref<!tpu.dma_semaphore, #tpu.memory_space<semaphore_mem>>)
        %dma_wait3A = arith.constant 0 : i32
        %dma_wait3A_66 = tpu.memref_slice %arg3[%add3A_54, %dma_wait3A] : memref<2560x128xi32, #tpu.memory_space<hbm>> -> memref<80x128xi32, #tpu.memory_space<hbm>>
        %dma_wait3A_67 = arith.constant 0 : i32
        %dma_wait3A_68 = tpu.memref_slice %arg3[%add3A_54, %dma_wait3A_67] : memref<2560x128xi32, #tpu.memory_space<hbm>> -> memref<80x128xi32, #tpu.memory_space<hbm>>
        tpu.wait_dma2 semaphore(%run_scoped3A_62 : memref<!tpu.dma_semaphore, #tpu.memory_space<semaphore_mem>>) src(%dma_wait3A_68 : memref<80x128xi32, #tpu.memory_space<hbm>>) dst(%arg17 : memref<80x128xi32, #tpu.memory_space<vmem>>)
        tpu.yield
      }) : () -> ()
      %scan3A_55 = arith.constant 0 : i32
      %scan3A_56 = arith.constant 0 : i32
      %scan3A_57 = arith.constant 80 : i32
      %scan3A_58 = arith.addi %scan3A_56, %scan3A_57 : i32
      %scan3A_59 = arith.constant 1 : i32
      scf.for %scan3A_62 = %scan3A_56 to %scan3A_58 step %scan3A_59  : i32 {
        %dma_start3A = arith.constant 0 : i32
        %dma_start3A_63 = tpu.memref_slice %arg16[%scan3A_62, %dma_start3A] : memref<80x128xi32, #tpu.memory_space<vmem>> -> memref<1x128xi32, #tpu.memory_space<vmem>>
        %dma_start3A_64 = tpu.memref_squeeze %dma_start3A_63 : memref<1x128xi32, #tpu.memory_space<vmem>> -> memref<128xi32, #tpu.memory_space<vmem>>
        %dma_start3A_65 = arith.constant 0 : i32
        %dma_start3A_66 = arith.constant 0 : i32
        %dma_start3A_67 = tpu.memref_slice %arg8[%dma_start3A_65, %dma_start3A_66] : memref<10000x128xf32, #tpu.memory_space<hbm>> -> memref<10000x128xf32, #tpu.memory_space<hbm>>
        tpu.enqueue_indirect_dma source(%dma_start3A_67 : memref<10000x128xf32, #tpu.memory_space<hbm>>) target(%arg18 : memref<128x128xf32, #tpu.memory_space<vmem>>) offsets(%dma_start3A_64 : memref<128xi32, #tpu.memory_space<vmem>>) semaphore(%arg19 : memref<!tpu.dma_semaphore, #tpu.memory_space<semaphore_mem>>)
        %dma_wait3A = arith.constant 0 : i32
        %dma_wait3A_68 = tpu.memref_slice %arg16[%scan3A_62, %dma_wait3A] : memref<80x128xi32, #tpu.memory_space<vmem>> -> memref<1x128xi32, #tpu.memory_space<vmem>>
        %dma_wait3A_69 = tpu.memref_squeeze %dma_wait3A_68 : memref<1x128xi32, #tpu.memory_space<vmem>> -> memref<128xi32, #tpu.memory_space<vmem>>
        %dma_wait3A_70 = arith.constant 0 : i32
        %dma_wait3A_71 = arith.constant 0 : i32
        %dma_wait3A_72 = tpu.memref_slice %arg8[%dma_wait3A_70, %dma_wait3A_71] : memref<10000x128xf32, #tpu.memory_space<hbm>> -> memref<10000x128xf32, #tpu.memory_space<hbm>>
        tpu.wait_indirect_dma semaphore(%arg19 : memref<!tpu.dma_semaphore, #tpu.memory_space<semaphore_mem>>) src(%dma_wait3A_72 : memref<10000x128xf32, #tpu.memory_space<hbm>>) dst(%arg18 : memref<128x128xf32, #tpu.memory_space<vmem>>)
        "tpu.region"() ({
          %run_scoped3A_73 = tpu.sem_alloc : memref<!tpu.dma_semaphore, #tpu.memory_space<semaphore_mem>>
          %dma_start3A_74 = arith.constant 0 : i32
          %dma_start3A_75 = tpu.memref_slice %arg17[%scan3A_62, %dma_start3A_74] : memref<80x128xi32, #tpu.memory_space<vmem>> -> memref<1x128xi32, #tpu.memory_space<vmem>>
          %dma_start3A_76 = tpu.memref_squeeze %dma_start3A_75 : memref<1x128xi32, #tpu.memory_space<vmem>> -> memref<128xi32, #tpu.memory_space<vmem>>
          %dma_start3A_77 = arith.constant 0 : i32
          %dma_start3A_78 = arith.constant 0 : i32
          %dma_start3A_79 = tpu.memref_slice %arg15[%dma_start3A_77, %dma_start3A_78] : memref<10240x128xf32, #tpu.memory_space<vmem_shared>> -> memref<10240x128xf32, #tpu.memory_space<vmem_shared>>
          tpu.enqueue_indirect_dma source(%arg18 : memref<128x128xf32, #tpu.memory_space<vmem>>) target(%dma_start3A_79 : memref<10240x128xf32, #tpu.memory_space<vmem_shared>>) offsets(%dma_start3A_76 : memref<128xi32, #tpu.memory_space<vmem>>) semaphore(%run_scoped3A_73 : memref<!tpu.dma_semaphore, #tpu.memory_space<semaphore_mem>>) {add = true}
          %dma_wait3A_80 = arith.constant 0 : i32
          %dma_wait3A_81 = tpu.memref_slice %arg17[%scan3A_62, %dma_wait3A_80] : memref<80x128xi32, #tpu.memory_space<vmem>> -> memref<1x128xi32, #tpu.memory_space<vmem>>
          %dma_wait3A_82 = tpu.memref_squeeze %dma_wait3A_81 : memref<1x128xi32, #tpu.memory_space<vmem>> -> memref<128xi32, #tpu.memory_space<vmem>>
          %dma_wait3A_83 = arith.constant 0 : i32
          %dma_wait3A_84 = arith.constant 0 : i32
          %dma_wait3A_85 = tpu.memref_slice %arg15[%dma_wait3A_83, %dma_wait3A_84] : memref<10240x128xf32, #tpu.memory_space<vmem_shared>> -> memref<10240x128xf32, #tpu.memory_space<vmem_shared>>
          tpu.wait_indirect_dma semaphore(%run_scoped3A_73 : memref<!tpu.dma_semaphore, #tpu.memory_space<semaphore_mem>>) src(%arg18 : memref<128x128xf32, #tpu.memory_space<vmem>>) dst(%dma_wait3A_85 : memref<10240x128xf32, #tpu.memory_space<vmem_shared>>)
          tpu.yield
        }) : () -> ()
      }
      %scan3A_60 = arith.constant 80 : i32
      %barrier3A_61 = arith.constant 0 : index
      tpu.barrier barrier_id(%barrier3A_61)
      %run_scoped3A = arith.constant 4 : i32
      "tpu.region"() ({
        %run_scoped3A_62 = tpu.sem_alloc : memref<!tpu.dma_semaphore, #tpu.memory_space<semaphore_mem>>
        %dma_start3A = arith.constant 0 : i32
        %dma_start3A_63 = tpu.memref_slice %arg14[%run_scoped3A, %mul3A_0, %dma_start3A] : memref<9x10240x128xf32, #tpu.memory_space<hbm>> -> memref<1x640x128xf32, #tpu.memory_space<hbm>>
        %dma_start3A_64 = tpu.memref_squeeze %dma_start3A_63 : memref<1x640x128xf32, #tpu.memory_space<hbm>> -> memref<640x128xf32, #tpu.memory_space<hbm>>
        %dma_start3A_65 = arith.constant 0 : i32
        %dma_start3A_66 = tpu.memref_slice %arg15[%mul3A_0, %dma_start3A_65] : memref<10240x128xf32, #tpu.memory_space<vmem_shared>> -> memref<640x128xf32, #tpu.memory_space<vmem_shared>>
        tpu.enqueue_dma source(%dma_start3A_66 : memref<640x128xf32, #tpu.memory_space<vmem_shared>>) target(%dma_start3A_64 : memref<640x128xf32, #tpu.memory_space<hbm>>) target_semaphore(%run_scoped3A_62 : memref<!tpu.dma_semaphore, #tpu.memory_space<semaphore_mem>>)
        %dma_wait3A = arith.constant 0 : i32
        %dma_wait3A_67 = tpu.memref_slice %arg14[%run_scoped3A, %mul3A_0, %dma_wait3A] : memref<9x10240x128xf32, #tpu.memory_space<hbm>> -> memref<1x640x128xf32, #tpu.memory_space<hbm>>
        %dma_wait3A_68 = tpu.memref_squeeze %dma_wait3A_67 : memref<1x640x128xf32, #tpu.memory_space<hbm>> -> memref<640x128xf32, #tpu.memory_space<hbm>>
        %dma_wait3A_69 = arith.constant 0 : i32
        %dma_wait3A_70 = tpu.memref_slice %arg15[%mul3A_0, %dma_wait3A_69] : memref<10240x128xf32, #tpu.memory_space<vmem_shared>> -> memref<640x128xf32, #tpu.memory_space<vmem_shared>>
        tpu.wait_dma2 semaphore(%run_scoped3A_62 : memref<!tpu.dma_semaphore, #tpu.memory_space<semaphore_mem>>) src(%dma_wait3A_70 : memref<640x128xf32, #tpu.memory_space<vmem_shared>>) dst(%dma_wait3A_68 : memref<640x128xf32, #tpu.memory_space<hbm>>)
        tpu.yield
      }) : () -> ()
    } else {
    }
    %eq3A_23 = arith.constant 1 : i32
    %eq3A_24 = arith.cmpi eq, %arg0, %eq3A_23 : i32
    %convert_element_type3A_25 = arith.extui %eq3A_24 : i1 to i32
    %cond3A_26 = arith.constant 0 : i32
    %cond3A_27 = arith.cmpi ne, %convert_element_type3A_25, %cond3A_26 : i32
    scf.if %cond3A_27 {
      "tpu.region"() ({
        %run_scoped3A_62 = tpu.sem_alloc : memref<!tpu.dma_semaphore, #tpu.memory_space<semaphore_mem>>
        %dma_start3A = arith.constant 0 : i32
        %dma_start3A_63 = tpu.memref_slice %arg15[%mul3A_0, %dma_start3A] : memref<10240x128xf32, #tpu.memory_space<vmem_shared>> -> memref<640x128xf32, #tpu.memory_space<vmem_shared>>
        %dma_start3A_64 = arith.constant 0 : i32
        %dma_start3A_65 = tpu.memref_slice %arg13[%mul3A_0, %dma_start3A_64] : memref<10240x128xf32, #tpu.memory_space<hbm>> -> memref<640x128xf32, #tpu.memory_space<hbm>>
        tpu.enqueue_dma source(%dma_start3A_65 : memref<640x128xf32, #tpu.memory_space<hbm>>) target(%dma_start3A_63 : memref<640x128xf32, #tpu.memory_space<vmem_shared>>) target_semaphore(%run_scoped3A_62 : memref<!tpu.dma_semaphore, #tpu.memory_space<semaphore_mem>>)
        %dma_wait3A = arith.constant 0 : i32
        %dma_wait3A_66 = tpu.memref_slice %arg15[%mul3A_0, %dma_wait3A] : memref<10240x128xf32, #tpu.memory_space<vmem_shared>> -> memref<640x128xf32, #tpu.memory_space<vmem_shared>>
        %dma_wait3A_67 = arith.constant 0 : i32
        %dma_wait3A_68 = tpu.memref_slice %arg13[%mul3A_0, %dma_wait3A_67] : memref<10240x128xf32, #tpu.memory_space<hbm>> -> memref<640x128xf32, #tpu.memory_space<hbm>>
        tpu.wait_dma2 semaphore(%run_scoped3A_62 : memref<!tpu.dma_semaphore, #tpu.memory_space<semaphore_mem>>) src(%dma_wait3A_68 : memref<640x128xf32, #tpu.memory_space<hbm>>) dst(%dma_wait3A_66 : memref<640x128xf32, #tpu.memory_space<vmem_shared>>)
        tpu.yield
      }) : () -> ()
      %barrier3A = arith.constant 0 : index
      tpu.barrier barrier_id(%barrier3A)
      %mul3A_43 = arith.constant 160 : i32
      %mul3A_44 = arith.muli %arg1, %mul3A_43 : i32
      %add3A = arith.constant 0 : i32
      %add3A_45 = arith.addi %mul3A_44, %add3A : i32
      "tpu.region"() ({
        %run_scoped3A_62 = tpu.sem_alloc : memref<!tpu.dma_semaphore, #tpu.memory_space<semaphore_mem>>
        %dma_start3A = arith.constant 0 : i32
        %dma_start3A_63 = tpu.memref_slice %arg2[%add3A_45, %dma_start3A] : memref<2560x128xi32, #tpu.memory_space<hbm>> -> memref<80x128xi32, #tpu.memory_space<hbm>>
        %dma_start3A_64 = arith.constant 0 : i32
        %dma_start3A_65 = tpu.memref_slice %arg2[%add3A_45, %dma_start3A_64] : memref<2560x128xi32, #tpu.memory_space<hbm>> -> memref<80x128xi32, #tpu.memory_space<hbm>>
        tpu.enqueue_dma source(%dma_start3A_65 : memref<80x128xi32, #tpu.memory_space<hbm>>) target(%arg16 : memref<80x128xi32, #tpu.memory_space<vmem>>) target_semaphore(%run_scoped3A_62 : memref<!tpu.dma_semaphore, #tpu.memory_space<semaphore_mem>>)
        %dma_wait3A = arith.constant 0 : i32
        %dma_wait3A_66 = tpu.memref_slice %arg2[%add3A_45, %dma_wait3A] : memref<2560x128xi32, #tpu.memory_space<hbm>> -> memref<80x128xi32, #tpu.memory_space<hbm>>
        %dma_wait3A_67 = arith.constant 0 : i32
        %dma_wait3A_68 = tpu.memref_slice %arg2[%add3A_45, %dma_wait3A_67] : memref<2560x128xi32, #tpu.memory_space<hbm>> -> memref<80x128xi32, #tpu.memory_space<hbm>>
        tpu.wait_dma2 semaphore(%run_scoped3A_62 : memref<!tpu.dma_semaphore, #tpu.memory_space<semaphore_mem>>) src(%dma_wait3A_68 : memref<80x128xi32, #tpu.memory_space<hbm>>) dst(%arg16 : memref<80x128xi32, #tpu.memory_space<vmem>>)
        tpu.yield
      }) : () -> ()
      "tpu.region"() ({
        %run_scoped3A_62 = tpu.sem_alloc : memref<!tpu.dma_semaphore, #tpu.memory_space<semaphore_mem>>
        %dma_start3A = arith.constant 0 : i32
        %dma_start3A_63 = tpu.memref_slice %arg3[%add3A_45, %dma_start3A] : memref<2560x128xi32, #tpu.memory_space<hbm>> -> memref<80x128xi32, #tpu.memory_space<hbm>>
        %dma_start3A_64 = arith.constant 0 : i32
        %dma_start3A_65 = tpu.memref_slice %arg3[%add3A_45, %dma_start3A_64] : memref<2560x128xi32, #tpu.memory_space<hbm>> -> memref<80x128xi32, #tpu.memory_space<hbm>>
        tpu.enqueue_dma source(%dma_start3A_65 : memref<80x128xi32, #tpu.memory_space<hbm>>) target(%arg17 : memref<80x128xi32, #tpu.memory_space<vmem>>) target_semaphore(%run_scoped3A_62 : memref<!tpu.dma_semaphore, #tpu.memory_space<semaphore_mem>>)
        %dma_wait3A = arith.constant 0 : i32
        %dma_wait3A_66 = tpu.memref_slice %arg3[%add3A_45, %dma_wait3A] : memref<2560x128xi32, #tpu.memory_space<hbm>> -> memref<80x128xi32, #tpu.memory_space<hbm>>
        %dma_wait3A_67 = arith.constant 0 : i32
        %dma_wait3A_68 = tpu.memref_slice %arg3[%add3A_45, %dma_wait3A_67] : memref<2560x128xi32, #tpu.memory_space<hbm>> -> memref<80x128xi32, #tpu.memory_space<hbm>>
        tpu.wait_dma2 semaphore(%run_scoped3A_62 : memref<!tpu.dma_semaphore, #tpu.memory_space<semaphore_mem>>) src(%dma_wait3A_68 : memref<80x128xi32, #tpu.memory_space<hbm>>) dst(%arg17 : memref<80x128xi32, #tpu.memory_space<vmem>>)
        tpu.yield
      }) : () -> ()
      %scan3A = arith.constant 0 : i32
      %scan3A_46 = arith.constant 0 : i32
      %scan3A_47 = arith.constant 80 : i32
      %scan3A_48 = arith.addi %scan3A_46, %scan3A_47 : i32
      %scan3A_49 = arith.constant 1 : i32
      scf.for %scan3A_62 = %scan3A_46 to %scan3A_48 step %scan3A_49  : i32 {
        %dma_start3A = arith.constant 0 : i32
        %dma_start3A_63 = tpu.memref_slice %arg16[%scan3A_62, %dma_start3A] : memref<80x128xi32, #tpu.memory_space<vmem>> -> memref<1x128xi32, #tpu.memory_space<vmem>>
        %dma_start3A_64 = tpu.memref_squeeze %dma_start3A_63 : memref<1x128xi32, #tpu.memory_space<vmem>> -> memref<128xi32, #tpu.memory_space<vmem>>
        %dma_start3A_65 = arith.constant 0 : i32
        %dma_start3A_66 = arith.constant 0 : i32
        %dma_start3A_67 = tpu.memref_slice %arg9[%dma_start3A_65, %dma_start3A_66] : memref<10000x128xf32, #tpu.memory_space<hbm>> -> memref<10000x128xf32, #tpu.memory_space<hbm>>
        tpu.enqueue_indirect_dma source(%dma_start3A_67 : memref<10000x128xf32, #tpu.memory_space<hbm>>) target(%arg18 : memref<128x128xf32, #tpu.memory_space<vmem>>) offsets(%dma_start3A_64 : memref<128xi32, #tpu.memory_space<vmem>>) semaphore(%arg19 : memref<!tpu.dma_semaphore, #tpu.memory_space<semaphore_mem>>)
        %dma_wait3A = arith.constant 0 : i32
        %dma_wait3A_68 = tpu.memref_slice %arg16[%scan3A_62, %dma_wait3A] : memref<80x128xi32, #tpu.memory_space<vmem>> -> memref<1x128xi32, #tpu.memory_space<vmem>>
        %dma_wait3A_69 = tpu.memref_squeeze %dma_wait3A_68 : memref<1x128xi32, #tpu.memory_space<vmem>> -> memref<128xi32, #tpu.memory_space<vmem>>
        %dma_wait3A_70 = arith.constant 0 : i32
        %dma_wait3A_71 = arith.constant 0 : i32
        %dma_wait3A_72 = tpu.memref_slice %arg9[%dma_wait3A_70, %dma_wait3A_71] : memref<10000x128xf32, #tpu.memory_space<hbm>> -> memref<10000x128xf32, #tpu.memory_space<hbm>>
        tpu.wait_indirect_dma semaphore(%arg19 : memref<!tpu.dma_semaphore, #tpu.memory_space<semaphore_mem>>) src(%dma_wait3A_72 : memref<10000x128xf32, #tpu.memory_space<hbm>>) dst(%arg18 : memref<128x128xf32, #tpu.memory_space<vmem>>)
        "tpu.region"() ({
          %run_scoped3A_73 = tpu.sem_alloc : memref<!tpu.dma_semaphore, #tpu.memory_space<semaphore_mem>>
          %dma_start3A_74 = arith.constant 0 : i32
          %dma_start3A_75 = tpu.memref_slice %arg17[%scan3A_62, %dma_start3A_74] : memref<80x128xi32, #tpu.memory_space<vmem>> -> memref<1x128xi32, #tpu.memory_space<vmem>>
          %dma_start3A_76 = tpu.memref_squeeze %dma_start3A_75 : memref<1x128xi32, #tpu.memory_space<vmem>> -> memref<128xi32, #tpu.memory_space<vmem>>
          %dma_start3A_77 = arith.constant 0 : i32
          %dma_start3A_78 = arith.constant 0 : i32
          %dma_start3A_79 = tpu.memref_slice %arg15[%dma_start3A_77, %dma_start3A_78] : memref<10240x128xf32, #tpu.memory_space<vmem_shared>> -> memref<10240x128xf32, #tpu.memory_space<vmem_shared>>
          tpu.enqueue_indirect_dma source(%arg18 : memref<128x128xf32, #tpu.memory_space<vmem>>) target(%dma_start3A_79 : memref<10240x128xf32, #tpu.memory_space<vmem_shared>>) offsets(%dma_start3A_76 : memref<128xi32, #tpu.memory_space<vmem>>) semaphore(%run_scoped3A_73 : memref<!tpu.dma_semaphore, #tpu.memory_space<semaphore_mem>>) {add = true}
          %dma_wait3A_80 = arith.constant 0 : i32
          %dma_wait3A_81 = tpu.memref_slice %arg17[%scan3A_62, %dma_wait3A_80] : memref<80x128xi32, #tpu.memory_space<vmem>> -> memref<1x128xi32, #tpu.memory_space<vmem>>
          %dma_wait3A_82 = tpu.memref_squeeze %dma_wait3A_81 : memref<1x128xi32, #tpu.memory_space<vmem>> -> memref<128xi32, #tpu.memory_space<vmem>>
          %dma_wait3A_83 = arith.constant 0 : i32
          %dma_wait3A_84 = arith.constant 0 : i32
          %dma_wait3A_85 = tpu.memref_slice %arg15[%dma_wait3A_83, %dma_wait3A_84] : memref<10240x128xf32, #tpu.memory_space<vmem_shared>> -> memref<10240x128xf32, #tpu.memory_space<vmem_shared>>
          tpu.wait_indirect_dma semaphore(%run_scoped3A_73 : memref<!tpu.dma_semaphore, #tpu.memory_space<semaphore_mem>>) src(%arg18 : memref<128x128xf32, #tpu.memory_space<vmem>>) dst(%dma_wait3A_85 : memref<10240x128xf32, #tpu.memory_space<vmem_shared>>)
          tpu.yield
        }) : () -> ()
      }
      %scan3A_50 = arith.constant 80 : i32
      %mul3A_51 = arith.constant 160 : i32
      %mul3A_52 = arith.muli %arg1, %mul3A_51 : i32
      %add3A_53 = arith.constant 80 : i32
      %add3A_54 = arith.addi %mul3A_52, %add3A_53 : i32
      "tpu.region"() ({
        %run_scoped3A_62 = tpu.sem_alloc : memref<!tpu.dma_semaphore, #tpu.memory_space<semaphore_mem>>
        %dma_start3A = arith.constant 0 : i32
        %dma_start3A_63 = tpu.memref_slice %arg2[%add3A_54, %dma_start3A] : memref<2560x128xi32, #tpu.memory_space<hbm>> -> memref<80x128xi32, #tpu.memory_space<hbm>>
        %dma_start3A_64 = arith.constant 0 : i32
        %dma_start3A_65 = tpu.memref_slice %arg2[%add3A_54, %dma_start3A_64] : memref<2560x128xi32, #tpu.memory_space<hbm>> -> memref<80x128xi32, #tpu.memory_space<hbm>>
        tpu.enqueue_dma source(%dma_start3A_65 : memref<80x128xi32, #tpu.memory_space<hbm>>) target(%arg16 : memref<80x128xi32, #tpu.memory_space<vmem>>) target_semaphore(%run_scoped3A_62 : memref<!tpu.dma_semaphore, #tpu.memory_space<semaphore_mem>>)
        %dma_wait3A = arith.constant 0 : i32
        %dma_wait3A_66 = tpu.memref_slice %arg2[%add3A_54, %dma_wait3A] : memref<2560x128xi32, #tpu.memory_space<hbm>> -> memref<80x128xi32, #tpu.memory_space<hbm>>
        %dma_wait3A_67 = arith.constant 0 : i32
        %dma_wait3A_68 = tpu.memref_slice %arg2[%add3A_54, %dma_wait3A_67] : memref<2560x128xi32, #tpu.memory_space<hbm>> -> memref<80x128xi32, #tpu.memory_space<hbm>>
        tpu.wait_dma2 semaphore(%run_scoped3A_62 : memref<!tpu.dma_semaphore, #tpu.memory_space<semaphore_mem>>) src(%dma_wait3A_68 : memref<80x128xi32, #tpu.memory_space<hbm>>) dst(%arg16 : memref<80x128xi32, #tpu.memory_space<vmem>>)
        tpu.yield
      }) : () -> ()
      "tpu.region"() ({
        %run_scoped3A_62 = tpu.sem_alloc : memref<!tpu.dma_semaphore, #tpu.memory_space<semaphore_mem>>
        %dma_start3A = arith.constant 0 : i32
        %dma_start3A_63 = tpu.memref_slice %arg3[%add3A_54, %dma_start3A] : memref<2560x128xi32, #tpu.memory_space<hbm>> -> memref<80x128xi32, #tpu.memory_space<hbm>>
        %dma_start3A_64 = arith.constant 0 : i32
        %dma_start3A_65 = tpu.memref_slice %arg3[%add3A_54, %dma_start3A_64] : memref<2560x128xi32, #tpu.memory_space<hbm>> -> memref<80x128xi32, #tpu.memory_space<hbm>>
        tpu.enqueue_dma source(%dma_start3A_65 : memref<80x128xi32, #tpu.memory_space<hbm>>) target(%arg17 : memref<80x128xi32, #tpu.memory_space<vmem>>) target_semaphore(%run_scoped3A_62 : memref<!tpu.dma_semaphore, #tpu.memory_space<semaphore_mem>>)
        %dma_wait3A = arith.constant 0 : i32
        %dma_wait3A_66 = tpu.memref_slice %arg3[%add3A_54, %dma_wait3A] : memref<2560x128xi32, #tpu.memory_space<hbm>> -> memref<80x128xi32, #tpu.memory_space<hbm>>
        %dma_wait3A_67 = arith.constant 0 : i32
        %dma_wait3A_68 = tpu.memref_slice %arg3[%add3A_54, %dma_wait3A_67] : memref<2560x128xi32, #tpu.memory_space<hbm>> -> memref<80x128xi32, #tpu.memory_space<hbm>>
        tpu.wait_dma2 semaphore(%run_scoped3A_62 : memref<!tpu.dma_semaphore, #tpu.memory_space<semaphore_mem>>) src(%dma_wait3A_68 : memref<80x128xi32, #tpu.memory_space<hbm>>) dst(%arg17 : memref<80x128xi32, #tpu.memory_space<vmem>>)
        tpu.yield
      }) : () -> ()
      %scan3A_55 = arith.constant 0 : i32
      %scan3A_56 = arith.constant 0 : i32
      %scan3A_57 = arith.constant 80 : i32
      %scan3A_58 = arith.addi %scan3A_56, %scan3A_57 : i32
      %scan3A_59 = arith.constant 1 : i32
      scf.for %scan3A_62 = %scan3A_56 to %scan3A_58 step %scan3A_59  : i32 {
        %dma_start3A = arith.constant 0 : i32
        %dma_start3A_63 = tpu.memref_slice %arg16[%scan3A_62, %dma_start3A] : memref<80x128xi32, #tpu.memory_space<vmem>> -> memref<1x128xi32, #tpu.memory_space<vmem>>
        %dma_start3A_64 = tpu.memref_squeeze %dma_start3A_63 : memref<1x128xi32, #tpu.memory_space<vmem>> -> memref<128xi32, #tpu.memory_space<vmem>>
        %dma_start3A_65 = arith.constant 0 : i32
        %dma_start3A_66 = arith.constant 0 : i32
        %dma_start3A_67 = tpu.memref_slice %arg9[%dma_start3A_65, %dma_start3A_66] : memref<10000x128xf32, #tpu.memory_space<hbm>> -> memref<10000x128xf32, #tpu.memory_space<hbm>>
        tpu.enqueue_indirect_dma source(%dma_start3A_67 : memref<10000x128xf32, #tpu.memory_space<hbm>>) target(%arg18 : memref<128x128xf32, #tpu.memory_space<vmem>>) offsets(%dma_start3A_64 : memref<128xi32, #tpu.memory_space<vmem>>) semaphore(%arg19 : memref<!tpu.dma_semaphore, #tpu.memory_space<semaphore_mem>>)
        %dma_wait3A = arith.constant 0 : i32
        %dma_wait3A_68 = tpu.memref_slice %arg16[%scan3A_62, %dma_wait3A] : memref<80x128xi32, #tpu.memory_space<vmem>> -> memref<1x128xi32, #tpu.memory_space<vmem>>
        %dma_wait3A_69 = tpu.memref_squeeze %dma_wait3A_68 : memref<1x128xi32, #tpu.memory_space<vmem>> -> memref<128xi32, #tpu.memory_space<vmem>>
        %dma_wait3A_70 = arith.constant 0 : i32
        %dma_wait3A_71 = arith.constant 0 : i32
        %dma_wait3A_72 = tpu.memref_slice %arg9[%dma_wait3A_70, %dma_wait3A_71] : memref<10000x128xf32, #tpu.memory_space<hbm>> -> memref<10000x128xf32, #tpu.memory_space<hbm>>
        tpu.wait_indirect_dma semaphore(%arg19 : memref<!tpu.dma_semaphore, #tpu.memory_space<semaphore_mem>>) src(%dma_wait3A_72 : memref<10000x128xf32, #tpu.memory_space<hbm>>) dst(%arg18 : memref<128x128xf32, #tpu.memory_space<vmem>>)
        "tpu.region"() ({
          %run_scoped3A_73 = tpu.sem_alloc : memref<!tpu.dma_semaphore, #tpu.memory_space<semaphore_mem>>
          %dma_start3A_74 = arith.constant 0 : i32
          %dma_start3A_75 = tpu.memref_slice %arg17[%scan3A_62, %dma_start3A_74] : memref<80x128xi32, #tpu.memory_space<vmem>> -> memref<1x128xi32, #tpu.memory_space<vmem>>
          %dma_start3A_76 = tpu.memref_squeeze %dma_start3A_75 : memref<1x128xi32, #tpu.memory_space<vmem>> -> memref<128xi32, #tpu.memory_space<vmem>>
          %dma_start3A_77 = arith.constant 0 : i32
          %dma_start3A_78 = arith.constant 0 : i32
          %dma_start3A_79 = tpu.memref_slice %arg15[%dma_start3A_77, %dma_start3A_78] : memref<10240x128xf32, #tpu.memory_space<vmem_shared>> -> memref<10240x128xf32, #tpu.memory_space<vmem_shared>>
          tpu.enqueue_indirect_dma source(%arg18 : memref<128x128xf32, #tpu.memory_space<vmem>>) target(%dma_start3A_79 : memref<10240x128xf32, #tpu.memory_space<vmem_shared>>) offsets(%dma_start3A_76 : memref<128xi32, #tpu.memory_space<vmem>>) semaphore(%run_scoped3A_73 : memref<!tpu.dma_semaphore, #tpu.memory_space<semaphore_mem>>) {add = true}
          %dma_wait3A_80 = arith.constant 0 : i32
          %dma_wait3A_81 = tpu.memref_slice %arg17[%scan3A_62, %dma_wait3A_80] : memref<80x128xi32, #tpu.memory_space<vmem>> -> memref<1x128xi32, #tpu.memory_space<vmem>>
          %dma_wait3A_82 = tpu.memref_squeeze %dma_wait3A_81 : memref<1x128xi32, #tpu.memory_space<vmem>> -> memref<128xi32, #tpu.memory_space<vmem>>
          %dma_wait3A_83 = arith.constant 0 : i32
          %dma_wait3A_84 = arith.constant 0 : i32
          %dma_wait3A_85 = tpu.memref_slice %arg15[%dma_wait3A_83, %dma_wait3A_84] : memref<10240x128xf32, #tpu.memory_space<vmem_shared>> -> memref<10240x128xf32, #tpu.memory_space<vmem_shared>>
          tpu.wait_indirect_dma semaphore(%run_scoped3A_73 : memref<!tpu.dma_semaphore, #tpu.memory_space<semaphore_mem>>) src(%arg18 : memref<128x128xf32, #tpu.memory_space<vmem>>) dst(%dma_wait3A_85 : memref<10240x128xf32, #tpu.memory_space<vmem_shared>>)
          tpu.yield
        }) : () -> ()
      }
      %scan3A_60 = arith.constant 80 : i32
      %barrier3A_61 = arith.constant 0 : index
      tpu.barrier barrier_id(%barrier3A_61)
      %run_scoped3A = arith.constant 5 : i32
      "tpu.region"() ({
        %run_scoped3A_62 = tpu.sem_alloc : memref<!tpu.dma_semaphore, #tpu.memory_space<semaphore_mem>>
        %dma_start3A = arith.constant 0 : i32
        %dma_start3A_63 = tpu.memref_slice %arg14[%run_scoped3A, %mul3A_0, %dma_start3A] : memref<9x10240x128xf32, #tpu.memory_space<hbm>> -> memref<1x640x128xf32, #tpu.memory_space<hbm>>
        %dma_start3A_64 = tpu.memref_squeeze %dma_start3A_63 : memref<1x640x128xf32, #tpu.memory_space<hbm>> -> memref<640x128xf32, #tpu.memory_space<hbm>>
        %dma_start3A_65 = arith.constant 0 : i32
        %dma_start3A_66 = tpu.memref_slice %arg15[%mul3A_0, %dma_start3A_65] : memref<10240x128xf32, #tpu.memory_space<vmem_shared>> -> memref<640x128xf32, #tpu.memory_space<vmem_shared>>
        tpu.enqueue_dma source(%dma_start3A_66 : memref<640x128xf32, #tpu.memory_space<vmem_shared>>) target(%dma_start3A_64 : memref<640x128xf32, #tpu.memory_space<hbm>>) target_semaphore(%run_scoped3A_62 : memref<!tpu.dma_semaphore, #tpu.memory_space<semaphore_mem>>)
        %dma_wait3A = arith.constant 0 : i32
        %dma_wait3A_67 = tpu.memref_slice %arg14[%run_scoped3A, %mul3A_0, %dma_wait3A] : memref<9x10240x128xf32, #tpu.memory_space<hbm>> -> memref<1x640x128xf32, #tpu.memory_space<hbm>>
        %dma_wait3A_68 = tpu.memref_squeeze %dma_wait3A_67 : memref<1x640x128xf32, #tpu.memory_space<hbm>> -> memref<640x128xf32, #tpu.memory_space<hbm>>
        %dma_wait3A_69 = arith.constant 0 : i32
        %dma_wait3A_70 = tpu.memref_slice %arg15[%mul3A_0, %dma_wait3A_69] : memref<10240x128xf32, #tpu.memory_space<vmem_shared>> -> memref<640x128xf32, #tpu.memory_space<vmem_shared>>
        tpu.wait_dma2 semaphore(%run_scoped3A_62 : memref<!tpu.dma_semaphore, #tpu.memory_space<semaphore_mem>>) src(%dma_wait3A_70 : memref<640x128xf32, #tpu.memory_space<vmem_shared>>) dst(%dma_wait3A_68 : memref<640x128xf32, #tpu.memory_space<hbm>>)
        tpu.yield
      }) : () -> ()
    } else {
    }
    %eq3A_28 = arith.constant 1 : i32
    %eq3A_29 = arith.cmpi eq, %arg0, %eq3A_28 : i32
    %convert_element_type3A_30 = arith.extui %eq3A_29 : i1 to i32
    %cond3A_31 = arith.constant 0 : i32
    %cond3A_32 = arith.cmpi ne, %convert_element_type3A_30, %cond3A_31 : i32
    scf.if %cond3A_32 {
      "tpu.region"() ({
        %run_scoped3A_62 = tpu.sem_alloc : memref<!tpu.dma_semaphore, #tpu.memory_space<semaphore_mem>>
        %dma_start3A = arith.constant 0 : i32
        %dma_start3A_63 = tpu.memref_slice %arg15[%mul3A_0, %dma_start3A] : memref<10240x128xf32, #tpu.memory_space<vmem_shared>> -> memref<640x128xf32, #tpu.memory_space<vmem_shared>>
        %dma_start3A_64 = arith.constant 0 : i32
        %dma_start3A_65 = tpu.memref_slice %arg13[%mul3A_0, %dma_start3A_64] : memref<10240x128xf32, #tpu.memory_space<hbm>> -> memref<640x128xf32, #tpu.memory_space<hbm>>
        tpu.enqueue_dma source(%dma_start3A_65 : memref<640x128xf32, #tpu.memory_space<hbm>>) target(%dma_start3A_63 : memref<640x128xf32, #tpu.memory_space<vmem_shared>>) target_semaphore(%run_scoped3A_62 : memref<!tpu.dma_semaphore, #tpu.memory_space<semaphore_mem>>)
        %dma_wait3A = arith.constant 0 : i32
        %dma_wait3A_66 = tpu.memref_slice %arg15[%mul3A_0, %dma_wait3A] : memref<10240x128xf32, #tpu.memory_space<vmem_shared>> -> memref<640x128xf32, #tpu.memory_space<vmem_shared>>
        %dma_wait3A_67 = arith.constant 0 : i32
        %dma_wait3A_68 = tpu.memref_slice %arg13[%mul3A_0, %dma_wait3A_67] : memref<10240x128xf32, #tpu.memory_space<hbm>> -> memref<640x128xf32, #tpu.memory_space<hbm>>
        tpu.wait_dma2 semaphore(%run_scoped3A_62 : memref<!tpu.dma_semaphore, #tpu.memory_space<semaphore_mem>>) src(%dma_wait3A_68 : memref<640x128xf32, #tpu.memory_space<hbm>>) dst(%dma_wait3A_66 : memref<640x128xf32, #tpu.memory_space<vmem_shared>>)
        tpu.yield
      }) : () -> ()
      %barrier3A = arith.constant 0 : index
      tpu.barrier barrier_id(%barrier3A)
      %mul3A_43 = arith.constant 160 : i32
      %mul3A_44 = arith.muli %arg1, %mul3A_43 : i32
      %add3A = arith.constant 0 : i32
      %add3A_45 = arith.addi %mul3A_44, %add3A : i32
      "tpu.region"() ({
        %run_scoped3A_62 = tpu.sem_alloc : memref<!tpu.dma_semaphore, #tpu.memory_space<semaphore_mem>>
        %dma_start3A = arith.constant 0 : i32
        %dma_start3A_63 = tpu.memref_slice %arg2[%add3A_45, %dma_start3A] : memref<2560x128xi32, #tpu.memory_space<hbm>> -> memref<80x128xi32, #tpu.memory_space<hbm>>
        %dma_start3A_64 = arith.constant 0 : i32
        %dma_start3A_65 = tpu.memref_slice %arg2[%add3A_45, %dma_start3A_64] : memref<2560x128xi32, #tpu.memory_space<hbm>> -> memref<80x128xi32, #tpu.memory_space<hbm>>
        tpu.enqueue_dma source(%dma_start3A_65 : memref<80x128xi32, #tpu.memory_space<hbm>>) target(%arg16 : memref<80x128xi32, #tpu.memory_space<vmem>>) target_semaphore(%run_scoped3A_62 : memref<!tpu.dma_semaphore, #tpu.memory_space<semaphore_mem>>)
        %dma_wait3A = arith.constant 0 : i32
        %dma_wait3A_66 = tpu.memref_slice %arg2[%add3A_45, %dma_wait3A] : memref<2560x128xi32, #tpu.memory_space<hbm>> -> memref<80x128xi32, #tpu.memory_space<hbm>>
        %dma_wait3A_67 = arith.constant 0 : i32
        %dma_wait3A_68 = tpu.memref_slice %arg2[%add3A_45, %dma_wait3A_67] : memref<2560x128xi32, #tpu.memory_space<hbm>> -> memref<80x128xi32, #tpu.memory_space<hbm>>
        tpu.wait_dma2 semaphore(%run_scoped3A_62 : memref<!tpu.dma_semaphore, #tpu.memory_space<semaphore_mem>>) src(%dma_wait3A_68 : memref<80x128xi32, #tpu.memory_space<hbm>>) dst(%arg16 : memref<80x128xi32, #tpu.memory_space<vmem>>)
        tpu.yield
      }) : () -> ()
      "tpu.region"() ({
        %run_scoped3A_62 = tpu.sem_alloc : memref<!tpu.dma_semaphore, #tpu.memory_space<semaphore_mem>>
        %dma_start3A = arith.constant 0 : i32
        %dma_start3A_63 = tpu.memref_slice %arg3[%add3A_45, %dma_start3A] : memref<2560x128xi32, #tpu.memory_space<hbm>> -> memref<80x128xi32, #tpu.memory_space<hbm>>
        %dma_start3A_64 = arith.constant 0 : i32
        %dma_start3A_65 = tpu.memref_slice %arg3[%add3A_45, %dma_start3A_64] : memref<2560x128xi32, #tpu.memory_space<hbm>> -> memref<80x128xi32, #tpu.memory_space<hbm>>
        tpu.enqueue_dma source(%dma_start3A_65 : memref<80x128xi32, #tpu.memory_space<hbm>>) target(%arg17 : memref<80x128xi32, #tpu.memory_space<vmem>>) target_semaphore(%run_scoped3A_62 : memref<!tpu.dma_semaphore, #tpu.memory_space<semaphore_mem>>)
        %dma_wait3A = arith.constant 0 : i32
        %dma_wait3A_66 = tpu.memref_slice %arg3[%add3A_45, %dma_wait3A] : memref<2560x128xi32, #tpu.memory_space<hbm>> -> memref<80x128xi32, #tpu.memory_space<hbm>>
        %dma_wait3A_67 = arith.constant 0 : i32
        %dma_wait3A_68 = tpu.memref_slice %arg3[%add3A_45, %dma_wait3A_67] : memref<2560x128xi32, #tpu.memory_space<hbm>> -> memref<80x128xi32, #tpu.memory_space<hbm>>
        tpu.wait_dma2 semaphore(%run_scoped3A_62 : memref<!tpu.dma_semaphore, #tpu.memory_space<semaphore_mem>>) src(%dma_wait3A_68 : memref<80x128xi32, #tpu.memory_space<hbm>>) dst(%arg17 : memref<80x128xi32, #tpu.memory_space<vmem>>)
        tpu.yield
      }) : () -> ()
      %scan3A = arith.constant 0 : i32
      %scan3A_46 = arith.constant 0 : i32
      %scan3A_47 = arith.constant 80 : i32
      %scan3A_48 = arith.addi %scan3A_46, %scan3A_47 : i32
      %scan3A_49 = arith.constant 1 : i32
      scf.for %scan3A_62 = %scan3A_46 to %scan3A_48 step %scan3A_49  : i32 {
        %dma_start3A = arith.constant 0 : i32
        %dma_start3A_63 = tpu.memref_slice %arg16[%scan3A_62, %dma_start3A] : memref<80x128xi32, #tpu.memory_space<vmem>> -> memref<1x128xi32, #tpu.memory_space<vmem>>
        %dma_start3A_64 = tpu.memref_squeeze %dma_start3A_63 : memref<1x128xi32, #tpu.memory_space<vmem>> -> memref<128xi32, #tpu.memory_space<vmem>>
        %dma_start3A_65 = arith.constant 0 : i32
        %dma_start3A_66 = arith.constant 0 : i32
        %dma_start3A_67 = tpu.memref_slice %arg10[%dma_start3A_65, %dma_start3A_66] : memref<10000x128xf32, #tpu.memory_space<hbm>> -> memref<10000x128xf32, #tpu.memory_space<hbm>>
        tpu.enqueue_indirect_dma source(%dma_start3A_67 : memref<10000x128xf32, #tpu.memory_space<hbm>>) target(%arg18 : memref<128x128xf32, #tpu.memory_space<vmem>>) offsets(%dma_start3A_64 : memref<128xi32, #tpu.memory_space<vmem>>) semaphore(%arg19 : memref<!tpu.dma_semaphore, #tpu.memory_space<semaphore_mem>>)
        %dma_wait3A = arith.constant 0 : i32
        %dma_wait3A_68 = tpu.memref_slice %arg16[%scan3A_62, %dma_wait3A] : memref<80x128xi32, #tpu.memory_space<vmem>> -> memref<1x128xi32, #tpu.memory_space<vmem>>
        %dma_wait3A_69 = tpu.memref_squeeze %dma_wait3A_68 : memref<1x128xi32, #tpu.memory_space<vmem>> -> memref<128xi32, #tpu.memory_space<vmem>>
        %dma_wait3A_70 = arith.constant 0 : i32
        %dma_wait3A_71 = arith.constant 0 : i32
        %dma_wait3A_72 = tpu.memref_slice %arg10[%dma_wait3A_70, %dma_wait3A_71] : memref<10000x128xf32, #tpu.memory_space<hbm>> -> memref<10000x128xf32, #tpu.memory_space<hbm>>
        tpu.wait_indirect_dma semaphore(%arg19 : memref<!tpu.dma_semaphore, #tpu.memory_space<semaphore_mem>>) src(%dma_wait3A_72 : memref<10000x128xf32, #tpu.memory_space<hbm>>) dst(%arg18 : memref<128x128xf32, #tpu.memory_space<vmem>>)
        "tpu.region"() ({
          %run_scoped3A_73 = tpu.sem_alloc : memref<!tpu.dma_semaphore, #tpu.memory_space<semaphore_mem>>
          %dma_start3A_74 = arith.constant 0 : i32
          %dma_start3A_75 = tpu.memref_slice %arg17[%scan3A_62, %dma_start3A_74] : memref<80x128xi32, #tpu.memory_space<vmem>> -> memref<1x128xi32, #tpu.memory_space<vmem>>
          %dma_start3A_76 = tpu.memref_squeeze %dma_start3A_75 : memref<1x128xi32, #tpu.memory_space<vmem>> -> memref<128xi32, #tpu.memory_space<vmem>>
          %dma_start3A_77 = arith.constant 0 : i32
          %dma_start3A_78 = arith.constant 0 : i32
          %dma_start3A_79 = tpu.memref_slice %arg15[%dma_start3A_77, %dma_start3A_78] : memref<10240x128xf32, #tpu.memory_space<vmem_shared>> -> memref<10240x128xf32, #tpu.memory_space<vmem_shared>>
          tpu.enqueue_indirect_dma source(%arg18 : memref<128x128xf32, #tpu.memory_space<vmem>>) target(%dma_start3A_79 : memref<10240x128xf32, #tpu.memory_space<vmem_shared>>) offsets(%dma_start3A_76 : memref<128xi32, #tpu.memory_space<vmem>>) semaphore(%run_scoped3A_73 : memref<!tpu.dma_semaphore, #tpu.memory_space<semaphore_mem>>) {add = true}
          %dma_wait3A_80 = arith.constant 0 : i32
          %dma_wait3A_81 = tpu.memref_slice %arg17[%scan3A_62, %dma_wait3A_80] : memref<80x128xi32, #tpu.memory_space<vmem>> -> memref<1x128xi32, #tpu.memory_space<vmem>>
          %dma_wait3A_82 = tpu.memref_squeeze %dma_wait3A_81 : memref<1x128xi32, #tpu.memory_space<vmem>> -> memref<128xi32, #tpu.memory_space<vmem>>
          %dma_wait3A_83 = arith.constant 0 : i32
          %dma_wait3A_84 = arith.constant 0 : i32
          %dma_wait3A_85 = tpu.memref_slice %arg15[%dma_wait3A_83, %dma_wait3A_84] : memref<10240x128xf32, #tpu.memory_space<vmem_shared>> -> memref<10240x128xf32, #tpu.memory_space<vmem_shared>>
          tpu.wait_indirect_dma semaphore(%run_scoped3A_73 : memref<!tpu.dma_semaphore, #tpu.memory_space<semaphore_mem>>) src(%arg18 : memref<128x128xf32, #tpu.memory_space<vmem>>) dst(%dma_wait3A_85 : memref<10240x128xf32, #tpu.memory_space<vmem_shared>>)
          tpu.yield
        }) : () -> ()
      }
      %scan3A_50 = arith.constant 80 : i32
      %mul3A_51 = arith.constant 160 : i32
      %mul3A_52 = arith.muli %arg1, %mul3A_51 : i32
      %add3A_53 = arith.constant 80 : i32
      %add3A_54 = arith.addi %mul3A_52, %add3A_53 : i32
      "tpu.region"() ({
        %run_scoped3A_62 = tpu.sem_alloc : memref<!tpu.dma_semaphore, #tpu.memory_space<semaphore_mem>>
        %dma_start3A = arith.constant 0 : i32
        %dma_start3A_63 = tpu.memref_slice %arg2[%add3A_54, %dma_start3A] : memref<2560x128xi32, #tpu.memory_space<hbm>> -> memref<80x128xi32, #tpu.memory_space<hbm>>
        %dma_start3A_64 = arith.constant 0 : i32
        %dma_start3A_65 = tpu.memref_slice %arg2[%add3A_54, %dma_start3A_64] : memref<2560x128xi32, #tpu.memory_space<hbm>> -> memref<80x128xi32, #tpu.memory_space<hbm>>
        tpu.enqueue_dma source(%dma_start3A_65 : memref<80x128xi32, #tpu.memory_space<hbm>>) target(%arg16 : memref<80x128xi32, #tpu.memory_space<vmem>>) target_semaphore(%run_scoped3A_62 : memref<!tpu.dma_semaphore, #tpu.memory_space<semaphore_mem>>)
        %dma_wait3A = arith.constant 0 : i32
        %dma_wait3A_66 = tpu.memref_slice %arg2[%add3A_54, %dma_wait3A] : memref<2560x128xi32, #tpu.memory_space<hbm>> -> memref<80x128xi32, #tpu.memory_space<hbm>>
        %dma_wait3A_67 = arith.constant 0 : i32
        %dma_wait3A_68 = tpu.memref_slice %arg2[%add3A_54, %dma_wait3A_67] : memref<2560x128xi32, #tpu.memory_space<hbm>> -> memref<80x128xi32, #tpu.memory_space<hbm>>
        tpu.wait_dma2 semaphore(%run_scoped3A_62 : memref<!tpu.dma_semaphore, #tpu.memory_space<semaphore_mem>>) src(%dma_wait3A_68 : memref<80x128xi32, #tpu.memory_space<hbm>>) dst(%arg16 : memref<80x128xi32, #tpu.memory_space<vmem>>)
        tpu.yield
      }) : () -> ()
      "tpu.region"() ({
        %run_scoped3A_62 = tpu.sem_alloc : memref<!tpu.dma_semaphore, #tpu.memory_space<semaphore_mem>>
        %dma_start3A = arith.constant 0 : i32
        %dma_start3A_63 = tpu.memref_slice %arg3[%add3A_54, %dma_start3A] : memref<2560x128xi32, #tpu.memory_space<hbm>> -> memref<80x128xi32, #tpu.memory_space<hbm>>
        %dma_start3A_64 = arith.constant 0 : i32
        %dma_start3A_65 = tpu.memref_slice %arg3[%add3A_54, %dma_start3A_64] : memref<2560x128xi32, #tpu.memory_space<hbm>> -> memref<80x128xi32, #tpu.memory_space<hbm>>
        tpu.enqueue_dma source(%dma_start3A_65 : memref<80x128xi32, #tpu.memory_space<hbm>>) target(%arg17 : memref<80x128xi32, #tpu.memory_space<vmem>>) target_semaphore(%run_scoped3A_62 : memref<!tpu.dma_semaphore, #tpu.memory_space<semaphore_mem>>)
        %dma_wait3A = arith.constant 0 : i32
        %dma_wait3A_66 = tpu.memref_slice %arg3[%add3A_54, %dma_wait3A] : memref<2560x128xi32, #tpu.memory_space<hbm>> -> memref<80x128xi32, #tpu.memory_space<hbm>>
        %dma_wait3A_67 = arith.constant 0 : i32
        %dma_wait3A_68 = tpu.memref_slice %arg3[%add3A_54, %dma_wait3A_67] : memref<2560x128xi32, #tpu.memory_space<hbm>> -> memref<80x128xi32, #tpu.memory_space<hbm>>
        tpu.wait_dma2 semaphore(%run_scoped3A_62 : memref<!tpu.dma_semaphore, #tpu.memory_space<semaphore_mem>>) src(%dma_wait3A_68 : memref<80x128xi32, #tpu.memory_space<hbm>>) dst(%arg17 : memref<80x128xi32, #tpu.memory_space<vmem>>)
        tpu.yield
      }) : () -> ()
      %scan3A_55 = arith.constant 0 : i32
      %scan3A_56 = arith.constant 0 : i32
      %scan3A_57 = arith.constant 80 : i32
      %scan3A_58 = arith.addi %scan3A_56, %scan3A_57 : i32
      %scan3A_59 = arith.constant 1 : i32
      scf.for %scan3A_62 = %scan3A_56 to %scan3A_58 step %scan3A_59  : i32 {
        %dma_start3A = arith.constant 0 : i32
        %dma_start3A_63 = tpu.memref_slice %arg16[%scan3A_62, %dma_start3A] : memref<80x128xi32, #tpu.memory_space<vmem>> -> memref<1x128xi32, #tpu.memory_space<vmem>>
        %dma_start3A_64 = tpu.memref_squeeze %dma_start3A_63 : memref<1x128xi32, #tpu.memory_space<vmem>> -> memref<128xi32, #tpu.memory_space<vmem>>
        %dma_start3A_65 = arith.constant 0 : i32
        %dma_start3A_66 = arith.constant 0 : i32
        %dma_start3A_67 = tpu.memref_slice %arg10[%dma_start3A_65, %dma_start3A_66] : memref<10000x128xf32, #tpu.memory_space<hbm>> -> memref<10000x128xf32, #tpu.memory_space<hbm>>
        tpu.enqueue_indirect_dma source(%dma_start3A_67 : memref<10000x128xf32, #tpu.memory_space<hbm>>) target(%arg18 : memref<128x128xf32, #tpu.memory_space<vmem>>) offsets(%dma_start3A_64 : memref<128xi32, #tpu.memory_space<vmem>>) semaphore(%arg19 : memref<!tpu.dma_semaphore, #tpu.memory_space<semaphore_mem>>)
        %dma_wait3A = arith.constant 0 : i32
        %dma_wait3A_68 = tpu.memref_slice %arg16[%scan3A_62, %dma_wait3A] : memref<80x128xi32, #tpu.memory_space<vmem>> -> memref<1x128xi32, #tpu.memory_space<vmem>>
        %dma_wait3A_69 = tpu.memref_squeeze %dma_wait3A_68 : memref<1x128xi32, #tpu.memory_space<vmem>> -> memref<128xi32, #tpu.memory_space<vmem>>
        %dma_wait3A_70 = arith.constant 0 : i32
        %dma_wait3A_71 = arith.constant 0 : i32
        %dma_wait3A_72 = tpu.memref_slice %arg10[%dma_wait3A_70, %dma_wait3A_71] : memref<10000x128xf32, #tpu.memory_space<hbm>> -> memref<10000x128xf32, #tpu.memory_space<hbm>>
        tpu.wait_indirect_dma semaphore(%arg19 : memref<!tpu.dma_semaphore, #tpu.memory_space<semaphore_mem>>) src(%dma_wait3A_72 : memref<10000x128xf32, #tpu.memory_space<hbm>>) dst(%arg18 : memref<128x128xf32, #tpu.memory_space<vmem>>)
        "tpu.region"() ({
          %run_scoped3A_73 = tpu.sem_alloc : memref<!tpu.dma_semaphore, #tpu.memory_space<semaphore_mem>>
          %dma_start3A_74 = arith.constant 0 : i32
          %dma_start3A_75 = tpu.memref_slice %arg17[%scan3A_62, %dma_start3A_74] : memref<80x128xi32, #tpu.memory_space<vmem>> -> memref<1x128xi32, #tpu.memory_space<vmem>>
          %dma_start3A_76 = tpu.memref_squeeze %dma_start3A_75 : memref<1x128xi32, #tpu.memory_space<vmem>> -> memref<128xi32, #tpu.memory_space<vmem>>
          %dma_start3A_77 = arith.constant 0 : i32
          %dma_start3A_78 = arith.constant 0 : i32
          %dma_start3A_79 = tpu.memref_slice %arg15[%dma_start3A_77, %dma_start3A_78] : memref<10240x128xf32, #tpu.memory_space<vmem_shared>> -> memref<10240x128xf32, #tpu.memory_space<vmem_shared>>
          tpu.enqueue_indirect_dma source(%arg18 : memref<128x128xf32, #tpu.memory_space<vmem>>) target(%dma_start3A_79 : memref<10240x128xf32, #tpu.memory_space<vmem_shared>>) offsets(%dma_start3A_76 : memref<128xi32, #tpu.memory_space<vmem>>) semaphore(%run_scoped3A_73 : memref<!tpu.dma_semaphore, #tpu.memory_space<semaphore_mem>>) {add = true}
          %dma_wait3A_80 = arith.constant 0 : i32
          %dma_wait3A_81 = tpu.memref_slice %arg17[%scan3A_62, %dma_wait3A_80] : memref<80x128xi32, #tpu.memory_space<vmem>> -> memref<1x128xi32, #tpu.memory_space<vmem>>
          %dma_wait3A_82 = tpu.memref_squeeze %dma_wait3A_81 : memref<1x128xi32, #tpu.memory_space<vmem>> -> memref<128xi32, #tpu.memory_space<vmem>>
          %dma_wait3A_83 = arith.constant 0 : i32
          %dma_wait3A_84 = arith.constant 0 : i32
          %dma_wait3A_85 = tpu.memref_slice %arg15[%dma_wait3A_83, %dma_wait3A_84] : memref<10240x128xf32, #tpu.memory_space<vmem_shared>> -> memref<10240x128xf32, #tpu.memory_space<vmem_shared>>
          tpu.wait_indirect_dma semaphore(%run_scoped3A_73 : memref<!tpu.dma_semaphore, #tpu.memory_space<semaphore_mem>>) src(%arg18 : memref<128x128xf32, #tpu.memory_space<vmem>>) dst(%dma_wait3A_85 : memref<10240x128xf32, #tpu.memory_space<vmem_shared>>)
          tpu.yield
        }) : () -> ()
      }
      %scan3A_60 = arith.constant 80 : i32
      %barrier3A_61 = arith.constant 0 : index
      tpu.barrier barrier_id(%barrier3A_61)
      %run_scoped3A = arith.constant 6 : i32
      "tpu.region"() ({
        %run_scoped3A_62 = tpu.sem_alloc : memref<!tpu.dma_semaphore, #tpu.memory_space<semaphore_mem>>
        %dma_start3A = arith.constant 0 : i32
        %dma_start3A_63 = tpu.memref_slice %arg14[%run_scoped3A, %mul3A_0, %dma_start3A] : memref<9x10240x128xf32, #tpu.memory_space<hbm>> -> memref<1x640x128xf32, #tpu.memory_space<hbm>>
        %dma_start3A_64 = tpu.memref_squeeze %dma_start3A_63 : memref<1x640x128xf32, #tpu.memory_space<hbm>> -> memref<640x128xf32, #tpu.memory_space<hbm>>
        %dma_start3A_65 = arith.constant 0 : i32
        %dma_start3A_66 = tpu.memref_slice %arg15[%mul3A_0, %dma_start3A_65] : memref<10240x128xf32, #tpu.memory_space<vmem_shared>> -> memref<640x128xf32, #tpu.memory_space<vmem_shared>>
        tpu.enqueue_dma source(%dma_start3A_66 : memref<640x128xf32, #tpu.memory_space<vmem_shared>>) target(%dma_start3A_64 : memref<640x128xf32, #tpu.memory_space<hbm>>) target_semaphore(%run_scoped3A_62 : memref<!tpu.dma_semaphore, #tpu.memory_space<semaphore_mem>>)
        %dma_wait3A = arith.constant 0 : i32
        %dma_wait3A_67 = tpu.memref_slice %arg14[%run_scoped3A, %mul3A_0, %dma_wait3A] : memref<9x10240x128xf32, #tpu.memory_space<hbm>> -> memref<1x640x128xf32, #tpu.memory_space<hbm>>
        %dma_wait3A_68 = tpu.memref_squeeze %dma_wait3A_67 : memref<1x640x128xf32, #tpu.memory_space<hbm>> -> memref<640x128xf32, #tpu.memory_space<hbm>>
        %dma_wait3A_69 = arith.constant 0 : i32
        %dma_wait3A_70 = tpu.memref_slice %arg15[%mul3A_0, %dma_wait3A_69] : memref<10240x128xf32, #tpu.memory_space<vmem_shared>> -> memref<640x128xf32, #tpu.memory_space<vmem_shared>>
        tpu.wait_dma2 semaphore(%run_scoped3A_62 : memref<!tpu.dma_semaphore, #tpu.memory_space<semaphore_mem>>) src(%dma_wait3A_70 : memref<640x128xf32, #tpu.memory_space<vmem_shared>>) dst(%dma_wait3A_68 : memref<640x128xf32, #tpu.memory_space<hbm>>)
        tpu.yield
      }) : () -> ()
    } else {
    }
    %eq3A_33 = arith.constant 1 : i32
    %eq3A_34 = arith.cmpi eq, %arg0, %eq3A_33 : i32
    %convert_element_type3A_35 = arith.extui %eq3A_34 : i1 to i32
    %cond3A_36 = arith.constant 0 : i32
    %cond3A_37 = arith.cmpi ne, %convert_element_type3A_35, %cond3A_36 : i32
    scf.if %cond3A_37 {
      "tpu.region"() ({
        %run_scoped3A_62 = tpu.sem_alloc : memref<!tpu.dma_semaphore, #tpu.memory_space<semaphore_mem>>
        %dma_start3A = arith.constant 0 : i32
        %dma_start3A_63 = tpu.memref_slice %arg15[%mul3A_0, %dma_start3A] : memref<10240x128xf32, #tpu.memory_space<vmem_shared>> -> memref<640x128xf32, #tpu.memory_space<vmem_shared>>
        %dma_start3A_64 = arith.constant 0 : i32
        %dma_start3A_65 = tpu.memref_slice %arg13[%mul3A_0, %dma_start3A_64] : memref<10240x128xf32, #tpu.memory_space<hbm>> -> memref<640x128xf32, #tpu.memory_space<hbm>>
        tpu.enqueue_dma source(%dma_start3A_65 : memref<640x128xf32, #tpu.memory_space<hbm>>) target(%dma_start3A_63 : memref<640x128xf32, #tpu.memory_space<vmem_shared>>) target_semaphore(%run_scoped3A_62 : memref<!tpu.dma_semaphore, #tpu.memory_space<semaphore_mem>>)
        %dma_wait3A = arith.constant 0 : i32
        %dma_wait3A_66 = tpu.memref_slice %arg15[%mul3A_0, %dma_wait3A] : memref<10240x128xf32, #tpu.memory_space<vmem_shared>> -> memref<640x128xf32, #tpu.memory_space<vmem_shared>>
        %dma_wait3A_67 = arith.constant 0 : i32
        %dma_wait3A_68 = tpu.memref_slice %arg13[%mul3A_0, %dma_wait3A_67] : memref<10240x128xf32, #tpu.memory_space<hbm>> -> memref<640x128xf32, #tpu.memory_space<hbm>>
        tpu.wait_dma2 semaphore(%run_scoped3A_62 : memref<!tpu.dma_semaphore, #tpu.memory_space<semaphore_mem>>) src(%dma_wait3A_68 : memref<640x128xf32, #tpu.memory_space<hbm>>) dst(%dma_wait3A_66 : memref<640x128xf32, #tpu.memory_space<vmem_shared>>)
        tpu.yield
      }) : () -> ()
      %barrier3A = arith.constant 0 : index
      tpu.barrier barrier_id(%barrier3A)
      %mul3A_43 = arith.constant 160 : i32
      %mul3A_44 = arith.muli %arg1, %mul3A_43 : i32
      %add3A = arith.constant 0 : i32
      %add3A_45 = arith.addi %mul3A_44, %add3A : i32
      "tpu.region"() ({
        %run_scoped3A_62 = tpu.sem_alloc : memref<!tpu.dma_semaphore, #tpu.memory_space<semaphore_mem>>
        %dma_start3A = arith.constant 0 : i32
        %dma_start3A_63 = tpu.memref_slice %arg2[%add3A_45, %dma_start3A] : memref<2560x128xi32, #tpu.memory_space<hbm>> -> memref<80x128xi32, #tpu.memory_space<hbm>>
        %dma_start3A_64 = arith.constant 0 : i32
        %dma_start3A_65 = tpu.memref_slice %arg2[%add3A_45, %dma_start3A_64] : memref<2560x128xi32, #tpu.memory_space<hbm>> -> memref<80x128xi32, #tpu.memory_space<hbm>>
        tpu.enqueue_dma source(%dma_start3A_65 : memref<80x128xi32, #tpu.memory_space<hbm>>) target(%arg16 : memref<80x128xi32, #tpu.memory_space<vmem>>) target_semaphore(%run_scoped3A_62 : memref<!tpu.dma_semaphore, #tpu.memory_space<semaphore_mem>>)
        %dma_wait3A = arith.constant 0 : i32
        %dma_wait3A_66 = tpu.memref_slice %arg2[%add3A_45, %dma_wait3A] : memref<2560x128xi32, #tpu.memory_space<hbm>> -> memref<80x128xi32, #tpu.memory_space<hbm>>
        %dma_wait3A_67 = arith.constant 0 : i32
        %dma_wait3A_68 = tpu.memref_slice %arg2[%add3A_45, %dma_wait3A_67] : memref<2560x128xi32, #tpu.memory_space<hbm>> -> memref<80x128xi32, #tpu.memory_space<hbm>>
        tpu.wait_dma2 semaphore(%run_scoped3A_62 : memref<!tpu.dma_semaphore, #tpu.memory_space<semaphore_mem>>) src(%dma_wait3A_68 : memref<80x128xi32, #tpu.memory_space<hbm>>) dst(%arg16 : memref<80x128xi32, #tpu.memory_space<vmem>>)
        tpu.yield
      }) : () -> ()
      "tpu.region"() ({
        %run_scoped3A_62 = tpu.sem_alloc : memref<!tpu.dma_semaphore, #tpu.memory_space<semaphore_mem>>
        %dma_start3A = arith.constant 0 : i32
        %dma_start3A_63 = tpu.memref_slice %arg3[%add3A_45, %dma_start3A] : memref<2560x128xi32, #tpu.memory_space<hbm>> -> memref<80x128xi32, #tpu.memory_space<hbm>>
        %dma_start3A_64 = arith.constant 0 : i32
        %dma_start3A_65 = tpu.memref_slice %arg3[%add3A_45, %dma_start3A_64] : memref<2560x128xi32, #tpu.memory_space<hbm>> -> memref<80x128xi32, #tpu.memory_space<hbm>>
        tpu.enqueue_dma source(%dma_start3A_65 : memref<80x128xi32, #tpu.memory_space<hbm>>) target(%arg17 : memref<80x128xi32, #tpu.memory_space<vmem>>) target_semaphore(%run_scoped3A_62 : memref<!tpu.dma_semaphore, #tpu.memory_space<semaphore_mem>>)
        %dma_wait3A = arith.constant 0 : i32
        %dma_wait3A_66 = tpu.memref_slice %arg3[%add3A_45, %dma_wait3A] : memref<2560x128xi32, #tpu.memory_space<hbm>> -> memref<80x128xi32, #tpu.memory_space<hbm>>
        %dma_wait3A_67 = arith.constant 0 : i32
        %dma_wait3A_68 = tpu.memref_slice %arg3[%add3A_45, %dma_wait3A_67] : memref<2560x128xi32, #tpu.memory_space<hbm>> -> memref<80x128xi32, #tpu.memory_space<hbm>>
        tpu.wait_dma2 semaphore(%run_scoped3A_62 : memref<!tpu.dma_semaphore, #tpu.memory_space<semaphore_mem>>) src(%dma_wait3A_68 : memref<80x128xi32, #tpu.memory_space<hbm>>) dst(%arg17 : memref<80x128xi32, #tpu.memory_space<vmem>>)
        tpu.yield
      }) : () -> ()
      %scan3A = arith.constant 0 : i32
      %scan3A_46 = arith.constant 0 : i32
      %scan3A_47 = arith.constant 80 : i32
      %scan3A_48 = arith.addi %scan3A_46, %scan3A_47 : i32
      %scan3A_49 = arith.constant 1 : i32
      scf.for %scan3A_62 = %scan3A_46 to %scan3A_48 step %scan3A_49  : i32 {
        %dma_start3A = arith.constant 0 : i32
        %dma_start3A_63 = tpu.memref_slice %arg16[%scan3A_62, %dma_start3A] : memref<80x128xi32, #tpu.memory_space<vmem>> -> memref<1x128xi32, #tpu.memory_space<vmem>>
        %dma_start3A_64 = tpu.memref_squeeze %dma_start3A_63 : memref<1x128xi32, #tpu.memory_space<vmem>> -> memref<128xi32, #tpu.memory_space<vmem>>
        %dma_start3A_65 = arith.constant 0 : i32
        %dma_start3A_66 = arith.constant 0 : i32
        %dma_start3A_67 = tpu.memref_slice %arg11[%dma_start3A_65, %dma_start3A_66] : memref<10000x128xf32, #tpu.memory_space<hbm>> -> memref<10000x128xf32, #tpu.memory_space<hbm>>
        tpu.enqueue_indirect_dma source(%dma_start3A_67 : memref<10000x128xf32, #tpu.memory_space<hbm>>) target(%arg18 : memref<128x128xf32, #tpu.memory_space<vmem>>) offsets(%dma_start3A_64 : memref<128xi32, #tpu.memory_space<vmem>>) semaphore(%arg19 : memref<!tpu.dma_semaphore, #tpu.memory_space<semaphore_mem>>)
        %dma_wait3A = arith.constant 0 : i32
        %dma_wait3A_68 = tpu.memref_slice %arg16[%scan3A_62, %dma_wait3A] : memref<80x128xi32, #tpu.memory_space<vmem>> -> memref<1x128xi32, #tpu.memory_space<vmem>>
        %dma_wait3A_69 = tpu.memref_squeeze %dma_wait3A_68 : memref<1x128xi32, #tpu.memory_space<vmem>> -> memref<128xi32, #tpu.memory_space<vmem>>
        %dma_wait3A_70 = arith.constant 0 : i32
        %dma_wait3A_71 = arith.constant 0 : i32
        %dma_wait3A_72 = tpu.memref_slice %arg11[%dma_wait3A_70, %dma_wait3A_71] : memref<10000x128xf32, #tpu.memory_space<hbm>> -> memref<10000x128xf32, #tpu.memory_space<hbm>>
        tpu.wait_indirect_dma semaphore(%arg19 : memref<!tpu.dma_semaphore, #tpu.memory_space<semaphore_mem>>) src(%dma_wait3A_72 : memref<10000x128xf32, #tpu.memory_space<hbm>>) dst(%arg18 : memref<128x128xf32, #tpu.memory_space<vmem>>)
        "tpu.region"() ({
          %run_scoped3A_73 = tpu.sem_alloc : memref<!tpu.dma_semaphore, #tpu.memory_space<semaphore_mem>>
          %dma_start3A_74 = arith.constant 0 : i32
          %dma_start3A_75 = tpu.memref_slice %arg17[%scan3A_62, %dma_start3A_74] : memref<80x128xi32, #tpu.memory_space<vmem>> -> memref<1x128xi32, #tpu.memory_space<vmem>>
          %dma_start3A_76 = tpu.memref_squeeze %dma_start3A_75 : memref<1x128xi32, #tpu.memory_space<vmem>> -> memref<128xi32, #tpu.memory_space<vmem>>
          %dma_start3A_77 = arith.constant 0 : i32
          %dma_start3A_78 = arith.constant 0 : i32
          %dma_start3A_79 = tpu.memref_slice %arg15[%dma_start3A_77, %dma_start3A_78] : memref<10240x128xf32, #tpu.memory_space<vmem_shared>> -> memref<10240x128xf32, #tpu.memory_space<vmem_shared>>
          tpu.enqueue_indirect_dma source(%arg18 : memref<128x128xf32, #tpu.memory_space<vmem>>) target(%dma_start3A_79 : memref<10240x128xf32, #tpu.memory_space<vmem_shared>>) offsets(%dma_start3A_76 : memref<128xi32, #tpu.memory_space<vmem>>) semaphore(%run_scoped3A_73 : memref<!tpu.dma_semaphore, #tpu.memory_space<semaphore_mem>>) {add = true}
          %dma_wait3A_80 = arith.constant 0 : i32
          %dma_wait3A_81 = tpu.memref_slice %arg17[%scan3A_62, %dma_wait3A_80] : memref<80x128xi32, #tpu.memory_space<vmem>> -> memref<1x128xi32, #tpu.memory_space<vmem>>
          %dma_wait3A_82 = tpu.memref_squeeze %dma_wait3A_81 : memref<1x128xi32, #tpu.memory_space<vmem>> -> memref<128xi32, #tpu.memory_space<vmem>>
          %dma_wait3A_83 = arith.constant 0 : i32
          %dma_wait3A_84 = arith.constant 0 : i32
          %dma_wait3A_85 = tpu.memref_slice %arg15[%dma_wait3A_83, %dma_wait3A_84] : memref<10240x128xf32, #tpu.memory_space<vmem_shared>> -> memref<10240x128xf32, #tpu.memory_space<vmem_shared>>
          tpu.wait_indirect_dma semaphore(%run_scoped3A_73 : memref<!tpu.dma_semaphore, #tpu.memory_space<semaphore_mem>>) src(%arg18 : memref<128x128xf32, #tpu.memory_space<vmem>>) dst(%dma_wait3A_85 : memref<10240x128xf32, #tpu.memory_space<vmem_shared>>)
          tpu.yield
        }) : () -> ()
      }
      %scan3A_50 = arith.constant 80 : i32
      %mul3A_51 = arith.constant 160 : i32
      %mul3A_52 = arith.muli %arg1, %mul3A_51 : i32
      %add3A_53 = arith.constant 80 : i32
      %add3A_54 = arith.addi %mul3A_52, %add3A_53 : i32
      "tpu.region"() ({
        %run_scoped3A_62 = tpu.sem_alloc : memref<!tpu.dma_semaphore, #tpu.memory_space<semaphore_mem>>
        %dma_start3A = arith.constant 0 : i32
        %dma_start3A_63 = tpu.memref_slice %arg2[%add3A_54, %dma_start3A] : memref<2560x128xi32, #tpu.memory_space<hbm>> -> memref<80x128xi32, #tpu.memory_space<hbm>>
        %dma_start3A_64 = arith.constant 0 : i32
        %dma_start3A_65 = tpu.memref_slice %arg2[%add3A_54, %dma_start3A_64] : memref<2560x128xi32, #tpu.memory_space<hbm>> -> memref<80x128xi32, #tpu.memory_space<hbm>>
        tpu.enqueue_dma source(%dma_start3A_65 : memref<80x128xi32, #tpu.memory_space<hbm>>) target(%arg16 : memref<80x128xi32, #tpu.memory_space<vmem>>) target_semaphore(%run_scoped3A_62 : memref<!tpu.dma_semaphore, #tpu.memory_space<semaphore_mem>>)
        %dma_wait3A = arith.constant 0 : i32
        %dma_wait3A_66 = tpu.memref_slice %arg2[%add3A_54, %dma_wait3A] : memref<2560x128xi32, #tpu.memory_space<hbm>> -> memref<80x128xi32, #tpu.memory_space<hbm>>
        %dma_wait3A_67 = arith.constant 0 : i32
        %dma_wait3A_68 = tpu.memref_slice %arg2[%add3A_54, %dma_wait3A_67] : memref<2560x128xi32, #tpu.memory_space<hbm>> -> memref<80x128xi32, #tpu.memory_space<hbm>>
        tpu.wait_dma2 semaphore(%run_scoped3A_62 : memref<!tpu.dma_semaphore, #tpu.memory_space<semaphore_mem>>) src(%dma_wait3A_68 : memref<80x128xi32, #tpu.memory_space<hbm>>) dst(%arg16 : memref<80x128xi32, #tpu.memory_space<vmem>>)
        tpu.yield
      }) : () -> ()
      "tpu.region"() ({
        %run_scoped3A_62 = tpu.sem_alloc : memref<!tpu.dma_semaphore, #tpu.memory_space<semaphore_mem>>
        %dma_start3A = arith.constant 0 : i32
        %dma_start3A_63 = tpu.memref_slice %arg3[%add3A_54, %dma_start3A] : memref<2560x128xi32, #tpu.memory_space<hbm>> -> memref<80x128xi32, #tpu.memory_space<hbm>>
        %dma_start3A_64 = arith.constant 0 : i32
        %dma_start3A_65 = tpu.memref_slice %arg3[%add3A_54, %dma_start3A_64] : memref<2560x128xi32, #tpu.memory_space<hbm>> -> memref<80x128xi32, #tpu.memory_space<hbm>>
        tpu.enqueue_dma source(%dma_start3A_65 : memref<80x128xi32, #tpu.memory_space<hbm>>) target(%arg17 : memref<80x128xi32, #tpu.memory_space<vmem>>) target_semaphore(%run_scoped3A_62 : memref<!tpu.dma_semaphore, #tpu.memory_space<semaphore_mem>>)
        %dma_wait3A = arith.constant 0 : i32
        %dma_wait3A_66 = tpu.memref_slice %arg3[%add3A_54, %dma_wait3A] : memref<2560x128xi32, #tpu.memory_space<hbm>> -> memref<80x128xi32, #tpu.memory_space<hbm>>
        %dma_wait3A_67 = arith.constant 0 : i32
        %dma_wait3A_68 = tpu.memref_slice %arg3[%add3A_54, %dma_wait3A_67] : memref<2560x128xi32, #tpu.memory_space<hbm>> -> memref<80x128xi32, #tpu.memory_space<hbm>>
        tpu.wait_dma2 semaphore(%run_scoped3A_62 : memref<!tpu.dma_semaphore, #tpu.memory_space<semaphore_mem>>) src(%dma_wait3A_68 : memref<80x128xi32, #tpu.memory_space<hbm>>) dst(%arg17 : memref<80x128xi32, #tpu.memory_space<vmem>>)
        tpu.yield
      }) : () -> ()
      %scan3A_55 = arith.constant 0 : i32
      %scan3A_56 = arith.constant 0 : i32
      %scan3A_57 = arith.constant 80 : i32
      %scan3A_58 = arith.addi %scan3A_56, %scan3A_57 : i32
      %scan3A_59 = arith.constant 1 : i32
      scf.for %scan3A_62 = %scan3A_56 to %scan3A_58 step %scan3A_59  : i32 {
        %dma_start3A = arith.constant 0 : i32
        %dma_start3A_63 = tpu.memref_slice %arg16[%scan3A_62, %dma_start3A] : memref<80x128xi32, #tpu.memory_space<vmem>> -> memref<1x128xi32, #tpu.memory_space<vmem>>
        %dma_start3A_64 = tpu.memref_squeeze %dma_start3A_63 : memref<1x128xi32, #tpu.memory_space<vmem>> -> memref<128xi32, #tpu.memory_space<vmem>>
        %dma_start3A_65 = arith.constant 0 : i32
        %dma_start3A_66 = arith.constant 0 : i32
        %dma_start3A_67 = tpu.memref_slice %arg11[%dma_start3A_65, %dma_start3A_66] : memref<10000x128xf32, #tpu.memory_space<hbm>> -> memref<10000x128xf32, #tpu.memory_space<hbm>>
        tpu.enqueue_indirect_dma source(%dma_start3A_67 : memref<10000x128xf32, #tpu.memory_space<hbm>>) target(%arg18 : memref<128x128xf32, #tpu.memory_space<vmem>>) offsets(%dma_start3A_64 : memref<128xi32, #tpu.memory_space<vmem>>) semaphore(%arg19 : memref<!tpu.dma_semaphore, #tpu.memory_space<semaphore_mem>>)
        %dma_wait3A = arith.constant 0 : i32
        %dma_wait3A_68 = tpu.memref_slice %arg16[%scan3A_62, %dma_wait3A] : memref<80x128xi32, #tpu.memory_space<vmem>> -> memref<1x128xi32, #tpu.memory_space<vmem>>
        %dma_wait3A_69 = tpu.memref_squeeze %dma_wait3A_68 : memref<1x128xi32, #tpu.memory_space<vmem>> -> memref<128xi32, #tpu.memory_space<vmem>>
        %dma_wait3A_70 = arith.constant 0 : i32
        %dma_wait3A_71 = arith.constant 0 : i32
        %dma_wait3A_72 = tpu.memref_slice %arg11[%dma_wait3A_70, %dma_wait3A_71] : memref<10000x128xf32, #tpu.memory_space<hbm>> -> memref<10000x128xf32, #tpu.memory_space<hbm>>
        tpu.wait_indirect_dma semaphore(%arg19 : memref<!tpu.dma_semaphore, #tpu.memory_space<semaphore_mem>>) src(%dma_wait3A_72 : memref<10000x128xf32, #tpu.memory_space<hbm>>) dst(%arg18 : memref<128x128xf32, #tpu.memory_space<vmem>>)
        "tpu.region"() ({
          %run_scoped3A_73 = tpu.sem_alloc : memref<!tpu.dma_semaphore, #tpu.memory_space<semaphore_mem>>
          %dma_start3A_74 = arith.constant 0 : i32
          %dma_start3A_75 = tpu.memref_slice %arg17[%scan3A_62, %dma_start3A_74] : memref<80x128xi32, #tpu.memory_space<vmem>> -> memref<1x128xi32, #tpu.memory_space<vmem>>
          %dma_start3A_76 = tpu.memref_squeeze %dma_start3A_75 : memref<1x128xi32, #tpu.memory_space<vmem>> -> memref<128xi32, #tpu.memory_space<vmem>>
          %dma_start3A_77 = arith.constant 0 : i32
          %dma_start3A_78 = arith.constant 0 : i32
          %dma_start3A_79 = tpu.memref_slice %arg15[%dma_start3A_77, %dma_start3A_78] : memref<10240x128xf32, #tpu.memory_space<vmem_shared>> -> memref<10240x128xf32, #tpu.memory_space<vmem_shared>>
          tpu.enqueue_indirect_dma source(%arg18 : memref<128x128xf32, #tpu.memory_space<vmem>>) target(%dma_start3A_79 : memref<10240x128xf32, #tpu.memory_space<vmem_shared>>) offsets(%dma_start3A_76 : memref<128xi32, #tpu.memory_space<vmem>>) semaphore(%run_scoped3A_73 : memref<!tpu.dma_semaphore, #tpu.memory_space<semaphore_mem>>) {add = true}
          %dma_wait3A_80 = arith.constant 0 : i32
          %dma_wait3A_81 = tpu.memref_slice %arg17[%scan3A_62, %dma_wait3A_80] : memref<80x128xi32, #tpu.memory_space<vmem>> -> memref<1x128xi32, #tpu.memory_space<vmem>>
          %dma_wait3A_82 = tpu.memref_squeeze %dma_wait3A_81 : memref<1x128xi32, #tpu.memory_space<vmem>> -> memref<128xi32, #tpu.memory_space<vmem>>
          %dma_wait3A_83 = arith.constant 0 : i32
          %dma_wait3A_84 = arith.constant 0 : i32
          %dma_wait3A_85 = tpu.memref_slice %arg15[%dma_wait3A_83, %dma_wait3A_84] : memref<10240x128xf32, #tpu.memory_space<vmem_shared>> -> memref<10240x128xf32, #tpu.memory_space<vmem_shared>>
          tpu.wait_indirect_dma semaphore(%run_scoped3A_73 : memref<!tpu.dma_semaphore, #tpu.memory_space<semaphore_mem>>) src(%arg18 : memref<128x128xf32, #tpu.memory_space<vmem>>) dst(%dma_wait3A_85 : memref<10240x128xf32, #tpu.memory_space<vmem_shared>>)
          tpu.yield
        }) : () -> ()
      }
      %scan3A_60 = arith.constant 80 : i32
      %barrier3A_61 = arith.constant 0 : index
      tpu.barrier barrier_id(%barrier3A_61)
      %run_scoped3A = arith.constant 7 : i32
      "tpu.region"() ({
        %run_scoped3A_62 = tpu.sem_alloc : memref<!tpu.dma_semaphore, #tpu.memory_space<semaphore_mem>>
        %dma_start3A = arith.constant 0 : i32
        %dma_start3A_63 = tpu.memref_slice %arg14[%run_scoped3A, %mul3A_0, %dma_start3A] : memref<9x10240x128xf32, #tpu.memory_space<hbm>> -> memref<1x640x128xf32, #tpu.memory_space<hbm>>
        %dma_start3A_64 = tpu.memref_squeeze %dma_start3A_63 : memref<1x640x128xf32, #tpu.memory_space<hbm>> -> memref<640x128xf32, #tpu.memory_space<hbm>>
        %dma_start3A_65 = arith.constant 0 : i32
        %dma_start3A_66 = tpu.memref_slice %arg15[%mul3A_0, %dma_start3A_65] : memref<10240x128xf32, #tpu.memory_space<vmem_shared>> -> memref<640x128xf32, #tpu.memory_space<vmem_shared>>
        tpu.enqueue_dma source(%dma_start3A_66 : memref<640x128xf32, #tpu.memory_space<vmem_shared>>) target(%dma_start3A_64 : memref<640x128xf32, #tpu.memory_space<hbm>>) target_semaphore(%run_scoped3A_62 : memref<!tpu.dma_semaphore, #tpu.memory_space<semaphore_mem>>)
        %dma_wait3A = arith.constant 0 : i32
        %dma_wait3A_67 = tpu.memref_slice %arg14[%run_scoped3A, %mul3A_0, %dma_wait3A] : memref<9x10240x128xf32, #tpu.memory_space<hbm>> -> memref<1x640x128xf32, #tpu.memory_space<hbm>>
        %dma_wait3A_68 = tpu.memref_squeeze %dma_wait3A_67 : memref<1x640x128xf32, #tpu.memory_space<hbm>> -> memref<640x128xf32, #tpu.memory_space<hbm>>
        %dma_wait3A_69 = arith.constant 0 : i32
        %dma_wait3A_70 = tpu.memref_slice %arg15[%mul3A_0, %dma_wait3A_69] : memref<10240x128xf32, #tpu.memory_space<vmem_shared>> -> memref<640x128xf32, #tpu.memory_space<vmem_shared>>
        tpu.wait_dma2 semaphore(%run_scoped3A_62 : memref<!tpu.dma_semaphore, #tpu.memory_space<semaphore_mem>>) src(%dma_wait3A_70 : memref<640x128xf32, #tpu.memory_space<vmem_shared>>) dst(%dma_wait3A_68 : memref<640x128xf32, #tpu.memory_space<hbm>>)
        tpu.yield
      }) : () -> ()
    } else {
    }
    %eq3A_38 = arith.constant 1 : i32
    %eq3A_39 = arith.cmpi eq, %arg0, %eq3A_38 : i32
    %convert_element_type3A_40 = arith.extui %eq3A_39 : i1 to i32
    %cond3A_41 = arith.constant 0 : i32
    %cond3A_42 = arith.cmpi ne, %convert_element_type3A_40, %cond3A_41 : i32
    scf.if %cond3A_42 {
      "tpu.region"() ({
        %run_scoped3A_62 = tpu.sem_alloc : memref<!tpu.dma_semaphore, #tpu.memory_space<semaphore_mem>>
        %dma_start3A = arith.constant 0 : i32
        %dma_start3A_63 = tpu.memref_slice %arg15[%mul3A_0, %dma_start3A] : memref<10240x128xf32, #tpu.memory_space<vmem_shared>> -> memref<640x128xf32, #tpu.memory_space<vmem_shared>>
        %dma_start3A_64 = arith.constant 0 : i32
        %dma_start3A_65 = tpu.memref_slice %arg13[%mul3A_0, %dma_start3A_64] : memref<10240x128xf32, #tpu.memory_space<hbm>> -> memref<640x128xf32, #tpu.memory_space<hbm>>
        tpu.enqueue_dma source(%dma_start3A_65 : memref<640x128xf32, #tpu.memory_space<hbm>>) target(%dma_start3A_63 : memref<640x128xf32, #tpu.memory_space<vmem_shared>>) target_semaphore(%run_scoped3A_62 : memref<!tpu.dma_semaphore, #tpu.memory_space<semaphore_mem>>)
        %dma_wait3A = arith.constant 0 : i32
        %dma_wait3A_66 = tpu.memref_slice %arg15[%mul3A_0, %dma_wait3A] : memref<10240x128xf32, #tpu.memory_space<vmem_shared>> -> memref<640x128xf32, #tpu.memory_space<vmem_shared>>
        %dma_wait3A_67 = arith.constant 0 : i32
        %dma_wait3A_68 = tpu.memref_slice %arg13[%mul3A_0, %dma_wait3A_67] : memref<10240x128xf32, #tpu.memory_space<hbm>> -> memref<640x128xf32, #tpu.memory_space<hbm>>
        tpu.wait_dma2 semaphore(%run_scoped3A_62 : memref<!tpu.dma_semaphore, #tpu.memory_space<semaphore_mem>>) src(%dma_wait3A_68 : memref<640x128xf32, #tpu.memory_space<hbm>>) dst(%dma_wait3A_66 : memref<640x128xf32, #tpu.memory_space<vmem_shared>>)
        tpu.yield
      }) : () -> ()
      %barrier3A = arith.constant 0 : index
      tpu.barrier barrier_id(%barrier3A)
      %mul3A_43 = arith.constant 160 : i32
      %mul3A_44 = arith.muli %arg1, %mul3A_43 : i32
      %add3A = arith.constant 0 : i32
      %add3A_45 = arith.addi %mul3A_44, %add3A : i32
      "tpu.region"() ({
        %run_scoped3A_62 = tpu.sem_alloc : memref<!tpu.dma_semaphore, #tpu.memory_space<semaphore_mem>>
        %dma_start3A = arith.constant 0 : i32
        %dma_start3A_63 = tpu.memref_slice %arg2[%add3A_45, %dma_start3A] : memref<2560x128xi32, #tpu.memory_space<hbm>> -> memref<80x128xi32, #tpu.memory_space<hbm>>
        %dma_start3A_64 = arith.constant 0 : i32
        %dma_start3A_65 = tpu.memref_slice %arg2[%add3A_45, %dma_start3A_64] : memref<2560x128xi32, #tpu.memory_space<hbm>> -> memref<80x128xi32, #tpu.memory_space<hbm>>
        tpu.enqueue_dma source(%dma_start3A_65 : memref<80x128xi32, #tpu.memory_space<hbm>>) target(%arg16 : memref<80x128xi32, #tpu.memory_space<vmem>>) target_semaphore(%run_scoped3A_62 : memref<!tpu.dma_semaphore, #tpu.memory_space<semaphore_mem>>)
        %dma_wait3A = arith.constant 0 : i32
        %dma_wait3A_66 = tpu.memref_slice %arg2[%add3A_45, %dma_wait3A] : memref<2560x128xi32, #tpu.memory_space<hbm>> -> memref<80x128xi32, #tpu.memory_space<hbm>>
        %dma_wait3A_67 = arith.constant 0 : i32
        %dma_wait3A_68 = tpu.memref_slice %arg2[%add3A_45, %dma_wait3A_67] : memref<2560x128xi32, #tpu.memory_space<hbm>> -> memref<80x128xi32, #tpu.memory_space<hbm>>
        tpu.wait_dma2 semaphore(%run_scoped3A_62 : memref<!tpu.dma_semaphore, #tpu.memory_space<semaphore_mem>>) src(%dma_wait3A_68 : memref<80x128xi32, #tpu.memory_space<hbm>>) dst(%arg16 : memref<80x128xi32, #tpu.memory_space<vmem>>)
        tpu.yield
      }) : () -> ()
      "tpu.region"() ({
        %run_scoped3A_62 = tpu.sem_alloc : memref<!tpu.dma_semaphore, #tpu.memory_space<semaphore_mem>>
        %dma_start3A = arith.constant 0 : i32
        %dma_start3A_63 = tpu.memref_slice %arg3[%add3A_45, %dma_start3A] : memref<2560x128xi32, #tpu.memory_space<hbm>> -> memref<80x128xi32, #tpu.memory_space<hbm>>
        %dma_start3A_64 = arith.constant 0 : i32
        %dma_start3A_65 = tpu.memref_slice %arg3[%add3A_45, %dma_start3A_64] : memref<2560x128xi32, #tpu.memory_space<hbm>> -> memref<80x128xi32, #tpu.memory_space<hbm>>
        tpu.enqueue_dma source(%dma_start3A_65 : memref<80x128xi32, #tpu.memory_space<hbm>>) target(%arg17 : memref<80x128xi32, #tpu.memory_space<vmem>>) target_semaphore(%run_scoped3A_62 : memref<!tpu.dma_semaphore, #tpu.memory_space<semaphore_mem>>)
        %dma_wait3A = arith.constant 0 : i32
        %dma_wait3A_66 = tpu.memref_slice %arg3[%add3A_45, %dma_wait3A] : memref<2560x128xi32, #tpu.memory_space<hbm>> -> memref<80x128xi32, #tpu.memory_space<hbm>>
        %dma_wait3A_67 = arith.constant 0 : i32
        %dma_wait3A_68 = tpu.memref_slice %arg3[%add3A_45, %dma_wait3A_67] : memref<2560x128xi32, #tpu.memory_space<hbm>> -> memref<80x128xi32, #tpu.memory_space<hbm>>
        tpu.wait_dma2 semaphore(%run_scoped3A_62 : memref<!tpu.dma_semaphore, #tpu.memory_space<semaphore_mem>>) src(%dma_wait3A_68 : memref<80x128xi32, #tpu.memory_space<hbm>>) dst(%arg17 : memref<80x128xi32, #tpu.memory_space<vmem>>)
        tpu.yield
      }) : () -> ()
      %scan3A = arith.constant 0 : i32
      %scan3A_46 = arith.constant 0 : i32
      %scan3A_47 = arith.constant 80 : i32
      %scan3A_48 = arith.addi %scan3A_46, %scan3A_47 : i32
      %scan3A_49 = arith.constant 1 : i32
      scf.for %scan3A_62 = %scan3A_46 to %scan3A_48 step %scan3A_49  : i32 {
        %dma_start3A = arith.constant 0 : i32
        %dma_start3A_63 = tpu.memref_slice %arg16[%scan3A_62, %dma_start3A] : memref<80x128xi32, #tpu.memory_space<vmem>> -> memref<1x128xi32, #tpu.memory_space<vmem>>
        %dma_start3A_64 = tpu.memref_squeeze %dma_start3A_63 : memref<1x128xi32, #tpu.memory_space<vmem>> -> memref<128xi32, #tpu.memory_space<vmem>>
        %dma_start3A_65 = arith.constant 0 : i32
        %dma_start3A_66 = arith.constant 0 : i32
        %dma_start3A_67 = tpu.memref_slice %arg12[%dma_start3A_65, %dma_start3A_66] : memref<10000x128xf32, #tpu.memory_space<hbm>> -> memref<10000x128xf32, #tpu.memory_space<hbm>>
        tpu.enqueue_indirect_dma source(%dma_start3A_67 : memref<10000x128xf32, #tpu.memory_space<hbm>>) target(%arg18 : memref<128x128xf32, #tpu.memory_space<vmem>>) offsets(%dma_start3A_64 : memref<128xi32, #tpu.memory_space<vmem>>) semaphore(%arg19 : memref<!tpu.dma_semaphore, #tpu.memory_space<semaphore_mem>>)
        %dma_wait3A = arith.constant 0 : i32
        %dma_wait3A_68 = tpu.memref_slice %arg16[%scan3A_62, %dma_wait3A] : memref<80x128xi32, #tpu.memory_space<vmem>> -> memref<1x128xi32, #tpu.memory_space<vmem>>
        %dma_wait3A_69 = tpu.memref_squeeze %dma_wait3A_68 : memref<1x128xi32, #tpu.memory_space<vmem>> -> memref<128xi32, #tpu.memory_space<vmem>>
        %dma_wait3A_70 = arith.constant 0 : i32
        %dma_wait3A_71 = arith.constant 0 : i32
        %dma_wait3A_72 = tpu.memref_slice %arg12[%dma_wait3A_70, %dma_wait3A_71] : memref<10000x128xf32, #tpu.memory_space<hbm>> -> memref<10000x128xf32, #tpu.memory_space<hbm>>
        tpu.wait_indirect_dma semaphore(%arg19 : memref<!tpu.dma_semaphore, #tpu.memory_space<semaphore_mem>>) src(%dma_wait3A_72 : memref<10000x128xf32, #tpu.memory_space<hbm>>) dst(%arg18 : memref<128x128xf32, #tpu.memory_space<vmem>>)
        "tpu.region"() ({
          %run_scoped3A_73 = tpu.sem_alloc : memref<!tpu.dma_semaphore, #tpu.memory_space<semaphore_mem>>
          %dma_start3A_74 = arith.constant 0 : i32
          %dma_start3A_75 = tpu.memref_slice %arg17[%scan3A_62, %dma_start3A_74] : memref<80x128xi32, #tpu.memory_space<vmem>> -> memref<1x128xi32, #tpu.memory_space<vmem>>
          %dma_start3A_76 = tpu.memref_squeeze %dma_start3A_75 : memref<1x128xi32, #tpu.memory_space<vmem>> -> memref<128xi32, #tpu.memory_space<vmem>>
          %dma_start3A_77 = arith.constant 0 : i32
          %dma_start3A_78 = arith.constant 0 : i32
          %dma_start3A_79 = tpu.memref_slice %arg15[%dma_start3A_77, %dma_start3A_78] : memref<10240x128xf32, #tpu.memory_space<vmem_shared>> -> memref<10240x128xf32, #tpu.memory_space<vmem_shared>>
          tpu.enqueue_indirect_dma source(%arg18 : memref<128x128xf32, #tpu.memory_space<vmem>>) target(%dma_start3A_79 : memref<10240x128xf32, #tpu.memory_space<vmem_shared>>) offsets(%dma_start3A_76 : memref<128xi32, #tpu.memory_space<vmem>>) semaphore(%run_scoped3A_73 : memref<!tpu.dma_semaphore, #tpu.memory_space<semaphore_mem>>) {add = true}
          %dma_wait3A_80 = arith.constant 0 : i32
          %dma_wait3A_81 = tpu.memref_slice %arg17[%scan3A_62, %dma_wait3A_80] : memref<80x128xi32, #tpu.memory_space<vmem>> -> memref<1x128xi32, #tpu.memory_space<vmem>>
          %dma_wait3A_82 = tpu.memref_squeeze %dma_wait3A_81 : memref<1x128xi32, #tpu.memory_space<vmem>> -> memref<128xi32, #tpu.memory_space<vmem>>
          %dma_wait3A_83 = arith.constant 0 : i32
          %dma_wait3A_84 = arith.constant 0 : i32
          %dma_wait3A_85 = tpu.memref_slice %arg15[%dma_wait3A_83, %dma_wait3A_84] : memref<10240x128xf32, #tpu.memory_space<vmem_shared>> -> memref<10240x128xf32, #tpu.memory_space<vmem_shared>>
          tpu.wait_indirect_dma semaphore(%run_scoped3A_73 : memref<!tpu.dma_semaphore, #tpu.memory_space<semaphore_mem>>) src(%arg18 : memref<128x128xf32, #tpu.memory_space<vmem>>) dst(%dma_wait3A_85 : memref<10240x128xf32, #tpu.memory_space<vmem_shared>>)
          tpu.yield
        }) : () -> ()
      }
      %scan3A_50 = arith.constant 80 : i32
      %mul3A_51 = arith.constant 160 : i32
      %mul3A_52 = arith.muli %arg1, %mul3A_51 : i32
      %add3A_53 = arith.constant 80 : i32
      %add3A_54 = arith.addi %mul3A_52, %add3A_53 : i32
      "tpu.region"() ({
        %run_scoped3A_62 = tpu.sem_alloc : memref<!tpu.dma_semaphore, #tpu.memory_space<semaphore_mem>>
        %dma_start3A = arith.constant 0 : i32
        %dma_start3A_63 = tpu.memref_slice %arg2[%add3A_54, %dma_start3A] : memref<2560x128xi32, #tpu.memory_space<hbm>> -> memref<80x128xi32, #tpu.memory_space<hbm>>
        %dma_start3A_64 = arith.constant 0 : i32
        %dma_start3A_65 = tpu.memref_slice %arg2[%add3A_54, %dma_start3A_64] : memref<2560x128xi32, #tpu.memory_space<hbm>> -> memref<80x128xi32, #tpu.memory_space<hbm>>
        tpu.enqueue_dma source(%dma_start3A_65 : memref<80x128xi32, #tpu.memory_space<hbm>>) target(%arg16 : memref<80x128xi32, #tpu.memory_space<vmem>>) target_semaphore(%run_scoped3A_62 : memref<!tpu.dma_semaphore, #tpu.memory_space<semaphore_mem>>)
        %dma_wait3A = arith.constant 0 : i32
        %dma_wait3A_66 = tpu.memref_slice %arg2[%add3A_54, %dma_wait3A] : memref<2560x128xi32, #tpu.memory_space<hbm>> -> memref<80x128xi32, #tpu.memory_space<hbm>>
        %dma_wait3A_67 = arith.constant 0 : i32
        %dma_wait3A_68 = tpu.memref_slice %arg2[%add3A_54, %dma_wait3A_67] : memref<2560x128xi32, #tpu.memory_space<hbm>> -> memref<80x128xi32, #tpu.memory_space<hbm>>
        tpu.wait_dma2 semaphore(%run_scoped3A_62 : memref<!tpu.dma_semaphore, #tpu.memory_space<semaphore_mem>>) src(%dma_wait3A_68 : memref<80x128xi32, #tpu.memory_space<hbm>>) dst(%arg16 : memref<80x128xi32, #tpu.memory_space<vmem>>)
        tpu.yield
      }) : () -> ()
      "tpu.region"() ({
        %run_scoped3A_62 = tpu.sem_alloc : memref<!tpu.dma_semaphore, #tpu.memory_space<semaphore_mem>>
        %dma_start3A = arith.constant 0 : i32
        %dma_start3A_63 = tpu.memref_slice %arg3[%add3A_54, %dma_start3A] : memref<2560x128xi32, #tpu.memory_space<hbm>> -> memref<80x128xi32, #tpu.memory_space<hbm>>
        %dma_start3A_64 = arith.constant 0 : i32
        %dma_start3A_65 = tpu.memref_slice %arg3[%add3A_54, %dma_start3A_64] : memref<2560x128xi32, #tpu.memory_space<hbm>> -> memref<80x128xi32, #tpu.memory_space<hbm>>
        tpu.enqueue_dma source(%dma_start3A_65 : memref<80x128xi32, #tpu.memory_space<hbm>>) target(%arg17 : memref<80x128xi32, #tpu.memory_space<vmem>>) target_semaphore(%run_scoped3A_62 : memref<!tpu.dma_semaphore, #tpu.memory_space<semaphore_mem>>)
        %dma_wait3A = arith.constant 0 : i32
        %dma_wait3A_66 = tpu.memref_slice %arg3[%add3A_54, %dma_wait3A] : memref<2560x128xi32, #tpu.memory_space<hbm>> -> memref<80x128xi32, #tpu.memory_space<hbm>>
        %dma_wait3A_67 = arith.constant 0 : i32
        %dma_wait3A_68 = tpu.memref_slice %arg3[%add3A_54, %dma_wait3A_67] : memref<2560x128xi32, #tpu.memory_space<hbm>> -> memref<80x128xi32, #tpu.memory_space<hbm>>
        tpu.wait_dma2 semaphore(%run_scoped3A_62 : memref<!tpu.dma_semaphore, #tpu.memory_space<semaphore_mem>>) src(%dma_wait3A_68 : memref<80x128xi32, #tpu.memory_space<hbm>>) dst(%arg17 : memref<80x128xi32, #tpu.memory_space<vmem>>)
        tpu.yield
      }) : () -> ()
      %scan3A_55 = arith.constant 0 : i32
      %scan3A_56 = arith.constant 0 : i32
      %scan3A_57 = arith.constant 80 : i32
      %scan3A_58 = arith.addi %scan3A_56, %scan3A_57 : i32
      %scan3A_59 = arith.constant 1 : i32
      scf.for %scan3A_62 = %scan3A_56 to %scan3A_58 step %scan3A_59  : i32 {
        %dma_start3A = arith.constant 0 : i32
        %dma_start3A_63 = tpu.memref_slice %arg16[%scan3A_62, %dma_start3A] : memref<80x128xi32, #tpu.memory_space<vmem>> -> memref<1x128xi32, #tpu.memory_space<vmem>>
        %dma_start3A_64 = tpu.memref_squeeze %dma_start3A_63 : memref<1x128xi32, #tpu.memory_space<vmem>> -> memref<128xi32, #tpu.memory_space<vmem>>
        %dma_start3A_65 = arith.constant 0 : i32
        %dma_start3A_66 = arith.constant 0 : i32
        %dma_start3A_67 = tpu.memref_slice %arg12[%dma_start3A_65, %dma_start3A_66] : memref<10000x128xf32, #tpu.memory_space<hbm>> -> memref<10000x128xf32, #tpu.memory_space<hbm>>
        tpu.enqueue_indirect_dma source(%dma_start3A_67 : memref<10000x128xf32, #tpu.memory_space<hbm>>) target(%arg18 : memref<128x128xf32, #tpu.memory_space<vmem>>) offsets(%dma_start3A_64 : memref<128xi32, #tpu.memory_space<vmem>>) semaphore(%arg19 : memref<!tpu.dma_semaphore, #tpu.memory_space<semaphore_mem>>)
        %dma_wait3A = arith.constant 0 : i32
        %dma_wait3A_68 = tpu.memref_slice %arg16[%scan3A_62, %dma_wait3A] : memref<80x128xi32, #tpu.memory_space<vmem>> -> memref<1x128xi32, #tpu.memory_space<vmem>>
        %dma_wait3A_69 = tpu.memref_squeeze %dma_wait3A_68 : memref<1x128xi32, #tpu.memory_space<vmem>> -> memref<128xi32, #tpu.memory_space<vmem>>
        %dma_wait3A_70 = arith.constant 0 : i32
        %dma_wait3A_71 = arith.constant 0 : i32
        %dma_wait3A_72 = tpu.memref_slice %arg12[%dma_wait3A_70, %dma_wait3A_71] : memref<10000x128xf32, #tpu.memory_space<hbm>> -> memref<10000x128xf32, #tpu.memory_space<hbm>>
        tpu.wait_indirect_dma semaphore(%arg19 : memref<!tpu.dma_semaphore, #tpu.memory_space<semaphore_mem>>) src(%dma_wait3A_72 : memref<10000x128xf32, #tpu.memory_space<hbm>>) dst(%arg18 : memref<128x128xf32, #tpu.memory_space<vmem>>)
        "tpu.region"() ({
          %run_scoped3A_73 = tpu.sem_alloc : memref<!tpu.dma_semaphore, #tpu.memory_space<semaphore_mem>>
          %dma_start3A_74 = arith.constant 0 : i32
          %dma_start3A_75 = tpu.memref_slice %arg17[%scan3A_62, %dma_start3A_74] : memref<80x128xi32, #tpu.memory_space<vmem>> -> memref<1x128xi32, #tpu.memory_space<vmem>>
          %dma_start3A_76 = tpu.memref_squeeze %dma_start3A_75 : memref<1x128xi32, #tpu.memory_space<vmem>> -> memref<128xi32, #tpu.memory_space<vmem>>
          %dma_start3A_77 = arith.constant 0 : i32
          %dma_start3A_78 = arith.constant 0 : i32
          %dma_start3A_79 = tpu.memref_slice %arg15[%dma_start3A_77, %dma_start3A_78] : memref<10240x128xf32, #tpu.memory_space<vmem_shared>> -> memref<10240x128xf32, #tpu.memory_space<vmem_shared>>
          tpu.enqueue_indirect_dma source(%arg18 : memref<128x128xf32, #tpu.memory_space<vmem>>) target(%dma_start3A_79 : memref<10240x128xf32, #tpu.memory_space<vmem_shared>>) offsets(%dma_start3A_76 : memref<128xi32, #tpu.memory_space<vmem>>) semaphore(%run_scoped3A_73 : memref<!tpu.dma_semaphore, #tpu.memory_space<semaphore_mem>>) {add = true}
          %dma_wait3A_80 = arith.constant 0 : i32
          %dma_wait3A_81 = tpu.memref_slice %arg17[%scan3A_62, %dma_wait3A_80] : memref<80x128xi32, #tpu.memory_space<vmem>> -> memref<1x128xi32, #tpu.memory_space<vmem>>
          %dma_wait3A_82 = tpu.memref_squeeze %dma_wait3A_81 : memref<1x128xi32, #tpu.memory_space<vmem>> -> memref<128xi32, #tpu.memory_space<vmem>>
          %dma_wait3A_83 = arith.constant 0 : i32
          %dma_wait3A_84 = arith.constant 0 : i32
          %dma_wait3A_85 = tpu.memref_slice %arg15[%dma_wait3A_83, %dma_wait3A_84] : memref<10240x128xf32, #tpu.memory_space<vmem_shared>> -> memref<10240x128xf32, #tpu.memory_space<vmem_shared>>
          tpu.wait_indirect_dma semaphore(%run_scoped3A_73 : memref<!tpu.dma_semaphore, #tpu.memory_space<semaphore_mem>>) src(%arg18 : memref<128x128xf32, #tpu.memory_space<vmem>>) dst(%dma_wait3A_85 : memref<10240x128xf32, #tpu.memory_space<vmem_shared>>)
          tpu.yield
        }) : () -> ()
      }
      %scan3A_60 = arith.constant 80 : i32
      %barrier3A_61 = arith.constant 0 : index
      tpu.barrier barrier_id(%barrier3A_61)
      %run_scoped3A = arith.constant 8 : i32
      "tpu.region"() ({
        %run_scoped3A_62 = tpu.sem_alloc : memref<!tpu.dma_semaphore, #tpu.memory_space<semaphore_mem>>
        %dma_start3A = arith.constant 0 : i32
        %dma_start3A_63 = tpu.memref_slice %arg14[%run_scoped3A, %mul3A_0, %dma_start3A] : memref<9x10240x128xf32, #tpu.memory_space<hbm>> -> memref<1x640x128xf32, #tpu.memory_space<hbm>>
        %dma_start3A_64 = tpu.memref_squeeze %dma_start3A_63 : memref<1x640x128xf32, #tpu.memory_space<hbm>> -> memref<640x128xf32, #tpu.memory_space<hbm>>
        %dma_start3A_65 = arith.constant 0 : i32
        %dma_start3A_66 = tpu.memref_slice %arg15[%mul3A_0, %dma_start3A_65] : memref<10240x128xf32, #tpu.memory_space<vmem_shared>> -> memref<640x128xf32, #tpu.memory_space<vmem_shared>>
        tpu.enqueue_dma source(%dma_start3A_66 : memref<640x128xf32, #tpu.memory_space<vmem_shared>>) target(%dma_start3A_64 : memref<640x128xf32, #tpu.memory_space<hbm>>) target_semaphore(%run_scoped3A_62 : memref<!tpu.dma_semaphore, #tpu.memory_space<semaphore_mem>>)
        %dma_wait3A = arith.constant 0 : i32
        %dma_wait3A_67 = tpu.memref_slice %arg14[%run_scoped3A, %mul3A_0, %dma_wait3A] : memref<9x10240x128xf32, #tpu.memory_space<hbm>> -> memref<1x640x128xf32, #tpu.memory_space<hbm>>
        %dma_wait3A_68 = tpu.memref_squeeze %dma_wait3A_67 : memref<1x640x128xf32, #tpu.memory_space<hbm>> -> memref<640x128xf32, #tpu.memory_space<hbm>>
        %dma_wait3A_69 = arith.constant 0 : i32
        %dma_wait3A_70 = tpu.memref_slice %arg15[%mul3A_0, %dma_wait3A_69] : memref<10240x128xf32, #tpu.memory_space<vmem_shared>> -> memref<640x128xf32, #tpu.memory_space<vmem_shared>>
        tpu.wait_dma2 semaphore(%run_scoped3A_62 : memref<!tpu.dma_semaphore, #tpu.memory_space<semaphore_mem>>) src(%dma_wait3A_70 : memref<640x128xf32, #tpu.memory_space<vmem_shared>>) dst(%dma_wait3A_68 : memref<640x128xf32, #tpu.memory_space<hbm>>)
        tpu.yield
      }) : () -> ()
    } else {
    }
    return
  }
}

module attributes {stable_mosaic.version = 14 : i64} {
  func.func @_xw_body(%arg0: i32, %arg1: memref<9x400x128xf32, #tpu.memory_space<vmem>>, %arg2: memref<128x128xf32, #tpu.memory_space<vmem>>, %arg3: memref<2x400x128xf32, #tpu.memory_space<vmem>>, %arg4: memref<400x128xf32, #tpu.memory_space<vmem>>, %arg5: memref<400x128xf32, #tpu.memory_space<vmem>>, %arg6: memref<400x128xf32, #tpu.memory_space<vmem>>, %arg7: memref<400x128xf32, #tpu.memory_space<vmem>>, %arg8: memref<400x128xf32, #tpu.memory_space<vmem>>, %arg9: memref<400x128xf32, #tpu.memory_space<vmem>>, %arg10: memref<400x128xf32, #tpu.memory_space<vmem>>, %arg11: memref<400x128xf32, #tpu.memory_space<vmem>>, %arg12: memref<400x128xf32, #tpu.memory_space<vmem>>) attributes {dimension_semantics = [#tpu.dimension_semantics<arbitrary>], iteration_bounds = array<i64: 25>, scalar_prefetch = 0 : i64, scratch_operands = 0 : i64, tpu.core_type = #tpu.core_type<tc>, window_params = [{transform_indices = @transform_0, window_bounds = array<i64: 9, 400, 128>}, {pipeline_mode = #tpu.pipeline_mode<synchronous>, transform_indices = @transform_1, window_bounds = array<i64: 128, 128>}, {transform_indices = @transform_2, window_bounds = array<i64: 2, 400, 128>}, {transform_indices = @transform_3, window_bounds = array<i64: 400, 128>}, {transform_indices = @transform_4, window_bounds = array<i64: 400, 128>}, {transform_indices = @transform_5, window_bounds = array<i64: 400, 128>}, {transform_indices = @transform_6, window_bounds = array<i64: 400, 128>}, {transform_indices = @transform_7, window_bounds = array<i64: 400, 128>}, {transform_indices = @transform_8, window_bounds = array<i64: 400, 128>}, {transform_indices = @transform_9, window_bounds = array<i64: 400, 128>}, {transform_indices = @transform_10, window_bounds = array<i64: 400, 128>}, {transform_indices = @transform_11, window_bounds = array<i64: 400, 128>}]} {
    %get3A = arith.constant 0 : index
    %get3A_0 = arith.constant 0 : index
    %get3A_1 = arith.constant 0 : index
    %get3A_2 = vector.load %arg3[%get3A, %get3A_0, %get3A_1] : memref<2x400x128xf32, #tpu.memory_space<vmem>>, vector<1x400x1xf32>
    %get3A_3 = vector.shape_cast %get3A_2 : vector<1x400x1xf32> to vector<400xf32>
    %get3A_4 = arith.constant 1 : index
    %get3A_5 = arith.constant 0 : index
    %get3A_6 = arith.constant 0 : index
    %get3A_7 = vector.load %arg3[%get3A_4, %get3A_5, %get3A_6] : memref<2x400x128xf32, #tpu.memory_space<vmem>>, vector<1x400x1xf32>
    %get3A_8 = vector.shape_cast %get3A_7 : vector<1x400x1xf32> to vector<400xf32>
    %add3A = arith.addf %get3A_3, %get3A_8 : vector<400xf32>
    %add3A_9 = arith.constant 1.000000e+00 : f32
    %add3A_10 = vector.broadcast %add3A_9 : f32 to vector<400xf32>
    %add3A_11 = arith.addf %add3A, %add3A_10 : vector<400xf32>
    %max3A = arith.constant 1.000000e+00 : f32
    %max3A_12 = vector.broadcast %max3A : f32 to vector<400xf32>
    %max3A_13 = arith.maximumf %add3A_11, %max3A_12 : vector<400xf32>
    %rsqrt3A = math.rsqrt %max3A_13 : vector<400xf32>
    %broadcast_in_dim3A = vector.shape_cast %rsqrt3A : vector<400xf32> to vector<400x1xf32>
    %get3A_14 = arith.constant 0 : index
    %get3A_15 = arith.constant 0 : index
    %get3A_16 = vector.load %arg2[%get3A_14, %get3A_15] : memref<128x128xf32, #tpu.memory_space<vmem>>, vector<128x128xf32>
    %get3A_17 = arith.constant 0 : index
    %get3A_18 = arith.constant 0 : index
    %get3A_19 = arith.constant 0 : index
    %get3A_20 = vector.load %arg1[%get3A_17, %get3A_18, %get3A_19] : memref<9x400x128xf32, #tpu.memory_space<vmem>>, vector<1x400x128xf32>
    %get3A_21 = vector.shape_cast %get3A_20 : vector<1x400x128xf32> to vector<400x128xf32>
    %dot_general3A = arith.constant dense<0.000000e+00> : vector<400x128xf32>
    %dot_general3A_22 = tpu.matmul %get3A_21, %get3A_16, %dot_general3A {dimension_numbers = #tpu.dot_dimension_numbers<[1], [0], [0], [1], [0, 0, 1, 1], [], []>, transpose_lhs_hint = false} : vector<400x128xf32>, vector<128x128xf32>, vector<400x128xf32> -> vector<400x128xf32>
    %mul3A = vector.broadcast %broadcast_in_dim3A : vector<400x1xf32> to vector<400x128xf32>
    %mul3A_23 = arith.mulf %mul3A, %dot_general3A_22 : vector<400x128xf32>
    %swap3A = arith.constant 0 : index
    %swap3A_24 = arith.constant 0 : index
    %swap3A_25 = vector.load %arg4[%swap3A, %swap3A_24] : memref<400x128xf32, #tpu.memory_space<vmem>>, vector<400x128xf32>
    tpu.vector_store %arg4[%swap3A, %swap3A_24], %mul3A_23 {strides = array<i32>} : memref<400x128xf32, #tpu.memory_space<vmem>>, vector<400x128xf32>,
    %get3A_26 = arith.constant 1 : index
    %get3A_27 = arith.constant 0 : index
    %get3A_28 = arith.constant 0 : index
    %get3A_29 = vector.load %arg1[%get3A_26, %get3A_27, %get3A_28] : memref<9x400x128xf32, #tpu.memory_space<vmem>>, vector<1x400x128xf32>
    %get3A_30 = vector.shape_cast %get3A_29 : vector<1x400x128xf32> to vector<400x128xf32>
    %dot_general3A_31 = arith.constant dense<0.000000e+00> : vector<400x128xf32>
    %dot_general3A_32 = tpu.matmul %get3A_30, %get3A_16, %dot_general3A_31 {dimension_numbers = #tpu.dot_dimension_numbers<[1], [0], [0], [1], [0, 0, 1, 1], [], []>, transpose_lhs_hint = false} : vector<400x128xf32>, vector<128x128xf32>, vector<400x128xf32> -> vector<400x128xf32>
    %mul3A_33 = vector.broadcast %broadcast_in_dim3A : vector<400x1xf32> to vector<400x128xf32>
    %mul3A_34 = arith.mulf %mul3A_33, %dot_general3A_32 : vector<400x128xf32>
    %swap3A_35 = arith.constant 0 : index
    %swap3A_36 = arith.constant 0 : index
    %swap3A_37 = vector.load %arg5[%swap3A_35, %swap3A_36] : memref<400x128xf32, #tpu.memory_space<vmem>>, vector<400x128xf32>
    tpu.vector_store %arg5[%swap3A_35, %swap3A_36], %mul3A_34 {strides = array<i32>} : memref<400x128xf32, #tpu.memory_space<vmem>>, vector<400x128xf32>,
    %get3A_38 = arith.constant 2 : index
    %get3A_39 = arith.constant 0 : index
    %get3A_40 = arith.constant 0 : index
    %get3A_41 = vector.load %arg1[%get3A_38, %get3A_39, %get3A_40] : memref<9x400x128xf32, #tpu.memory_space<vmem>>, vector<1x400x128xf32>
    %get3A_42 = vector.shape_cast %get3A_41 : vector<1x400x128xf32> to vector<400x128xf32>
    %dot_general3A_43 = arith.constant dense<0.000000e+00> : vector<400x128xf32>
    %dot_general3A_44 = tpu.matmul %get3A_42, %get3A_16, %dot_general3A_43 {dimension_numbers = #tpu.dot_dimension_numbers<[1], [0], [0], [1], [0, 0, 1, 1], [], []>, transpose_lhs_hint = false} : vector<400x128xf32>, vector<128x128xf32>, vector<400x128xf32> -> vector<400x128xf32>
    %mul3A_45 = vector.broadcast %broadcast_in_dim3A : vector<400x1xf32> to vector<400x128xf32>
    %mul3A_46 = arith.mulf %mul3A_45, %dot_general3A_44 : vector<400x128xf32>
    %swap3A_47 = arith.constant 0 : index
    %swap3A_48 = arith.constant 0 : index
    %swap3A_49 = vector.load %arg6[%swap3A_47, %swap3A_48] : memref<400x128xf32, #tpu.memory_space<vmem>>, vector<400x128xf32>
    tpu.vector_store %arg6[%swap3A_47, %swap3A_48], %mul3A_46 {strides = array<i32>} : memref<400x128xf32, #tpu.memory_space<vmem>>, vector<400x128xf32>,
    %get3A_50 = arith.constant 3 : index
    %get3A_51 = arith.constant 0 : index
    %get3A_52 = arith.constant 0 : index
    %get3A_53 = vector.load %arg1[%get3A_50, %get3A_51, %get3A_52] : memref<9x400x128xf32, #tpu.memory_space<vmem>>, vector<1x400x128xf32>
    %get3A_54 = vector.shape_cast %get3A_53 : vector<1x400x128xf32> to vector<400x128xf32>
    %dot_general3A_55 = arith.constant dense<0.000000e+00> : vector<400x128xf32>
    %dot_general3A_56 = tpu.matmul %get3A_54, %get3A_16, %dot_general3A_55 {dimension_numbers = #tpu.dot_dimension_numbers<[1], [0], [0], [1], [0, 0, 1, 1], [], []>, transpose_lhs_hint = false} : vector<400x128xf32>, vector<128x128xf32>, vector<400x128xf32> -> vector<400x128xf32>
    %mul3A_57 = vector.broadcast %broadcast_in_dim3A : vector<400x1xf32> to vector<400x128xf32>
    %mul3A_58 = arith.mulf %mul3A_57, %dot_general3A_56 : vector<400x128xf32>
    %swap3A_59 = arith.constant 0 : index
    %swap3A_60 = arith.constant 0 : index
    %swap3A_61 = vector.load %arg7[%swap3A_59, %swap3A_60] : memref<400x128xf32, #tpu.memory_space<vmem>>, vector<400x128xf32>
    tpu.vector_store %arg7[%swap3A_59, %swap3A_60], %mul3A_58 {strides = array<i32>} : memref<400x128xf32, #tpu.memory_space<vmem>>, vector<400x128xf32>,
    %get3A_62 = arith.constant 4 : index
    %get3A_63 = arith.constant 0 : index
    %get3A_64 = arith.constant 0 : index
    %get3A_65 = vector.load %arg1[%get3A_62, %get3A_63, %get3A_64] : memref<9x400x128xf32, #tpu.memory_space<vmem>>, vector<1x400x128xf32>
    %get3A_66 = vector.shape_cast %get3A_65 : vector<1x400x128xf32> to vector<400x128xf32>
    %dot_general3A_67 = arith.constant dense<0.000000e+00> : vector<400x128xf32>
    %dot_general3A_68 = tpu.matmul %get3A_66, %get3A_16, %dot_general3A_67 {dimension_numbers = #tpu.dot_dimension_numbers<[1], [0], [0], [1], [0, 0, 1, 1], [], []>, transpose_lhs_hint = false} : vector<400x128xf32>, vector<128x128xf32>, vector<400x128xf32> -> vector<400x128xf32>
    %mul3A_69 = vector.broadcast %broadcast_in_dim3A : vector<400x1xf32> to vector<400x128xf32>
    %mul3A_70 = arith.mulf %mul3A_69, %dot_general3A_68 : vector<400x128xf32>
    %swap3A_71 = arith.constant 0 : index
    %swap3A_72 = arith.constant 0 : index
    %swap3A_73 = vector.load %arg8[%swap3A_71, %swap3A_72] : memref<400x128xf32, #tpu.memory_space<vmem>>, vector<400x128xf32>
    tpu.vector_store %arg8[%swap3A_71, %swap3A_72], %mul3A_70 {strides = array<i32>} : memref<400x128xf32, #tpu.memory_space<vmem>>, vector<400x128xf32>,
    %get3A_74 = arith.constant 5 : index
    %get3A_75 = arith.constant 0 : index
    %get3A_76 = arith.constant 0 : index
    %get3A_77 = vector.load %arg1[%get3A_74, %get3A_75, %get3A_76] : memref<9x400x128xf32, #tpu.memory_space<vmem>>, vector<1x400x128xf32>
    %get3A_78 = vector.shape_cast %get3A_77 : vector<1x400x128xf32> to vector<400x128xf32>
    %dot_general3A_79 = arith.constant dense<0.000000e+00> : vector<400x128xf32>
    %dot_general3A_80 = tpu.matmul %get3A_78, %get3A_16, %dot_general3A_79 {dimension_numbers = #tpu.dot_dimension_numbers<[1], [0], [0], [1], [0, 0, 1, 1], [], []>, transpose_lhs_hint = false} : vector<400x128xf32>, vector<128x128xf32>, vector<400x128xf32> -> vector<400x128xf32>
    %mul3A_81 = vector.broadcast %broadcast_in_dim3A : vector<400x1xf32> to vector<400x128xf32>
    %mul3A_82 = arith.mulf %mul3A_81, %dot_general3A_80 : vector<400x128xf32>
    %swap3A_83 = arith.constant 0 : index
    %swap3A_84 = arith.constant 0 : index
    %swap3A_85 = vector.load %arg9[%swap3A_83, %swap3A_84] : memref<400x128xf32, #tpu.memory_space<vmem>>, vector<400x128xf32>
    tpu.vector_store %arg9[%swap3A_83, %swap3A_84], %mul3A_82 {strides = array<i32>} : memref<400x128xf32, #tpu.memory_space<vmem>>, vector<400x128xf32>,
    %get3A_86 = arith.constant 6 : index
    %get3A_87 = arith.constant 0 : index
    %get3A_88 = arith.constant 0 : index
    %get3A_89 = vector.load %arg1[%get3A_86, %get3A_87, %get3A_88] : memref<9x400x128xf32, #tpu.memory_space<vmem>>, vector<1x400x128xf32>
    %get3A_90 = vector.shape_cast %get3A_89 : vector<1x400x128xf32> to vector<400x128xf32>
    %dot_general3A_91 = arith.constant dense<0.000000e+00> : vector<400x128xf32>
    %dot_general3A_92 = tpu.matmul %get3A_90, %get3A_16, %dot_general3A_91 {dimension_numbers = #tpu.dot_dimension_numbers<[1], [0], [0], [1], [0, 0, 1, 1], [], []>, transpose_lhs_hint = false} : vector<400x128xf32>, vector<128x128xf32>, vector<400x128xf32> -> vector<400x128xf32>
    %mul3A_93 = vector.broadcast %broadcast_in_dim3A : vector<400x1xf32> to vector<400x128xf32>
    %mul3A_94 = arith.mulf %mul3A_93, %dot_general3A_92 : vector<400x128xf32>
    %swap3A_95 = arith.constant 0 : index
    %swap3A_96 = arith.constant 0 : index
    %swap3A_97 = vector.load %arg10[%swap3A_95, %swap3A_96] : memref<400x128xf32, #tpu.memory_space<vmem>>, vector<400x128xf32>
    tpu.vector_store %arg10[%swap3A_95, %swap3A_96], %mul3A_94 {strides = array<i32>} : memref<400x128xf32, #tpu.memory_space<vmem>>, vector<400x128xf32>,
    %get3A_98 = arith.constant 7 : index
    %get3A_99 = arith.constant 0 : index
    %get3A_100 = arith.constant 0 : index
    %get3A_101 = vector.load %arg1[%get3A_98, %get3A_99, %get3A_100] : memref<9x400x128xf32, #tpu.memory_space<vmem>>, vector<1x400x128xf32>
    %get3A_102 = vector.shape_cast %get3A_101 : vector<1x400x128xf32> to vector<400x128xf32>
    %dot_general3A_103 = arith.constant dense<0.000000e+00> : vector<400x128xf32>
    %dot_general3A_104 = tpu.matmul %get3A_102, %get3A_16, %dot_general3A_103 {dimension_numbers = #tpu.dot_dimension_numbers<[1], [0], [0], [1], [0, 0, 1, 1], [], []>, transpose_lhs_hint = false} : vector<400x128xf32>, vector<128x128xf32>, vector<400x128xf32> -> vector<400x128xf32>
    %mul3A_105 = vector.broadcast %broadcast_in_dim3A : vector<400x1xf32> to vector<400x128xf32>
    %mul3A_106 = arith.mulf %mul3A_105, %dot_general3A_104 : vector<400x128xf32>
    %swap3A_107 = arith.constant 0 : index
    %swap3A_108 = arith.constant 0 : index
    %swap3A_109 = vector.load %arg11[%swap3A_107, %swap3A_108] : memref<400x128xf32, #tpu.memory_space<vmem>>, vector<400x128xf32>
    tpu.vector_store %arg11[%swap3A_107, %swap3A_108], %mul3A_106 {strides = array<i32>} : memref<400x128xf32, #tpu.memory_space<vmem>>, vector<400x128xf32>,
    %get3A_110 = arith.constant 8 : index
    %get3A_111 = arith.constant 0 : index
    %get3A_112 = arith.constant 0 : index
    %get3A_113 = vector.load %arg1[%get3A_110, %get3A_111, %get3A_112] : memref<9x400x128xf32, #tpu.memory_space<vmem>>, vector<1x400x128xf32>
    %get3A_114 = vector.shape_cast %get3A_113 : vector<1x400x128xf32> to vector<400x128xf32>
    %dot_general3A_115 = arith.constant dense<0.000000e+00> : vector<400x128xf32>
    %dot_general3A_116 = tpu.matmul %get3A_114, %get3A_16, %dot_general3A_115 {dimension_numbers = #tpu.dot_dimension_numbers<[1], [0], [0], [1], [0, 0, 1, 1], [], []>, transpose_lhs_hint = false} : vector<400x128xf32>, vector<128x128xf32>, vector<400x128xf32> -> vector<400x128xf32>
    %mul3A_117 = vector.broadcast %broadcast_in_dim3A : vector<400x1xf32> to vector<400x128xf32>
    %mul3A_118 = arith.mulf %mul3A_117, %dot_general3A_116 : vector<400x128xf32>
    %swap3A_119 = arith.constant 0 : index
    %swap3A_120 = arith.constant 0 : index
    %swap3A_121 = vector.load %arg12[%swap3A_119, %swap3A_120] : memref<400x128xf32, #tpu.memory_space<vmem>>, vector<400x128xf32>
    tpu.vector_store %arg12[%swap3A_119, %swap3A_120], %mul3A_118 {strides = array<i32>} : memref<400x128xf32, #tpu.memory_space<vmem>>, vector<400x128xf32>,
    return
  }
  func.func @transform_0(%arg0: i32) -> (i32, i32, i32) {
    %c0_i32 = arith.constant 0 : i32
    %c0_i32_0 = arith.constant 0 : i32
    %c0_i32_1 = arith.constant 0 : i32
    return %c0_i32, %arg0, %c0_i32_0 : i32, i32, i32
  }
  func.func @transform_1(%arg0: i32) -> (i32, i32) {
    %c0_i32 = arith.constant 0 : i32
    %c0_i32_0 = arith.constant 0 : i32
    %c0_i32_1 = arith.constant 0 : i32
    return %c0_i32, %c0_i32_0 : i32, i32
  }
  func.func @transform_2(%arg0: i32) -> (i32, i32, i32) {
    %c0_i32 = arith.constant 0 : i32
    %c0_i32_0 = arith.constant 0 : i32
    %c0_i32_1 = arith.constant 0 : i32
    return %c0_i32, %arg0, %c0_i32_0 : i32, i32, i32
  }
  func.func @transform_3(%arg0: i32) -> (i32, i32) {
    %c0_i32 = arith.constant 0 : i32
    %c0_i32_0 = arith.constant 0 : i32
    return %arg0, %c0_i32 : i32, i32
  }
  func.func @transform_4(%arg0: i32) -> (i32, i32) {
    %c0_i32 = arith.constant 0 : i32
    %c0_i32_0 = arith.constant 0 : i32
    return %arg0, %c0_i32 : i32, i32
  }
  func.func @transform_5(%arg0: i32) -> (i32, i32) {
    %c0_i32 = arith.constant 0 : i32
    %c0_i32_0 = arith.constant 0 : i32
    return %arg0, %c0_i32 : i32, i32
  }
  func.func @transform_6(%arg0: i32) -> (i32, i32) {
    %c0_i32 = arith.constant 0 : i32
    %c0_i32_0 = arith.constant 0 : i32
    return %arg0, %c0_i32 : i32, i32
  }
  func.func @transform_7(%arg0: i32) -> (i32, i32) {
    %c0_i32 = arith.constant 0 : i32
    %c0_i32_0 = arith.constant 0 : i32
    return %arg0, %c0_i32 : i32, i32
  }
  func.func @transform_8(%arg0: i32) -> (i32, i32) {
    %c0_i32 = arith.constant 0 : i32
    %c0_i32_0 = arith.constant 0 : i32
    return %arg0, %c0_i32 : i32, i32
  }
  func.func @transform_9(%arg0: i32) -> (i32, i32) {
    %c0_i32 = arith.constant 0 : i32
    %c0_i32_0 = arith.constant 0 : i32
    return %arg0, %c0_i32 : i32, i32
  }
  func.func @transform_10(%arg0: i32) -> (i32, i32) {
    %c0_i32 = arith.constant 0 : i32
    %c0_i32_0 = arith.constant 0 : i32
    return %arg0, %c0_i32 : i32, i32
  }
  func.func @transform_11(%arg0: i32) -> (i32, i32) {
    %c0_i32 = arith.constant 0 : i32
    %c0_i32_0 = arith.constant 0 : i32
    return %arg0, %c0_i32 : i32, i32
  }
}

module attributes {stable_mosaic.version = 14 : i64} {
  func.func @_lstm_body(%arg0: i32, %arg1: memref<9x400x128xf32, #tpu.memory_space<vmem>>, %arg2: memref<2x400x128xf32, #tpu.memory_space<vmem>>, %arg3: memref<1x128xf32, #tpu.memory_space<vmem>>, %arg4: memref<128x512xf32, #tpu.memory_space<vmem>>, %arg5: memref<128x512xf32, #tpu.memory_space<vmem>>, %arg6: memref<1x512xf32, #tpu.memory_space<vmem>>, %arg7: memref<1x512xf32, #tpu.memory_space<vmem>>, %arg8: memref<128x1xf32, #tpu.memory_space<vmem>>, %arg9: memref<1x1xf32, #tpu.memory_space<vmem>>, %arg10: memref<400x128xf32, #tpu.memory_space<vmem>>, %arg11: memref<400x128xf32, #tpu.memory_space<vmem>>, %arg12: memref<400x128xf32, #tpu.memory_space<vmem>>, %arg13: memref<400x128xf32, #tpu.memory_space<vmem>>, %arg14: memref<400x128xf32, #tpu.memory_space<vmem>>, %arg15: memref<400x128xf32, #tpu.memory_space<vmem>>, %arg16: memref<400x128xf32, #tpu.memory_space<vmem>>, %arg17: memref<400x128xf32, #tpu.memory_space<vmem>>, %arg18: memref<400x128xf32, #tpu.memory_space<vmem>>, %arg19: memref<400x9xf32, #tpu.memory_space<vmem>>) attributes {dimension_semantics = [#tpu.dimension_semantics<arbitrary>], iteration_bounds = array<i64: 25>, scalar_prefetch = 0 : i64, scratch_operands = 0 : i64, tpu.core_type = #tpu.core_type<tc>, window_params = [{transform_indices = @transform_0, window_bounds = array<i64: 9, 400, 128>}, {transform_indices = @transform_1, window_bounds = array<i64: 2, 400, 128>}, {pipeline_mode = #tpu.pipeline_mode<synchronous>, transform_indices = @transform_2, window_bounds = array<i64: 1, 128>}, {pipeline_mode = #tpu.pipeline_mode<synchronous>, transform_indices = @transform_3, window_bounds = array<i64: 128, 512>}, {pipeline_mode = #tpu.pipeline_mode<synchronous>, transform_indices = @transform_4, window_bounds = array<i64: 128, 512>}, {pipeline_mode = #tpu.pipeline_mode<synchronous>, transform_indices = @transform_5, window_bounds = array<i64: 1, 512>}, {pipeline_mode = #tpu.pipeline_mode<synchronous>, transform_indices = @transform_6, window_bounds = array<i64: 1, 512>}, {pipeline_mode = #tpu.pipeline_mode<synchronous>, transform_indices = @transform_7, window_bounds = array<i64: 128, 1>}, {pipeline_mode = #tpu.pipeline_mode<synchronous>, transform_indices = @transform_8, window_bounds = array<i64: 1, 1>}, {transform_indices = @transform_9, window_bounds = array<i64: 400, 128>}, {transform_indices = @transform_10, window_bounds = array<i64: 400, 128>}, {transform_indices = @transform_11, window_bounds = array<i64: 400, 128>}, {transform_indices = @transform_12, window_bounds = array<i64: 400, 128>}, {transform_indices = @transform_13, window_bounds = array<i64: 400, 128>}, {transform_indices = @transform_14, window_bounds = array<i64: 400, 128>}, {transform_indices = @transform_15, window_bounds = array<i64: 400, 128>}, {transform_indices = @transform_16, window_bounds = array<i64: 400, 128>}, {transform_indices = @transform_17, window_bounds = array<i64: 400, 128>}, {transform_indices = @transform_18, window_bounds = array<i64: 400, 9>}]} {
    %get3A = arith.constant 0 : index
    %get3A_0 = arith.constant 0 : index
    %get3A_1 = arith.constant 0 : index
    %get3A_2 = vector.load %arg2[%get3A, %get3A_0, %get3A_1] : memref<2x400x128xf32, #tpu.memory_space<vmem>>, vector<1x400x1xf32>
    %get3A_3 = vector.shape_cast %get3A_2 : vector<1x400x1xf32> to vector<400xf32>
    %get3A_4 = arith.constant 1 : index
    %get3A_5 = arith.constant 0 : index
    %get3A_6 = arith.constant 0 : index
    %get3A_7 = vector.load %arg2[%get3A_4, %get3A_5, %get3A_6] : memref<2x400x128xf32, #tpu.memory_space<vmem>>, vector<1x400x1xf32>
    %get3A_8 = vector.shape_cast %get3A_7 : vector<1x400x1xf32> to vector<400xf32>
    %add3A = arith.addf %get3A_3, %get3A_8 : vector<400xf32>
    %add3A_9 = arith.constant 1.000000e+00 : f32
    %add3A_10 = vector.broadcast %add3A_9 : f32 to vector<400xf32>
    %add3A_11 = arith.addf %add3A, %add3A_10 : vector<400xf32>
    %max3A = arith.constant 1.000000e+00 : f32
    %max3A_12 = vector.broadcast %max3A : f32 to vector<400xf32>
    %max3A_13 = arith.maximumf %add3A_11, %max3A_12 : vector<400xf32>
    %rsqrt3A = math.rsqrt %max3A_13 : vector<400xf32>
    %broadcast_in_dim3A = vector.shape_cast %rsqrt3A : vector<400xf32> to vector<400x1xf32>
    %get3A_14 = arith.constant 0 : index
    %get3A_15 = arith.constant 0 : index
    %get3A_16 = vector.load %arg3[%get3A_14, %get3A_15] : memref<1x128xf32, #tpu.memory_space<vmem>>, vector<1x128xf32>
    %get3A_17 = arith.constant 0 : index
    %get3A_18 = arith.constant 0 : index
    %get3A_19 = vector.load %arg4[%get3A_17, %get3A_18] : memref<128x512xf32, #tpu.memory_space<vmem>>, vector<128x512xf32>
    %get3A_20 = arith.constant 0 : index
    %get3A_21 = arith.constant 0 : index
    %get3A_22 = vector.load %arg5[%get3A_20, %get3A_21] : memref<128x512xf32, #tpu.memory_space<vmem>>, vector<128x512xf32>
    %get3A_23 = arith.constant 0 : index
    %get3A_24 = arith.constant 0 : index
    %get3A_25 = vector.load %arg6[%get3A_23, %get3A_24] : memref<1x512xf32, #tpu.memory_space<vmem>>, vector<1x512xf32>
    %get3A_26 = arith.constant 0 : index
    %get3A_27 = arith.constant 0 : index
    %get3A_28 = vector.load %arg7[%get3A_26, %get3A_27] : memref<1x512xf32, #tpu.memory_space<vmem>>, vector<1x512xf32>
    %add3A_29 = arith.addf %get3A_25, %get3A_28 : vector<1x512xf32>
    %get3A_30 = arith.constant 0 : index
    %get3A_31 = arith.constant 0 : index
    %get3A_32 = vector.load %arg8[%get3A_30, %get3A_31] : memref<128x1xf32, #tpu.memory_space<vmem>>, vector<128x1xf32>
    %get3A_33 = arith.constant 0 : index
    %get3A_34 = arith.constant 0 : index
    %get3A_35 = vector.load %arg9[%get3A_33, %get3A_34] : memref<1x1xf32, #tpu.memory_space<vmem>>, vector<1x1xf32>
    %get3A_36 = vector.extract %get3A_35[0, 0] : f32 from vector<1x1xf32>
    %broadcast_in_dim3A_37 = arith.constant 0.000000e+00 : f32
    %broadcast_in_dim3A_38 = vector.broadcast %broadcast_in_dim3A_37 : f32 to vector<400x128xf32>
    %broadcast_in_dim3A_39 = arith.constant 0.000000e+00 : f32
    %broadcast_in_dim3A_40 = vector.broadcast %broadcast_in_dim3A_39 : f32 to vector<400x128xf32>
    %get3A_41 = arith.constant 0 : index
    %get3A_42 = arith.constant 0 : index
    %get3A_43 = arith.constant 0 : index
    %get3A_44 = vector.load %arg1[%get3A_41, %get3A_42, %get3A_43] : memref<9x400x128xf32, #tpu.memory_space<vmem>>, vector<1x400x128xf32>
    %get3A_45 = vector.shape_cast %get3A_44 : vector<1x400x128xf32> to vector<400x128xf32>
    %get3A_46 = arith.constant 0 : index
    %get3A_47 = arith.constant 0 : index
    %get3A_48 = vector.load %arg10[%get3A_46, %get3A_47] : memref<400x128xf32, #tpu.memory_space<vmem>>, vector<400x128xf32>
    %add3A_49 = arith.addf %get3A_45, %get3A_48 : vector<400x128xf32>
    %mul3A = vector.broadcast %broadcast_in_dim3A : vector<400x1xf32> to vector<400x128xf32>
    %mul3A_50 = arith.mulf %mul3A, %add3A_49 : vector<400x128xf32>
    %add3A_51 = vector.broadcast %get3A_16 : vector<1x128xf32> to vector<400x128xf32>
    %add3A_52 = arith.addf %mul3A_50, %add3A_51 : vector<400x128xf32>
    %max3A_53 = arith.constant 0.000000e+00 : f32
    %max3A_54 = vector.broadcast %max3A_53 : f32 to vector<400x128xf32>
    %max3A_55 = arith.maximumf %add3A_52, %max3A_54 : vector<400x128xf32>
    %dot_general3A = arith.constant dense<0.000000e+00> : vector<400x512xf32>
    %dot_general3A_56 = tpu.matmul %max3A_55, %get3A_19, %dot_general3A {dimension_numbers = #tpu.dot_dimension_numbers<[1], [0], [0], [1], [0, 0, 1, 1], [], []>, transpose_lhs_hint = false} : vector<400x128xf32>, vector<128x512xf32>, vector<400x512xf32> -> vector<400x512xf32>
    %dot_general3A_57 = arith.constant dense<0.000000e+00> : vector<400x512xf32>
    %dot_general3A_58 = tpu.matmul %broadcast_in_dim3A_38, %get3A_22, %dot_general3A_57 {dimension_numbers = #tpu.dot_dimension_numbers<[1], [0], [0], [1], [0, 0, 1, 1], [], []>, transpose_lhs_hint = false} : vector<400x128xf32>, vector<128x512xf32>, vector<400x512xf32> -> vector<400x512xf32>
    %add3A_59 = arith.addf %dot_general3A_56, %dot_general3A_58 : vector<400x512xf32>
    %add3A_60 = vector.broadcast %add3A_29 : vector<1x512xf32> to vector<400x512xf32>
    %add3A_61 = arith.addf %add3A_59, %add3A_60 : vector<400x512xf32>
    %slice3A = vector.extract_strided_slice %add3A_61 {offsets = [0, 0], sizes = [400, 128], strides = [1, 1]} : vector<400x512xf32> to vector<400x128xf32>
    %logistic3A = arith.negf %slice3A : vector<400x128xf32>
    %logistic3A_62 = math.exp %logistic3A : vector<400x128xf32>
    %logistic3A_63 = arith.constant 1.000000e+00 : f32
    %logistic3A_64 = vector.broadcast %logistic3A_63 : f32 to vector<400x128xf32>
    %logistic3A_65 = arith.addf %logistic3A_64, %logistic3A_62 : vector<400x128xf32>
    %logistic3A_66 = arith.divf %logistic3A_64, %logistic3A_65 : vector<400x128xf32>
    %slice3A_67 = vector.extract_strided_slice %add3A_61 {offsets = [0, 128], sizes = [400, 128], strides = [1, 1]} : vector<400x512xf32> to vector<400x128xf32>
    %logistic3A_68 = arith.negf %slice3A_67 : vector<400x128xf32>
    %logistic3A_69 = math.exp %logistic3A_68 : vector<400x128xf32>
    %logistic3A_70 = arith.constant 1.000000e+00 : f32
    %logistic3A_71 = vector.broadcast %logistic3A_70 : f32 to vector<400x128xf32>
    %logistic3A_72 = arith.addf %logistic3A_71, %logistic3A_69 : vector<400x128xf32>
    %logistic3A_73 = arith.divf %logistic3A_71, %logistic3A_72 : vector<400x128xf32>
    %slice3A_74 = vector.extract_strided_slice %add3A_61 {offsets = [0, 256], sizes = [400, 128], strides = [1, 1]} : vector<400x512xf32> to vector<400x128xf32>
    %tanh3A = math.tanh %slice3A_74 : vector<400x128xf32>
    %slice3A_75 = vector.extract_strided_slice %add3A_61 {offsets = [0, 384], sizes = [400, 128], strides = [1, 1]} : vector<400x512xf32> to vector<400x128xf32>
    %logistic3A_76 = arith.negf %slice3A_75 : vector<400x128xf32>
    %logistic3A_77 = math.exp %logistic3A_76 : vector<400x128xf32>
    %logistic3A_78 = arith.constant 1.000000e+00 : f32
    %logistic3A_79 = vector.broadcast %logistic3A_78 : f32 to vector<400x128xf32>
    %logistic3A_80 = arith.addf %logistic3A_79, %logistic3A_77 : vector<400x128xf32>
    %logistic3A_81 = arith.divf %logistic3A_79, %logistic3A_80 : vector<400x128xf32>
    %mul3A_82 = arith.mulf %logistic3A_73, %broadcast_in_dim3A_40 : vector<400x128xf32>
    %mul3A_83 = arith.mulf %logistic3A_66, %tanh3A : vector<400x128xf32>
    %add3A_84 = arith.addf %mul3A_82, %mul3A_83 : vector<400x128xf32>
    %tanh3A_85 = math.tanh %add3A_84 : vector<400x128xf32>
    %mul3A_86 = arith.mulf %logistic3A_81, %tanh3A_85 : vector<400x128xf32>
    %dot_general3A_87 = arith.constant dense<0.000000e+00> : vector<400x1xf32>
    %dot_general3A_88 = tpu.matmul %mul3A_86, %get3A_32, %dot_general3A_87 {dimension_numbers = #tpu.dot_dimension_numbers<[1], [0], [0], [1], [0, 0, 1, 1], [], []>, transpose_lhs_hint = false} : vector<400x128xf32>, vector<128x1xf32>, vector<400x1xf32> -> vector<400x1xf32>
    %add3A_89 = vector.broadcast %get3A_36 : f32 to vector<400x1xf32>
    %add3A_90 = arith.addf %dot_general3A_88, %add3A_89 : vector<400x1xf32>
    %get3A_91 = arith.constant 1 : index
    %get3A_92 = arith.constant 0 : index
    %get3A_93 = arith.constant 0 : index
    %get3A_94 = vector.load %arg1[%get3A_91, %get3A_92, %get3A_93] : memref<9x400x128xf32, #tpu.memory_space<vmem>>, vector<1x400x128xf32>
    %get3A_95 = vector.shape_cast %get3A_94 : vector<1x400x128xf32> to vector<400x128xf32>
    %get3A_96 = arith.constant 0 : index
    %get3A_97 = arith.constant 0 : index
    %get3A_98 = vector.load %arg11[%get3A_96, %get3A_97] : memref<400x128xf32, #tpu.memory_space<vmem>>, vector<400x128xf32>
    %add3A_99 = arith.addf %get3A_95, %get3A_98 : vector<400x128xf32>
    %mul3A_100 = vector.broadcast %broadcast_in_dim3A : vector<400x1xf32> to vector<400x128xf32>
    %mul3A_101 = arith.mulf %mul3A_100, %add3A_99 : vector<400x128xf32>
    %add3A_102 = vector.broadcast %get3A_16 : vector<1x128xf32> to vector<400x128xf32>
    %add3A_103 = arith.addf %mul3A_101, %add3A_102 : vector<400x128xf32>
    %max3A_104 = arith.constant 0.000000e+00 : f32
    %max3A_105 = vector.broadcast %max3A_104 : f32 to vector<400x128xf32>
    %max3A_106 = arith.maximumf %add3A_103, %max3A_105 : vector<400x128xf32>
    %dot_general3A_107 = arith.constant dense<0.000000e+00> : vector<400x512xf32>
    %dot_general3A_108 = tpu.matmul %max3A_106, %get3A_19, %dot_general3A_107 {dimension_numbers = #tpu.dot_dimension_numbers<[1], [0], [0], [1], [0, 0, 1, 1], [], []>, transpose_lhs_hint = false} : vector<400x128xf32>, vector<128x512xf32>, vector<400x512xf32> -> vector<400x512xf32>
    %dot_general3A_109 = arith.constant dense<0.000000e+00> : vector<400x512xf32>
    %dot_general3A_110 = tpu.matmul %mul3A_86, %get3A_22, %dot_general3A_109 {dimension_numbers = #tpu.dot_dimension_numbers<[1], [0], [0], [1], [0, 0, 1, 1], [], []>, transpose_lhs_hint = false} : vector<400x128xf32>, vector<128x512xf32>, vector<400x512xf32> -> vector<400x512xf32>
    %add3A_111 = arith.addf %dot_general3A_108, %dot_general3A_110 : vector<400x512xf32>
    %add3A_112 = vector.broadcast %add3A_29 : vector<1x512xf32> to vector<400x512xf32>
    %add3A_113 = arith.addf %add3A_111, %add3A_112 : vector<400x512xf32>
    %slice3A_114 = vector.extract_strided_slice %add3A_113 {offsets = [0, 0], sizes = [400, 128], strides = [1, 1]} : vector<400x512xf32> to vector<400x128xf32>
    %logistic3A_115 = arith.negf %slice3A_114 : vector<400x128xf32>
    %logistic3A_116 = math.exp %logistic3A_115 : vector<400x128xf32>
    %logistic3A_117 = arith.constant 1.000000e+00 : f32
    %logistic3A_118 = vector.broadcast %logistic3A_117 : f32 to vector<400x128xf32>
    %logistic3A_119 = arith.addf %logistic3A_118, %logistic3A_116 : vector<400x128xf32>
    %logistic3A_120 = arith.divf %logistic3A_118, %logistic3A_119 : vector<400x128xf32>
    %slice3A_121 = vector.extract_strided_slice %add3A_113 {offsets = [0, 128], sizes = [400, 128], strides = [1, 1]} : vector<400x512xf32> to vector<400x128xf32>
    %logistic3A_122 = arith.negf %slice3A_121 : vector<400x128xf32>
    %logistic3A_123 = math.exp %logistic3A_122 : vector<400x128xf32>
    %logistic3A_124 = arith.constant 1.000000e+00 : f32
    %logistic3A_125 = vector.broadcast %logistic3A_124 : f32 to vector<400x128xf32>
    %logistic3A_126 = arith.addf %logistic3A_125, %logistic3A_123 : vector<400x128xf32>
    %logistic3A_127 = arith.divf %logistic3A_125, %logistic3A_126 : vector<400x128xf32>
    %slice3A_128 = vector.extract_strided_slice %add3A_113 {offsets = [0, 256], sizes = [400, 128], strides = [1, 1]} : vector<400x512xf32> to vector<400x128xf32>
    %tanh3A_129 = math.tanh %slice3A_128 : vector<400x128xf32>
    %slice3A_130 = vector.extract_strided_slice %add3A_113 {offsets = [0, 384], sizes = [400, 128], strides = [1, 1]} : vector<400x512xf32> to vector<400x128xf32>
    %logistic3A_131 = arith.negf %slice3A_130 : vector<400x128xf32>
    %logistic3A_132 = math.exp %logistic3A_131 : vector<400x128xf32>
    %logistic3A_133 = arith.constant 1.000000e+00 : f32
    %logistic3A_134 = vector.broadcast %logistic3A_133 : f32 to vector<400x128xf32>
    %logistic3A_135 = arith.addf %logistic3A_134, %logistic3A_132 : vector<400x128xf32>
    %logistic3A_136 = arith.divf %logistic3A_134, %logistic3A_135 : vector<400x128xf32>
    %mul3A_137 = arith.mulf %logistic3A_127, %add3A_84 : vector<400x128xf32>
    %mul3A_138 = arith.mulf %logistic3A_120, %tanh3A_129 : vector<400x128xf32>
    %add3A_139 = arith.addf %mul3A_137, %mul3A_138 : vector<400x128xf32>
    %tanh3A_140 = math.tanh %add3A_139 : vector<400x128xf32>
    %mul3A_141 = arith.mulf %logistic3A_136, %tanh3A_140 : vector<400x128xf32>
    %dot_general3A_142 = arith.constant dense<0.000000e+00> : vector<400x1xf32>
    %dot_general3A_143 = tpu.matmul %mul3A_141, %get3A_32, %dot_general3A_142 {dimension_numbers = #tpu.dot_dimension_numbers<[1], [0], [0], [1], [0, 0, 1, 1], [], []>, transpose_lhs_hint = false} : vector<400x128xf32>, vector<128x1xf32>, vector<400x1xf32> -> vector<400x1xf32>
    %add3A_144 = vector.broadcast %get3A_36 : f32 to vector<400x1xf32>
    %add3A_145 = arith.addf %dot_general3A_143, %add3A_144 : vector<400x1xf32>
    %get3A_146 = arith.constant 2 : index
    %get3A_147 = arith.constant 0 : index
    %get3A_148 = arith.constant 0 : index
    %get3A_149 = vector.load %arg1[%get3A_146, %get3A_147, %get3A_148] : memref<9x400x128xf32, #tpu.memory_space<vmem>>, vector<1x400x128xf32>
    %get3A_150 = vector.shape_cast %get3A_149 : vector<1x400x128xf32> to vector<400x128xf32>
    %get3A_151 = arith.constant 0 : index
    %get3A_152 = arith.constant 0 : index
    %get3A_153 = vector.load %arg12[%get3A_151, %get3A_152] : memref<400x128xf32, #tpu.memory_space<vmem>>, vector<400x128xf32>
    %add3A_154 = arith.addf %get3A_150, %get3A_153 : vector<400x128xf32>
    %mul3A_155 = vector.broadcast %broadcast_in_dim3A : vector<400x1xf32> to vector<400x128xf32>
    %mul3A_156 = arith.mulf %mul3A_155, %add3A_154 : vector<400x128xf32>
    %add3A_157 = vector.broadcast %get3A_16 : vector<1x128xf32> to vector<400x128xf32>
    %add3A_158 = arith.addf %mul3A_156, %add3A_157 : vector<400x128xf32>
    %max3A_159 = arith.constant 0.000000e+00 : f32
    %max3A_160 = vector.broadcast %max3A_159 : f32 to vector<400x128xf32>
    %max3A_161 = arith.maximumf %add3A_158, %max3A_160 : vector<400x128xf32>
    %dot_general3A_162 = arith.constant dense<0.000000e+00> : vector<400x512xf32>
    %dot_general3A_163 = tpu.matmul %max3A_161, %get3A_19, %dot_general3A_162 {dimension_numbers = #tpu.dot_dimension_numbers<[1], [0], [0], [1], [0, 0, 1, 1], [], []>, transpose_lhs_hint = false} : vector<400x128xf32>, vector<128x512xf32>, vector<400x512xf32> -> vector<400x512xf32>
    %dot_general3A_164 = arith.constant dense<0.000000e+00> : vector<400x512xf32>
    %dot_general3A_165 = tpu.matmul %mul3A_141, %get3A_22, %dot_general3A_164 {dimension_numbers = #tpu.dot_dimension_numbers<[1], [0], [0], [1], [0, 0, 1, 1], [], []>, transpose_lhs_hint = false} : vector<400x128xf32>, vector<128x512xf32>, vector<400x512xf32> -> vector<400x512xf32>
    %add3A_166 = arith.addf %dot_general3A_163, %dot_general3A_165 : vector<400x512xf32>
    %add3A_167 = vector.broadcast %add3A_29 : vector<1x512xf32> to vector<400x512xf32>
    %add3A_168 = arith.addf %add3A_166, %add3A_167 : vector<400x512xf32>
    %slice3A_169 = vector.extract_strided_slice %add3A_168 {offsets = [0, 0], sizes = [400, 128], strides = [1, 1]} : vector<400x512xf32> to vector<400x128xf32>
    %logistic3A_170 = arith.negf %slice3A_169 : vector<400x128xf32>
    %logistic3A_171 = math.exp %logistic3A_170 : vector<400x128xf32>
    %logistic3A_172 = arith.constant 1.000000e+00 : f32
    %logistic3A_173 = vector.broadcast %logistic3A_172 : f32 to vector<400x128xf32>
    %logistic3A_174 = arith.addf %logistic3A_173, %logistic3A_171 : vector<400x128xf32>
    %logistic3A_175 = arith.divf %logistic3A_173, %logistic3A_174 : vector<400x128xf32>
    %slice3A_176 = vector.extract_strided_slice %add3A_168 {offsets = [0, 128], sizes = [400, 128], strides = [1, 1]} : vector<400x512xf32> to vector<400x128xf32>
    %logistic3A_177 = arith.negf %slice3A_176 : vector<400x128xf32>
    %logistic3A_178 = math.exp %logistic3A_177 : vector<400x128xf32>
    %logistic3A_179 = arith.constant 1.000000e+00 : f32
    %logistic3A_180 = vector.broadcast %logistic3A_179 : f32 to vector<400x128xf32>
    %logistic3A_181 = arith.addf %logistic3A_180, %logistic3A_178 : vector<400x128xf32>
    %logistic3A_182 = arith.divf %logistic3A_180, %logistic3A_181 : vector<400x128xf32>
    %slice3A_183 = vector.extract_strided_slice %add3A_168 {offsets = [0, 256], sizes = [400, 128], strides = [1, 1]} : vector<400x512xf32> to vector<400x128xf32>
    %tanh3A_184 = math.tanh %slice3A_183 : vector<400x128xf32>
    %slice3A_185 = vector.extract_strided_slice %add3A_168 {offsets = [0, 384], sizes = [400, 128], strides = [1, 1]} : vector<400x512xf32> to vector<400x128xf32>
    %logistic3A_186 = arith.negf %slice3A_185 : vector<400x128xf32>
    %logistic3A_187 = math.exp %logistic3A_186 : vector<400x128xf32>
    %logistic3A_188 = arith.constant 1.000000e+00 : f32
    %logistic3A_189 = vector.broadcast %logistic3A_188 : f32 to vector<400x128xf32>
    %logistic3A_190 = arith.addf %logistic3A_189, %logistic3A_187 : vector<400x128xf32>
    %logistic3A_191 = arith.divf %logistic3A_189, %logistic3A_190 : vector<400x128xf32>
    %mul3A_192 = arith.mulf %logistic3A_182, %add3A_139 : vector<400x128xf32>
    %mul3A_193 = arith.mulf %logistic3A_175, %tanh3A_184 : vector<400x128xf32>
    %add3A_194 = arith.addf %mul3A_192, %mul3A_193 : vector<400x128xf32>
    %tanh3A_195 = math.tanh %add3A_194 : vector<400x128xf32>
    %mul3A_196 = arith.mulf %logistic3A_191, %tanh3A_195 : vector<400x128xf32>
    %dot_general3A_197 = arith.constant dense<0.000000e+00> : vector<400x1xf32>
    %dot_general3A_198 = tpu.matmul %mul3A_196, %get3A_32, %dot_general3A_197 {dimension_numbers = #tpu.dot_dimension_numbers<[1], [0], [0], [1], [0, 0, 1, 1], [], []>, transpose_lhs_hint = false} : vector<400x128xf32>, vector<128x1xf32>, vector<400x1xf32> -> vector<400x1xf32>
    %add3A_199 = vector.broadcast %get3A_36 : f32 to vector<400x1xf32>
    %add3A_200 = arith.addf %dot_general3A_198, %add3A_199 : vector<400x1xf32>
    %get3A_201 = arith.constant 3 : index
    %get3A_202 = arith.constant 0 : index
    %get3A_203 = arith.constant 0 : index
    %get3A_204 = vector.load %arg1[%get3A_201, %get3A_202, %get3A_203] : memref<9x400x128xf32, #tpu.memory_space<vmem>>, vector<1x400x128xf32>
    %get3A_205 = vector.shape_cast %get3A_204 : vector<1x400x128xf32> to vector<400x128xf32>
    %get3A_206 = arith.constant 0 : index
    %get3A_207 = arith.constant 0 : index
    %get3A_208 = vector.load %arg13[%get3A_206, %get3A_207] : memref<400x128xf32, #tpu.memory_space<vmem>>, vector<400x128xf32>
    %add3A_209 = arith.addf %get3A_205, %get3A_208 : vector<400x128xf32>
    %mul3A_210 = vector.broadcast %broadcast_in_dim3A : vector<400x1xf32> to vector<400x128xf32>
    %mul3A_211 = arith.mulf %mul3A_210, %add3A_209 : vector<400x128xf32>
    %add3A_212 = vector.broadcast %get3A_16 : vector<1x128xf32> to vector<400x128xf32>
    %add3A_213 = arith.addf %mul3A_211, %add3A_212 : vector<400x128xf32>
    %max3A_214 = arith.constant 0.000000e+00 : f32
    %max3A_215 = vector.broadcast %max3A_214 : f32 to vector<400x128xf32>
    %max3A_216 = arith.maximumf %add3A_213, %max3A_215 : vector<400x128xf32>
    %dot_general3A_217 = arith.constant dense<0.000000e+00> : vector<400x512xf32>
    %dot_general3A_218 = tpu.matmul %max3A_216, %get3A_19, %dot_general3A_217 {dimension_numbers = #tpu.dot_dimension_numbers<[1], [0], [0], [1], [0, 0, 1, 1], [], []>, transpose_lhs_hint = false} : vector<400x128xf32>, vector<128x512xf32>, vector<400x512xf32> -> vector<400x512xf32>
    %dot_general3A_219 = arith.constant dense<0.000000e+00> : vector<400x512xf32>
    %dot_general3A_220 = tpu.matmul %mul3A_196, %get3A_22, %dot_general3A_219 {dimension_numbers = #tpu.dot_dimension_numbers<[1], [0], [0], [1], [0, 0, 1, 1], [], []>, transpose_lhs_hint = false} : vector<400x128xf32>, vector<128x512xf32>, vector<400x512xf32> -> vector<400x512xf32>
    %add3A_221 = arith.addf %dot_general3A_218, %dot_general3A_220 : vector<400x512xf32>
    %add3A_222 = vector.broadcast %add3A_29 : vector<1x512xf32> to vector<400x512xf32>
    %add3A_223 = arith.addf %add3A_221, %add3A_222 : vector<400x512xf32>
    %slice3A_224 = vector.extract_strided_slice %add3A_223 {offsets = [0, 0], sizes = [400, 128], strides = [1, 1]} : vector<400x512xf32> to vector<400x128xf32>
    %logistic3A_225 = arith.negf %slice3A_224 : vector<400x128xf32>
    %logistic3A_226 = math.exp %logistic3A_225 : vector<400x128xf32>
    %logistic3A_227 = arith.constant 1.000000e+00 : f32
    %logistic3A_228 = vector.broadcast %logistic3A_227 : f32 to vector<400x128xf32>
    %logistic3A_229 = arith.addf %logistic3A_228, %logistic3A_226 : vector<400x128xf32>
    %logistic3A_230 = arith.divf %logistic3A_228, %logistic3A_229 : vector<400x128xf32>
    %slice3A_231 = vector.extract_strided_slice %add3A_223 {offsets = [0, 128], sizes = [400, 128], strides = [1, 1]} : vector<400x512xf32> to vector<400x128xf32>
    %logistic3A_232 = arith.negf %slice3A_231 : vector<400x128xf32>
    %logistic3A_233 = math.exp %logistic3A_232 : vector<400x128xf32>
    %logistic3A_234 = arith.constant 1.000000e+00 : f32
    %logistic3A_235 = vector.broadcast %logistic3A_234 : f32 to vector<400x128xf32>
    %logistic3A_236 = arith.addf %logistic3A_235, %logistic3A_233 : vector<400x128xf32>
    %logistic3A_237 = arith.divf %logistic3A_235, %logistic3A_236 : vector<400x128xf32>
    %slice3A_238 = vector.extract_strided_slice %add3A_223 {offsets = [0, 256], sizes = [400, 128], strides = [1, 1]} : vector<400x512xf32> to vector<400x128xf32>
    %tanh3A_239 = math.tanh %slice3A_238 : vector<400x128xf32>
    %slice3A_240 = vector.extract_strided_slice %add3A_223 {offsets = [0, 384], sizes = [400, 128], strides = [1, 1]} : vector<400x512xf32> to vector<400x128xf32>
    %logistic3A_241 = arith.negf %slice3A_240 : vector<400x128xf32>
    %logistic3A_242 = math.exp %logistic3A_241 : vector<400x128xf32>
    %logistic3A_243 = arith.constant 1.000000e+00 : f32
    %logistic3A_244 = vector.broadcast %logistic3A_243 : f32 to vector<400x128xf32>
    %logistic3A_245 = arith.addf %logistic3A_244, %logistic3A_242 : vector<400x128xf32>
    %logistic3A_246 = arith.divf %logistic3A_244, %logistic3A_245 : vector<400x128xf32>
    %mul3A_247 = arith.mulf %logistic3A_237, %add3A_194 : vector<400x128xf32>
    %mul3A_248 = arith.mulf %logistic3A_230, %tanh3A_239 : vector<400x128xf32>
    %add3A_249 = arith.addf %mul3A_247, %mul3A_248 : vector<400x128xf32>
    %tanh3A_250 = math.tanh %add3A_249 : vector<400x128xf32>
    %mul3A_251 = arith.mulf %logistic3A_246, %tanh3A_250 : vector<400x128xf32>
    %dot_general3A_252 = arith.constant dense<0.000000e+00> : vector<400x1xf32>
    %dot_general3A_253 = tpu.matmul %mul3A_251, %get3A_32, %dot_general3A_252 {dimension_numbers = #tpu.dot_dimension_numbers<[1], [0], [0], [1], [0, 0, 1, 1], [], []>, transpose_lhs_hint = false} : vector<400x128xf32>, vector<128x1xf32>, vector<400x1xf32> -> vector<400x1xf32>
    %add3A_254 = vector.broadcast %get3A_36 : f32 to vector<400x1xf32>
    %add3A_255 = arith.addf %dot_general3A_253, %add3A_254 : vector<400x1xf32>
    %get3A_256 = arith.constant 4 : index
    %get3A_257 = arith.constant 0 : index
    %get3A_258 = arith.constant 0 : index
    %get3A_259 = vector.load %arg1[%get3A_256, %get3A_257, %get3A_258] : memref<9x400x128xf32, #tpu.memory_space<vmem>>, vector<1x400x128xf32>
    %get3A_260 = vector.shape_cast %get3A_259 : vector<1x400x128xf32> to vector<400x128xf32>
    %get3A_261 = arith.constant 0 : index
    %get3A_262 = arith.constant 0 : index
    %get3A_263 = vector.load %arg14[%get3A_261, %get3A_262] : memref<400x128xf32, #tpu.memory_space<vmem>>, vector<400x128xf32>
    %add3A_264 = arith.addf %get3A_260, %get3A_263 : vector<400x128xf32>
    %mul3A_265 = vector.broadcast %broadcast_in_dim3A : vector<400x1xf32> to vector<400x128xf32>
    %mul3A_266 = arith.mulf %mul3A_265, %add3A_264 : vector<400x128xf32>
    %add3A_267 = vector.broadcast %get3A_16 : vector<1x128xf32> to vector<400x128xf32>
    %add3A_268 = arith.addf %mul3A_266, %add3A_267 : vector<400x128xf32>
    %max3A_269 = arith.constant 0.000000e+00 : f32
    %max3A_270 = vector.broadcast %max3A_269 : f32 to vector<400x128xf32>
    %max3A_271 = arith.maximumf %add3A_268, %max3A_270 : vector<400x128xf32>
    %dot_general3A_272 = arith.constant dense<0.000000e+00> : vector<400x512xf32>
    %dot_general3A_273 = tpu.matmul %max3A_271, %get3A_19, %dot_general3A_272 {dimension_numbers = #tpu.dot_dimension_numbers<[1], [0], [0], [1], [0, 0, 1, 1], [], []>, transpose_lhs_hint = false} : vector<400x128xf32>, vector<128x512xf32>, vector<400x512xf32> -> vector<400x512xf32>
    %dot_general3A_274 = arith.constant dense<0.000000e+00> : vector<400x512xf32>
    %dot_general3A_275 = tpu.matmul %mul3A_251, %get3A_22, %dot_general3A_274 {dimension_numbers = #tpu.dot_dimension_numbers<[1], [0], [0], [1], [0, 0, 1, 1], [], []>, transpose_lhs_hint = false} : vector<400x128xf32>, vector<128x512xf32>, vector<400x512xf32> -> vector<400x512xf32>
    %add3A_276 = arith.addf %dot_general3A_273, %dot_general3A_275 : vector<400x512xf32>
    %add3A_277 = vector.broadcast %add3A_29 : vector<1x512xf32> to vector<400x512xf32>
    %add3A_278 = arith.addf %add3A_276, %add3A_277 : vector<400x512xf32>
    %slice3A_279 = vector.extract_strided_slice %add3A_278 {offsets = [0, 0], sizes = [400, 128], strides = [1, 1]} : vector<400x512xf32> to vector<400x128xf32>
    %logistic3A_280 = arith.negf %slice3A_279 : vector<400x128xf32>
    %logistic3A_281 = math.exp %logistic3A_280 : vector<400x128xf32>
    %logistic3A_282 = arith.constant 1.000000e+00 : f32
    %logistic3A_283 = vector.broadcast %logistic3A_282 : f32 to vector<400x128xf32>
    %logistic3A_284 = arith.addf %logistic3A_283, %logistic3A_281 : vector<400x128xf32>
    %logistic3A_285 = arith.divf %logistic3A_283, %logistic3A_284 : vector<400x128xf32>
    %slice3A_286 = vector.extract_strided_slice %add3A_278 {offsets = [0, 128], sizes = [400, 128], strides = [1, 1]} : vector<400x512xf32> to vector<400x128xf32>
    %logistic3A_287 = arith.negf %slice3A_286 : vector<400x128xf32>
    %logistic3A_288 = math.exp %logistic3A_287 : vector<400x128xf32>
    %logistic3A_289 = arith.constant 1.000000e+00 : f32
    %logistic3A_290 = vector.broadcast %logistic3A_289 : f32 to vector<400x128xf32>
    %logistic3A_291 = arith.addf %logistic3A_290, %logistic3A_288 : vector<400x128xf32>
    %logistic3A_292 = arith.divf %logistic3A_290, %logistic3A_291 : vector<400x128xf32>
    %slice3A_293 = vector.extract_strided_slice %add3A_278 {offsets = [0, 256], sizes = [400, 128], strides = [1, 1]} : vector<400x512xf32> to vector<400x128xf32>
    %tanh3A_294 = math.tanh %slice3A_293 : vector<400x128xf32>
    %slice3A_295 = vector.extract_strided_slice %add3A_278 {offsets = [0, 384], sizes = [400, 128], strides = [1, 1]} : vector<400x512xf32> to vector<400x128xf32>
    %logistic3A_296 = arith.negf %slice3A_295 : vector<400x128xf32>
    %logistic3A_297 = math.exp %logistic3A_296 : vector<400x128xf32>
    %logistic3A_298 = arith.constant 1.000000e+00 : f32
    %logistic3A_299 = vector.broadcast %logistic3A_298 : f32 to vector<400x128xf32>
    %logistic3A_300 = arith.addf %logistic3A_299, %logistic3A_297 : vector<400x128xf32>
    %logistic3A_301 = arith.divf %logistic3A_299, %logistic3A_300 : vector<400x128xf32>
    %mul3A_302 = arith.mulf %logistic3A_292, %add3A_249 : vector<400x128xf32>
    %mul3A_303 = arith.mulf %logistic3A_285, %tanh3A_294 : vector<400x128xf32>
    %add3A_304 = arith.addf %mul3A_302, %mul3A_303 : vector<400x128xf32>
    %tanh3A_305 = math.tanh %add3A_304 : vector<400x128xf32>
    %mul3A_306 = arith.mulf %logistic3A_301, %tanh3A_305 : vector<400x128xf32>
    %dot_general3A_307 = arith.constant dense<0.000000e+00> : vector<400x1xf32>
    %dot_general3A_308 = tpu.matmul %mul3A_306, %get3A_32, %dot_general3A_307 {dimension_numbers = #tpu.dot_dimension_numbers<[1], [0], [0], [1], [0, 0, 1, 1], [], []>, transpose_lhs_hint = false} : vector<400x128xf32>, vector<128x1xf32>, vector<400x1xf32> -> vector<400x1xf32>
    %add3A_309 = vector.broadcast %get3A_36 : f32 to vector<400x1xf32>
    %add3A_310 = arith.addf %dot_general3A_308, %add3A_309 : vector<400x1xf32>
    %get3A_311 = arith.constant 5 : index
    %get3A_312 = arith.constant 0 : index
    %get3A_313 = arith.constant 0 : index
    %get3A_314 = vector.load %arg1[%get3A_311, %get3A_312, %get3A_313] : memref<9x400x128xf32, #tpu.memory_space<vmem>>, vector<1x400x128xf32>
    %get3A_315 = vector.shape_cast %get3A_314 : vector<1x400x128xf32> to vector<400x128xf32>
    %get3A_316 = arith.constant 0 : index
    %get3A_317 = arith.constant 0 : index
    %get3A_318 = vector.load %arg15[%get3A_316, %get3A_317] : memref<400x128xf32, #tpu.memory_space<vmem>>, vector<400x128xf32>
    %add3A_319 = arith.addf %get3A_315, %get3A_318 : vector<400x128xf32>
    %mul3A_320 = vector.broadcast %broadcast_in_dim3A : vector<400x1xf32> to vector<400x128xf32>
    %mul3A_321 = arith.mulf %mul3A_320, %add3A_319 : vector<400x128xf32>
    %add3A_322 = vector.broadcast %get3A_16 : vector<1x128xf32> to vector<400x128xf32>
    %add3A_323 = arith.addf %mul3A_321, %add3A_322 : vector<400x128xf32>
    %max3A_324 = arith.constant 0.000000e+00 : f32
    %max3A_325 = vector.broadcast %max3A_324 : f32 to vector<400x128xf32>
    %max3A_326 = arith.maximumf %add3A_323, %max3A_325 : vector<400x128xf32>
    %dot_general3A_327 = arith.constant dense<0.000000e+00> : vector<400x512xf32>
    %dot_general3A_328 = tpu.matmul %max3A_326, %get3A_19, %dot_general3A_327 {dimension_numbers = #tpu.dot_dimension_numbers<[1], [0], [0], [1], [0, 0, 1, 1], [], []>, transpose_lhs_hint = false} : vector<400x128xf32>, vector<128x512xf32>, vector<400x512xf32> -> vector<400x512xf32>
    %dot_general3A_329 = arith.constant dense<0.000000e+00> : vector<400x512xf32>
    %dot_general3A_330 = tpu.matmul %mul3A_306, %get3A_22, %dot_general3A_329 {dimension_numbers = #tpu.dot_dimension_numbers<[1], [0], [0], [1], [0, 0, 1, 1], [], []>, transpose_lhs_hint = false} : vector<400x128xf32>, vector<128x512xf32>, vector<400x512xf32> -> vector<400x512xf32>
    %add3A_331 = arith.addf %dot_general3A_328, %dot_general3A_330 : vector<400x512xf32>
    %add3A_332 = vector.broadcast %add3A_29 : vector<1x512xf32> to vector<400x512xf32>
    %add3A_333 = arith.addf %add3A_331, %add3A_332 : vector<400x512xf32>
    %slice3A_334 = vector.extract_strided_slice %add3A_333 {offsets = [0, 0], sizes = [400, 128], strides = [1, 1]} : vector<400x512xf32> to vector<400x128xf32>
    %logistic3A_335 = arith.negf %slice3A_334 : vector<400x128xf32>
    %logistic3A_336 = math.exp %logistic3A_335 : vector<400x128xf32>
    %logistic3A_337 = arith.constant 1.000000e+00 : f32
    %logistic3A_338 = vector.broadcast %logistic3A_337 : f32 to vector<400x128xf32>
    %logistic3A_339 = arith.addf %logistic3A_338, %logistic3A_336 : vector<400x128xf32>
    %logistic3A_340 = arith.divf %logistic3A_338, %logistic3A_339 : vector<400x128xf32>
    %slice3A_341 = vector.extract_strided_slice %add3A_333 {offsets = [0, 128], sizes = [400, 128], strides = [1, 1]} : vector<400x512xf32> to vector<400x128xf32>
    %logistic3A_342 = arith.negf %slice3A_341 : vector<400x128xf32>
    %logistic3A_343 = math.exp %logistic3A_342 : vector<400x128xf32>
    %logistic3A_344 = arith.constant 1.000000e+00 : f32
    %logistic3A_345 = vector.broadcast %logistic3A_344 : f32 to vector<400x128xf32>
    %logistic3A_346 = arith.addf %logistic3A_345, %logistic3A_343 : vector<400x128xf32>
    %logistic3A_347 = arith.divf %logistic3A_345, %logistic3A_346 : vector<400x128xf32>
    %slice3A_348 = vector.extract_strided_slice %add3A_333 {offsets = [0, 256], sizes = [400, 128], strides = [1, 1]} : vector<400x512xf32> to vector<400x128xf32>
    %tanh3A_349 = math.tanh %slice3A_348 : vector<400x128xf32>
    %slice3A_350 = vector.extract_strided_slice %add3A_333 {offsets = [0, 384], sizes = [400, 128], strides = [1, 1]} : vector<400x512xf32> to vector<400x128xf32>
    %logistic3A_351 = arith.negf %slice3A_350 : vector<400x128xf32>
    %logistic3A_352 = math.exp %logistic3A_351 : vector<400x128xf32>
    %logistic3A_353 = arith.constant 1.000000e+00 : f32
    %logistic3A_354 = vector.broadcast %logistic3A_353 : f32 to vector<400x128xf32>
    %logistic3A_355 = arith.addf %logistic3A_354, %logistic3A_352 : vector<400x128xf32>
    %logistic3A_356 = arith.divf %logistic3A_354, %logistic3A_355 : vector<400x128xf32>
    %mul3A_357 = arith.mulf %logistic3A_347, %add3A_304 : vector<400x128xf32>
    %mul3A_358 = arith.mulf %logistic3A_340, %tanh3A_349 : vector<400x128xf32>
    %add3A_359 = arith.addf %mul3A_357, %mul3A_358 : vector<400x128xf32>
    %tanh3A_360 = math.tanh %add3A_359 : vector<400x128xf32>
    %mul3A_361 = arith.mulf %logistic3A_356, %tanh3A_360 : vector<400x128xf32>
    %dot_general3A_362 = arith.constant dense<0.000000e+00> : vector<400x1xf32>
    %dot_general3A_363 = tpu.matmul %mul3A_361, %get3A_32, %dot_general3A_362 {dimension_numbers = #tpu.dot_dimension_numbers<[1], [0], [0], [1], [0, 0, 1, 1], [], []>, transpose_lhs_hint = false} : vector<400x128xf32>, vector<128x1xf32>, vector<400x1xf32> -> vector<400x1xf32>
    %add3A_364 = vector.broadcast %get3A_36 : f32 to vector<400x1xf32>
    %add3A_365 = arith.addf %dot_general3A_363, %add3A_364 : vector<400x1xf32>
    %get3A_366 = arith.constant 6 : index
    %get3A_367 = arith.constant 0 : index
    %get3A_368 = arith.constant 0 : index
    %get3A_369 = vector.load %arg1[%get3A_366, %get3A_367, %get3A_368] : memref<9x400x128xf32, #tpu.memory_space<vmem>>, vector<1x400x128xf32>
    %get3A_370 = vector.shape_cast %get3A_369 : vector<1x400x128xf32> to vector<400x128xf32>
    %get3A_371 = arith.constant 0 : index
    %get3A_372 = arith.constant 0 : index
    %get3A_373 = vector.load %arg16[%get3A_371, %get3A_372] : memref<400x128xf32, #tpu.memory_space<vmem>>, vector<400x128xf32>
    %add3A_374 = arith.addf %get3A_370, %get3A_373 : vector<400x128xf32>
    %mul3A_375 = vector.broadcast %broadcast_in_dim3A : vector<400x1xf32> to vector<400x128xf32>
    %mul3A_376 = arith.mulf %mul3A_375, %add3A_374 : vector<400x128xf32>
    %add3A_377 = vector.broadcast %get3A_16 : vector<1x128xf32> to vector<400x128xf32>
    %add3A_378 = arith.addf %mul3A_376, %add3A_377 : vector<400x128xf32>
    %max3A_379 = arith.constant 0.000000e+00 : f32
    %max3A_380 = vector.broadcast %max3A_379 : f32 to vector<400x128xf32>
    %max3A_381 = arith.maximumf %add3A_378, %max3A_380 : vector<400x128xf32>
    %dot_general3A_382 = arith.constant dense<0.000000e+00> : vector<400x512xf32>
    %dot_general3A_383 = tpu.matmul %max3A_381, %get3A_19, %dot_general3A_382 {dimension_numbers = #tpu.dot_dimension_numbers<[1], [0], [0], [1], [0, 0, 1, 1], [], []>, transpose_lhs_hint = false} : vector<400x128xf32>, vector<128x512xf32>, vector<400x512xf32> -> vector<400x512xf32>
    %dot_general3A_384 = arith.constant dense<0.000000e+00> : vector<400x512xf32>
    %dot_general3A_385 = tpu.matmul %mul3A_361, %get3A_22, %dot_general3A_384 {dimension_numbers = #tpu.dot_dimension_numbers<[1], [0], [0], [1], [0, 0, 1, 1], [], []>, transpose_lhs_hint = false} : vector<400x128xf32>, vector<128x512xf32>, vector<400x512xf32> -> vector<400x512xf32>
    %add3A_386 = arith.addf %dot_general3A_383, %dot_general3A_385 : vector<400x512xf32>
    %add3A_387 = vector.broadcast %add3A_29 : vector<1x512xf32> to vector<400x512xf32>
    %add3A_388 = arith.addf %add3A_386, %add3A_387 : vector<400x512xf32>
    %slice3A_389 = vector.extract_strided_slice %add3A_388 {offsets = [0, 0], sizes = [400, 128], strides = [1, 1]} : vector<400x512xf32> to vector<400x128xf32>
    %logistic3A_390 = arith.negf %slice3A_389 : vector<400x128xf32>
    %logistic3A_391 = math.exp %logistic3A_390 : vector<400x128xf32>
    %logistic3A_392 = arith.constant 1.000000e+00 : f32
    %logistic3A_393 = vector.broadcast %logistic3A_392 : f32 to vector<400x128xf32>
    %logistic3A_394 = arith.addf %logistic3A_393, %logistic3A_391 : vector<400x128xf32>
    %logistic3A_395 = arith.divf %logistic3A_393, %logistic3A_394 : vector<400x128xf32>
    %slice3A_396 = vector.extract_strided_slice %add3A_388 {offsets = [0, 128], sizes = [400, 128], strides = [1, 1]} : vector<400x512xf32> to vector<400x128xf32>
    %logistic3A_397 = arith.negf %slice3A_396 : vector<400x128xf32>
    %logistic3A_398 = math.exp %logistic3A_397 : vector<400x128xf32>
    %logistic3A_399 = arith.constant 1.000000e+00 : f32
    %logistic3A_400 = vector.broadcast %logistic3A_399 : f32 to vector<400x128xf32>
    %logistic3A_401 = arith.addf %logistic3A_400, %logistic3A_398 : vector<400x128xf32>
    %logistic3A_402 = arith.divf %logistic3A_400, %logistic3A_401 : vector<400x128xf32>
    %slice3A_403 = vector.extract_strided_slice %add3A_388 {offsets = [0, 256], sizes = [400, 128], strides = [1, 1]} : vector<400x512xf32> to vector<400x128xf32>
    %tanh3A_404 = math.tanh %slice3A_403 : vector<400x128xf32>
    %slice3A_405 = vector.extract_strided_slice %add3A_388 {offsets = [0, 384], sizes = [400, 128], strides = [1, 1]} : vector<400x512xf32> to vector<400x128xf32>
    %logistic3A_406 = arith.negf %slice3A_405 : vector<400x128xf32>
    %logistic3A_407 = math.exp %logistic3A_406 : vector<400x128xf32>
    %logistic3A_408 = arith.constant 1.000000e+00 : f32
    %logistic3A_409 = vector.broadcast %logistic3A_408 : f32 to vector<400x128xf32>
    %logistic3A_410 = arith.addf %logistic3A_409, %logistic3A_407 : vector<400x128xf32>
    %logistic3A_411 = arith.divf %logistic3A_409, %logistic3A_410 : vector<400x128xf32>
    %mul3A_412 = arith.mulf %logistic3A_402, %add3A_359 : vector<400x128xf32>
    %mul3A_413 = arith.mulf %logistic3A_395, %tanh3A_404 : vector<400x128xf32>
    %add3A_414 = arith.addf %mul3A_412, %mul3A_413 : vector<400x128xf32>
    %tanh3A_415 = math.tanh %add3A_414 : vector<400x128xf32>
    %mul3A_416 = arith.mulf %logistic3A_411, %tanh3A_415 : vector<400x128xf32>
    %dot_general3A_417 = arith.constant dense<0.000000e+00> : vector<400x1xf32>
    %dot_general3A_418 = tpu.matmul %mul3A_416, %get3A_32, %dot_general3A_417 {dimension_numbers = #tpu.dot_dimension_numbers<[1], [0], [0], [1], [0, 0, 1, 1], [], []>, transpose_lhs_hint = false} : vector<400x128xf32>, vector<128x1xf32>, vector<400x1xf32> -> vector<400x1xf32>
    %add3A_419 = vector.broadcast %get3A_36 : f32 to vector<400x1xf32>
    %add3A_420 = arith.addf %dot_general3A_418, %add3A_419 : vector<400x1xf32>
    %get3A_421 = arith.constant 7 : index
    %get3A_422 = arith.constant 0 : index
    %get3A_423 = arith.constant 0 : index
    %get3A_424 = vector.load %arg1[%get3A_421, %get3A_422, %get3A_423] : memref<9x400x128xf32, #tpu.memory_space<vmem>>, vector<1x400x128xf32>
    %get3A_425 = vector.shape_cast %get3A_424 : vector<1x400x128xf32> to vector<400x128xf32>
    %get3A_426 = arith.constant 0 : index
    %get3A_427 = arith.constant 0 : index
    %get3A_428 = vector.load %arg17[%get3A_426, %get3A_427] : memref<400x128xf32, #tpu.memory_space<vmem>>, vector<400x128xf32>
    %add3A_429 = arith.addf %get3A_425, %get3A_428 : vector<400x128xf32>
    %mul3A_430 = vector.broadcast %broadcast_in_dim3A : vector<400x1xf32> to vector<400x128xf32>
    %mul3A_431 = arith.mulf %mul3A_430, %add3A_429 : vector<400x128xf32>
    %add3A_432 = vector.broadcast %get3A_16 : vector<1x128xf32> to vector<400x128xf32>
    %add3A_433 = arith.addf %mul3A_431, %add3A_432 : vector<400x128xf32>
    %max3A_434 = arith.constant 0.000000e+00 : f32
    %max3A_435 = vector.broadcast %max3A_434 : f32 to vector<400x128xf32>
    %max3A_436 = arith.maximumf %add3A_433, %max3A_435 : vector<400x128xf32>
    %dot_general3A_437 = arith.constant dense<0.000000e+00> : vector<400x512xf32>
    %dot_general3A_438 = tpu.matmul %max3A_436, %get3A_19, %dot_general3A_437 {dimension_numbers = #tpu.dot_dimension_numbers<[1], [0], [0], [1], [0, 0, 1, 1], [], []>, transpose_lhs_hint = false} : vector<400x128xf32>, vector<128x512xf32>, vector<400x512xf32> -> vector<400x512xf32>
    %dot_general3A_439 = arith.constant dense<0.000000e+00> : vector<400x512xf32>
    %dot_general3A_440 = tpu.matmul %mul3A_416, %get3A_22, %dot_general3A_439 {dimension_numbers = #tpu.dot_dimension_numbers<[1], [0], [0], [1], [0, 0, 1, 1], [], []>, transpose_lhs_hint = false} : vector<400x128xf32>, vector<128x512xf32>, vector<400x512xf32> -> vector<400x512xf32>
    %add3A_441 = arith.addf %dot_general3A_438, %dot_general3A_440 : vector<400x512xf32>
    %add3A_442 = vector.broadcast %add3A_29 : vector<1x512xf32> to vector<400x512xf32>
    %add3A_443 = arith.addf %add3A_441, %add3A_442 : vector<400x512xf32>
    %slice3A_444 = vector.extract_strided_slice %add3A_443 {offsets = [0, 0], sizes = [400, 128], strides = [1, 1]} : vector<400x512xf32> to vector<400x128xf32>
    %logistic3A_445 = arith.negf %slice3A_444 : vector<400x128xf32>
    %logistic3A_446 = math.exp %logistic3A_445 : vector<400x128xf32>
    %logistic3A_447 = arith.constant 1.000000e+00 : f32
    %logistic3A_448 = vector.broadcast %logistic3A_447 : f32 to vector<400x128xf32>
    %logistic3A_449 = arith.addf %logistic3A_448, %logistic3A_446 : vector<400x128xf32>
    %logistic3A_450 = arith.divf %logistic3A_448, %logistic3A_449 : vector<400x128xf32>
    %slice3A_451 = vector.extract_strided_slice %add3A_443 {offsets = [0, 128], sizes = [400, 128], strides = [1, 1]} : vector<400x512xf32> to vector<400x128xf32>
    %logistic3A_452 = arith.negf %slice3A_451 : vector<400x128xf32>
    %logistic3A_453 = math.exp %logistic3A_452 : vector<400x128xf32>
    %logistic3A_454 = arith.constant 1.000000e+00 : f32
    %logistic3A_455 = vector.broadcast %logistic3A_454 : f32 to vector<400x128xf32>
    %logistic3A_456 = arith.addf %logistic3A_455, %logistic3A_453 : vector<400x128xf32>
    %logistic3A_457 = arith.divf %logistic3A_455, %logistic3A_456 : vector<400x128xf32>
    %slice3A_458 = vector.extract_strided_slice %add3A_443 {offsets = [0, 256], sizes = [400, 128], strides = [1, 1]} : vector<400x512xf32> to vector<400x128xf32>
    %tanh3A_459 = math.tanh %slice3A_458 : vector<400x128xf32>
    %slice3A_460 = vector.extract_strided_slice %add3A_443 {offsets = [0, 384], sizes = [400, 128], strides = [1, 1]} : vector<400x512xf32> to vector<400x128xf32>
    %logistic3A_461 = arith.negf %slice3A_460 : vector<400x128xf32>
    %logistic3A_462 = math.exp %logistic3A_461 : vector<400x128xf32>
    %logistic3A_463 = arith.constant 1.000000e+00 : f32
    %logistic3A_464 = vector.broadcast %logistic3A_463 : f32 to vector<400x128xf32>
    %logistic3A_465 = arith.addf %logistic3A_464, %logistic3A_462 : vector<400x128xf32>
    %logistic3A_466 = arith.divf %logistic3A_464, %logistic3A_465 : vector<400x128xf32>
    %mul3A_467 = arith.mulf %logistic3A_457, %add3A_414 : vector<400x128xf32>
    %mul3A_468 = arith.mulf %logistic3A_450, %tanh3A_459 : vector<400x128xf32>
    %add3A_469 = arith.addf %mul3A_467, %mul3A_468 : vector<400x128xf32>
    %tanh3A_470 = math.tanh %add3A_469 : vector<400x128xf32>
    %mul3A_471 = arith.mulf %logistic3A_466, %tanh3A_470 : vector<400x128xf32>
    %dot_general3A_472 = arith.constant dense<0.000000e+00> : vector<400x1xf32>
    %dot_general3A_473 = tpu.matmul %mul3A_471, %get3A_32, %dot_general3A_472 {dimension_numbers = #tpu.dot_dimension_numbers<[1], [0], [0], [1], [0, 0, 1, 1], [], []>, transpose_lhs_hint = false} : vector<400x128xf32>, vector<128x1xf32>, vector<400x1xf32> -> vector<400x1xf32>
    %add3A_474 = vector.broadcast %get3A_36 : f32 to vector<400x1xf32>
    %add3A_475 = arith.addf %dot_general3A_473, %add3A_474 : vector<400x1xf32>
    %get3A_476 = arith.constant 8 : index
    %get3A_477 = arith.constant 0 : index
    %get3A_478 = arith.constant 0 : index
    %get3A_479 = vector.load %arg1[%get3A_476, %get3A_477, %get3A_478] : memref<9x400x128xf32, #tpu.memory_space<vmem>>, vector<1x400x128xf32>
    %get3A_480 = vector.shape_cast %get3A_479 : vector<1x400x128xf32> to vector<400x128xf32>
    %get3A_481 = arith.constant 0 : index
    %get3A_482 = arith.constant 0 : index
    %get3A_483 = vector.load %arg18[%get3A_481, %get3A_482] : memref<400x128xf32, #tpu.memory_space<vmem>>, vector<400x128xf32>
    %add3A_484 = arith.addf %get3A_480, %get3A_483 : vector<400x128xf32>
    %mul3A_485 = vector.broadcast %broadcast_in_dim3A : vector<400x1xf32> to vector<400x128xf32>
    %mul3A_486 = arith.mulf %mul3A_485, %add3A_484 : vector<400x128xf32>
    %add3A_487 = vector.broadcast %get3A_16 : vector<1x128xf32> to vector<400x128xf32>
    %add3A_488 = arith.addf %mul3A_486, %add3A_487 : vector<400x128xf32>
    %max3A_489 = arith.constant 0.000000e+00 : f32
    %max3A_490 = vector.broadcast %max3A_489 : f32 to vector<400x128xf32>
    %max3A_491 = arith.maximumf %add3A_488, %max3A_490 : vector<400x128xf32>
    %dot_general3A_492 = arith.constant dense<0.000000e+00> : vector<400x512xf32>
    %dot_general3A_493 = tpu.matmul %max3A_491, %get3A_19, %dot_general3A_492 {dimension_numbers = #tpu.dot_dimension_numbers<[1], [0], [0], [1], [0, 0, 1, 1], [], []>, transpose_lhs_hint = false} : vector<400x128xf32>, vector<128x512xf32>, vector<400x512xf32> -> vector<400x512xf32>
    %dot_general3A_494 = arith.constant dense<0.000000e+00> : vector<400x512xf32>
    %dot_general3A_495 = tpu.matmul %mul3A_471, %get3A_22, %dot_general3A_494 {dimension_numbers = #tpu.dot_dimension_numbers<[1], [0], [0], [1], [0, 0, 1, 1], [], []>, transpose_lhs_hint = false} : vector<400x128xf32>, vector<128x512xf32>, vector<400x512xf32> -> vector<400x512xf32>
    %add3A_496 = arith.addf %dot_general3A_493, %dot_general3A_495 : vector<400x512xf32>
    %add3A_497 = vector.broadcast %add3A_29 : vector<1x512xf32> to vector<400x512xf32>
    %add3A_498 = arith.addf %add3A_496, %add3A_497 : vector<400x512xf32>
    %slice3A_499 = vector.extract_strided_slice %add3A_498 {offsets = [0, 0], sizes = [400, 128], strides = [1, 1]} : vector<400x512xf32> to vector<400x128xf32>
    %logistic3A_500 = arith.negf %slice3A_499 : vector<400x128xf32>
    %logistic3A_501 = math.exp %logistic3A_500 : vector<400x128xf32>
    %logistic3A_502 = arith.constant 1.000000e+00 : f32
    %logistic3A_503 = vector.broadcast %logistic3A_502 : f32 to vector<400x128xf32>
    %logistic3A_504 = arith.addf %logistic3A_503, %logistic3A_501 : vector<400x128xf32>
    %logistic3A_505 = arith.divf %logistic3A_503, %logistic3A_504 : vector<400x128xf32>
    %slice3A_506 = vector.extract_strided_slice %add3A_498 {offsets = [0, 128], sizes = [400, 128], strides = [1, 1]} : vector<400x512xf32> to vector<400x128xf32>
    %logistic3A_507 = arith.negf %slice3A_506 : vector<400x128xf32>
    %logistic3A_508 = math.exp %logistic3A_507 : vector<400x128xf32>
    %logistic3A_509 = arith.constant 1.000000e+00 : f32
    %logistic3A_510 = vector.broadcast %logistic3A_509 : f32 to vector<400x128xf32>
    %logistic3A_511 = arith.addf %logistic3A_510, %logistic3A_508 : vector<400x128xf32>
    %logistic3A_512 = arith.divf %logistic3A_510, %logistic3A_511 : vector<400x128xf32>
    %slice3A_513 = vector.extract_strided_slice %add3A_498 {offsets = [0, 256], sizes = [400, 128], strides = [1, 1]} : vector<400x512xf32> to vector<400x128xf32>
    %tanh3A_514 = math.tanh %slice3A_513 : vector<400x128xf32>
    %slice3A_515 = vector.extract_strided_slice %add3A_498 {offsets = [0, 384], sizes = [400, 128], strides = [1, 1]} : vector<400x512xf32> to vector<400x128xf32>
    %logistic3A_516 = arith.negf %slice3A_515 : vector<400x128xf32>
    %logistic3A_517 = math.exp %logistic3A_516 : vector<400x128xf32>
    %logistic3A_518 = arith.constant 1.000000e+00 : f32
    %logistic3A_519 = vector.broadcast %logistic3A_518 : f32 to vector<400x128xf32>
    %logistic3A_520 = arith.addf %logistic3A_519, %logistic3A_517 : vector<400x128xf32>
    %logistic3A_521 = arith.divf %logistic3A_519, %logistic3A_520 : vector<400x128xf32>
    %mul3A_522 = arith.mulf %logistic3A_512, %add3A_469 : vector<400x128xf32>
    %mul3A_523 = arith.mulf %logistic3A_505, %tanh3A_514 : vector<400x128xf32>
    %add3A_524 = arith.addf %mul3A_522, %mul3A_523 : vector<400x128xf32>
    %tanh3A_525 = math.tanh %add3A_524 : vector<400x128xf32>
    %mul3A_526 = arith.mulf %logistic3A_521, %tanh3A_525 : vector<400x128xf32>
    %dot_general3A_527 = arith.constant dense<0.000000e+00> : vector<400x1xf32>
    %dot_general3A_528 = tpu.matmul %mul3A_526, %get3A_32, %dot_general3A_527 {dimension_numbers = #tpu.dot_dimension_numbers<[1], [0], [0], [1], [0, 0, 1, 1], [], []>, transpose_lhs_hint = false} : vector<400x128xf32>, vector<128x1xf32>, vector<400x1xf32> -> vector<400x1xf32>
    %add3A_529 = vector.broadcast %get3A_36 : f32 to vector<400x1xf32>
    %add3A_530 = arith.addf %dot_general3A_528, %add3A_529 : vector<400x1xf32>
    %concatenate3A = tpu.concatenate %add3A_90, %add3A_145, %add3A_200, %add3A_255, %add3A_310, %add3A_365, %add3A_420, %add3A_475, %add3A_530 in 1 : vector<400x1xf32>, vector<400x1xf32>, vector<400x1xf32>, vector<400x1xf32>, vector<400x1xf32>, vector<400x1xf32>, vector<400x1xf32>, vector<400x1xf32>, vector<400x1xf32> -> vector<400x9xf32>
    %swap3A = arith.constant 0 : index
    %swap3A_531 = arith.constant 0 : index
    %swap3A_532 = vector.load %arg19[%swap3A, %swap3A_531] : memref<400x9xf32, #tpu.memory_space<vmem>>, vector<400x9xf32>
    tpu.vector_store %arg19[%swap3A, %swap3A_531], %concatenate3A {strides = array<i32>} : memref<400x9xf32, #tpu.memory_space<vmem>>, vector<400x9xf32>,
    return
  }
  func.func @transform_0(%arg0: i32) -> (i32, i32, i32) {
    %c0_i32 = arith.constant 0 : i32
    %c0_i32_0 = arith.constant 0 : i32
    %c0_i32_1 = arith.constant 0 : i32
    return %c0_i32, %arg0, %c0_i32_0 : i32, i32, i32
  }
  func.func @transform_1(%arg0: i32) -> (i32, i32, i32) {
    %c0_i32 = arith.constant 0 : i32
    %c0_i32_0 = arith.constant 0 : i32
    %c0_i32_1 = arith.constant 0 : i32
    return %c0_i32, %arg0, %c0_i32_0 : i32, i32, i32
  }
  func.func @transform_2(%arg0: i32) -> (i32, i32) {
    %c0_i32 = arith.constant 0 : i32
    %c0_i32_0 = arith.constant 0 : i32
    %c0_i32_1 = arith.constant 0 : i32
    return %c0_i32, %c0_i32_0 : i32, i32
  }
  func.func @transform_3(%arg0: i32) -> (i32, i32) {
    %c0_i32 = arith.constant 0 : i32
    %c0_i32_0 = arith.constant 0 : i32
    %c0_i32_1 = arith.constant 0 : i32
    return %c0_i32, %c0_i32_0 : i32, i32
  }
  func.func @transform_4(%arg0: i32) -> (i32, i32) {
    %c0_i32 = arith.constant 0 : i32
    %c0_i32_0 = arith.constant 0 : i32
    %c0_i32_1 = arith.constant 0 : i32
    return %c0_i32, %c0_i32_0 : i32, i32
  }
  func.func @transform_5(%arg0: i32) -> (i32, i32) {
    %c0_i32 = arith.constant 0 : i32
    %c0_i32_0 = arith.constant 0 : i32
    %c0_i32_1 = arith.constant 0 : i32
    return %c0_i32, %c0_i32_0 : i32, i32
  }
  func.func @transform_6(%arg0: i32) -> (i32, i32) {
    %c0_i32 = arith.constant 0 : i32
    %c0_i32_0 = arith.constant 0 : i32
    %c0_i32_1 = arith.constant 0 : i32
    return %c0_i32, %c0_i32_0 : i32, i32
  }
  func.func @transform_7(%arg0: i32) -> (i32, i32) {
    %c0_i32 = arith.constant 0 : i32
    %c0_i32_0 = arith.constant 0 : i32
    %c0_i32_1 = arith.constant 0 : i32
    return %c0_i32, %c0_i32_0 : i32, i32
  }
  func.func @transform_8(%arg0: i32) -> (i32, i32) {
    %c0_i32 = arith.constant 0 : i32
    %c0_i32_0 = arith.constant 0 : i32
    %c0_i32_1 = arith.constant 0 : i32
    return %c0_i32, %c0_i32_0 : i32, i32
  }
  func.func @transform_9(%arg0: i32) -> (i32, i32) {
    %c0_i32 = arith.constant 0 : i32
    %c0_i32_0 = arith.constant 0 : i32
    return %arg0, %c0_i32 : i32, i32
  }
  func.func @transform_10(%arg0: i32) -> (i32, i32) {
    %c0_i32 = arith.constant 0 : i32
    %c0_i32_0 = arith.constant 0 : i32
    return %arg0, %c0_i32 : i32, i32
  }
  func.func @transform_11(%arg0: i32) -> (i32, i32) {
    %c0_i32 = arith.constant 0 : i32
    %c0_i32_0 = arith.constant 0 : i32
    return %arg0, %c0_i32 : i32, i32
  }
  func.func @transform_12(%arg0: i32) -> (i32, i32) {
    %c0_i32 = arith.constant 0 : i32
    %c0_i32_0 = arith.constant 0 : i32
    return %arg0, %c0_i32 : i32, i32
  }
  func.func @transform_13(%arg0: i32) -> (i32, i32) {
    %c0_i32 = arith.constant 0 : i32
    %c0_i32_0 = arith.constant 0 : i32
    return %arg0, %c0_i32 : i32, i32
  }
  func.func @transform_14(%arg0: i32) -> (i32, i32) {
    %c0_i32 = arith.constant 0 : i32
    %c0_i32_0 = arith.constant 0 : i32
    return %arg0, %c0_i32 : i32, i32
  }
  func.func @transform_15(%arg0: i32) -> (i32, i32) {
    %c0_i32 = arith.constant 0 : i32
    %c0_i32_0 = arith.constant 0 : i32
    return %arg0, %c0_i32 : i32, i32
  }
  func.func @transform_16(%arg0: i32) -> (i32, i32) {
    %c0_i32 = arith.constant 0 : i32
    %c0_i32_0 = arith.constant 0 : i32
    return %arg0, %c0_i32 : i32, i32
  }
  func.func @transform_17(%arg0: i32) -> (i32, i32) {
    %c0_i32 = arith.constant 0 : i32
    %c0_i32_0 = arith.constant 0 : i32
    return %arg0, %c0_i32 : i32, i32
  }
  func.func @transform_18(%arg0: i32) -> (i32, i32) {
    %c0_i32 = arith.constant 0 : i32
    %c0_i32_0 = arith.constant 0 : i32
    return %arg0, %c0_i32 : i32, i32
  }
}

</mosaic_0001>

<sc_bundles>
// kernel: kernel.6.cloned.1.call-start
scs
__scs_entry_jumppad:
0x0: {  	(pc) =	sbr.rel $0x88, $3  }
0x1: {  	(tag) =	ssettag $0x0;
	lr =	simm.s32 $0x1  }
0x2: {  	[smem:$0x3F97] =	sst lr;
	_ =	strace $0xD0000000  }
0x3: {  	_ = 	snop  }
0x4: {  	_ = 	snop  }
0x5: {  	_ = 	snop  }
0x6: {  	_ = 	snop  }
0x7: {  	_ = 	snop  }
__scs_overlays_trampoline_lowered:
0x8: {  	[smem:$0x3FA6] =	sst s0  }
0x9: {  	[smem:$0x3FA7] =	sst s1  }
0xa: {  	[smem:$0x3FA8] =	sst s2  }
0xb: {  	[smem:$0x3FA9] =	sst s3  }
0xc: {  	[smem:$0x3FAA] =	sst s4  }
0xd: {  	[smem:$0x3FAB] =	sst s5  }
0xe: {  	[smem:$0x3FAC] =	sst s6  }
0xf: {  	[smem:$0x3FAD] =	sst s7  }
0x10: {  	[smem:$0x3FAE] =	sst s8  }
0x11: {  	[smem:$0x3FAF] =	sst s9;
	s0 =	simm.s32 @!p0 $0x0  }
0x12: {  	s1 =	sld [smem:$0x3F95];
	s0 =	simm.s32 @p0 $0x1  }
0x13: {  	[smem:$0x3FB0] =	sst s0;
	s0 =	simm.s32 @!p1 $0x0  }
0x14: {  	s2 =	sld [smem:$0x3F94];
	s0 =	simm.s32 @p1 $0x1  }
0x15: {  	[smem:$0x3FB1] =	sst s0;
	s0 =	simm.s32 @!p2 $0x0  }
0x16: {  	s3 =	sld [smem:$0x3FDB];
	s0 =	simm.s32 @p2 $0x1  }
0x17: {  	s4 =	simm.s32 $0x1BF5;
	[smem:$0x3FB3] =	sst s0  }
0x18: {  	s0 =	sld [smem:$0x3F96];
	_ =	swait.ge [sflag:s4], $0x0  }
0x19: {  	s7 =	sld [smem:$0x3F97]  }
0x1a: {  	s8 =	sadd.s32 $0xFFFFE003, lr  }
0x1b: {  	s9 =	sadd.s32 $0xFFFFFEF7, lr;
	s5 =	simm.s32 $0xFFFFFFFF;
	p2 =	slt.u32 s8, $0xFFFFF086  }
0x1c: {  	p1 =	slt.u32 s9, $0xF7A;
	s5 =	simm.s32 @!p2 $0x0  }
0x1d: {  	s5 =	simm.s32 @p1 $0x1;
	p0 =	seq.s32 s7, s2  }
0x1e: {  	s7 =	smul.u32 @!p0 $0xF7A, s2;
	p2 =	seq.s32 @!p0 s5, $0x0  }
0x1f: {  	s9 =	smul.u32 $0xF7A, s1;
	s8 =	simm.s32 @!p0 $0x1BF5;
	p2 =	por !p2, p0  }
0x20: {  	[sflag:s8] =	ssyncset.s32 @!p0 $0xFFFFF086;
	s6 =	sadd.s32 @!p0 s3, s7;
	s7 =	simm.s32 @!p0 $0x108  }
0x21: {  	s3 =	sadd.s32 s3, s9;
	s6 =	sadd.s32 @!p0 $0x88, s6;
	s7 =	simm.s32 @p2 $0x1082  }
0x22: {  	[simem:s7], [sflag:s8] =	dma.local @!p0 [hbm:s6], $0xF7A  }
0x23: {  	s9 =	sor.u32 $0xD0000000, s2;
	s6 =	simm.s32 $0x108;
	_ =	swait.ge @!p0 [sflag:s8], $0x0  }
0x24: {  	s3 =	sadd.s32 $0x88, s3;
	s6 =	simm.s32 @!p1 $0x1082;
	[sflag:s4] =	ssyncset.s32 $0xFFFFF086  }
0x25: {  	[simem:s6], [sflag:s4] =	dma.local [hbm:s3], $0xF7A  }
0x26: {  	[smem:$0x3F97] =	sst s1;
	(tag) =	ssettag s2;
	_ =	strace s9  }
0x27: {  	s1 =	sld [smem:$0x3FA7]  }
0x28: {  	s2 =	sld [smem:$0x3FA8]  }
0x29: {  	s4 =	sld [smem:$0x3FAA]  }
0x2a: {  	p0 =	seq.s32 s5, $0x0;
	s5 =	sld [smem:$0x3FAB]  }
0x2b: {  	s6 =	sld [smem:$0x3FAC]  }
0x2c: {  	s7 =	sld [smem:$0x3FAD]  }
0x2d: {  	s3 =	simm.s32 $0x108;
	s8 =	sld [smem:$0x3FAE]  }
0x2e: {  	s3 =	simm.s32 @!p0 $0x1082;
	s9 =	sld [smem:$0x3FAF]  }
0x2f: {  	lr =	sadd.s32 s0, s3;
	s0 =	sld [smem:$0x3FA6]  }
0x30: {  	s3 =	sld [smem:$0x3FA9]  }
0x31: {  	[smem:$0x3FB2] =	sst s10  }
0x32: {  	s10 =	sld [smem:$0x3FB0];
	_ =	sdelay $0x3  }
0x33: {  	p0 =	seq.s32 s10, $0x1;
	s10 =	sld [smem:$0x3FB2];
	_ =	sdelay $0x3  }
0x34: {  	[smem:$0x3FB2] =	sst s10  }
0x35: {  	s10 =	sld [smem:$0x3FB1];
	_ =	sdelay $0x3  }
0x36: {  	p1 =	seq.s32 s10, $0x1;
	s10 =	sld [smem:$0x3FB2];
	_ =	sdelay $0x3  }
0x37: {  	[smem:$0x3FB2] =	sst s10  }
0x38: {  	s10 =	sld [smem:$0x3FB3]  }
0x39: {  	_ = 	snop;
	(pc) =	sbr.ind lr, $3  }
0x3a: {  	_ = 	snop  }
0x3b: {  	_ = 	snop  }
0x3c: {  	p2 =	seq.s32 s10, $0x1;
	s10 =	sld [smem:$0x3FB2]  }
0x3d: {  	_ =	shalt  }
0x3e: {  	_ =	shalt  }
0x3f: {  	_ =	shalt  }
0x40: {  	_ =	shalt  }
0x41: {  	_ =	shalt  }
0x42: {  	_ =	shalt  }
0x43: {  	_ =	shalt  }
0x44: {  	_ =	shalt  }
0x45: {  	_ =	shalt  }
0x46: {  	_ =	shalt  }
0x47: {  	_ =	shalt  }
0x48: {  	_ =	shalt  }
0x49: {  	_ =	shalt  }
0x4a: {  	_ =	shalt  }
0x4b: {  	_ =	shalt  }
0x4c: {  	_ =	shalt  }
0x4d: {  	_ =	shalt  }
0x4e: {  	_ =	shalt  }
0x4f: {  	_ =	shalt  }
0x50: {  	_ =	shalt  }
0x51: {  	_ =	shalt  }
0x52: {  	_ =	shalt  }
0x53: {  	_ =	shalt  }
0x54: {  	_ =	shalt  }
0x55: {  	_ =	shalt  }
0x56: {  	_ =	shalt  }
0x57: {  	_ =	shalt  }
0x58: {  	_ =	shalt  }
0x59: {  	_ =	shalt  }
0x5a: {  	_ =	shalt  }
0x5b: {  	_ =	shalt  }
0x5c: {  	_ =	shalt  }
0x5d: {  	_ =	shalt  }
0x5e: {  	_ =	shalt  }
0x5f: {  	_ =	shalt  }
0x60: {  	_ =	shalt  }
0x61: {  	_ =	shalt  }
0x62: {  	_ =	shalt  }
0x63: {  	_ =	shalt  }
0x64: {  	_ =	shalt  }
0x65: {  	_ =	shalt  }
0x66: {  	_ =	shalt  }
0x67: {  	_ =	shalt  }
0x68: {  	_ =	shalt  }
0x69: {  	_ =	shalt  }
0x6a: {  	_ =	shalt  }
0x6b: {  	_ =	shalt  }
0x6c: {  	_ =	shalt  }
0x6d: {  	_ =	shalt  }
0x6e: {  	_ =	shalt  }
0x6f: {  	_ =	shalt  }
0x70: {  	_ =	shalt  }
0x71: {  	_ =	shalt  }
0x72: {  	_ =	shalt  }
0x73: {  	_ =	shalt  }
0x74: {  	_ =	shalt  }
0x75: {  	_ =	shalt  }
0x76: {  	_ =	shalt  }
0x77: {  	_ =	shalt  }
0x78: {  	_ =	shalt  }
0x79: {  	_ =	shalt  }
0x7a: {  	_ =	shalt  }
0x7b: {  	_ =	shalt  }
0x7c: {  	_ =	shalt  }
0x7d: {  	_ =	shalt  }
0x7e: {  	_ =	shalt  }
0x7f: {  	_ =	shalt  }
0x80: {  	_ =	shalt  }
0x81: {  	_ =	shalt  }
0x82: {  	_ =	shalt  }
0x83: {  	_ =	shalt  }
0x84: {  	_ =	shalt  }
0x85: {  	_ =	shalt  }
0x86: {  	_ =	shalt  }
0x87: {  	_ =	shalt  }
.Lfunc_end0:
.L_simem_size_0:
called_computation_lowered:
.L_overlay_start_0:
0x88: {  	s2 =	sld [smem:$0x3FD9]  }
0x89: {  	s3 =	sld [smem:$0x3FFE];
	_ =	sdelay $0x1  }
0x8a: {  	s1 =	srdreg.scid  }
0x8b: {  	s0 =	sand.u32 $0x1, s1  }
0x8c: {  	s17 =	sshll.u32 s0, $0xA;
	s2 =	sadd.s32 s3, s2  }
0x8d: {  	s2 =	sadd.s32 s2, s17  }
0x8e: {  	[smem:$0x3FBE] =	sst s2  }
0x8f: {  	_ = 	snop  }
0x90: {  	s2 =	sld [smem:$0x3FD0];
	(tm) =	ssettm $0x1  }
0x91: {  	s18 =	sld [smem:$0x3FFB];
	_ =	sdelay $0x3  }
0x92: {  	_ =	strace s18  }
0x93: {  	s3 =	sld [smem:$0x3FFC];
	_ =	sdelay $0x3  }
0x94: {  	_ =	strace s3  }
0x95: {  	s3 =	sld [smem:$0x3FFD];
	_ =	sdelay $0x3  }
0x96: {  	_ =	strace s3  }
0x97: {  	_ =	strace $0x8FFFFFFF  }
0x98: {  	s19 =	sld [smem:$0x3FDB];
	_ =	sdelay $0x1  }
0x99: {  	s4 =	simm.s32 $_scs_section_size  }
0x9a: {  	s5 =	simm.s32 $_size__tile_overlayer_lowered;
	s6 =	simm.s32 $_tile_overlayer_lowered  }
0x9b: {  	s22 =	simm.s32 $0x1BFF;
	s21 =	sshll.u32 s6, $0x1;
	s3 =	sadd.s32 s4, s19  }
0x9c: {  	s7 =	simm.s32 $0x0;
	s20 =	sshll.u32 s5, $0x1;
	s5 =	sadd.s32 s21, s3  }
0x9d: {  	[timem:s7], [sflag:s22] =	dma.local [hbm:s5], s20  }
0x9e: {  	_ =	swait.ge [sflag:s22], s20  }
0x9f: {  	s4 =	ssub.s32 $0x0, s20;
	[sflag:s22] =	ssyncset.done $0x0  }
0xa0: {  	[sflag:s22] =	ssyncadd.s32 s4;
	_ =	sdelay $0x1  }
0xa1: {  	s23 =	simm.s32 $0x1B8B  }
0xa2: {  	_ =	swait.ge [sflag:s23], $0x1  }
0xa3: {  	[sflag:s23] =	ssyncset.done $0x0  }
0xa4: {  	s25 =	simm.s32 $0x1B8E;
	s24 =	sld [smem:$0x3FFE];
	[sflag:s23] =	ssyncadd.s32 $0xFFFFFFFF  }
0xa5: {  	s26 =	simm.s32 $execute0_lowered;
	[smem:$0x3FD2] =	sst s25  }
0xa6: {  	s5 =	sshll.u32 s26, $0x1;
	_ =	strace $0x80000046;
	[dreg:$0x1] =	wrdreg $0xFFFFFFFF  }
0xa7: {  	s28 =	simm.s32 $_size_execute0_lowered;
	s3 =	sadd.s32 s3, s5;
	[dreg:$0x0] =	wrdreg $0x0  }
0xa8: {  	s5 =	sshll.u32 s28, $0x1;
	[dreg:$0x2] =	wrdreg s3  }
0xa9: {  	[dreg:$0x3] =	wrdreg s5  }
0xaa: {  	[dreg:$0x4] =	wrdreg $0xC0  }
0xab: {  	_ =	task [dreg:s7], $0x5FFFF  }
0xac: {  	[dreg:$0x1] =	wrdreg $0xFFFFFFFF  }
0xad: {  	[dreg:$0x0] =	wrdreg $0x60  }
0xae: {  	[dreg:$0x2] =	wrdreg s24  }
0xaf: {  	[dreg:$0x3] =	wrdreg s2  }
0xb0: {  	[dreg:$0x4] =	wrdreg $0x0  }
0xb1: {  	[dreg:$0x5] =	wrdreg $0x9  }
0xb2: {  	_ =	task.clear_ibuf [dreg:s7], $0x6FFFF;
	_ =	strace $0x90000046  }
0xb3: {  	s29 =	simm.s32 $0x9;
	_ =	strace $0x80000048  }
0xb4: {  	_ =	swait.ge [sflag:s29], $0x1  }
0xb5: {  	[sflag:s29] =	ssyncadd.s32 $0xFFFFFFFF  }
0xb6: {  	_ =	strace $0x90000048  }
0xb7: {  	_ =	sfence  }
0xb8: {  	s30 =	sld [smem:$0x0];
	_ =	sdelay $0x2  }
0xb9: {  	s31 =	sshll.u32 s1, $0xD;
	s1 =	sshrl.u32 s1, $0x2  }
0xba: {  	s3 =	sand.u32 $0x4000, s31;
	s1 =	sadd.s32 s1, s30  }
0xbb: {  	s0 =	sor.u32 s3, s0;
	s1 =	sshll.u32 s1, $0x11  }
0xbc: {  	s0 =	sor.u32 s1, s0  }
0xbd: {  	s0 =	sadd.s32 $0x8F2B, s0  }
0xbe: {  	[sflag:s0] =	ssyncadd.remote.s32 $0x1  }
0xbf: {  	_ =	sfence.sel $0xFFFF  }
0xc0: {  	[dreg:$0x0] =	wrdreg $0xFFFFFFFF;
	(pc) =	sbr.abs _section_cstart, $3  }
0xc1: {  	[dreg:$0x1] =	wrdreg $0xFFFFFFFF  }
0xc2: {  	_ =	task.clear_ibuf [dreg:s7], $0x2FFFF;
	_ =	strace $0x9FFFFFFF  }
0xc3: {  	(tm) =	ssettm $0x7FFFFFFF  }
tec
execute0_lowered:
.L_overlay_start_1:
0x0: {  	(tag) =	ssettag $0x1  }
0x1: {  	s6 =	rddreg [dreg:$0x0]  }
0x2: {  	s1 =	srdreg.scid;
	s2 =	rddreg [dreg:$0x1]  }
0x3: {  	s0 =	stileid.u32;
	s3 =	rddreg [dreg:$0x2]  }
0x4: {  	s4 =	simm.s32 $0x0;
	s11 =	simm.s32 $0x1;
	s12 =	simm.s32 $0x16800  }
0x5: {  	s13 =	simm.s32 $0x1A800;
	s14 =	simm.s32 $0x80;
	s17 =	simm.s32 $0x0  }
0x6: {  	s5 =	sand.u32 $0x1, s1;
	s28 =	sshll.u32 s0, $0x1;
	s9 =	smul.u32 $0x14000, s0  }
0x7: {  	[smem:$0x7FF] =	sst s4;
	s10 =	smul.u32 $0x50000, s0;
	s15 =	sshll.u32 s0, $0x6  }
0x8: {  	s1 =	sor.u32 s5, s28;
	s8 =	smul.u32 $0x140000, s5;
	s29 =	ssub.s32 $0x2, s5  }
0x9: {  	s5 =	sadd.s32 $0x16C00, s6;
	s15 =	sor.u32 $0x1C01, s15;
	s7 =	smul.u32 $0x500, s1  }
0xa: {  	s1 =	rddreg [dreg:$0x3];
	_ =	strace $0x80000047;
	s30 =	sshrl.u32 s29, $0x1  }
0xb: {  	s31 =	sshrl.u32 s10, $0x2;
	s10 =	simm.s32 $0x14000;
	s8 =	sadd.s32 s9, s8  }
0xc: {  	s9 =	ssub.s32 s29, s30;
	s7 =	sadd.s32 s7, s6;
	s8 =	sshrl.u32 s8, $0x3  }
0xd: {  	s8 =	sadd.s32 s8, s6;
	s6 =	sadd.s32 $0x2C00, s7;
	s7 =	sadd.s32 s31, s3  }
0xe: {  	s9 =	smax.u32 s9, $0x1;
	s8 =	sadd.s32 $0x16E00, s8;
	s16 =	sshrl.u32 s7, $0x3  }
.LBB2_1:
0xf: {  	[tilespmem:s10], [sflag:$0x1] =	stream.linear.gather [hbm4b:s6+s4], $0x2800, $0x38;
	[tilespmem:$0x1AC00] =	vst v63  }
0x10: {  	_ =	swait.ge [sflag:s11], $0x2800  }
0x11: {  	[sflag:s11] =	ssyncset.done $0x0  }
0x12: {  	[sflag:s11] =	ssyncadd.s32 $0xFFFFD800  }
0x13: {  	[tilespmem:s12], [sflag:$0x1] =	stream.linear.gather [hbm4b:s2+s4], $0x4000, $0x38;
	[tilespmem:$0x1AC00] =	vst v63  }
0x14: {  	_ =	swait.ge [sflag:s11], $0x4000  }
0x15: {  	[sflag:s11] =	ssyncset.done $0x0  }
0x16: {  	[sflag:s11] =	ssyncadd.s32 $0xFFFFC000  }
0x17: {  	[tilespmem:s13], [sflag:$0x1] =	stream.linear.gather [hbm4b:s5+s4], $0x400, $0x38;
	[tilespmem:$0x1AC00] =	vst v63  }
0x18: {  	_ =	swait.ge [sflag:s11], $0x400  }
0x19: {  	[sflag:s11] =	ssyncset.done $0x0  }
0x1a: {  	s18 =	sadd.s32 $0x0, s7;
	[sflag:s11] =	ssyncadd.s32 $0xFFFFFC00  }
0x1b: {  	[spmem:s18] =	stream.linear.scatter [tilespmem:s13], [sflag:$0x1], $0x400, $0x38;
	[tilespmem:$0x1AC00] =	vst v63  }
0x1c: {  	s18 =	simm.s32 $0x1000;
	_ =	swait.ge [sflag:s11], $0x400  }
.LBB2_2:
0x1d: {  	s19 =	sshra.s32 s18, $0x2;
	[sflag:s11] =	ssyncset.done $0x0;
	p0 =	sne.s32 s18, $0x4F000  }
.Ltmp0:
0x1e: {  	s19 =	sadd.s32 s19, s7;
	[sflag:s11] =	ssyncadd.s32 $0xFFFFFC00;
	(pc) =	sbr.rel @p0 .LBB2_2-.Ltmp0, $3  }
0x1f: {  	[spmem:s19] =	stream.linear.scatter [tilespmem:s13], [sflag:$0x1], $0x400, $0x38;
	[tilespmem:$0x1AC00] =	vst v63  }
0x20: {  	s18 =	sadd.s32 $0x1000, s18;
	_ =	sdelay $0x1  }
0x21: {  	_ =	swait.ge [sflag:s11], $0x400  }
0x22: {  	[sflag:s11] =	ssyncset.done $0x0  }
0x23: {  	[sflag:s11] =	ssyncadd.s32 $0xFFFFFC00  }
0x24: {  	s18 =	simm.s32 $0x14000;
	[bflag:$0x0] =	sbarrier.arrive $0xFFFF  }
0x25: {  	[spmem:s3] =	stream.indirect.scatter.add.f32 [tilespmem:s12], [sflag:$0x1], $0x80, s18, s14, $0xb8;
	[tilespmem:$0x1AC00] =	vst v63  }
0x26: {  	s18 =	simm.s32 $0x200;
	_ =	swait.ge [sflag:s11], $0x4000  }
.LBB2_4:
0x27: {  	s19 =	sshra.s32 s18, $0x2;
	[sflag:s11] =	ssyncset.done $0x0;
	p0 =	sne.s32 s18, $0x9E00  }
.Ltmp1:
0x28: {  	s19 =	sadd.s32 $0x14000, s19;
	[sflag:s11] =	ssyncadd.s32 $0xFFFFC000;
	(pc) =	sbr.rel @p0 .LBB2_4-.Ltmp1, $3  }
0x29: {  	[spmem:s3] =	stream.indirect.scatter.add.f32 [tilespmem:s12], [sflag:$0x1], $0x80, s19, s14, $0xb8;
	[tilespmem:$0x1AC00] =	vst v63  }
0x2a: {  	s18 =	sadd.s32 $0x200, s18;
	_ =	sdelay $0x1  }
0x2b: {  	_ =	swait.ge [sflag:s11], $0x4000  }
0x2c: {  	[sflag:s11] =	ssyncset.done $0x0;
	s17 =	sadd.s32 $0x1, s17  }
0x2d: {  	[sflag:s11] =	ssyncadd.s32 $0xFFFFC000;
	p0 =	sne.s32 s17, s9  }
.Ltmp2:
0x2e: {  	[bflag:$0x0] =	sbarrier.arrive $0xFFFF;
	(pc) =	sbr.rel @p0 .LBB2_1-.Ltmp2, $4  }
0x2f: {  	[hbm:s8], [sflag:s15] =	dma.local [spmem:s16], $0x2800  }
0x30: {  	_ =	swait.ge [sflag:s11], $0x2800  }
0x31: {  	[sflag:s11] =	ssyncset.done $0x0  }
0x32: {  	[sflag:s11] =	ssyncadd.s32 $0xFFFFD800  }
0x33: {  	_ =	sfence.sel $0x180000  }
0x34: {  	[bflag:$0x0] =	sbarrier.arrive $0xFFFF  }
0x35: {  	p0 =	sne.s32 s0, $0x0;
	_ =	strace $0x90000047  }
0x36: {  	s0 =	sadd.s32 @!p0 $0x100000, s1;
	[bflag:$0x2] =	sbarrier.arrive $0xFFFF  }
0x37: {  	[sflag:s0] =	ssyncadd.tile.s32 @!p0 $0x1;
	_ =	shalt  }
.Lfunc_end2:
_tile_overlayer_lowered:
.L_overlay_start_2:
0x38: {  	(tag) =	ssettag $0x2  }
0x39: {  	s0 =	rddreg [dreg:$0x0];
	s2 =	stileid.u32  }
0x3a: {  	s1 =	rddreg [dreg:$0x1];
	p0 =	sne.s32 s2, $0x0  }
0x3b: {  	s3 =	rddreg [dreg:$0x2];
	[bflag:$0x3] =	sbarrier.arrive $0xFFFF;
	s2 =	simm.s32 @!p0 $0x1C01  }
0x3c: {  	[timem:s3], [sflag:s2] =	dma.local @!p0 [hbm:s0], s1  }
0x3d: {  	s0 =	simm.s32 @!p0 $0x1  }
0x3e: {  	_ =	swait.ge @!p0 [sflag:s0], s1  }
0x3f: {  	s1 =	ssub.s32 @!p0 $0x0, s1;
	[sflag:s0] =	ssyncset.done @!p0 $0x0  }
0x40: {  	[sflag:s0] =	ssyncadd.s32 @!p0 s1  }
0x41: {  	[bflag:$0x3] =	sbarrier.arrive $0xFFFF  }
0x42: {  	_ =	shalt  }

// kernel: kernel.9.cloned.1.call-start
scs
__scs_entry_jumppad:
0x0: {  	(pc) =	sbr.rel $0x88, $3  }
0x1: {  	(tag) =	ssettag $0x0;
	lr =	simm.s32 $0x1  }
0x2: {  	[smem:$0x3F97] =	sst lr;
	_ =	strace $0xD0000000  }
0x3: {  	_ = 	snop  }
0x4: {  	_ = 	snop  }
0x5: {  	_ = 	snop  }
0x6: {  	_ = 	snop  }
0x7: {  	_ = 	snop  }
__scs_overlays_trampoline_lowered:
0x8: {  	[smem:$0x3FA6] =	sst s0  }
0x9: {  	[smem:$0x3FA7] =	sst s1  }
0xa: {  	[smem:$0x3FA8] =	sst s2  }
0xb: {  	[smem:$0x3FA9] =	sst s3  }
0xc: {  	[smem:$0x3FAA] =	sst s4  }
0xd: {  	[smem:$0x3FAB] =	sst s5  }
0xe: {  	[smem:$0x3FAC] =	sst s6  }
0xf: {  	[smem:$0x3FAD] =	sst s7  }
0x10: {  	[smem:$0x3FAE] =	sst s8  }
0x11: {  	[smem:$0x3FAF] =	sst s9;
	s0 =	simm.s32 @!p0 $0x0  }
0x12: {  	s1 =	sld [smem:$0x3F95];
	s0 =	simm.s32 @p0 $0x1  }
0x13: {  	[smem:$0x3FB0] =	sst s0;
	s0 =	simm.s32 @!p1 $0x0  }
0x14: {  	s2 =	sld [smem:$0x3F94];
	s0 =	simm.s32 @p1 $0x1  }
0x15: {  	[smem:$0x3FB1] =	sst s0;
	s0 =	simm.s32 @!p2 $0x0  }
0x16: {  	s3 =	sld [smem:$0x3FDB];
	s0 =	simm.s32 @p2 $0x1  }
0x17: {  	s4 =	simm.s32 $0x1BF5;
	[smem:$0x3FB3] =	sst s0  }
0x18: {  	s0 =	sld [smem:$0x3F96];
	_ =	swait.ge [sflag:s4], $0x0  }
0x19: {  	s7 =	sld [smem:$0x3F97]  }
0x1a: {  	s8 =	sadd.s32 $0xFFFFE003, lr  }
0x1b: {  	s9 =	sadd.s32 $0xFFFFFEF7, lr;
	s5 =	simm.s32 $0xFFFFFFFF;
	p2 =	slt.u32 s8, $0xFFFFF086  }
0x1c: {  	p1 =	slt.u32 s9, $0xF7A;
	s5 =	simm.s32 @!p2 $0x0  }
0x1d: {  	s5 =	simm.s32 @p1 $0x1;
	p0 =	seq.s32 s7, s2  }
0x1e: {  	s7 =	smul.u32 @!p0 $0xF7A, s2;
	p2 =	seq.s32 @!p0 s5, $0x0  }
0x1f: {  	s9 =	smul.u32 $0xF7A, s1;
	s8 =	simm.s32 @!p0 $0x1BF5;
	p2 =	por !p2, p0  }
0x20: {  	[sflag:s8] =	ssyncset.s32 @!p0 $0xFFFFF086;
	s6 =	sadd.s32 @!p0 s3, s7;
	s7 =	simm.s32 @!p0 $0x108  }
0x21: {  	s3 =	sadd.s32 s3, s9;
	s6 =	sadd.s32 @!p0 $0x88, s6;
	s7 =	simm.s32 @p2 $0x1082  }
0x22: {  	[simem:s7], [sflag:s8] =	dma.local @!p0 [hbm:s6], $0xF7A  }
0x23: {  	s9 =	sor.u32 $0xD0000000, s2;
	s6 =	simm.s32 $0x108;
	_ =	swait.ge @!p0 [sflag:s8], $0x0  }
0x24: {  	s3 =	sadd.s32 $0x88, s3;
	s6 =	simm.s32 @!p1 $0x1082;
	[sflag:s4] =	ssyncset.s32 $0xFFFFF086  }
0x25: {  	[simem:s6], [sflag:s4] =	dma.local [hbm:s3], $0xF7A  }
0x26: {  	[smem:$0x3F97] =	sst s1;
	(tag) =	ssettag s2;
	_ =	strace s9  }
0x27: {  	s1 =	sld [smem:$0x3FA7]  }
0x28: {  	s2 =	sld [smem:$0x3FA8]  }
0x29: {  	s4 =	sld [smem:$0x3FAA]  }
0x2a: {  	p0 =	seq.s32 s5, $0x0;
	s5 =	sld [smem:$0x3FAB]  }
0x2b: {  	s6 =	sld [smem:$0x3FAC]  }
0x2c: {  	s7 =	sld [smem:$0x3FAD]  }
0x2d: {  	s3 =	simm.s32 $0x108;
	s8 =	sld [smem:$0x3FAE]  }
0x2e: {  	s3 =	simm.s32 @!p0 $0x1082;
	s9 =	sld [smem:$0x3FAF]  }
0x2f: {  	lr =	sadd.s32 s0, s3;
	s0 =	sld [smem:$0x3FA6]  }
0x30: {  	s3 =	sld [smem:$0x3FA9]  }
0x31: {  	[smem:$0x3FB2] =	sst s10  }
0x32: {  	s10 =	sld [smem:$0x3FB0];
	_ =	sdelay $0x3  }
0x33: {  	p0 =	seq.s32 s10, $0x1;
	s10 =	sld [smem:$0x3FB2];
	_ =	sdelay $0x3  }
0x34: {  	[smem:$0x3FB2] =	sst s10  }
0x35: {  	s10 =	sld [smem:$0x3FB1];
	_ =	sdelay $0x3  }
0x36: {  	p1 =	seq.s32 s10, $0x1;
	s10 =	sld [smem:$0x3FB2];
	_ =	sdelay $0x3  }
0x37: {  	[smem:$0x3FB2] =	sst s10  }
0x38: {  	s10 =	sld [smem:$0x3FB3]  }
0x39: {  	_ = 	snop;
	(pc) =	sbr.ind lr, $3  }
0x3a: {  	_ = 	snop  }
0x3b: {  	_ = 	snop  }
0x3c: {  	p2 =	seq.s32 s10, $0x1;
	s10 =	sld [smem:$0x3FB2]  }
0x3d: {  	_ =	shalt  }
0x3e: {  	_ =	shalt  }
0x3f: {  	_ =	shalt  }
0x40: {  	_ =	shalt  }
0x41: {  	_ =	shalt  }
0x42: {  	_ =	shalt  }
0x43: {  	_ =	shalt  }
0x44: {  	_ =	shalt  }
0x45: {  	_ =	shalt  }
0x46: {  	_ =	shalt  }
0x47: {  	_ =	shalt  }
0x48: {  	_ =	shalt  }
0x49: {  	_ =	shalt  }
0x4a: {  	_ =	shalt  }
0x4b: {  	_ =	shalt  }
0x4c: {  	_ =	shalt  }
0x4d: {  	_ =	shalt  }
0x4e: {  	_ =	shalt  }
0x4f: {  	_ =	shalt  }
0x50: {  	_ =	shalt  }
0x51: {  	_ =	shalt  }
0x52: {  	_ =	shalt  }
0x53: {  	_ =	shalt  }
0x54: {  	_ =	shalt  }
0x55: {  	_ =	shalt  }
0x56: {  	_ =	shalt  }
0x57: {  	_ =	shalt  }
0x58: {  	_ =	shalt  }
0x59: {  	_ =	shalt  }
0x5a: {  	_ =	shalt  }
0x5b: {  	_ =	shalt  }
0x5c: {  	_ =	shalt  }
0x5d: {  	_ =	shalt  }
0x5e: {  	_ =	shalt  }
0x5f: {  	_ =	shalt  }
0x60: {  	_ =	shalt  }
0x61: {  	_ =	shalt  }
0x62: {  	_ =	shalt  }
0x63: {  	_ =	shalt  }
0x64: {  	_ =	shalt  }
0x65: {  	_ =	shalt  }
0x66: {  	_ =	shalt  }
0x67: {  	_ =	shalt  }
0x68: {  	_ =	shalt  }
0x69: {  	_ =	shalt  }
0x6a: {  	_ =	shalt  }
0x6b: {  	_ =	shalt  }
0x6c: {  	_ =	shalt  }
0x6d: {  	_ =	shalt  }
0x6e: {  	_ =	shalt  }
0x6f: {  	_ =	shalt  }
0x70: {  	_ =	shalt  }
0x71: {  	_ =	shalt  }
0x72: {  	_ =	shalt  }
0x73: {  	_ =	shalt  }
0x74: {  	_ =	shalt  }
0x75: {  	_ =	shalt  }
0x76: {  	_ =	shalt  }
0x77: {  	_ =	shalt  }
0x78: {  	_ =	shalt  }
0x79: {  	_ =	shalt  }
0x7a: {  	_ =	shalt  }
0x7b: {  	_ =	shalt  }
0x7c: {  	_ =	shalt  }
0x7d: {  	_ =	shalt  }
0x7e: {  	_ =	shalt  }
0x7f: {  	_ =	shalt  }
0x80: {  	_ =	shalt  }
0x81: {  	_ =	shalt  }
0x82: {  	_ =	shalt  }
0x83: {  	_ =	shalt  }
0x84: {  	_ =	shalt  }
0x85: {  	_ =	shalt  }
0x86: {  	_ =	shalt  }
0x87: {  	_ =	shalt  }
.Lfunc_end0:
.L_simem_size_0:
called_computation.1_lowered:
.L_overlay_start_0:
0x88: {  	s2 =	sld [smem:$0x3FD9]  }
0x89: {  	s3 =	sld [smem:$0x3FFE];
	_ =	sdelay $0x1  }
0x8a: {  	s1 =	srdreg.scid  }
0x8b: {  	s0 =	sand.u32 $0x1, s1  }
0x8c: {  	s16 =	sshll.u32 s0, $0xA;
	s2 =	sadd.s32 s3, s2  }
0x8d: {  	s2 =	sadd.s32 s2, s16  }
0x8e: {  	[smem:$0x3FBE] =	sst s2  }
0x8f: {  	_ = 	snop  }
0x90: {  	(tm) =	ssettm $0x1  }
0x91: {  	s17 =	sld [smem:$0x3FFB];
	_ =	sdelay $0x3  }
0x92: {  	_ =	strace s17  }
0x93: {  	s2 =	sld [smem:$0x3FFC];
	_ =	sdelay $0x3  }
0x94: {  	_ =	strace s2  }
0x95: {  	s2 =	sld [smem:$0x3FFD];
	_ =	sdelay $0x3  }
0x96: {  	_ =	strace s2  }
0x97: {  	_ =	strace $0x8FFFFFFF  }
0x98: {  	s18 =	sld [smem:$0x3FDB];
	_ =	sdelay $0x1  }
0x99: {  	s19 =	simm.s32 $_scs_section_size  }
0x9a: {  	s4 =	simm.s32 $_size__tile_overlayer_lowered;
	s5 =	simm.s32 $_tile_overlayer_lowered  }
0x9b: {  	s22 =	simm.s32 $0x1BFF;
	s21 =	sshll.u32 s5, $0x1;
	s2 =	sadd.s32 s19, s18  }
0x9c: {  	s6 =	simm.s32 $0x0;
	s20 =	sshll.u32 s4, $0x1;
	s4 =	sadd.s32 s21, s2  }
0x9d: {  	[timem:s6], [sflag:s22] =	dma.local [hbm:s4], s20  }
0x9e: {  	_ =	swait.ge [sflag:s22], s20  }
0x9f: {  	s3 =	ssub.s32 $0x0, s20;
	[sflag:s22] =	ssyncset.done $0x0  }
0xa0: {  	[sflag:s22] =	ssyncadd.s32 s3;
	_ =	sdelay $0x1  }
0xa1: {  	s23 =	simm.s32 $0x1B8B  }
0xa2: {  	_ =	swait.ge [sflag:s23], $0x1  }
0xa3: {  	[sflag:s23] =	ssyncset.done $0x0  }
0xa4: {  	s25 =	simm.s32 $0x1B8E;
	s24 =	sld [smem:$0x3FFE];
	[sflag:s23] =	ssyncadd.s32 $0xFFFFFFFF  }
0xa5: {  	s26 =	simm.s32 $execute0_lowered;
	[smem:$0x3FD2] =	sst s25  }
0xa6: {  	s4 =	sshll.u32 s26, $0x1;
	_ =	strace $0x80000049;
	[dreg:$0x1] =	wrdreg $0xFFFFFFFF  }
0xa7: {  	s28 =	simm.s32 $_size_execute0_lowered;
	s2 =	sadd.s32 s2, s4;
	[dreg:$0x0] =	wrdreg $0x0  }
0xa8: {  	s4 =	sshll.u32 s28, $0x1;
	[dreg:$0x2] =	wrdreg s2  }
0xa9: {  	[dreg:$0x3] =	wrdreg s4  }
0xaa: {  	[dreg:$0x4] =	wrdreg $0xC0  }
0xab: {  	_ =	task [dreg:s6], $0x5FFFF  }
0xac: {  	[dreg:$0x1] =	wrdreg $0xFFFFFFFF  }
0xad: {  	[dreg:$0x0] =	wrdreg $0x60  }
0xae: {  	[dreg:$0x2] =	wrdreg s24  }
0xaf: {  	[dreg:$0x3] =	wrdreg $0x0  }
0xb0: {  	[dreg:$0x4] =	wrdreg $0x9  }
0xb1: {  	_ =	task.clear_ibuf [dreg:s6], $0x5FFFF;
	_ =	strace $0x90000049  }
0xb2: {  	s29 =	simm.s32 $0x9;
	_ =	strace $0x8000004B  }
0xb3: {  	_ =	swait.ge [sflag:s29], $0x1  }
0xb4: {  	[sflag:s29] =	ssyncadd.s32 $0xFFFFFFFF  }
0xb5: {  	_ =	strace $0x9000004B  }
0xb6: {  	_ =	sfence  }
0xb7: {  	s30 =	sld [smem:$0x0];
	_ =	sdelay $0x2  }
0xb8: {  	s31 =	sshll.u32 s1, $0xD;
	s1 =	sshrl.u32 s1, $0x2  }
0xb9: {  	s3 =	sand.u32 $0x4000, s31;
	s1 =	sadd.s32 s1, s30  }
0xba: {  	s0 =	sor.u32 s3, s0;
	s1 =	sshll.u32 s1, $0x11  }
0xbb: {  	s0 =	sor.u32 s1, s0  }
0xbc: {  	s0 =	sadd.s32 $0x8F2B, s0  }
0xbd: {  	[sflag:s0] =	ssyncadd.remote.s32 $0x1  }
0xbe: {  	_ =	sfence.sel $0xFFFF  }
0xbf: {  	[dreg:$0x0] =	wrdreg $0xFFFFFFFF;
	(pc) =	sbr.abs _section_cstart, $3  }
0xc0: {  	[dreg:$0x1] =	wrdreg $0xFFFFFFFF  }
0xc1: {  	_ =	task.clear_ibuf [dreg:s6], $0x2FFFF;
	_ =	strace $0x9FFFFFFF  }
0xc2: {  	(tm) =	ssettm $0x7FFFFFFF  }
0xc3: {  	_ =	shalt  }
tec
execute0_lowered:
.L_overlay_start_1:
0x0: {  	(tag) =	ssettag $0x1  }
0x1: {  	s0 =	rddreg [dreg:$0x0]  }
0x2: {  	s1 =	rddreg [dreg:$0x1];
	s2 =	simm.s32 $0x0  }
0x3: {  	[smem:$0x7FF] =	sst s2  }
0x4: {  	s11 =	srdreg.scid;
	s3 =	sadd.s32 $0x19FE00, s0;
	s4 =	sadd.s32 $0x12A800, s0  }
0x5: {  	s6 =	sadd.s32 $0xCC00, s0;
	s5 =	sadd.s32 $0x151A00, s0;
	s18 =	sadd.s32 $0x2C00, s0  }
0x6: {  	s7 =	sadd.s32 $0x178C00, s0;
	s8 =	sadd.s32 $0x66E00, s0;
	s2 =	stileid.u32  }
0x7: {  	s9 =	sadd.s32 $0x8E000, s0;
	s10 =	sadd.s32 $0xB5200, s0;
	s13 =	smul.u32 $0x14000, s2  }
0x8: {  	s14 =	sand.u32 $0x1, s11;
	s11 =	sadd.s32 $0xDC400, s0;
	s17 =	smul.u32 $0x50000, s2  }
0x9: {  	s12 =	sadd.s32 $0x103600, s0;
	s15 =	ssub.s32 $0x2, s14;
	s23 =	smul.u32 $0x5000, s2  }
0xa: {  	_ =	strace $0x8000004A;
	s25 =	smul.u32 $0xA00, s2;
	s16 =	sshrl.u32 s15, $0x1  }
0xb: {  	s13 =	sshrl.u32 s13, $0x3;
	s19 =	ssub.s32 s15, s16;
	s26 =	sshrl.u32 s23, $0x3  }
0xc: {  	s24 =	sshrl.u32 s17, $0x2;
	s0 =	sadd.s32 s13, s0;
	s20 =	sadd.s32 $0x500, s26  }
0xd: {  	s16 =	sadd.s32 s18, s25;
	s17 =	sadd.s32 s6, s20;
	s28 =	sadd.s32 $0x1EF000, s0  }
0xe: {  	s18 =	sadd.s32 s18, s20;
	s20 =	sadd.s32 $0x217000, s0;
	[dreg:$0x3] =	wrdreg s28  }
0xf: {  	s31 =	simm.s32 $0x2;
	s21 =	sadd.s32 $0x23F000, s0;
	[dreg:$0x4] =	wrdreg s20  }
0x10: {  	p0 =	seq.s32 s14, $0x1;
	s22 =	sadd.s32 $0x267000, s0;
	[dreg:$0x5] =	wrdreg s21  }
0x11: {  	s15 =	sadd.s32 s6, s25;
	s23 =	sadd.s32 $0x28F000, s0;
	[dreg:$0x6] =	wrdreg s22  }
0x12: {  	s13 =	sadd.s32 s24, s1;
	s24 =	sadd.s32 $0x2B7000, s0;
	[dreg:$0x7] =	wrdreg s23  }
0x13: {  	s29 =	smax.u32 s19, $0x1;
	s25 =	sadd.s32 $0x2DF000, s0;
	[dreg:$0x8] =	wrdreg s24  }
.Ltmp0:
0x14: {  	s26 =	sadd.s32 $0x307000, s0;
	[dreg:$0x9] =	wrdreg s25;
	(pc) =	sbr.rel .LBB2_1-.Ltmp0, $4  }
0x15: {  	s14 =	sadd.s32 $0x1C7000, s0;
	s0 =	sadd.s32 $0x32F000, s0;
	[dreg:$0xa] =	wrdreg s26  }
0x16: {  	s19 =	simm.s32 $0x80;
	s6 =	simm.s32 $0x16800;
	[dreg:$0xb] =	wrdreg s0  }
0x17: {  	s28 =	sshll.u32 s2, $0x6;
	s0 =	simm.s32 $0x14000;
	s20 =	simm.s32 $0x19000  }
0x18: {  	s21 =	simm.s32 $0x1;
	s22 =	simm.s32 $0x0;
	s30 =	sor.u32 $0x1C02, s28  }
.LBB2_39:
0x19: {  	s2 =	sadd.s32 $0x14000, s25;
	[sflag:s31] =	ssyncadd.s32 $0xFFFFC000  }
0x1a: {  	[tilespmem:s20], [sflag:$0x1] =	stream.indirect.gather [hbm4b:s12+s19], $0x80, s2, s19, $0xb8;
	[tilespmem:$0x1D000] =	vst v63  }
0x1b: {  	_ =	swait.ge [sflag:s21], $0x4000  }
0x1c: {  	[sflag:s21] =	ssyncset.done $0x0  }
0x1d: {  	s28 =	sadd.s32 $0x16800, s25;
	[sflag:s21] =	ssyncadd.s32 $0xFFFFC000  }
0x1e: {  	[spmem:s1] =	stream.indirect.scatter.add.f32 [tilespmem:s20], [sflag:$0x2], $0x80, s28, s19, $0xb8;
	[tilespmem:$0x1D000] =	vst v63  }
0x1f: {  	_ =	swait.ge [sflag:s31], $0x4000  }
0x20: {  	[sflag:s31] =	ssyncset.done $0x0  }
0x21: {  	s25 =	rddreg [dreg:$0xb];
	[sflag:s31] =	ssyncadd.s32 $0xFFFFC000  }
.LBB2_40:
0x22: {  	s22 =	sadd.s32 $0x1, s22  }
0x23: {  	p1 =	sne.s32 s22, s29  }
.Ltmp1:
0x24: {  	[bflag:$0x0] =	sbarrier.arrive $0xFFFF;
	(pc) =	sbr.rel @!p1 .LBB2_41-.Ltmp1, $4  }
0x25: {  	[hbm:s25], [sflag:s30] =	dma.local [spmem:s24], $0x2800  }
0x26: {  	_ =	swait.ge [sflag:s31], $0x2800  }
0x27: {  	[sflag:s31] =	ssyncset.done $0x0  }
0x28: {  	[sflag:s31] =	ssyncadd.s32 $0xFFFFD800  }
.LBB2_1:
0x29: {  	s24 =	sshrl.u32 s13, $0x3  }
0x2a: {  	[spmem:s24], [sflag:s30] =	dma.local [hbm:s14], $0x2800  }
0x2b: {  	_ =	swait.ge [sflag:s31], $0x2800  }
0x2c: {  	[sflag:s31] =	ssyncset.done $0x0  }
0x2d: {  	[sflag:s31] =	ssyncadd.s32 $0xFFFFD800  }
0x2e: {  	s2 =	simm.s32 $0x0;
	[bflag:$0x0] =	sbarrier.arrive $0xFFFF  }
0x2f: {  	[tilespmem:s0], [sflag:$0x2] =	stream.linear.gather [hbm4b:s15+s2], $0x2800, $0x38;
	[tilespmem:$0x1D000] =	vst v63  }
0x30: {  	_ =	swait.ge [sflag:s31], $0x2800  }
0x31: {  	[sflag:s31] =	ssyncset.done $0x0  }
.Ltmp2:
0x32: {  	[sflag:s31] =	ssyncadd.s32 $0xFFFFD800;
	(pc) =	sbr.rel @!p0 .LBB2_2-.Ltmp2, $4  }
0x33: {  	[tilespmem:s6], [sflag:$0x2] =	stream.linear.gather [hbm4b:s16+s2], $0x2800, $0x38;
	[tilespmem:$0x1D000] =	vst v63  }
0x34: {  	_ =	swait.ge [sflag:s31], $0x2800  }
0x35: {  	[sflag:s31] =	ssyncset.done $0x0  }
0x36: {  	[sflag:s31] =	ssyncadd.s32 $0xFFFFD800  }
0x37: {  	s2 =	simm.s32 $0x14000  }
0x38: {  	[tilespmem:s20], [sflag:$0x1] =	stream.indirect.gather [hbm4b:s9+s19], $0x80, s2, s19, $0xb8;
	[tilespmem:$0x1D000] =	vst v63  }
0x39: {  	_ =	swait.ge [sflag:s21], $0x4000  }
0x3a: {  	[sflag:s21] =	ssyncset.done $0x0  }
0x3b: {  	s28 =	simm.s32 $0x16800;
	[sflag:s21] =	ssyncadd.s32 $0xFFFFC000  }
0x3c: {  	[spmem:s1] =	stream.indirect.scatter.add.f32 [tilespmem:s20], [sflag:$0x2], $0x80, s28, s19, $0xb8;
	[tilespmem:$0x1D000] =	vst v63  }
0x3d: {  	_ =	swait.ge [sflag:s31], $0x4000  }
0x3e: {  	s26 =	simm.s32 $0x400;
	s25 =	simm.s32 $0x80;
	[sflag:s31] =	ssyncset.done $0x0  }
.LBB2_24:
0x3f: {  	s2 =	sadd.s32 $0x14000, s25  }
0x40: {  	[sflag:s31] =	ssyncadd.s32 $0xFFFFC000;
	s23 =	smov.u32 s26;
	s28 =	sadd.s32 $0x200, s26  }
0x41: {  	[tilespmem:s20], [sflag:$0x1] =	stream.indirect.gather [hbm4b:s9+s19], $0x80, s2, s19, $0xb8;
	[tilespmem:$0x1D000] =	vst v63  }
0x42: {  	p1 =	sne.s32 s26, $0x9E00;
	_ =	swait.ge [sflag:s21], $0x4000  }
.Ltmp3:
0x43: {  	[sflag:s21] =	ssyncset.done $0x0;
	(pc) =	sbr.rel @p1 .LBB2_24-.Ltmp3, $4  }
0x44: {  	s2 =	sadd.s32 $0x16800, s25;
	[sflag:s21] =	ssyncadd.s32 $0xFFFFC000  }
0x45: {  	[spmem:s1] =	stream.indirect.scatter.add.f32 [tilespmem:s20], [sflag:$0x2], $0x80, s2, s19, $0xb8;
	[tilespmem:$0x1D000] =	vst v63  }
0x46: {  	_ =	swait.ge [sflag:s31], $0x4000  }
0x47: {  	s25 =	sshra.s32 s23, $0x2;
	s26 =	smov.u32 s28;
	[sflag:s31] =	ssyncset.done $0x0  }
0x48: {  	s2 =	sadd.s32 $0x14000, s25;
	[sflag:s31] =	ssyncadd.s32 $0xFFFFC000  }
0x49: {  	[tilespmem:s20], [sflag:$0x1] =	stream.indirect.gather [hbm4b:s9+s19], $0x80, s2, s19, $0xb8;
	[tilespmem:$0x1D000] =	vst v63  }
0x4a: {  	_ =	swait.ge [sflag:s21], $0x4000  }
0x4b: {  	[sflag:s21] =	ssyncset.done $0x0  }
0x4c: {  	s23 =	sadd.s32 $0x16800, s25;
	[sflag:s21] =	ssyncadd.s32 $0xFFFFC000  }
0x4d: {  	[spmem:s1] =	stream.indirect.scatter.add.f32 [tilespmem:s20], [sflag:$0x2], $0x80, s23, s19, $0xb8;
	[tilespmem:$0x1D000] =	vst v63  }
0x4e: {  	_ =	swait.ge [sflag:s31], $0x4000  }
0x4f: {  	[sflag:s31] =	ssyncset.done $0x0  }
0x50: {  	s25 =	simm.s32 $0x0;
	[sflag:s31] =	ssyncadd.s32 $0xFFFFC000  }
0x51: {  	[tilespmem:s0], [sflag:$0x2] =	stream.linear.gather [hbm4b:s17+s25], $0x2800, $0x38;
	[tilespmem:$0x1D000] =	vst v63  }
0x52: {  	_ =	swait.ge [sflag:s31], $0x2800  }
0x53: {  	[sflag:s31] =	ssyncset.done $0x0  }
0x54: {  	[sflag:s31] =	ssyncadd.s32 $0xFFFFD800  }
0x55: {  	[tilespmem:s6], [sflag:$0x2] =	stream.linear.gather [hbm4b:s18+s25], $0x2800, $0x38;
	[tilespmem:$0x1D000] =	vst v63  }
0x56: {  	_ =	swait.ge [sflag:s31], $0x2800  }
0x57: {  	[sflag:s31] =	ssyncset.done $0x0  }
0x58: {  	s26 =	simm.s32 $0x14000;
	[sflag:s31] =	ssyncadd.s32 $0xFFFFD800  }
0x59: {  	[tilespmem:s20], [sflag:$0x1] =	stream.indirect.gather [hbm4b:s9+s19], $0x80, s26, s19, $0xb8;
	[tilespmem:$0x1D000] =	vst v63  }
0x5a: {  	_ =	swait.ge [sflag:s21], $0x4000  }
0x5b: {  	[sflag:s21] =	ssyncset.done $0x0  }
0x5c: {  	s28 =	simm.s32 $0x16800;
	[sflag:s21] =	ssyncadd.s32 $0xFFFFC000  }
0x5d: {  	[spmem:s1] =	stream.indirect.scatter.add.f32 [tilespmem:s20], [sflag:$0x2], $0x80, s28, s19, $0xb8;
	[tilespmem:$0x1D000] =	vst v63  }
0x5e: {  	_ =	swait.ge [sflag:s31], $0x4000  }
0x5f: {  	s25 =	simm.s32 $0x80;
	s26 =	simm.s32 $0x400;
	[sflag:s31] =	ssyncset.done $0x0  }
.LBB2_26:
0x60: {  	s2 =	sadd.s32 $0x14000, s25  }
0x61: {  	[sflag:s31] =	ssyncadd.s32 $0xFFFFC000;
	s23 =	smov.u32 s26;
	s28 =	sadd.s32 $0x200, s26  }
0x62: {  	[tilespmem:s20], [sflag:$0x1] =	stream.indirect.gather [hbm4b:s9+s19], $0x80, s2, s19, $0xb8;
	[tilespmem:$0x1D000] =	vst v63  }
0x63: {  	p1 =	sne.s32 s26, $0x9E00;
	_ =	swait.ge [sflag:s21], $0x4000  }
.Ltmp4:
0x64: {  	[sflag:s21] =	ssyncset.done $0x0;
	(pc) =	sbr.rel @p1 .LBB2_26-.Ltmp4, $4  }
0x65: {  	s2 =	sadd.s32 $0x16800, s25;
	[sflag:s21] =	ssyncadd.s32 $0xFFFFC000  }
0x66: {  	[spmem:s1] =	stream.indirect.scatter.add.f32 [tilespmem:s20], [sflag:$0x2], $0x80, s2, s19, $0xb8;
	[tilespmem:$0x1D000] =	vst v63  }
0x67: {  	_ =	swait.ge [sflag:s31], $0x4000  }
0x68: {  	s25 =	sshra.s32 s23, $0x2;
	s26 =	smov.u32 s28;
	[sflag:s31] =	ssyncset.done $0x0  }
0x69: {  	s2 =	sadd.s32 $0x14000, s25;
	[sflag:s31] =	ssyncadd.s32 $0xFFFFC000  }
0x6a: {  	[tilespmem:s20], [sflag:$0x1] =	stream.indirect.gather [hbm4b:s9+s19], $0x80, s2, s19, $0xb8;
	[tilespmem:$0x1D000] =	vst v63  }
0x6b: {  	_ =	swait.ge [sflag:s21], $0x4000  }
0x6c: {  	[sflag:s21] =	ssyncset.done $0x0  }
0x6d: {  	s28 =	sadd.s32 $0x16800, s25;
	[sflag:s21] =	ssyncadd.s32 $0xFFFFC000  }
0x6e: {  	[spmem:s1] =	stream.indirect.scatter.add.f32 [tilespmem:s20], [sflag:$0x2], $0x80, s28, s19, $0xb8;
	[tilespmem:$0x1D000] =	vst v63  }
0x6f: {  	_ =	swait.ge [sflag:s31], $0x4000  }
0x70: {  	[sflag:s31] =	ssyncset.done $0x0  }
0x71: {  	[sflag:s31] =	ssyncadd.s32 $0xFFFFC000  }
0x72: {  	[bflag:$0x0] =	sbarrier.arrive $0xFFFF  }
0x73: {  	s23 =	rddreg [dreg:$0x8]  }
0x74: {  	[hbm:s23], [sflag:s30] =	dma.local [spmem:s24], $0x2800  }
0x75: {  	_ =	swait.ge [sflag:s31], $0x2800  }
0x76: {  	[sflag:s31] =	ssyncset.done $0x0  }
0x77: {  	[sflag:s31] =	ssyncadd.s32 $0xFFFFD800  }
0x78: {  	[spmem:s24], [sflag:s30] =	dma.local [hbm:s14], $0x2800  }
0x79: {  	_ =	swait.ge [sflag:s31], $0x2800  }
0x7a: {  	[sflag:s31] =	ssyncset.done $0x0  }
0x7b: {  	[sflag:s31] =	ssyncadd.s32 $0xFFFFD800  }
0x7c: {  	s25 =	simm.s32 $0x0;
	[bflag:$0x0] =	sbarrier.arrive $0xFFFF  }
0x7d: {  	[tilespmem:s0], [sflag:$0x2] =	stream.linear.gather [hbm4b:s15+s25], $0x2800, $0x38;
	[tilespmem:$0x1D000] =	vst v63  }
0x7e: {  	_ =	swait.ge [sflag:s31], $0x2800  }
0x7f: {  	[sflag:s31] =	ssyncset.done $0x0  }
0x80: {  	[sflag:s31] =	ssyncadd.s32 $0xFFFFD800  }
0x81: {  	[tilespmem:s6], [sflag:$0x2] =	stream.linear.gather [hbm4b:s16+s25], $0x2800, $0x38;
	[tilespmem:$0x1D000] =	vst v63  }
0x82: {  	_ =	swait.ge [sflag:s31], $0x2800  }
0x83: {  	[sflag:s31] =	ssyncset.done $0x0  }
0x84: {  	s26 =	simm.s32 $0x14000;
	[sflag:s31] =	ssyncadd.s32 $0xFFFFD800  }
0x85: {  	[tilespmem:s20], [sflag:$0x1] =	stream.indirect.gather [hbm4b:s10+s19], $0x80, s26, s19, $0xb8;
	[tilespmem:$0x1D000] =	vst v63  }
0x86: {  	_ =	swait.ge [sflag:s21], $0x4000  }
0x87: {  	[sflag:s21] =	ssyncset.done $0x0  }
0x88: {  	s28 =	simm.s32 $0x16800;
	[sflag:s21] =	ssyncadd.s32 $0xFFFFC000  }
0x89: {  	[spmem:s1] =	stream.indirect.scatter.add.f32 [tilespmem:s20], [sflag:$0x2], $0x80, s28, s19, $0xb8;
	[tilespmem:$0x1D000] =	vst v63  }
0x8a: {  	_ =	swait.ge [sflag:s31], $0x4000  }
0x8b: {  	s25 =	simm.s32 $0x80;
	s26 =	simm.s32 $0x400;
	[sflag:s31] =	ssyncset.done $0x0  }
.LBB2_28:
0x8c: {  	s2 =	sadd.s32 $0x14000, s25  }
0x8d: {  	[sflag:s31] =	ssyncadd.s32 $0xFFFFC000;
	s23 =	smov.u32 s26;
	s28 =	sadd.s32 $0x200, s26  }
0x8e: {  	[tilespmem:s20], [sflag:$0x1] =	stream.indirect.gather [hbm4b:s10+s19], $0x80, s2, s19, $0xb8;
	[tilespmem:$0x1D000] =	vst v63  }
0x8f: {  	p1 =	sne.s32 s26, $0x9E00;
	_ =	swait.ge [sflag:s21], $0x4000  }
.Ltmp5:
0x90: {  	[sflag:s21] =	ssyncset.done $0x0;
	(pc) =	sbr.rel @p1 .LBB2_28-.Ltmp5, $4  }
0x91: {  	s2 =	sadd.s32 $0x16800, s25;
	[sflag:s21] =	ssyncadd.s32 $0xFFFFC000  }
0x92: {  	[spmem:s1] =	stream.indirect.scatter.add.f32 [tilespmem:s20], [sflag:$0x2], $0x80, s2, s19, $0xb8;
	[tilespmem:$0x1D000] =	vst v63  }
0x93: {  	_ =	swait.ge [sflag:s31], $0x4000  }
0x94: {  	s25 =	sshra.s32 s23, $0x2;
	s26 =	smov.u32 s28;
	[sflag:s31] =	ssyncset.done $0x0  }
0x95: {  	s2 =	sadd.s32 $0x14000, s25;
	[sflag:s31] =	ssyncadd.s32 $0xFFFFC000  }
0x96: {  	[tilespmem:s20], [sflag:$0x1] =	stream.indirect.gather [hbm4b:s10+s19], $0x80, s2, s19, $0xb8;
	[tilespmem:$0x1D000] =	vst v63  }
0x97: {  	_ =	swait.ge [sflag:s21], $0x4000  }
0x98: {  	[sflag:s21] =	ssyncset.done $0x0  }
0x99: {  	s23 =	sadd.s32 $0x16800, s25;
	[sflag:s21] =	ssyncadd.s32 $0xFFFFC000  }
0x9a: {  	[spmem:s1] =	stream.indirect.scatter.add.f32 [tilespmem:s20], [sflag:$0x2], $0x80, s23, s19, $0xb8;
	[tilespmem:$0x1D000] =	vst v63  }
0x9b: {  	_ =	swait.ge [sflag:s31], $0x4000  }
0x9c: {  	[sflag:s31] =	ssyncset.done $0x0  }
0x9d: {  	s25 =	simm.s32 $0x0;
	[sflag:s31] =	ssyncadd.s32 $0xFFFFC000  }
0x9e: {  	[tilespmem:s0], [sflag:$0x2] =	stream.linear.gather [hbm4b:s17+s25], $0x2800, $0x38;
	[tilespmem:$0x1D000] =	vst v63  }
0x9f: {  	_ =	swait.ge [sflag:s31], $0x2800  }
0xa0: {  	[sflag:s31] =	ssyncset.done $0x0  }
0xa1: {  	[sflag:s31] =	ssyncadd.s32 $0xFFFFD800  }
0xa2: {  	[tilespmem:s6], [sflag:$0x2] =	stream.linear.gather [hbm4b:s18+s25], $0x2800, $0x38;
	[tilespmem:$0x1D000] =	vst v63  }
0xa3: {  	_ =	swait.ge [sflag:s31], $0x2800  }
0xa4: {  	[sflag:s31] =	ssyncset.done $0x0  }
0xa5: {  	s26 =	simm.s32 $0x14000;
	[sflag:s31] =	ssyncadd.s32 $0xFFFFD800  }
0xa6: {  	[tilespmem:s20], [sflag:$0x1] =	stream.indirect.gather [hbm4b:s10+s19], $0x80, s26, s19, $0xb8;
	[tilespmem:$0x1D000] =	vst v63  }
0xa7: {  	_ =	swait.ge [sflag:s21], $0x4000  }
0xa8: {  	[sflag:s21] =	ssyncset.done $0x0  }
0xa9: {  	s28 =	simm.s32 $0x16800;
	[sflag:s21] =	ssyncadd.s32 $0xFFFFC000  }
0xaa: {  	[spmem:s1] =	stream.indirect.scatter.add.f32 [tilespmem:s20], [sflag:$0x2], $0x80, s28, s19, $0xb8;
	[tilespmem:$0x1D000] =	vst v63  }
0xab: {  	_ =	swait.ge [sflag:s31], $0x4000  }
0xac: {  	s25 =	simm.s32 $0x80;
	s26 =	simm.s32 $0x400;
	[sflag:s31] =	ssyncset.done $0x0  }
.LBB2_30:
0xad: {  	s2 =	sadd.s32 $0x14000, s25  }
0xae: {  	[sflag:s31] =	ssyncadd.s32 $0xFFFFC000;
	s23 =	smov.u32 s26;
	s28 =	sadd.s32 $0x200, s26  }
0xaf: {  	[tilespmem:s20], [sflag:$0x1] =	stream.indirect.gather [hbm4b:s10+s19], $0x80, s2, s19, $0xb8;
	[tilespmem:$0x1D000] =	vst v63  }
0xb0: {  	p1 =	sne.s32 s26, $0x9E00;
	_ =	swait.ge [sflag:s21], $0x4000  }
.Ltmp6:
0xb1: {  	[sflag:s21] =	ssyncset.done $0x0;
	(pc) =	sbr.rel @p1 .LBB2_30-.Ltmp6, $4  }
0xb2: {  	s2 =	sadd.s32 $0x16800, s25;
	[sflag:s21] =	ssyncadd.s32 $0xFFFFC000  }
0xb3: {  	[spmem:s1] =	stream.indirect.scatter.add.f32 [tilespmem:s20], [sflag:$0x2], $0x80, s2, s19, $0xb8;
	[tilespmem:$0x1D000] =	vst v63  }
0xb4: {  	_ =	swait.ge [sflag:s31], $0x4000  }
0xb5: {  	s25 =	sshra.s32 s23, $0x2;
	s26 =	smov.u32 s28;
	[sflag:s31] =	ssyncset.done $0x0  }
0xb6: {  	s2 =	sadd.s32 $0x14000, s25;
	[sflag:s31] =	ssyncadd.s32 $0xFFFFC000  }
0xb7: {  	[tilespmem:s20], [sflag:$0x1] =	stream.indirect.gather [hbm4b:s10+s19], $0x80, s2, s19, $0xb8;
	[tilespmem:$0x1D000] =	vst v63  }
0xb8: {  	_ =	swait.ge [sflag:s21], $0x4000  }
0xb9: {  	[sflag:s21] =	ssyncset.done $0x0  }
0xba: {  	s28 =	sadd.s32 $0x16800, s25;
	[sflag:s21] =	ssyncadd.s32 $0xFFFFC000  }
0xbb: {  	[spmem:s1] =	stream.indirect.scatter.add.f32 [tilespmem:s20], [sflag:$0x2], $0x80, s28, s19, $0xb8;
	[tilespmem:$0x1D000] =	vst v63  }
0xbc: {  	_ =	swait.ge [sflag:s31], $0x4000  }
0xbd: {  	[sflag:s31] =	ssyncset.done $0x0  }
0xbe: {  	[sflag:s31] =	ssyncadd.s32 $0xFFFFC000  }
0xbf: {  	[bflag:$0x0] =	sbarrier.arrive $0xFFFF  }
0xc0: {  	s23 =	rddreg [dreg:$0x9]  }
0xc1: {  	[hbm:s23], [sflag:s30] =	dma.local [spmem:s24], $0x2800  }
0xc2: {  	_ =	swait.ge [sflag:s31], $0x2800  }
0xc3: {  	[sflag:s31] =	ssyncset.done $0x0  }
0xc4: {  	[sflag:s31] =	ssyncadd.s32 $0xFFFFD800  }
0xc5: {  	[spmem:s24], [sflag:s30] =	dma.local [hbm:s14], $0x2800  }
0xc6: {  	_ =	swait.ge [sflag:s31], $0x2800  }
0xc7: {  	[sflag:s31] =	ssyncset.done $0x0  }
0xc8: {  	[sflag:s31] =	ssyncadd.s32 $0xFFFFD800  }
0xc9: {  	s25 =	simm.s32 $0x0;
	[bflag:$0x0] =	sbarrier.arrive $0xFFFF  }
0xca: {  	[tilespmem:s0], [sflag:$0x2] =	stream.linear.gather [hbm4b:s15+s25], $0x2800, $0x38;
	[tilespmem:$0x1D000] =	vst v63  }
0xcb: {  	_ =	swait.ge [sflag:s31], $0x2800  }
0xcc: {  	[sflag:s31] =	ssyncset.done $0x0  }
0xcd: {  	[sflag:s31] =	ssyncadd.s32 $0xFFFFD800  }
0xce: {  	[tilespmem:s6], [sflag:$0x2] =	stream.linear.gather [hbm4b:s16+s25], $0x2800, $0x38;
	[tilespmem:$0x1D000] =	vst v63  }
0xcf: {  	_ =	swait.ge [sflag:s31], $0x2800  }
0xd0: {  	[sflag:s31] =	ssyncset.done $0x0  }
0xd1: {  	s26 =	simm.s32 $0x14000;
	[sflag:s31] =	ssyncadd.s32 $0xFFFFD800  }
0xd2: {  	[tilespmem:s20], [sflag:$0x1] =	stream.indirect.gather [hbm4b:s11+s19], $0x80, s26, s19, $0xb8;
	[tilespmem:$0x1D000] =	vst v63  }
0xd3: {  	_ =	swait.ge [sflag:s21], $0x4000  }
0xd4: {  	[sflag:s21] =	ssyncset.done $0x0  }
0xd5: {  	s28 =	simm.s32 $0x16800;
	[sflag:s21] =	ssyncadd.s32 $0xFFFFC000  }
0xd6: {  	[spmem:s1] =	stream.indirect.scatter.add.f32 [tilespmem:s20], [sflag:$0x2], $0x80, s28, s19, $0xb8;
	[tilespmem:$0x1D000] =	vst v63  }
0xd7: {  	_ =	swait.ge [sflag:s31], $0x4000  }
0xd8: {  	s25 =	simm.s32 $0x80;
	s26 =	simm.s32 $0x400;
	[sflag:s31] =	ssyncset.done $0x0  }
.LBB2_32:
0xd9: {  	s2 =	sadd.s32 $0x14000, s25  }
0xda: {  	[sflag:s31] =	ssyncadd.s32 $0xFFFFC000;
	s23 =	smov.u32 s26;
	s28 =	sadd.s32 $0x200, s26  }
0xdb: {  	[tilespmem:s20], [sflag:$0x1] =	stream.indirect.gather [hbm4b:s11+s19], $0x80, s2, s19, $0xb8;
	[tilespmem:$0x1D000] =	vst v63  }
0xdc: {  	p1 =	sne.s32 s26, $0x9E00;
	_ =	swait.ge [sflag:s21], $0x4000  }
.Ltmp7:
0xdd: {  	[sflag:s21] =	ssyncset.done $0x0;
	(pc) =	sbr.rel @p1 .LBB2_32-.Ltmp7, $4  }
0xde: {  	s2 =	sadd.s32 $0x16800, s25;
	[sflag:s21] =	ssyncadd.s32 $0xFFFFC000  }
0xdf: {  	[spmem:s1] =	stream.indirect.scatter.add.f32 [tilespmem:s20], [sflag:$0x2], $0x80, s2, s19, $0xb8;
	[tilespmem:$0x1D000] =	vst v63  }
0xe0: {  	_ =	swait.ge [sflag:s31], $0x4000  }
0xe1: {  	s25 =	sshra.s32 s23, $0x2;
	s26 =	smov.u32 s28;
	[sflag:s31] =	ssyncset.done $0x0  }
0xe2: {  	s2 =	sadd.s32 $0x14000, s25;
	[sflag:s31] =	ssyncadd.s32 $0xFFFFC000  }
0xe3: {  	[tilespmem:s20], [sflag:$0x1] =	stream.indirect.gather [hbm4b:s11+s19], $0x80, s2, s19, $0xb8;
	[tilespmem:$0x1D000] =	vst v63  }
0xe4: {  	_ =	swait.ge [sflag:s21], $0x4000  }
0xe5: {  	[sflag:s21] =	ssyncset.done $0x0  }
0xe6: {  	s23 =	sadd.s32 $0x16800, s25;
	[sflag:s21] =	ssyncadd.s32 $0xFFFFC000  }
0xe7: {  	[spmem:s1] =	stream.indirect.scatter.add.f32 [tilespmem:s20], [sflag:$0x2], $0x80, s23, s19, $0xb8;
	[tilespmem:$0x1D000] =	vst v63  }
0xe8: {  	_ =	swait.ge [sflag:s31], $0x4000  }
0xe9: {  	[sflag:s31] =	ssyncset.done $0x0  }
0xea: {  	s25 =	simm.s32 $0x0;
	[sflag:s31] =	ssyncadd.s32 $0xFFFFC000  }
0xeb: {  	[tilespmem:s0], [sflag:$0x2] =	stream.linear.gather [hbm4b:s17+s25], $0x2800, $0x38;
	[tilespmem:$0x1D000] =	vst v63  }
0xec: {  	_ =	swait.ge [sflag:s31], $0x2800  }
0xed: {  	[sflag:s31] =	ssyncset.done $0x0  }
0xee: {  	[sflag:s31] =	ssyncadd.s32 $0xFFFFD800  }
0xef: {  	[tilespmem:s6], [sflag:$0x2] =	stream.linear.gather [hbm4b:s18+s25], $0x2800, $0x38;
	[tilespmem:$0x1D000] =	vst v63  }
0xf0: {  	_ =	swait.ge [sflag:s31], $0x2800  }
0xf1: {  	[sflag:s31] =	ssyncset.done $0x0  }
0xf2: {  	s26 =	simm.s32 $0x14000;
	[sflag:s31] =	ssyncadd.s32 $0xFFFFD800  }
0xf3: {  	[tilespmem:s20], [sflag:$0x1] =	stream.indirect.gather [hbm4b:s11+s19], $0x80, s26, s19, $0xb8;
	[tilespmem:$0x1D000] =	vst v63  }
0xf4: {  	_ =	swait.ge [sflag:s21], $0x4000  }
0xf5: {  	[sflag:s21] =	ssyncset.done $0x0  }
0xf6: {  	s28 =	simm.s32 $0x16800;
	[sflag:s21] =	ssyncadd.s32 $0xFFFFC000  }
0xf7: {  	[spmem:s1] =	stream.indirect.scatter.add.f32 [tilespmem:s20], [sflag:$0x2], $0x80, s28, s19, $0xb8;
	[tilespmem:$0x1D000] =	vst v63  }
0xf8: {  	_ =	swait.ge [sflag:s31], $0x4000  }
0xf9: {  	s25 =	simm.s32 $0x80;
	s26 =	simm.s32 $0x400;
	[sflag:s31] =	ssyncset.done $0x0  }
.LBB2_34:
0xfa: {  	s2 =	sadd.s32 $0x14000, s25  }
0xfb: {  	[sflag:s31] =	ssyncadd.s32 $0xFFFFC000;
	s23 =	smov.u32 s26;
	s28 =	sadd.s32 $0x200, s26  }
0xfc: {  	[tilespmem:s20], [sflag:$0x1] =	stream.indirect.gather [hbm4b:s11+s19], $0x80, s2, s19, $0xb8;
	[tilespmem:$0x1D000] =	vst v63  }
0xfd: {  	p1 =	sne.s32 s26, $0x9E00;
	_ =	swait.ge [sflag:s21], $0x4000  }
.Ltmp8:
0xfe: {  	[sflag:s21] =	ssyncset.done $0x0;
	(pc) =	sbr.rel @p1 .LBB2_34-.Ltmp8, $4  }
0xff: {  	s2 =	sadd.s32 $0x16800, s25;
	[sflag:s21] =	ssyncadd.s32 $0xFFFFC000  }
0x100: {  	[spmem:s1] =	stream.indirect.scatter.add.f32 [tilespmem:s20], [sflag:$0x2], $0x80, s2, s19, $0xb8;
	[tilespmem:$0x1D000] =	vst v63  }
0x101: {  	_ =	swait.ge [sflag:s31], $0x4000  }
0x102: {  	s25 =	sshra.s32 s23, $0x2;
	s26 =	smov.u32 s28;
	[sflag:s31] =	ssyncset.done $0x0  }
0x103: {  	s2 =	sadd.s32 $0x14000, s25;
	[sflag:s31] =	ssyncadd.s32 $0xFFFFC000  }
0x104: {  	[tilespmem:s20], [sflag:$0x1] =	stream.indirect.gather [hbm4b:s11+s19], $0x80, s2, s19, $0xb8;
	[tilespmem:$0x1D000] =	vst v63  }
0x105: {  	_ =	swait.ge [sflag:s21], $0x4000  }
0x106: {  	[sflag:s21] =	ssyncset.done $0x0  }
0x107: {  	s28 =	sadd.s32 $0x16800, s25;
	[sflag:s21] =	ssyncadd.s32 $0xFFFFC000  }
0x108: {  	[spmem:s1] =	stream.indirect.scatter.add.f32 [tilespmem:s20], [sflag:$0x2], $0x80, s28, s19, $0xb8;
	[tilespmem:$0x1D000] =	vst v63  }
0x109: {  	_ =	swait.ge [sflag:s31], $0x4000  }
0x10a: {  	[sflag:s31] =	ssyncset.done $0x0  }
0x10b: {  	[sflag:s31] =	ssyncadd.s32 $0xFFFFC000  }
0x10c: {  	[bflag:$0x0] =	sbarrier.arrive $0xFFFF  }
0x10d: {  	s23 =	rddreg [dreg:$0xa]  }
0x10e: {  	[hbm:s23], [sflag:s30] =	dma.local [spmem:s24], $0x2800  }
0x10f: {  	_ =	swait.ge [sflag:s31], $0x2800  }
0x110: {  	[sflag:s31] =	ssyncset.done $0x0  }
0x111: {  	[sflag:s31] =	ssyncadd.s32 $0xFFFFD800  }
0x112: {  	[spmem:s24], [sflag:s30] =	dma.local [hbm:s14], $0x2800  }
0x113: {  	_ =	swait.ge [sflag:s31], $0x2800  }
0x114: {  	[sflag:s31] =	ssyncset.done $0x0  }
0x115: {  	[sflag:s31] =	ssyncadd.s32 $0xFFFFD800  }
0x116: {  	s25 =	simm.s32 $0x0;
	[bflag:$0x0] =	sbarrier.arrive $0xFFFF  }
0x117: {  	[tilespmem:s0], [sflag:$0x2] =	stream.linear.gather [hbm4b:s15+s25], $0x2800, $0x38;
	[tilespmem:$0x1D000] =	vst v63  }
0x118: {  	_ =	swait.ge [sflag:s31], $0x2800  }
0x119: {  	[sflag:s31] =	ssyncset.done $0x0  }
0x11a: {  	[sflag:s31] =	ssyncadd.s32 $0xFFFFD800  }
0x11b: {  	[tilespmem:s6], [sflag:$0x2] =	stream.linear.gather [hbm4b:s16+s25], $0x2800, $0x38;
	[tilespmem:$0x1D000] =	vst v63  }
0x11c: {  	_ =	swait.ge [sflag:s31], $0x2800  }
0x11d: {  	[sflag:s31] =	ssyncset.done $0x0  }
0x11e: {  	s26 =	simm.s32 $0x14000;
	[sflag:s31] =	ssyncadd.s32 $0xFFFFD800  }
0x11f: {  	[tilespmem:s20], [sflag:$0x1] =	stream.indirect.gather [hbm4b:s12+s19], $0x80, s26, s19, $0xb8;
	[tilespmem:$0x1D000] =	vst v63  }
0x120: {  	_ =	swait.ge [sflag:s21], $0x4000  }
0x121: {  	[sflag:s21] =	ssyncset.done $0x0  }
0x122: {  	s28 =	simm.s32 $0x16800;
	[sflag:s21] =	ssyncadd.s32 $0xFFFFC000  }
0x123: {  	[spmem:s1] =	stream.indirect.scatter.add.f32 [tilespmem:s20], [sflag:$0x2], $0x80, s28, s19, $0xb8;
	[tilespmem:$0x1D000] =	vst v63  }
0x124: {  	_ =	swait.ge [sflag:s31], $0x4000  }
0x125: {  	s25 =	simm.s32 $0x80;
	s26 =	simm.s32 $0x400;
	[sflag:s31] =	ssyncset.done $0x0  }
.LBB2_36:
0x126: {  	s2 =	sadd.s32 $0x14000, s25  }
0x127: {  	[sflag:s31] =	ssyncadd.s32 $0xFFFFC000;
	s23 =	smov.u32 s26;
	s28 =	sadd.s32 $0x200, s26  }
0x128: {  	[tilespmem:s20], [sflag:$0x1] =	stream.indirect.gather [hbm4b:s12+s19], $0x80, s2, s19, $0xb8;
	[tilespmem:$0x1D000] =	vst v63  }
0x129: {  	p1 =	sne.s32 s26, $0x9E00;
	_ =	swait.ge [sflag:s21], $0x4000  }
.Ltmp9:
0x12a: {  	[sflag:s21] =	ssyncset.done $0x0;
	(pc) =	sbr.rel @p1 .LBB2_36-.Ltmp9, $4  }
0x12b: {  	s2 =	sadd.s32 $0x16800, s25;
	[sflag:s21] =	ssyncadd.s32 $0xFFFFC000  }
0x12c: {  	[spmem:s1] =	stream.indirect.scatter.add.f32 [tilespmem:s20], [sflag:$0x2], $0x80, s2, s19, $0xb8;
	[tilespmem:$0x1D000] =	vst v63  }
0x12d: {  	_ =	swait.ge [sflag:s31], $0x4000  }
0x12e: {  	s25 =	sshra.s32 s23, $0x2;
	s26 =	smov.u32 s28;
	[sflag:s31] =	ssyncset.done $0x0  }
0x12f: {  	s2 =	sadd.s32 $0x14000, s25;
	[sflag:s31] =	ssyncadd.s32 $0xFFFFC000  }
0x130: {  	[tilespmem:s20], [sflag:$0x1] =	stream.indirect.gather [hbm4b:s12+s19], $0x80, s2, s19, $0xb8;
	[tilespmem:$0x1D000] =	vst v63  }
0x131: {  	_ =	swait.ge [sflag:s21], $0x4000  }
0x132: {  	[sflag:s21] =	ssyncset.done $0x0  }
0x133: {  	s23 =	sadd.s32 $0x16800, s25;
	[sflag:s21] =	ssyncadd.s32 $0xFFFFC000  }
0x134: {  	[spmem:s1] =	stream.indirect.scatter.add.f32 [tilespmem:s20], [sflag:$0x2], $0x80, s23, s19, $0xb8;
	[tilespmem:$0x1D000] =	vst v63  }
0x135: {  	_ =	swait.ge [sflag:s31], $0x4000  }
0x136: {  	[sflag:s31] =	ssyncset.done $0x0  }
0x137: {  	s25 =	simm.s32 $0x0;
	[sflag:s31] =	ssyncadd.s32 $0xFFFFC000  }
0x138: {  	[tilespmem:s0], [sflag:$0x2] =	stream.linear.gather [hbm4b:s17+s25], $0x2800, $0x38;
	[tilespmem:$0x1D000] =	vst v63  }
0x139: {  	_ =	swait.ge [sflag:s31], $0x2800  }
0x13a: {  	[sflag:s31] =	ssyncset.done $0x0  }
0x13b: {  	[sflag:s31] =	ssyncadd.s32 $0xFFFFD800  }
0x13c: {  	[tilespmem:s6], [sflag:$0x2] =	stream.linear.gather [hbm4b:s18+s25], $0x2800, $0x38;
	[tilespmem:$0x1D000] =	vst v63  }
0x13d: {  	_ =	swait.ge [sflag:s31], $0x2800  }
0x13e: {  	[sflag:s31] =	ssyncset.done $0x0  }
0x13f: {  	s26 =	simm.s32 $0x14000;
	[sflag:s31] =	ssyncadd.s32 $0xFFFFD800  }
0x140: {  	[tilespmem:s20], [sflag:$0x1] =	stream.indirect.gather [hbm4b:s12+s19], $0x80, s26, s19, $0xb8;
	[tilespmem:$0x1D000] =	vst v63  }
0x141: {  	_ =	swait.ge [sflag:s21], $0x4000  }
0x142: {  	[sflag:s21] =	ssyncset.done $0x0  }
0x143: {  	s28 =	simm.s32 $0x16800;
	[sflag:s21] =	ssyncadd.s32 $0xFFFFC000  }
0x144: {  	[spmem:s1] =	stream.indirect.scatter.add.f32 [tilespmem:s20], [sflag:$0x2], $0x80, s28, s19, $0xb8;
	[tilespmem:$0x1D000] =	vst v63  }
0x145: {  	_ =	swait.ge [sflag:s31], $0x4000  }
0x146: {  	s25 =	simm.s32 $0x80;
	s26 =	simm.s32 $0x400;
	[sflag:s31] =	ssyncset.done $0x0  }
.LBB2_38:
0x147: {  	s2 =	sadd.s32 $0x14000, s25  }
0x148: {  	[sflag:s31] =	ssyncadd.s32 $0xFFFFC000;
	s23 =	smov.u32 s26;
	s28 =	sadd.s32 $0x200, s26  }
0x149: {  	[tilespmem:s20], [sflag:$0x1] =	stream.indirect.gather [hbm4b:s12+s19], $0x80, s2, s19, $0xb8;
	[tilespmem:$0x1D000] =	vst v63  }
0x14a: {  	p1 =	sne.s32 s26, $0x9E00;
	_ =	swait.ge [sflag:s21], $0x4000  }
.Ltmp10:
0x14b: {  	[sflag:s21] =	ssyncset.done $0x0;
	(pc) =	sbr.rel @p1 .LBB2_38-.Ltmp10, $4  }
0x14c: {  	s2 =	sadd.s32 $0x16800, s25;
	[sflag:s21] =	ssyncadd.s32 $0xFFFFC000  }
0x14d: {  	[spmem:s1] =	stream.indirect.scatter.add.f32 [tilespmem:s20], [sflag:$0x2], $0x80, s2, s19, $0xb8;
	[tilespmem:$0x1D000] =	vst v63  }
0x14e: {  	_ =	swait.ge [sflag:s31], $0x4000  }
0x14f: {  	s25 =	sshra.s32 s23, $0x2;
	s26 =	smov.u32 s28;
	[sflag:s31] =	ssyncset.done $0x0  }
.Ltmp11:
0x150: {  	_ = 	snop;
	(pc) =	sbr.rel .LBB2_39-.Ltmp11, $1  }
0x151: {  	_ =	sdelay $0x3  }
.LBB2_2:
0x152: {  	s25 =	simm.s32 $0x14000  }
0x153: {  	[tilespmem:s20], [sflag:$0x1] =	stream.indirect.gather [hbm4b:s3+s19], $0x80, s25, s19, $0xb8;
	[tilespmem:$0x1D000] =	vst v63  }
0x154: {  	_ =	swait.ge [sflag:s21], $0x4000  }
0x155: {  	[sflag:s21] =	ssyncset.done $0x0  }
0x156: {  	s28 =	simm.s32 $0x16800;
	[sflag:s21] =	ssyncadd.s32 $0xFFFFC000  }
0x157: {  	[spmem:s1] =	stream.indirect.scatter.add.f32 [tilespmem:s20], [sflag:$0x2], $0x80, s28, s19, $0xb8;
	[tilespmem:$0x1D000] =	vst v63  }
0x158: {  	_ =	swait.ge [sflag:s31], $0x4000  }
0x159: {  	s26 =	simm.s32 $0x400;
	s25 =	simm.s32 $0x80;
	[sflag:s31] =	ssyncset.done $0x0  }
.LBB2_3:
0x15a: {  	s23 =	sadd.s32 $0x14000, s25  }
0x15b: {  	[sflag:s31] =	ssyncadd.s32 $0xFFFFC000;
	s28 =	smov.u32 s26;
	s2 =	sadd.s32 $0x200, s26  }
0x15c: {  	[tilespmem:s20], [sflag:$0x1] =	stream.indirect.gather [hbm4b:s3+s19], $0x80, s23, s19, $0xb8;
	[tilespmem:$0x1D000] =	vst v63  }
0x15d: {  	p1 =	sne.s32 s26, $0x9E00;
	_ =	swait.ge [sflag:s21], $0x4000  }
.Ltmp12:
0x15e: {  	[sflag:s21] =	ssyncset.done $0x0;
	(pc) =	sbr.rel @p1 .LBB2_3-.Ltmp12, $4  }
0x15f: {  	s23 =	sadd.s32 $0x16800, s25;
	[sflag:s21] =	ssyncadd.s32 $0xFFFFC000  }
0x160: {  	[spmem:s1] =	stream.indirect.scatter.add.f32 [tilespmem:s20], [sflag:$0x2], $0x80, s23, s19, $0xb8;
	[tilespmem:$0x1D000] =	vst v63  }
0x161: {  	_ =	swait.ge [sflag:s31], $0x4000  }
0x162: {  	s25 =	sshra.s32 s28, $0x2;
	s26 =	smov.u32 s2;
	[sflag:s31] =	ssyncset.done $0x0  }
0x163: {  	s2 =	sadd.s32 $0x14000, s25;
	[sflag:s31] =	ssyncadd.s32 $0xFFFFC000  }
0x164: {  	[tilespmem:s20], [sflag:$0x1] =	stream.indirect.gather [hbm4b:s3+s19], $0x80, s2, s19, $0xb8;
	[tilespmem:$0x1D000] =	vst v63  }
0x165: {  	_ =	swait.ge [sflag:s21], $0x4000  }
0x166: {  	[sflag:s21] =	ssyncset.done $0x0  }
0x167: {  	s23 =	sadd.s32 $0x16800, s25;
	[sflag:s21] =	ssyncadd.s32 $0xFFFFC000  }
0x168: {  	[spmem:s1] =	stream.indirect.scatter.add.f32 [tilespmem:s20], [sflag:$0x2], $0x80, s23, s19, $0xb8;
	[tilespmem:$0x1D000] =	vst v63  }
0x169: {  	_ =	swait.ge [sflag:s31], $0x4000  }
0x16a: {  	[sflag:s31] =	ssyncset.done $0x0  }
0x16b: {  	s25 =	simm.s32 $0x0;
	[sflag:s31] =	ssyncadd.s32 $0xFFFFC000  }
0x16c: {  	[tilespmem:s0], [sflag:$0x2] =	stream.linear.gather [hbm4b:s17+s25], $0x2800, $0x38;
	[tilespmem:$0x1D000] =	vst v63  }
0x16d: {  	_ =	swait.ge [sflag:s31], $0x2800  }
0x16e: {  	[sflag:s31] =	ssyncset.done $0x0  }
0x16f: {  	[sflag:s31] =	ssyncadd.s32 $0xFFFFD800  }
0x170: {  	[tilespmem:s6], [sflag:$0x2] =	stream.linear.gather [hbm4b:s18+s25], $0x2800, $0x38;
	[tilespmem:$0x1D000] =	vst v63  }
0x171: {  	_ =	swait.ge [sflag:s31], $0x2800  }
0x172: {  	[sflag:s31] =	ssyncset.done $0x0  }
0x173: {  	s26 =	simm.s32 $0x14000;
	[sflag:s31] =	ssyncadd.s32 $0xFFFFD800  }
0x174: {  	[tilespmem:s20], [sflag:$0x1] =	stream.indirect.gather [hbm4b:s3+s19], $0x80, s26, s19, $0xb8;
	[tilespmem:$0x1D000] =	vst v63  }
0x175: {  	_ =	swait.ge [sflag:s21], $0x4000  }
0x176: {  	[sflag:s21] =	ssyncset.done $0x0  }
0x177: {  	s28 =	simm.s32 $0x16800;
	[sflag:s21] =	ssyncadd.s32 $0xFFFFC000  }
0x178: {  	[spmem:s1] =	stream.indirect.scatter.add.f32 [tilespmem:s20], [sflag:$0x2], $0x80, s28, s19, $0xb8;
	[tilespmem:$0x1D000] =	vst v63  }
0x179: {  	_ =	swait.ge [sflag:s31], $0x4000  }
0x17a: {  	s25 =	simm.s32 $0x80;
	s26 =	simm.s32 $0x400;
	[sflag:s31] =	ssyncset.done $0x0  }
.LBB2_5:
0x17b: {  	s2 =	sadd.s32 $0x14000, s25  }
0x17c: {  	[sflag:s31] =	ssyncadd.s32 $0xFFFFC000;
	s23 =	smov.u32 s26;
	s28 =	sadd.s32 $0x200, s26  }
0x17d: {  	[tilespmem:s20], [sflag:$0x1] =	stream.indirect.gather [hbm4b:s3+s19], $0x80, s2, s19, $0xb8;
	[tilespmem:$0x1D000] =	vst v63  }
0x17e: {  	p1 =	sne.s32 s26, $0x9E00;
	_ =	swait.ge [sflag:s21], $0x4000  }
.Ltmp13:
0x17f: {  	[sflag:s21] =	ssyncset.done $0x0;
	(pc) =	sbr.rel @p1 .LBB2_5-.Ltmp13, $4  }
0x180: {  	s2 =	sadd.s32 $0x16800, s25;
	[sflag:s21] =	ssyncadd.s32 $0xFFFFC000  }
0x181: {  	[spmem:s1] =	stream.indirect.scatter.add.f32 [tilespmem:s20], [sflag:$0x2], $0x80, s2, s19, $0xb8;
	[tilespmem:$0x1D000] =	vst v63  }
0x182: {  	_ =	swait.ge [sflag:s31], $0x4000  }
0x183: {  	s25 =	sshra.s32 s23, $0x2;
	s26 =	smov.u32 s28;
	[sflag:s31] =	ssyncset.done $0x0  }
0x184: {  	s2 =	sadd.s32 $0x14000, s25;
	[sflag:s31] =	ssyncadd.s32 $0xFFFFC000  }
0x185: {  	[tilespmem:s20], [sflag:$0x1] =	stream.indirect.gather [hbm4b:s3+s19], $0x80, s2, s19, $0xb8;
	[tilespmem:$0x1D000] =	vst v63  }
0x186: {  	_ =	swait.ge [sflag:s21], $0x4000  }
0x187: {  	[sflag:s21] =	ssyncset.done $0x0  }
0x188: {  	s28 =	sadd.s32 $0x16800, s25;
	[sflag:s21] =	ssyncadd.s32 $0xFFFFC000  }
0x189: {  	[spmem:s1] =	stream.indirect.scatter.add.f32 [tilespmem:s20], [sflag:$0x2], $0x80, s28, s19, $0xb8;
	[tilespmem:$0x1D000] =	vst v63  }
0x18a: {  	_ =	swait.ge [sflag:s31], $0x4000  }
0x18b: {  	[sflag:s31] =	ssyncset.done $0x0  }
0x18c: {  	[sflag:s31] =	ssyncadd.s32 $0xFFFFC000  }
0x18d: {  	[bflag:$0x0] =	sbarrier.arrive $0xFFFF  }
0x18e: {  	s23 =	rddreg [dreg:$0x3]  }
0x18f: {  	[hbm:s23], [sflag:s30] =	dma.local [spmem:s24], $0x2800  }
0x190: {  	_ =	swait.ge [sflag:s31], $0x2800  }
0x191: {  	[sflag:s31] =	ssyncset.done $0x0  }
0x192: {  	[sflag:s31] =	ssyncadd.s32 $0xFFFFD800  }
0x193: {  	[spmem:s24], [sflag:s30] =	dma.local [hbm:s14], $0x2800  }
0x194: {  	_ =	swait.ge [sflag:s31], $0x2800  }
0x195: {  	[sflag:s31] =	ssyncset.done $0x0  }
0x196: {  	[sflag:s31] =	ssyncadd.s32 $0xFFFFD800  }
0x197: {  	s25 =	simm.s32 $0x0;
	[bflag:$0x0] =	sbarrier.arrive $0xFFFF  }
0x198: {  	[tilespmem:s0], [sflag:$0x2] =	stream.linear.gather [hbm4b:s15+s25], $0x2800, $0x38;
	[tilespmem:$0x1D000] =	vst v63  }
0x199: {  	_ =	swait.ge [sflag:s31], $0x2800  }
0x19a: {  	[sflag:s31] =	ssyncset.done $0x0  }
0x19b: {  	[sflag:s31] =	ssyncadd.s32 $0xFFFFD800  }
0x19c: {  	[tilespmem:s6], [sflag:$0x2] =	stream.linear.gather [hbm4b:s16+s25], $0x2800, $0x38;
	[tilespmem:$0x1D000] =	vst v63  }
0x19d: {  	_ =	swait.ge [sflag:s31], $0x2800  }
0x19e: {  	[sflag:s31] =	ssyncset.done $0x0  }
0x19f: {  	s26 =	simm.s32 $0x14000;
	[sflag:s31] =	ssyncadd.s32 $0xFFFFD800  }
0x1a0: {  	[tilespmem:s20], [sflag:$0x1] =	stream.indirect.gather [hbm4b:s4+s19], $0x80, s26, s19, $0xb8;
	[tilespmem:$0x1D000] =	vst v63  }
0x1a1: {  	_ =	swait.ge [sflag:s21], $0x4000  }
0x1a2: {  	[sflag:s21] =	ssyncset.done $0x0  }
0x1a3: {  	s28 =	simm.s32 $0x16800;
	[sflag:s21] =	ssyncadd.s32 $0xFFFFC000  }
0x1a4: {  	[spmem:s1] =	stream.indirect.scatter.add.f32 [tilespmem:s20], [sflag:$0x2], $0x80, s28, s19, $0xb8;
	[tilespmem:$0x1D000] =	vst v63  }
0x1a5: {  	_ =	swait.ge [sflag:s31], $0x4000  }
0x1a6: {  	s25 =	simm.s32 $0x80;
	s26 =	simm.s32 $0x400;
	[sflag:s31] =	ssyncset.done $0x0  }
.LBB2_7:
0x1a7: {  	s2 =	sadd.s32 $0x14000, s25  }
0x1a8: {  	[sflag:s31] =	ssyncadd.s32 $0xFFFFC000;
	s23 =	smov.u32 s26;
	s28 =	sadd.s32 $0x200, s26  }
0x1a9: {  	[tilespmem:s20], [sflag:$0x1] =	stream.indirect.gather [hbm4b:s4+s19], $0x80, s2, s19, $0xb8;
	[tilespmem:$0x1D000] =	vst v63  }
0x1aa: {  	p1 =	sne.s32 s26, $0x9E00;
	_ =	swait.ge [sflag:s21], $0x4000  }
.Ltmp14:
0x1ab: {  	[sflag:s21] =	ssyncset.done $0x0;
	(pc) =	sbr.rel @p1 .LBB2_7-.Ltmp14, $4  }
0x1ac: {  	s2 =	sadd.s32 $0x16800, s25;
	[sflag:s21] =	ssyncadd.s32 $0xFFFFC000  }
0x1ad: {  	[spmem:s1] =	stream.indirect.scatter.add.f32 [tilespmem:s20], [sflag:$0x2], $0x80, s2, s19, $0xb8;
	[tilespmem:$0x1D000] =	vst v63  }
0x1ae: {  	_ =	swait.ge [sflag:s31], $0x4000  }
0x1af: {  	s25 =	sshra.s32 s23, $0x2;
	s26 =	smov.u32 s28;
	[sflag:s31] =	ssyncset.done $0x0  }
0x1b0: {  	s2 =	sadd.s32 $0x14000, s25;
	[sflag:s31] =	ssyncadd.s32 $0xFFFFC000  }
0x1b1: {  	[tilespmem:s20], [sflag:$0x1] =	stream.indirect.gather [hbm4b:s4+s19], $0x80, s2, s19, $0xb8;
	[tilespmem:$0x1D000] =	vst v63  }
0x1b2: {  	_ =	swait.ge [sflag:s21], $0x4000  }
0x1b3: {  	[sflag:s21] =	ssyncset.done $0x0  }
0x1b4: {  	s23 =	sadd.s32 $0x16800, s25;
	[sflag:s21] =	ssyncadd.s32 $0xFFFFC000  }
0x1b5: {  	[spmem:s1] =	stream.indirect.scatter.add.f32 [tilespmem:s20], [sflag:$0x2], $0x80, s23, s19, $0xb8;
	[tilespmem:$0x1D000] =	vst v63  }
0x1b6: {  	_ =	swait.ge [sflag:s31], $0x4000  }
0x1b7: {  	[sflag:s31] =	ssyncset.done $0x0  }
0x1b8: {  	s25 =	simm.s32 $0x0;
	[sflag:s31] =	ssyncadd.s32 $0xFFFFC000  }
0x1b9: {  	[tilespmem:s0], [sflag:$0x2] =	stream.linear.gather [hbm4b:s17+s25], $0x2800, $0x38;
	[tilespmem:$0x1D000] =	vst v63  }
0x1ba: {  	_ =	swait.ge [sflag:s31], $0x2800  }
0x1bb: {  	[sflag:s31] =	ssyncset.done $0x0  }
0x1bc: {  	[sflag:s31] =	ssyncadd.s32 $0xFFFFD800  }
0x1bd: {  	[tilespmem:s6], [sflag:$0x2] =	stream.linear.gather [hbm4b:s18+s25], $0x2800, $0x38;
	[tilespmem:$0x1D000] =	vst v63  }
0x1be: {  	_ =	swait.ge [sflag:s31], $0x2800  }
0x1bf: {  	[sflag:s31] =	ssyncset.done $0x0  }
0x1c0: {  	s26 =	simm.s32 $0x14000;
	[sflag:s31] =	ssyncadd.s32 $0xFFFFD800  }
0x1c1: {  	[tilespmem:s20], [sflag:$0x1] =	stream.indirect.gather [hbm4b:s4+s19], $0x80, s26, s19, $0xb8;
	[tilespmem:$0x1D000] =	vst v63  }
0x1c2: {  	_ =	swait.ge [sflag:s21], $0x4000  }
0x1c3: {  	[sflag:s21] =	ssyncset.done $0x0  }
0x1c4: {  	s28 =	simm.s32 $0x16800;
	[sflag:s21] =	ssyncadd.s32 $0xFFFFC000  }
0x1c5: {  	[spmem:s1] =	stream.indirect.scatter.add.f32 [tilespmem:s20], [sflag:$0x2], $0x80, s28, s19, $0xb8;
	[tilespmem:$0x1D000] =	vst v63  }
0x1c6: {  	_ =	swait.ge [sflag:s31], $0x4000  }
0x1c7: {  	s25 =	simm.s32 $0x80;
	s26 =	simm.s32 $0x400;
	[sflag:s31] =	ssyncset.done $0x0  }
.LBB2_9:
0x1c8: {  	s2 =	sadd.s32 $0x14000, s25  }
0x1c9: {  	[sflag:s31] =	ssyncadd.s32 $0xFFFFC000;
	s23 =	smov.u32 s26;
	s28 =	sadd.s32 $0x200, s26  }
0x1ca: {  	[tilespmem:s20], [sflag:$0x1] =	stream.indirect.gather [hbm4b:s4+s19], $0x80, s2, s19, $0xb8;
	[tilespmem:$0x1D000] =	vst v63  }
0x1cb: {  	p1 =	sne.s32 s26, $0x9E00;
	_ =	swait.ge [sflag:s21], $0x4000  }
.Ltmp15:
0x1cc: {  	[sflag:s21] =	ssyncset.done $0x0;
	(pc) =	sbr.rel @p1 .LBB2_9-.Ltmp15, $4  }
0x1cd: {  	s2 =	sadd.s32 $0x16800, s25;
	[sflag:s21] =	ssyncadd.s32 $0xFFFFC000  }
0x1ce: {  	[spmem:s1] =	stream.indirect.scatter.add.f32 [tilespmem:s20], [sflag:$0x2], $0x80, s2, s19, $0xb8;
	[tilespmem:$0x1D000] =	vst v63  }
0x1cf: {  	_ =	swait.ge [sflag:s31], $0x4000  }
0x1d0: {  	s25 =	sshra.s32 s23, $0x2;
	s26 =	smov.u32 s28;
	[sflag:s31] =	ssyncset.done $0x0  }
0x1d1: {  	s2 =	sadd.s32 $0x14000, s25;
	[sflag:s31] =	ssyncadd.s32 $0xFFFFC000  }
0x1d2: {  	[tilespmem:s20], [sflag:$0x1] =	stream.indirect.gather [hbm4b:s4+s19], $0x80, s2, s19, $0xb8;
	[tilespmem:$0x1D000] =	vst v63  }
0x1d3: {  	_ =	swait.ge [sflag:s21], $0x4000  }
0x1d4: {  	[sflag:s21] =	ssyncset.done $0x0  }
0x1d5: {  	s28 =	sadd.s32 $0x16800, s25;
	[sflag:s21] =	ssyncadd.s32 $0xFFFFC000  }
0x1d6: {  	[spmem:s1] =	stream.indirect.scatter.add.f32 [tilespmem:s20], [sflag:$0x2], $0x80, s28, s19, $0xb8;
	[tilespmem:$0x1D000] =	vst v63  }
0x1d7: {  	_ =	swait.ge [sflag:s31], $0x4000  }
0x1d8: {  	[sflag:s31] =	ssyncset.done $0x0  }
0x1d9: {  	[sflag:s31] =	ssyncadd.s32 $0xFFFFC000  }
0x1da: {  	[bflag:$0x0] =	sbarrier.arrive $0xFFFF  }
0x1db: {  	s23 =	rddreg [dreg:$0x4]  }
0x1dc: {  	[hbm:s23], [sflag:s30] =	dma.local [spmem:s24], $0x2800  }
0x1dd: {  	_ =	swait.ge [sflag:s31], $0x2800  }
0x1de: {  	[sflag:s31] =	ssyncset.done $0x0  }
0x1df: {  	[sflag:s31] =	ssyncadd.s32 $0xFFFFD800  }
0x1e0: {  	[spmem:s24], [sflag:s30] =	dma.local [hbm:s14], $0x2800  }
0x1e1: {  	_ =	swait.ge [sflag:s31], $0x2800  }
0x1e2: {  	[sflag:s31] =	ssyncset.done $0x0  }
0x1e3: {  	[sflag:s31] =	ssyncadd.s32 $0xFFFFD800  }
0x1e4: {  	s25 =	simm.s32 $0x0;
	[bflag:$0x0] =	sbarrier.arrive $0xFFFF  }
0x1e5: {  	[tilespmem:s0], [sflag:$0x2] =	stream.linear.gather [hbm4b:s15+s25], $0x2800, $0x38;
	[tilespmem:$0x1D000] =	vst v63  }
0x1e6: {  	_ =	swait.ge [sflag:s31], $0x2800  }
0x1e7: {  	[sflag:s31] =	ssyncset.done $0x0  }
0x1e8: {  	[sflag:s31] =	ssyncadd.s32 $0xFFFFD800  }
0x1e9: {  	[tilespmem:s6], [sflag:$0x2] =	stream.linear.gather [hbm4b:s16+s25], $0x2800, $0x38;
	[tilespmem:$0x1D000] =	vst v63  }
0x1ea: {  	_ =	swait.ge [sflag:s31], $0x2800  }
0x1eb: {  	[sflag:s31] =	ssyncset.done $0x0  }
0x1ec: {  	s26 =	simm.s32 $0x14000;
	[sflag:s31] =	ssyncadd.s32 $0xFFFFD800  }
0x1ed: {  	[tilespmem:s20], [sflag:$0x1] =	stream.indirect.gather [hbm4b:s5+s19], $0x80, s26, s19, $0xb8;
	[tilespmem:$0x1D000] =	vst v63  }
0x1ee: {  	_ =	swait.ge [sflag:s21], $0x4000  }
0x1ef: {  	[sflag:s21] =	ssyncset.done $0x0  }
0x1f0: {  	s28 =	simm.s32 $0x16800;
	[sflag:s21] =	ssyncadd.s32 $0xFFFFC000  }
0x1f1: {  	[spmem:s1] =	stream.indirect.scatter.add.f32 [tilespmem:s20], [sflag:$0x2], $0x80, s28, s19, $0xb8;
	[tilespmem:$0x1D000] =	vst v63  }
0x1f2: {  	_ =	swait.ge [sflag:s31], $0x4000  }
0x1f3: {  	s25 =	simm.s32 $0x80;
	s26 =	simm.s32 $0x400;
	[sflag:s31] =	ssyncset.done $0x0  }
.LBB2_11:
0x1f4: {  	s2 =	sadd.s32 $0x14000, s25  }
0x1f5: {  	[sflag:s31] =	ssyncadd.s32 $0xFFFFC000;
	s23 =	smov.u32 s26;
	s28 =	sadd.s32 $0x200, s26  }
0x1f6: {  	[tilespmem:s20], [sflag:$0x1] =	stream.indirect.gather [hbm4b:s5+s19], $0x80, s2, s19, $0xb8;
	[tilespmem:$0x1D000] =	vst v63  }
0x1f7: {  	p1 =	sne.s32 s26, $0x9E00;
	_ =	swait.ge [sflag:s21], $0x4000  }
.Ltmp16:
0x1f8: {  	[sflag:s21] =	ssyncset.done $0x0;
	(pc) =	sbr.rel @p1 .LBB2_11-.Ltmp16, $4  }
0x1f9: {  	s2 =	sadd.s32 $0x16800, s25;
	[sflag:s21] =	ssyncadd.s32 $0xFFFFC000  }
0x1fa: {  	[spmem:s1] =	stream.indirect.scatter.add.f32 [tilespmem:s20], [sflag:$0x2], $0x80, s2, s19, $0xb8;
	[tilespmem:$0x1D000] =	vst v63  }
0x1fb: {  	_ =	swait.ge [sflag:s31], $0x4000  }
0x1fc: {  	s25 =	sshra.s32 s23, $0x2;
	s26 =	smov.u32 s28;
	[sflag:s31] =	ssyncset.done $0x0  }
0x1fd: {  	s2 =	sadd.s32 $0x14000, s25;
	[sflag:s31] =	ssyncadd.s32 $0xFFFFC000  }
0x1fe: {  	[tilespmem:s20], [sflag:$0x1] =	stream.indirect.gather [hbm4b:s5+s19], $0x80, s2, s19, $0xb8;
	[tilespmem:$0x1D000] =	vst v63  }
0x1ff: {  	_ =	swait.ge [sflag:s21], $0x4000  }
0x200: {  	[sflag:s21] =	ssyncset.done $0x0  }
0x201: {  	s23 =	sadd.s32 $0x16800, s25;
	[sflag:s21] =	ssyncadd.s32 $0xFFFFC000  }
0x202: {  	[spmem:s1] =	stream.indirect.scatter.add.f32 [tilespmem:s20], [sflag:$0x2], $0x80, s23, s19, $0xb8;
	[tilespmem:$0x1D000] =	vst v63  }
0x203: {  	_ =	swait.ge [sflag:s31], $0x4000  }
0x204: {  	[sflag:s31] =	ssyncset.done $0x0  }
0x205: {  	s25 =	simm.s32 $0x0;
	[sflag:s31] =	ssyncadd.s32 $0xFFFFC000  }
0x206: {  	[tilespmem:s0], [sflag:$0x2] =	stream.linear.gather [hbm4b:s17+s25], $0x2800, $0x38;
	[tilespmem:$0x1D000] =	vst v63  }
0x207: {  	_ =	swait.ge [sflag:s31], $0x2800  }
0x208: {  	[sflag:s31] =	ssyncset.done $0x0  }
0x209: {  	[sflag:s31] =	ssyncadd.s32 $0xFFFFD800  }
0x20a: {  	[tilespmem:s6], [sflag:$0x2] =	stream.linear.gather [hbm4b:s18+s25], $0x2800, $0x38;
	[tilespmem:$0x1D000] =	vst v63  }
0x20b: {  	_ =	swait.ge [sflag:s31], $0x2800  }
0x20c: {  	[sflag:s31] =	ssyncset.done $0x0  }
0x20d: {  	s26 =	simm.s32 $0x14000;
	[sflag:s31] =	ssyncadd.s32 $0xFFFFD800  }
0x20e: {  	[tilespmem:s20], [sflag:$0x1] =	stream.indirect.gather [hbm4b:s5+s19], $0x80, s26, s19, $0xb8;
	[tilespmem:$0x1D000] =	vst v63  }
0x20f: {  	_ =	swait.ge [sflag:s21], $0x4000  }
0x210: {  	[sflag:s21] =	ssyncset.done $0x0  }
0x211: {  	s28 =	simm.s32 $0x16800;
	[sflag:s21] =	ssyncadd.s32 $0xFFFFC000  }
0x212: {  	[spmem:s1] =	stream.indirect.scatter.add.f32 [tilespmem:s20], [sflag:$0x2], $0x80, s28, s19, $0xb8;
	[tilespmem:$0x1D000] =	vst v63  }
0x213: {  	_ =	swait.ge [sflag:s31], $0x4000  }
0x214: {  	s25 =	simm.s32 $0x80;
	s26 =	simm.s32 $0x400;
	[sflag:s31] =	ssyncset.done $0x0  }
.LBB2_13:
0x215: {  	s2 =	sadd.s32 $0x14000, s25  }
0x216: {  	[sflag:s31] =	ssyncadd.s32 $0xFFFFC000;
	s23 =	smov.u32 s26;
	s28 =	sadd.s32 $0x200, s26  }
0x217: {  	[tilespmem:s20], [sflag:$0x1] =	stream.indirect.gather [hbm4b:s5+s19], $0x80, s2, s19, $0xb8;
	[tilespmem:$0x1D000] =	vst v63  }
0x218: {  	p1 =	sne.s32 s26, $0x9E00;
	_ =	swait.ge [sflag:s21], $0x4000  }
.Ltmp17:
0x219: {  	[sflag:s21] =	ssyncset.done $0x0;
	(pc) =	sbr.rel @p1 .LBB2_13-.Ltmp17, $4  }
0x21a: {  	s2 =	sadd.s32 $0x16800, s25;
	[sflag:s21] =	ssyncadd.s32 $0xFFFFC000  }
0x21b: {  	[spmem:s1] =	stream.indirect.scatter.add.f32 [tilespmem:s20], [sflag:$0x2], $0x80, s2, s19, $0xb8;
	[tilespmem:$0x1D000] =	vst v63  }
0x21c: {  	_ =	swait.ge [sflag:s31], $0x4000  }
0x21d: {  	s25 =	sshra.s32 s23, $0x2;
	s26 =	smov.u32 s28;
	[sflag:s31] =	ssyncset.done $0x0  }
0x21e: {  	s2 =	sadd.s32 $0x14000, s25;
	[sflag:s31] =	ssyncadd.s32 $0xFFFFC000  }
0x21f: {  	[tilespmem:s20], [sflag:$0x1] =	stream.indirect.gather [hbm4b:s5+s19], $0x80, s2, s19, $0xb8;
	[tilespmem:$0x1D000] =	vst v63  }
0x220: {  	_ =	swait.ge [sflag:s21], $0x4000  }
0x221: {  	[sflag:s21] =	ssyncset.done $0x0  }
0x222: {  	s28 =	sadd.s32 $0x16800, s25;
	[sflag:s21] =	ssyncadd.s32 $0xFFFFC000  }
0x223: {  	[spmem:s1] =	stream.indirect.scatter.add.f32 [tilespmem:s20], [sflag:$0x2], $0x80, s28, s19, $0xb8;
	[tilespmem:$0x1D000] =	vst v63  }
0x224: {  	_ =	swait.ge [sflag:s31], $0x4000  }
0x225: {  	[sflag:s31] =	ssyncset.done $0x0  }
0x226: {  	[sflag:s31] =	ssyncadd.s32 $0xFFFFC000  }
0x227: {  	[bflag:$0x0] =	sbarrier.arrive $0xFFFF  }
0x228: {  	s23 =	rddreg [dreg:$0x5]  }
0x229: {  	[hbm:s23], [sflag:s30] =	dma.local [spmem:s24], $0x2800  }
0x22a: {  	_ =	swait.ge [sflag:s31], $0x2800  }
0x22b: {  	[sflag:s31] =	ssyncset.done $0x0  }
0x22c: {  	[sflag:s31] =	ssyncadd.s32 $0xFFFFD800  }
0x22d: {  	[spmem:s24], [sflag:s30] =	dma.local [hbm:s14], $0x2800  }
0x22e: {  	_ =	swait.ge [sflag:s31], $0x2800  }
0x22f: {  	[sflag:s31] =	ssyncset.done $0x0  }
0x230: {  	[sflag:s31] =	ssyncadd.s32 $0xFFFFD800  }
0x231: {  	s25 =	simm.s32 $0x0;
	[bflag:$0x0] =	sbarrier.arrive $0xFFFF  }
0x232: {  	[tilespmem:s0], [sflag:$0x2] =	stream.linear.gather [hbm4b:s15+s25], $0x2800, $0x38;
	[tilespmem:$0x1D000] =	vst v63  }
0x233: {  	_ =	swait.ge [sflag:s31], $0x2800  }
0x234: {  	[sflag:s31] =	ssyncset.done $0x0  }
0x235: {  	[sflag:s31] =	ssyncadd.s32 $0xFFFFD800  }
0x236: {  	[tilespmem:s6], [sflag:$0x2] =	stream.linear.gather [hbm4b:s16+s25], $0x2800, $0x38;
	[tilespmem:$0x1D000] =	vst v63  }
0x237: {  	_ =	swait.ge [sflag:s31], $0x2800  }
0x238: {  	[sflag:s31] =	ssyncset.done $0x0  }
0x239: {  	s26 =	simm.s32 $0x14000;
	[sflag:s31] =	ssyncadd.s32 $0xFFFFD800  }
0x23a: {  	[tilespmem:s20], [sflag:$0x1] =	stream.indirect.gather [hbm4b:s7+s19], $0x80, s26, s19, $0xb8;
	[tilespmem:$0x1D000] =	vst v63  }
0x23b: {  	_ =	swait.ge [sflag:s21], $0x4000  }
0x23c: {  	[sflag:s21] =	ssyncset.done $0x0  }
0x23d: {  	s28 =	simm.s32 $0x16800;
	[sflag:s21] =	ssyncadd.s32 $0xFFFFC000  }
0x23e: {  	[spmem:s1] =	stream.indirect.scatter.add.f32 [tilespmem:s20], [sflag:$0x2], $0x80, s28, s19, $0xb8;
	[tilespmem:$0x1D000] =	vst v63  }
0x23f: {  	_ =	swait.ge [sflag:s31], $0x4000  }
0x240: {  	s25 =	simm.s32 $0x80;
	s26 =	simm.s32 $0x400;
	[sflag:s31] =	ssyncset.done $0x0  }
.LBB2_15:
0x241: {  	s2 =	sadd.s32 $0x14000, s25  }
0x242: {  	[sflag:s31] =	ssyncadd.s32 $0xFFFFC000;
	s23 =	smov.u32 s26;
	s28 =	sadd.s32 $0x200, s26  }
0x243: {  	[tilespmem:s20], [sflag:$0x1] =	stream.indirect.gather [hbm4b:s7+s19], $0x80, s2, s19, $0xb8;
	[tilespmem:$0x1D000] =	vst v63  }
0x244: {  	p1 =	sne.s32 s26, $0x9E00;
	_ =	swait.ge [sflag:s21], $0x4000  }
.Ltmp18:
0x245: {  	[sflag:s21] =	ssyncset.done $0x0;
	(pc) =	sbr.rel @p1 .LBB2_15-.Ltmp18, $4  }
0x246: {  	s2 =	sadd.s32 $0x16800, s25;
	[sflag:s21] =	ssyncadd.s32 $0xFFFFC000  }
0x247: {  	[spmem:s1] =	stream.indirect.scatter.add.f32 [tilespmem:s20], [sflag:$0x2], $0x80, s2, s19, $0xb8;
	[tilespmem:$0x1D000] =	vst v63  }
0x248: {  	_ =	swait.ge [sflag:s31], $0x4000  }
0x249: {  	s25 =	sshra.s32 s23, $0x2;
	s26 =	smov.u32 s28;
	[sflag:s31] =	ssyncset.done $0x0  }
0x24a: {  	s2 =	sadd.s32 $0x14000, s25;
	[sflag:s31] =	ssyncadd.s32 $0xFFFFC000  }
0x24b: {  	[tilespmem:s20], [sflag:$0x1] =	stream.indirect.gather [hbm4b:s7+s19], $0x80, s2, s19, $0xb8;
	[tilespmem:$0x1D000] =	vst v63  }
0x24c: {  	_ =	swait.ge [sflag:s21], $0x4000  }
0x24d: {  	[sflag:s21] =	ssyncset.done $0x0  }
0x24e: {  	s23 =	sadd.s32 $0x16800, s25;
	[sflag:s21] =	ssyncadd.s32 $0xFFFFC000  }
0x24f: {  	[spmem:s1] =	stream.indirect.scatter.add.f32 [tilespmem:s20], [sflag:$0x2], $0x80, s23, s19, $0xb8;
	[tilespmem:$0x1D000] =	vst v63  }
0x250: {  	_ =	swait.ge [sflag:s31], $0x4000  }
0x251: {  	[sflag:s31] =	ssyncset.done $0x0  }
0x252: {  	s25 =	simm.s32 $0x0;
	[sflag:s31] =	ssyncadd.s32 $0xFFFFC000  }
0x253: {  	[tilespmem:s0], [sflag:$0x2] =	stream.linear.gather [hbm4b:s17+s25], $0x2800, $0x38;
	[tilespmem:$0x1D000] =	vst v63  }
0x254: {  	_ =	swait.ge [sflag:s31], $0x2800  }
0x255: {  	[sflag:s31] =	ssyncset.done $0x0  }
0x256: {  	[sflag:s31] =	ssyncadd.s32 $0xFFFFD800  }
0x257: {  	[tilespmem:s6], [sflag:$0x2] =	stream.linear.gather [hbm4b:s18+s25], $0x2800, $0x38;
	[tilespmem:$0x1D000] =	vst v63  }
0x258: {  	_ =	swait.ge [sflag:s31], $0x2800  }
0x259: {  	[sflag:s31] =	ssyncset.done $0x0  }
0x25a: {  	s26 =	simm.s32 $0x14000;
	[sflag:s31] =	ssyncadd.s32 $0xFFFFD800  }
0x25b: {  	[tilespmem:s20], [sflag:$0x1] =	stream.indirect.gather [hbm4b:s7+s19], $0x80, s26, s19, $0xb8;
	[tilespmem:$0x1D000] =	vst v63  }
0x25c: {  	_ =	swait.ge [sflag:s21], $0x4000  }
0x25d: {  	[sflag:s21] =	ssyncset.done $0x0  }
0x25e: {  	s28 =	simm.s32 $0x16800;
	[sflag:s21] =	ssyncadd.s32 $0xFFFFC000  }
0x25f: {  	[spmem:s1] =	stream.indirect.scatter.add.f32 [tilespmem:s20], [sflag:$0x2], $0x80, s28, s19, $0xb8;
	[tilespmem:$0x1D000] =	vst v63  }
0x260: {  	_ =	swait.ge [sflag:s31], $0x4000  }
0x261: {  	s25 =	simm.s32 $0x80;
	s26 =	simm.s32 $0x400;
	[sflag:s31] =	ssyncset.done $0x0  }
.LBB2_17:
0x262: {  	s2 =	sadd.s32 $0x14000, s25  }
0x263: {  	[sflag:s31] =	ssyncadd.s32 $0xFFFFC000;
	s23 =	smov.u32 s26;
	s28 =	sadd.s32 $0x200, s26  }
0x264: {  	[tilespmem:s20], [sflag:$0x1] =	stream.indirect.gather [hbm4b:s7+s19], $0x80, s2, s19, $0xb8;
	[tilespmem:$0x1D000] =	vst v63  }
0x265: {  	p1 =	sne.s32 s26, $0x9E00;
	_ =	swait.ge [sflag:s21], $0x4000  }
.Ltmp19:
0x266: {  	[sflag:s21] =	ssyncset.done $0x0;
	(pc) =	sbr.rel @p1 .LBB2_17-.Ltmp19, $4  }
0x267: {  	s2 =	sadd.s32 $0x16800, s25;
	[sflag:s21] =	ssyncadd.s32 $0xFFFFC000  }
0x268: {  	[spmem:s1] =	stream.indirect.scatter.add.f32 [tilespmem:s20], [sflag:$0x2], $0x80, s2, s19, $0xb8;
	[tilespmem:$0x1D000] =	vst v63  }
0x269: {  	_ =	swait.ge [sflag:s31], $0x4000  }
0x26a: {  	s25 =	sshra.s32 s23, $0x2;
	s26 =	smov.u32 s28;
	[sflag:s31] =	ssyncset.done $0x0  }
0x26b: {  	s2 =	sadd.s32 $0x14000, s25;
	[sflag:s31] =	ssyncadd.s32 $0xFFFFC000  }
0x26c: {  	[tilespmem:s20], [sflag:$0x1] =	stream.indirect.gather [hbm4b:s7+s19], $0x80, s2, s19, $0xb8;
	[tilespmem:$0x1D000] =	vst v63  }
0x26d: {  	_ =	swait.ge [sflag:s21], $0x4000  }
0x26e: {  	[sflag:s21] =	ssyncset.done $0x0  }
0x26f: {  	s28 =	sadd.s32 $0x16800, s25;
	[sflag:s21] =	ssyncadd.s32 $0xFFFFC000  }
0x270: {  	[spmem:s1] =	stream.indirect.scatter.add.f32 [tilespmem:s20], [sflag:$0x2], $0x80, s28, s19, $0xb8;
	[tilespmem:$0x1D000] =	vst v63  }
0x271: {  	_ =	swait.ge [sflag:s31], $0x4000  }
0x272: {  	[sflag:s31] =	ssyncset.done $0x0  }
0x273: {  	[sflag:s31] =	ssyncadd.s32 $0xFFFFC000  }
0x274: {  	[bflag:$0x0] =	sbarrier.arrive $0xFFFF  }
0x275: {  	s23 =	rddreg [dreg:$0x6]  }
0x276: {  	[hbm:s23], [sflag:s30] =	dma.local [spmem:s24], $0x2800  }
0x277: {  	_ =	swait.ge [sflag:s31], $0x2800  }
0x278: {  	[sflag:s31] =	ssyncset.done $0x0  }
0x279: {  	[sflag:s31] =	ssyncadd.s32 $0xFFFFD800  }
0x27a: {  	[spmem:s24], [sflag:s30] =	dma.local [hbm:s14], $0x2800  }
0x27b: {  	_ =	swait.ge [sflag:s31], $0x2800  }
0x27c: {  	[sflag:s31] =	ssyncset.done $0x0  }
0x27d: {  	[sflag:s31] =	ssyncadd.s32 $0xFFFFD800  }
0x27e: {  	s25 =	simm.s32 $0x0;
	[bflag:$0x0] =	sbarrier.arrive $0xFFFF  }
0x27f: {  	[tilespmem:s0], [sflag:$0x2] =	stream.linear.gather [hbm4b:s15+s25], $0x2800, $0x38;
	[tilespmem:$0x1D000] =	vst v63  }
0x280: {  	_ =	swait.ge [sflag:s31], $0x2800  }
0x281: {  	[sflag:s31] =	ssyncset.done $0x0  }
0x282: {  	[sflag:s31] =	ssyncadd.s32 $0xFFFFD800  }
0x283: {  	[tilespmem:s6], [sflag:$0x2] =	stream.linear.gather [hbm4b:s16+s25], $0x2800, $0x38;
	[tilespmem:$0x1D000] =	vst v63  }
0x284: {  	_ =	swait.ge [sflag:s31], $0x2800  }
0x285: {  	[sflag:s31] =	ssyncset.done $0x0  }
0x286: {  	s26 =	simm.s32 $0x14000;
	[sflag:s31] =	ssyncadd.s32 $0xFFFFD800  }
0x287: {  	[tilespmem:s20], [sflag:$0x1] =	stream.indirect.gather [hbm4b:s8+s19], $0x80, s26, s19, $0xb8;
	[tilespmem:$0x1D000] =	vst v63  }
0x288: {  	_ =	swait.ge [sflag:s21], $0x4000  }
0x289: {  	[sflag:s21] =	ssyncset.done $0x0  }
0x28a: {  	s28 =	simm.s32 $0x16800;
	[sflag:s21] =	ssyncadd.s32 $0xFFFFC000  }
0x28b: {  	[spmem:s1] =	stream.indirect.scatter.add.f32 [tilespmem:s20], [sflag:$0x2], $0x80, s28, s19, $0xb8;
	[tilespmem:$0x1D000] =	vst v63  }
0x28c: {  	_ =	swait.ge [sflag:s31], $0x4000  }
0x28d: {  	s25 =	simm.s32 $0x80;
	s26 =	simm.s32 $0x400;
	[sflag:s31] =	ssyncset.done $0x0  }
.LBB2_19:
0x28e: {  	s2 =	sadd.s32 $0x14000, s25  }
0x28f: {  	[sflag:s31] =	ssyncadd.s32 $0xFFFFC000;
	s23 =	smov.u32 s26;
	s28 =	sadd.s32 $0x200, s26  }
0x290: {  	[tilespmem:s20], [sflag:$0x1] =	stream.indirect.gather [hbm4b:s8+s19], $0x80, s2, s19, $0xb8;
	[tilespmem:$0x1D000] =	vst v63  }
0x291: {  	p1 =	sne.s32 s26, $0x9E00;
	_ =	swait.ge [sflag:s21], $0x4000  }
.Ltmp20:
0x292: {  	[sflag:s21] =	ssyncset.done $0x0;
	(pc) =	sbr.rel @p1 .LBB2_19-.Ltmp20, $4  }
0x293: {  	s2 =	sadd.s32 $0x16800, s25;
	[sflag:s21] =	ssyncadd.s32 $0xFFFFC000  }
0x294: {  	[spmem:s1] =	stream.indirect.scatter.add.f32 [tilespmem:s20], [sflag:$0x2], $0x80, s2, s19, $0xb8;
	[tilespmem:$0x1D000] =	vst v63  }
0x295: {  	_ =	swait.ge [sflag:s31], $0x4000  }
0x296: {  	s25 =	sshra.s32 s23, $0x2;
	s26 =	smov.u32 s28;
	[sflag:s31] =	ssyncset.done $0x0  }
0x297: {  	s2 =	sadd.s32 $0x14000, s25;
	[sflag:s31] =	ssyncadd.s32 $0xFFFFC000  }
0x298: {  	[tilespmem:s20], [sflag:$0x1] =	stream.indirect.gather [hbm4b:s8+s19], $0x80, s2, s19, $0xb8;
	[tilespmem:$0x1D000] =	vst v63  }
0x299: {  	_ =	swait.ge [sflag:s21], $0x4000  }
0x29a: {  	[sflag:s21] =	ssyncset.done $0x0  }
0x29b: {  	s23 =	sadd.s32 $0x16800, s25;
	[sflag:s21] =	ssyncadd.s32 $0xFFFFC000  }
0x29c: {  	[spmem:s1] =	stream.indirect.scatter.add.f32 [tilespmem:s20], [sflag:$0x2], $0x80, s23, s19, $0xb8;
	[tilespmem:$0x1D000] =	vst v63  }
0x29d: {  	_ =	swait.ge [sflag:s31], $0x4000  }
0x29e: {  	[sflag:s31] =	ssyncset.done $0x0  }
0x29f: {  	s25 =	simm.s32 $0x0;
	[sflag:s31] =	ssyncadd.s32 $0xFFFFC000  }
0x2a0: {  	[tilespmem:s0], [sflag:$0x2] =	stream.linear.gather [hbm4b:s17+s25], $0x2800, $0x38;
	[tilespmem:$0x1D000] =	vst v63  }
0x2a1: {  	_ =	swait.ge [sflag:s31], $0x2800  }
0x2a2: {  	[sflag:s31] =	ssyncset.done $0x0  }
0x2a3: {  	[sflag:s31] =	ssyncadd.s32 $0xFFFFD800  }
0x2a4: {  	[tilespmem:s6], [sflag:$0x2] =	stream.linear.gather [hbm4b:s18+s25], $0x2800, $0x38;
	[tilespmem:$0x1D000] =	vst v63  }
0x2a5: {  	_ =	swait.ge [sflag:s31], $0x2800  }
0x2a6: {  	[sflag:s31] =	ssyncset.done $0x0  }
0x2a7: {  	s26 =	simm.s32 $0x14000;
	[sflag:s31] =	ssyncadd.s32 $0xFFFFD800  }
0x2a8: {  	[tilespmem:s20], [sflag:$0x1] =	stream.indirect.gather [hbm4b:s8+s19], $0x80, s26, s19, $0xb8;
	[tilespmem:$0x1D000] =	vst v63  }
0x2a9: {  	_ =	swait.ge [sflag:s21], $0x4000  }
0x2aa: {  	[sflag:s21] =	ssyncset.done $0x0  }
0x2ab: {  	s28 =	simm.s32 $0x16800;
	[sflag:s21] =	ssyncadd.s32 $0xFFFFC000  }
0x2ac: {  	[spmem:s1] =	stream.indirect.scatter.add.f32 [tilespmem:s20], [sflag:$0x2], $0x80, s28, s19, $0xb8;
	[tilespmem:$0x1D000] =	vst v63  }
0x2ad: {  	_ =	swait.ge [sflag:s31], $0x4000  }
0x2ae: {  	s25 =	simm.s32 $0x80;
	s26 =	simm.s32 $0x400;
	[sflag:s31] =	ssyncset.done $0x0  }
.LBB2_21:
0x2af: {  	s2 =	sadd.s32 $0x14000, s25  }
0x2b0: {  	[sflag:s31] =	ssyncadd.s32 $0xFFFFC000;
	s23 =	smov.u32 s26;
	s28 =	sadd.s32 $0x200, s26  }
0x2b1: {  	[tilespmem:s20], [sflag:$0x1] =	stream.indirect.gather [hbm4b:s8+s19], $0x80, s2, s19, $0xb8;
	[tilespmem:$0x1D000] =	vst v63  }
0x2b2: {  	p1 =	seq.s32 s26, $0x9E00;
	_ =	swait.ge [sflag:s21], $0x4000  }
.Ltmp21:
0x2b3: {  	[sflag:s21] =	ssyncset.done $0x0;
	(pc) =	sbr.rel @!p1 .LBB2_21-.Ltmp21, $4  }
0x2b4: {  	s2 =	sadd.s32 $0x16800, s25;
	[sflag:s21] =	ssyncadd.s32 $0xFFFFC000  }
0x2b5: {  	[spmem:s1] =	stream.indirect.scatter.add.f32 [tilespmem:s20], [sflag:$0x2], $0x80, s2, s19, $0xb8;
	[tilespmem:$0x1D000] =	vst v63  }
0x2b6: {  	_ =	swait.ge [sflag:s31], $0x4000  }
0x2b7: {  	s25 =	sshra.s32 s23, $0x2;
	s26 =	smov.u32 s28;
	[sflag:s31] =	ssyncset.done $0x0  }
0x2b8: {  	s2 =	sadd.s32 $0x14000, s25;
	[sflag:s31] =	ssyncadd.s32 $0xFFFFC000  }
0x2b9: {  	[tilespmem:s20], [sflag:$0x1] =	stream.indirect.gather [hbm4b:s8+s19], $0x80, s2, s19, $0xb8;
	[tilespmem:$0x1D000] =	vst v63  }
0x2ba: {  	_ =	swait.ge [sflag:s21], $0x4000  }
0x2bb: {  	[sflag:s21] =	ssyncset.done $0x0  }
.Ltmp22:
0x2bc: {  	s28 =	sadd.s32 $0x16800, s25;
	[sflag:s21] =	ssyncadd.s32 $0xFFFFC000;
	(pc) =	sbr.rel .LBB2_40-.Ltmp22, $4  }
0x2bd: {  	[spmem:s1] =	stream.indirect.scatter.add.f32 [tilespmem:s20], [sflag:$0x2], $0x80, s28, s19, $0xb8;
	[tilespmem:$0x1D000] =	vst v63  }
0x2be: {  	_ =	swait.ge [sflag:s31], $0x4000  }
0x2bf: {  	[sflag:s31] =	ssyncset.done $0x0  }
0x2c0: {  	s25 =	rddreg [dreg:$0x7];
	[sflag:s31] =	ssyncadd.s32 $0xFFFFC000  }
.LBB2_41:
0x2c1: {  	_ =	sfence.sel $0x180000  }
0x2c2: {  	[bflag:$0x0] =	sbarrier.arrive $0xFFFF  }
0x2c3: {  	_ =	strace $0x9000004A  }
0x2c4: {  	s0 =	stileid.u32;
	[bflag:$0x2] =	sbarrier.arrive $0xFFFF  }
0x2c5: {  	p0 =	sne.s32 s0, $0x0;
	s0 =	rddreg [dreg:$0x2]  }
0x2c6: {  	s0 =	sadd.s32 @!p0 $0x100000, s0  }
0x2c7: {  	[sflag:s0] =	ssyncadd.tile.s32 @!p0 $0x1;
	_ =	shalt  }
.Lfunc_end2:
_tile_overlayer_lowered:
.L_overlay_start_2:
0x2c8: {  	(tag) =	ssettag $0x2  }
0x2c9: {  	s0 =	rddreg [dreg:$0x0];
	s2 =	stileid.u32  }
0x2ca: {  	s1 =	rddreg [dreg:$0x1];
	p0 =	sne.s32 s2, $0x0  }
0x2cb: {  	s3 =	rddreg [dreg:$0x2];
	[bflag:$0x3] =	sbarrier.arrive $0xFFFF;
	s2 =	simm.s32 @!p0 $0x1C02  }
0x2cc: {  	[timem:s3], [sflag:s2] =	dma.local @!p0 [hbm:s0], s1  }
0x2cd: {  	s0 =	simm.s32 @!p0 $0x2  }
0x2ce: {  	_ =	swait.ge @!p0 [sflag:s0], s1  }
0x2cf: {  	s1 =	ssub.s32 @!p0 $0x0, s1;
	[sflag:s0] =	ssyncset.done @!p0 $0x0  }
0x2d0: {  	[sflag:s0] =	ssyncadd.s32 @!p0 s1  }
0x2d1: {  	[bflag:$0x3] =	sbarrier.arrive $0xFFFF  }
0x2d2: {  	_ =	shalt  }

</sc_bundles>
